<compile_context>
chip_gen: v7x
topology: tpu7x:2x2x1
jax: 0.10.2.dev20260603
libtpu: 0.0.44.dev20260713+nightly
codegen_flags: <defaults>
</compile_context>

<pallas_src>
import functools

import jax
import jax.numpy as jnp
from jax import lax
from jax.experimental import pallas as pl
from jax.experimental.pallas import tpu as pltpu
from jax.experimental.pallas import tpu_sc as plsc

B = 4
N = 4096
D = 2048
PROB_KEEP = 0.9
K = max(1, int(N * PROB_KEEP))
TOTAL = B * K
NC = 2
NS = 16
W = 16
WPB = K // W
TAIL = K - WPB * W
TPB = (NC * NS) // B
WPT = -(-WPB // TPB)

VREGS = N // 16

_mesh = plsc.VectorSubcoreMesh(
    core_axis_name="c", subcore_axis_name="s", num_cores=NC, num_subcores=NS
)


@functools.partial(
    pl.kernel,
    out_type=jax.ShapeDtypeStruct((K, D // 128, B, 128), jnp.float32),
    mesh=_mesh,
    compiler_params=pltpu.CompilerParams(needs_layout_passes=False),
    scratch_types=[
        pltpu.VMEM((N,), jnp.int32),
        pltpu.VMEM((16 * 257,), jnp.int32),
        pltpu.VMEM((N,), jnp.int32),
        pltpu.VMEM((N,), jnp.int32),
        pltpu.VMEM((N,), jnp.int32),
        pltpu.VMEM((N,), jnp.int32),
        pltpu.VMEM((N,), jnp.int32),
        pltpu.VMEM_SHARED((B * N,), jnp.int32),
        pltpu.VMEM((N,), jnp.int32),
        pltpu.VMEM((16,), jnp.int32),
        pltpu.VMEM((16,), jnp.int32),
        pltpu.VMEM((W, D), jnp.float32),
        pltpu.VMEM((W, D), jnp.float32),
        pltpu.SemaphoreType.DMA,
        pltpu.SemaphoreType.DMA,
        pltpu.SemaphoreType.DMA,
        pltpu.SemaphoreType.DMA,
    ],
)
def _dropout_kernel(x_hbm, noise_hbm, out_hbm,
                    noise_v, noise_pad, key_a, key_b, idx_a, idx_b, cnt,
                    tab_sh, table_v, idx0, idx1, buf0, buf1,
                    sem_in0, sem_in1, sem_out0, sem_out1):
    cid = lax.axis_index("c")
    sid = lax.axis_index("s")
    lane = lax.iota(jnp.int32, 16)

    @pl.when(sid < B)
    def _():
        bsel = sid
        pltpu.sync_copy(noise_hbm.at[pl.ds(bsel * N, N)], noise_v)
        ones = jnp.ones((16,), jnp.int32)

        def pad_body(v, carry):
            w = noise_v[pl.ds(v * 16, 16)]
            noise_pad[pl.ds((v >> 4) * 257 + (v & 15) * 16, 16)] = w
            return carry

        def pad4(q, c):
            for u in range(4):
                pad_body(4 * q + u, c)
            return c

        lax.fori_loop(0, VREGS // 4, pad4, 0)

        def init_body(j, carry):
            s = plsc.load_gather(noise_pad, [lane * 257 + j])
            s = jnp.where(s == jnp.int32(-2147483648), jnp.int32(0), s)
            negm = lax.shift_right_arithmetic(s, 31)
            key = s ^ (jnp.bitwise_not(negm) & jnp.int32(0x7FFFFFFF))
            key_a[pl.ds(j * 16, 16)] = key
            idx_a[pl.ds(j * 16, 16)] = j + (lane << 8)
            return carry

        def init4(q, c):
            for u in range(4):
                init_body(4 * q + u, c)
            return c

        lax.fori_loop(0, VREGS // 4, init4, 0)

        bufs = [(key_a, idx_a), (key_b, idx_b)]
        for p in range(4):
            src_k, src_i = bufs[p % 2]
            dst_k, dst_i = bufs[(p + 1) % 2]
            shift = 8 * p

            def zero_body(j, carry):
                cnt[pl.ds(j * 16, 16)] = jnp.zeros((16,), jnp.int32)
                return carry

            def zero_body4(q, c, f=zero_body):
                for u in range(4):
                    f(4 * q + u, c)
                return c

            lax.fori_loop(0, VREGS // 4, zero_body4, 0)

            def hist_body(j, carry, src_k=src_k, shift=shift):
                kv = src_k[pl.ds(j * 16, 16)]
                d = lax.shift_right_logical(kv, shift) & 255
                plsc.addupdate_scatter(cnt, [(d << 4) | lane], ones)
                return carry

            def hist_body4(q, c, f=hist_body):
                for u in range(4):
                    f(4 * q + u, c)
                return c

            lax.fori_loop(0, VREGS // 4, hist_body4, 0)

            def scan_body(j, carry):
                v = cnt[pl.ds(j * 16, 16)]
                cs = plsc.cumsum(v)
                cnt[pl.ds(j * 16, 16)] = cs - v + carry
                return carry + jnp.sum(v)

            lax.fori_loop(0, VREGS, scan_body, jnp.int32(0))

            last = p == 3

            def perm_body(j, carry, src_k=src_k, src_i=src_i, dst_k=dst_k,
                          dst_i=dst_i, shift=shift, last=last):
                kv = src_k[pl.ds(j * 16, 16)]
                iv = src_i[pl.ds(j * 16, 16)]
                d = lax.shift_right_logical(kv, shift) & 255
                c = (d << 4) | lane
                pos = plsc.load_gather(cnt, [c])
                plsc.store_scatter(cnt, [c], pos + 1)
                if last:
                    m2 = pos
                else:
                    m2 = ((pos & 255) << 4) | lax.shift_right_logical(pos, 8)
                    plsc.store_scatter(dst_k, [m2], kv)
                plsc.store_scatter(dst_i, [m2], iv)
                return carry

            def perm_body4(q, c, f=perm_body):
                for u in range(4):
                    f(4 * q + u, c)
                return c

            lax.fori_loop(0, VREGS // 4, perm_body4, 0)

        pltpu.sync_copy(idx_a, tab_sh.at[pl.ds(bsel * N, N)])

    plsc.subcore_barrier()

    gid = sid * NC + cid
    bsel = lax.shift_right_logical(gid, 3)
    t8 = gid & 7
    pltpu.sync_copy(tab_sh.at[pl.ds(bsel * N, N)], table_v)
    lo = t8 * WPT
    hi = jnp.minimum(lo + WPT, WPB)
    nt = hi - lo
    x_b = x_hbm.at[bsel]

    idx_slots = [idx0, idx1]
    buf_slots = [buf0, buf1]
    sem_in = [sem_in0, sem_in1]
    sem_out = [sem_out0, sem_out1]

    def fetch_ids(start, slot):
        g = plsc.load_gather(table_v, [start + lane])
        idx_slots[slot][...] = g

    def wait_out(slot):
        for dblk in range(D // 128):
            pltpu.make_async_copy(buf_slots[slot].at[:, pl.ds(0, 128)],
                                  out_hbm.at[pl.ds(0, W), 0, 0, :],
                                  sem_out[slot]).wait()

    def start_in(w, slot):
        fetch_ids(w * W, slot)
        pltpu.async_copy(x_b.at[idx_slots[slot]], buf_slots[slot],
                         sem_in[slot])

    def wait_in(slot):
        pltpu.make_async_copy(x_b.at[idx_slots[slot]], buf_slots[slot],
                              sem_in[slot]).wait()

    def do_window(w, slot):
        wait_in(slot)

        @pl.when(w + 1 < hi)
        def _():
            @pl.when(w - lo >= 1)
            def _():
                wait_out(1 - slot)

            start_in(w + 1, 1 - slot)

        for dblk in range(D // 128):
            pltpu.async_copy(
                buf_slots[slot].at[:, pl.ds(dblk * 128, 128)],
                out_hbm.at[pl.ds(w * W, W), dblk, bsel, :],
                sem_out[slot])

    def pair_body(q, carry):
        w0 = lo + 2 * q
        for s in range(2):
            w = w0 + s

            @pl.when(w < hi)
            def _(w=w, s=s):
                do_window(w, s)

        return carry

    @pl.when(nt >= 1)
    def _():
        start_in(lo, 0)

    lax.fori_loop(0, (WPT + 1) // 2, pair_body, 0)

    @pl.when(nt >= 2)
    def _():
        wait_out(0)
        wait_out(1)

    @pl.when(nt == 1)
    def _():
        wait_out(0)

    @pl.when(t8 == 7)
    def _():
        fetch_ids(WPB * W, 0)
        pltpu.async_copy(x_b.at[idx0], buf0, sem_in[0]).wait()
        for dblk in range(D // 128):
            pltpu.sync_copy(
                buf0.at[pl.ds(0, TAIL), pl.ds(dblk * 128, 128)],
                out_hbm.at[pl.ds(WPB * W, TAIL), dblk, bsel, :])


def kernel(x, noise):
    b, n, d = x.shape
    assert (b, n, d) == (B, N, D)
    noise_bits = lax.bitcast_convert_type(noise.reshape(B * N), jnp.int32)
    out_kdb = _dropout_kernel(x, noise_bits)
    out_kdb = lax.optimization_barrier(out_kdb)
    return out_kdb.transpose(2, 0, 1, 3).reshape(B, K, D)

# --- scband reference (transcript-rebuilt; emitter-appended) ---
"""Pipeline reference for scband-token-dropout-14843406974984 (READ-ONLY COPY).

The authoritative reference and input builder live on the scoring server;
editing this copy changes nothing except your own understanding.
"""

import jax, jax.numpy as jnp
import numpy as np

PROB = 0.1

def setup_inputs(seed: int = 0) -> dict:
    key = jax.random.key(seed)
    kx, kn = jax.random.split(key)
    x = jax.random.normal(kx, (4, 4096, 2048), dtype=jnp.float32)
    # random scores used for token selection (torch uses torch.randn(b, n))
    noise = jax.random.normal(kn, (4, 4096), dtype=jnp.float32)
    return {"x": x, "noise": noise}

def reference(x, noise):
    b, n, d = x.shape
    num_patches_keep = max(1, int(n * (1.0 - PROB)))
    # topk over random scores -> indices of tokens to keep
    _, patch_indices_keep = jax.lax.top_k(noise, num_patches_keep)  # [b, k]
    # gather kept tokens: x[batch_indices, patch_indices_keep]
    out = jnp.take_along_axis(x, patch_indices_keep[:, :, None], axis=1)
    return out

if __name__ == "__main__":
    import jax
    _d = setup_inputs()
    print(jax.jit(kernel)(*tuple(_d.values())))

</pallas_src>

<mosaic_0001>
#map = affine_map<(d0, d1) -> (0, 0, 0)>
#map1 = affine_map<(d0, d1) -> (0)>
#map2 = affine_map<(d0, d1) -> (0, 0, 0, 0)>
module attributes {stable_mosaic.version = 14 : i64} {
  func.func @_dropout_kernel(%arg0: i32, %arg1: i32, %arg2: memref<4x4096x2048xf32, #tpu.memory_space<hbm>>, %arg3: memref<16384xi32, #tpu.memory_space<hbm>>, %arg4: memref<3686x16x4x128xf32, #tpu.memory_space<hbm>>, %arg5: memref<4096xi32, #tpu.memory_space<vmem>>, %arg6: memref<4112xi32, #tpu.memory_space<vmem>>, %arg7: memref<4096xi32, #tpu.memory_space<vmem>>, %arg8: memref<4096xi32, #tpu.memory_space<vmem>>, %arg9: memref<4096xi32, #tpu.memory_space<vmem>>, %arg10: memref<4096xi32, #tpu.memory_space<vmem>>, %arg11: memref<4096xi32, #tpu.memory_space<vmem>>, %arg12: memref<16384xi32, #tpu.memory_space<vmem_shared>>, %arg13: memref<4096xi32, #tpu.memory_space<vmem>>, %arg14: memref<16xi32, #tpu.memory_space<vmem>>, %arg15: memref<16xi32, #tpu.memory_space<vmem>>, %arg16: memref<16x2048xf32, #tpu.memory_space<vmem>>, %arg17: memref<16x2048xf32, #tpu.memory_space<vmem>>, %arg18: memref<!tpu.dma_semaphore, #tpu.memory_space<semaphore_mem>>, %arg19: memref<!tpu.dma_semaphore, #tpu.memory_space<semaphore_mem>>, %arg20: memref<!tpu.dma_semaphore, #tpu.memory_space<semaphore_mem>>, %arg21: memref<!tpu.dma_semaphore, #tpu.memory_space<semaphore_mem>>) attributes {dimension_semantics = [#tpu.dimension_semantics<core_parallel>, #tpu.dimension_semantics<subcore_parallel>], iteration_bounds = array<i64: 2, 16>, scalar_prefetch = 0 : i64, scratch_operands = 17 : i64, tpu.core_type = #tpu.core_type<sc_vector_subcore>, window_params = [{transform_indices = #map}, {transform_indices = #map1}, {transform_indices = #map2}]} {
    %iota3A = tpu.iota {dimensions = array<i32: 0>} : vector<16xi32>
    %lt3A = arith.constant 4 : i32
    %lt3A_0 = arith.cmpi slt, %arg1, %lt3A : i32
    %convert_element_type3A = arith.extui %lt3A_0 : i1 to i32
    %cond3A = arith.constant 0 : i32
    %cond3A_1 = arith.cmpi ne, %convert_element_type3A, %cond3A : i32
    scf.if %cond3A_1 {
      %mul3A_35 = arith.constant 4096 : i32
      %mul3A_36 = arith.muli %arg1, %mul3A_35 : i32
      "tpu.region"() ({
        %run_scoped3A = tpu.sem_alloc : memref<!tpu.dma_semaphore, #tpu.memory_space<semaphore_mem>>
        %dma_start3A = tpu.memref_slice %arg3[%mul3A_36] : memref<16384xi32, #tpu.memory_space<hbm>> -> memref<4096xi32, #tpu.memory_space<hbm>>
        %dma_start3A_152 = tpu.memref_slice %arg3[%mul3A_36] : memref<16384xi32, #tpu.memory_space<hbm>> -> memref<4096xi32, #tpu.memory_space<hbm>>
        tpu.enqueue_dma source(%dma_start3A_152 : memref<4096xi32, #tpu.memory_space<hbm>>) target(%arg5 : memref<4096xi32, #tpu.memory_space<vmem>>) target_semaphore(%run_scoped3A : memref<!tpu.dma_semaphore, #tpu.memory_space<semaphore_mem>>)
        %dma_wait3A = tpu.memref_slice %arg3[%mul3A_36] : memref<16384xi32, #tpu.memory_space<hbm>> -> memref<4096xi32, #tpu.memory_space<hbm>>
        %dma_wait3A_153 = tpu.memref_slice %arg3[%mul3A_36] : memref<16384xi32, #tpu.memory_space<hbm>> -> memref<4096xi32, #tpu.memory_space<hbm>>
        tpu.wait_dma2 semaphore(%run_scoped3A : memref<!tpu.dma_semaphore, #tpu.memory_space<semaphore_mem>>) src(%dma_wait3A_153 : memref<4096xi32, #tpu.memory_space<hbm>>) dst(%arg5 : memref<4096xi32, #tpu.memory_space<vmem>>)
        tpu.yield
      }) : () -> ()
      %broadcast_in_dim3A = arith.constant 1 : i32
      %broadcast_in_dim3A_37 = vector.broadcast %broadcast_in_dim3A : i32 to vector<16xi32>
      %scan3A_38 = arith.constant 0 : i32
      %scan3A_39 = arith.constant 0 : i32
      %scan3A_40 = arith.constant 64 : i32
      %scan3A_41 = arith.addi %scan3A_39, %scan3A_40 : i32
      %scan3A_42 = arith.constant 1 : i32
      scf.for %scan3A_152 = %scan3A_39 to %scan3A_41 step %scan3A_42  : i32 {
        %mul3A_153 = arith.constant 4 : i32
        %mul3A_154 = arith.muli %mul3A_153, %scan3A_152 : i32
        %add3A_155 = arith.constant 0 : i32
        %add3A_156 = arith.addi %mul3A_154, %add3A_155 : i32
        %mul3A_157 = arith.constant 16 : i32
        %mul3A_158 = arith.muli %add3A_156, %mul3A_157 : i32
        %get3A = arith.index_cast %mul3A_158 : i32 to index
        %get3A_159 = tpu.vector_load %arg5[%get3A] {strides = array<i32>} : memref<4096xi32, #tpu.memory_space<vmem>>, vector<16xi32>,
        %shift_right_arithmetic3A = arith.constant 4 : i32
        %shift_right_arithmetic3A_160 = arith.shrsi %add3A_156, %shift_right_arithmetic3A : i32
        %mul3A_161 = arith.constant 257 : i32
        %mul3A_162 = arith.muli %shift_right_arithmetic3A_160, %mul3A_161 : i32
        %and3A_163 = arith.constant 15 : i32
        %and3A_164 = arith.andi %add3A_156, %and3A_163 : i32
        %mul3A_165 = arith.constant 16 : i32
        %mul3A_166 = arith.muli %and3A_164, %mul3A_165 : i32
        %add3A_167 = arith.addi %mul3A_162, %mul3A_166 : i32
        %swap3A = arith.index_cast %add3A_167 : i32 to index
        %swap3A_168 = tpu.vector_load %arg6[%swap3A] {strides = array<i32>} : memref<4112xi32, #tpu.memory_space<vmem>>, vector<16xi32>,
        tpu.vector_store %arg6[%swap3A], %get3A_159 {strides = array<i32>} : memref<4112xi32, #tpu.memory_space<vmem>>, vector<16xi32>,
        %mul3A_169 = arith.constant 4 : i32
        %mul3A_170 = arith.muli %mul3A_169, %scan3A_152 : i32
        %add3A_171 = arith.constant 1 : i32
        %add3A_172 = arith.addi %mul3A_170, %add3A_171 : i32
        %mul3A_173 = arith.constant 16 : i32
        %mul3A_174 = arith.muli %add3A_172, %mul3A_173 : i32
        %get3A_175 = arith.index_cast %mul3A_174 : i32 to index
        %get3A_176 = tpu.vector_load %arg5[%get3A_175] {strides = array<i32>} : memref<4096xi32, #tpu.memory_space<vmem>>, vector<16xi32>,
        %shift_right_arithmetic3A_177 = arith.constant 4 : i32
        %shift_right_arithmetic3A_178 = arith.shrsi %add3A_172, %shift_right_arithmetic3A_177 : i32
        %mul3A_179 = arith.constant 257 : i32
        %mul3A_180 = arith.muli %shift_right_arithmetic3A_178, %mul3A_179 : i32
        %and3A_181 = arith.constant 15 : i32
        %and3A_182 = arith.andi %add3A_172, %and3A_181 : i32
        %mul3A_183 = arith.constant 16 : i32
        %mul3A_184 = arith.muli %and3A_182, %mul3A_183 : i32
        %add3A_185 = arith.addi %mul3A_180, %mul3A_184 : i32
        %swap3A_186 = arith.index_cast %add3A_185 : i32 to index
        %swap3A_187 = tpu.vector_load %arg6[%swap3A_186] {strides = array<i32>} : memref<4112xi32, #tpu.memory_space<vmem>>, vector<16xi32>,
        tpu.vector_store %arg6[%swap3A_186], %get3A_176 {strides = array<i32>} : memref<4112xi32, #tpu.memory_space<vmem>>, vector<16xi32>,
        %mul3A_188 = arith.constant 4 : i32
        %mul3A_189 = arith.muli %mul3A_188, %scan3A_152 : i32
        %add3A_190 = arith.constant 2 : i32
        %add3A_191 = arith.addi %mul3A_189, %add3A_190 : i32
        %mul3A_192 = arith.constant 16 : i32
        %mul3A_193 = arith.muli %add3A_191, %mul3A_192 : i32
        %get3A_194 = arith.index_cast %mul3A_193 : i32 to index
        %get3A_195 = tpu.vector_load %arg5[%get3A_194] {strides = array<i32>} : memref<4096xi32, #tpu.memory_space<vmem>>, vector<16xi32>,
        %shift_right_arithmetic3A_196 = arith.constant 4 : i32
        %shift_right_arithmetic3A_197 = arith.shrsi %add3A_191, %shift_right_arithmetic3A_196 : i32
        %mul3A_198 = arith.constant 257 : i32
        %mul3A_199 = arith.muli %shift_right_arithmetic3A_197, %mul3A_198 : i32
        %and3A_200 = arith.constant 15 : i32
        %and3A_201 = arith.andi %add3A_191, %and3A_200 : i32
        %mul3A_202 = arith.constant 16 : i32
        %mul3A_203 = arith.muli %and3A_201, %mul3A_202 : i32
        %add3A_204 = arith.addi %mul3A_199, %mul3A_203 : i32
        %swap3A_205 = arith.index_cast %add3A_204 : i32 to index
        %swap3A_206 = tpu.vector_load %arg6[%swap3A_205] {strides = array<i32>} : memref<4112xi32, #tpu.memory_space<vmem>>, vector<16xi32>,
        tpu.vector_store %arg6[%swap3A_205], %get3A_195 {strides = array<i32>} : memref<4112xi32, #tpu.memory_space<vmem>>, vector<16xi32>,
        %mul3A_207 = arith.constant 4 : i32
        %mul3A_208 = arith.muli %mul3A_207, %scan3A_152 : i32
        %add3A_209 = arith.constant 3 : i32
        %add3A_210 = arith.addi %mul3A_208, %add3A_209 : i32
        %mul3A_211 = arith.constant 16 : i32
        %mul3A_212 = arith.muli %add3A_210, %mul3A_211 : i32
        %get3A_213 = arith.index_cast %mul3A_212 : i32 to index
        %get3A_214 = tpu.vector_load %arg5[%get3A_213] {strides = array<i32>} : memref<4096xi32, #tpu.memory_space<vmem>>, vector<16xi32>,
        %shift_right_arithmetic3A_215 = arith.constant 4 : i32
        %shift_right_arithmetic3A_216 = arith.shrsi %add3A_210, %shift_right_arithmetic3A_215 : i32
        %mul3A_217 = arith.constant 257 : i32
        %mul3A_218 = arith.muli %shift_right_arithmetic3A_216, %mul3A_217 : i32
        %and3A_219 = arith.constant 15 : i32
        %and3A_220 = arith.andi %add3A_210, %and3A_219 : i32
        %mul3A_221 = arith.constant 16 : i32
        %mul3A_222 = arith.muli %and3A_220, %mul3A_221 : i32
        %add3A_223 = arith.addi %mul3A_218, %mul3A_222 : i32
        %swap3A_224 = arith.index_cast %add3A_223 : i32 to index
        %swap3A_225 = tpu.vector_load %arg6[%swap3A_224] {strides = array<i32>} : memref<4112xi32, #tpu.memory_space<vmem>>, vector<16xi32>,
        tpu.vector_store %arg6[%swap3A_224], %get3A_214 {strides = array<i32>} : memref<4112xi32, #tpu.memory_space<vmem>>, vector<16xi32>,
      }
      %scan3A_43 = arith.constant 64 : i32
      %scan3A_44 = arith.constant 0 : i32
      %scan3A_45 = arith.constant 0 : i32
      %scan3A_46 = arith.constant 64 : i32
      %scan3A_47 = arith.addi %scan3A_45, %scan3A_46 : i32
      %scan3A_48 = arith.constant 1 : i32
      scf.for %scan3A_152 = %scan3A_45 to %scan3A_47 step %scan3A_48  : i32 {
        %mul3A_153 = arith.constant 4 : i32
        %mul3A_154 = arith.muli %mul3A_153, %scan3A_152 : i32
        %add3A_155 = arith.constant 0 : i32
        %add3A_156 = arith.addi %mul3A_154, %add3A_155 : i32
        %mul3A_157 = arith.constant 257 : i32
        %mul3A_158 = vector.broadcast %mul3A_157 : i32 to vector<16xi32>
        %mul3A_159 = arith.muli %iota3A, %mul3A_158 : vector<16xi32>
        %add3A_160 = vector.broadcast %add3A_156 : i32 to vector<16xi32>
        %add3A_161 = arith.addi %mul3A_159, %add3A_160 : vector<16xi32>
        %gather3A = tpu.vector_load_idx %arg6[%add3A_161] : memref<4112xi32, #tpu.memory_space<vmem>>[vector<16xi32>], vector<16xi32>,
        %eq3A_162 = arith.constant -2147483648 : i32
        %eq3A_163 = vector.broadcast %eq3A_162 : i32 to vector<16xi32>
        %eq3A_164 = arith.cmpi eq, %gather3A, %eq3A_163 : vector<16xi32>
        %jit3A = arith.constant 0 : i32
        %broadcast_in_dim3A_165 = vector.broadcast %jit3A : i32 to vector<16xi32>
        %select_n3A = arith.select %eq3A_164, %broadcast_in_dim3A_165, %gather3A : vector<16xi1>, vector<16xi32>
        %shift_right_arithmetic3A = arith.constant 31 : i32
        %shift_right_arithmetic3A_166 = vector.broadcast %shift_right_arithmetic3A : i32 to vector<16xi32>
        %shift_right_arithmetic3A_167 = arith.shrsi %select_n3A, %shift_right_arithmetic3A_166 : vector<16xi32>
        %not3A = arith.constant dense<-1> : vector<16xi32>
        %not3A_168 = arith.xori %shift_right_arithmetic3A_167, %not3A : vector<16xi32>
        %and3A_169 = arith.constant 2147483647 : i32
        %and3A_170 = vector.broadcast %and3A_169 : i32 to vector<16xi32>
        %and3A_171 = arith.andi %not3A_168, %and3A_170 : vector<16xi32>
        %xor3A = arith.xori %select_n3A, %and3A_171 : vector<16xi32>
        %mul3A_172 = arith.constant 16 : i32
        %mul3A_173 = arith.muli %add3A_156, %mul3A_172 : i32
        %swap3A = arith.index_cast %mul3A_173 : i32 to index
        %swap3A_174 = tpu.vector_load %arg7[%swap3A] {strides = array<i32>} : memref<4096xi32, #tpu.memory_space<vmem>>, vector<16xi32>,
        tpu.vector_store %arg7[%swap3A], %xor3A {strides = array<i32>} : memref<4096xi32, #tpu.memory_space<vmem>>, vector<16xi32>,
        %shift_left3A = arith.constant 8 : i32
        %shift_left3A_175 = vector.broadcast %shift_left3A : i32 to vector<16xi32>
        %shift_left3A_176 = arith.shli %iota3A, %shift_left3A_175 : vector<16xi32>
        %add3A_177 = vector.broadcast %add3A_156 : i32 to vector<16xi32>
        %add3A_178 = arith.addi %add3A_177, %shift_left3A_176 : vector<16xi32>
        %mul3A_179 = arith.constant 16 : i32
        %mul3A_180 = arith.muli %add3A_156, %mul3A_179 : i32
        %swap3A_181 = arith.index_cast %mul3A_180 : i32 to index
        %swap3A_182 = tpu.vector_load %arg9[%swap3A_181] {strides = array<i32>} : memref<4096xi32, #tpu.memory_space<vmem>>, vector<16xi32>,
        tpu.vector_store %arg9[%swap3A_181], %add3A_178 {strides = array<i32>} : memref<4096xi32, #tpu.memory_space<vmem>>, vector<16xi32>,
        %mul3A_183 = arith.constant 4 : i32
        %mul3A_184 = arith.muli %mul3A_183, %scan3A_152 : i32
        %add3A_185 = arith.constant 1 : i32
        %add3A_186 = arith.addi %mul3A_184, %add3A_185 : i32
        %mul3A_187 = arith.constant 257 : i32
        %mul3A_188 = vector.broadcast %mul3A_187 : i32 to vector<16xi32>
        %mul3A_189 = arith.muli %iota3A, %mul3A_188 : vector<16xi32>
        %add3A_190 = vector.broadcast %add3A_186 : i32 to vector<16xi32>
        %add3A_191 = arith.addi %mul3A_189, %add3A_190 : vector<16xi32>
        %gather3A_192 = tpu.vector_load_idx %arg6[%add3A_191] : memref<4112xi32, #tpu.memory_space<vmem>>[vector<16xi32>], vector<16xi32>,
        %eq3A_193 = arith.constant -2147483648 : i32
        %eq3A_194 = vector.broadcast %eq3A_193 : i32 to vector<16xi32>
        %eq3A_195 = arith.cmpi eq, %gather3A_192, %eq3A_194 : vector<16xi32>
        %jit3A_196 = arith.constant 0 : i32
        %broadcast_in_dim3A_197 = vector.broadcast %jit3A_196 : i32 to vector<16xi32>
        %select_n3A_198 = arith.select %eq3A_195, %broadcast_in_dim3A_197, %gather3A_192 : vector<16xi1>, vector<16xi32>
        %shift_right_arithmetic3A_199 = arith.constant 31 : i32
        %shift_right_arithmetic3A_200 = vector.broadcast %shift_right_arithmetic3A_199 : i32 to vector<16xi32>
        %shift_right_arithmetic3A_201 = arith.shrsi %select_n3A_198, %shift_right_arithmetic3A_200 : vector<16xi32>
        %not3A_202 = arith.constant dense<-1> : vector<16xi32>
        %not3A_203 = arith.xori %shift_right_arithmetic3A_201, %not3A_202 : vector<16xi32>
        %and3A_204 = arith.constant 2147483647 : i32
        %and3A_205 = vector.broadcast %and3A_204 : i32 to vector<16xi32>
        %and3A_206 = arith.andi %not3A_203, %and3A_205 : vector<16xi32>
        %xor3A_207 = arith.xori %select_n3A_198, %and3A_206 : vector<16xi32>
        %mul3A_208 = arith.constant 16 : i32
        %mul3A_209 = arith.muli %add3A_186, %mul3A_208 : i32
        %swap3A_210 = arith.index_cast %mul3A_209 : i32 to index
        %swap3A_211 = tpu.vector_load %arg7[%swap3A_210] {strides = array<i32>} : memref<4096xi32, #tpu.memory_space<vmem>>, vector<16xi32>,
        tpu.vector_store %arg7[%swap3A_210], %xor3A_207 {strides = array<i32>} : memref<4096xi32, #tpu.memory_space<vmem>>, vector<16xi32>,
        %shift_left3A_212 = arith.constant 8 : i32
        %shift_left3A_213 = vector.broadcast %shift_left3A_212 : i32 to vector<16xi32>
        %shift_left3A_214 = arith.shli %iota3A, %shift_left3A_213 : vector<16xi32>
        %add3A_215 = vector.broadcast %add3A_186 : i32 to vector<16xi32>
        %add3A_216 = arith.addi %add3A_215, %shift_left3A_214 : vector<16xi32>
        %mul3A_217 = arith.constant 16 : i32
        %mul3A_218 = arith.muli %add3A_186, %mul3A_217 : i32
        %swap3A_219 = arith.index_cast %mul3A_218 : i32 to index
        %swap3A_220 = tpu.vector_load %arg9[%swap3A_219] {strides = array<i32>} : memref<4096xi32, #tpu.memory_space<vmem>>, vector<16xi32>,
        tpu.vector_store %arg9[%swap3A_219], %add3A_216 {strides = array<i32>} : memref<4096xi32, #tpu.memory_space<vmem>>, vector<16xi32>,
        %mul3A_221 = arith.constant 4 : i32
        %mul3A_222 = arith.muli %mul3A_221, %scan3A_152 : i32
        %add3A_223 = arith.constant 2 : i32
        %add3A_224 = arith.addi %mul3A_222, %add3A_223 : i32
        %mul3A_225 = arith.constant 257 : i32
        %mul3A_226 = vector.broadcast %mul3A_225 : i32 to vector<16xi32>
        %mul3A_227 = arith.muli %iota3A, %mul3A_226 : vector<16xi32>
        %add3A_228 = vector.broadcast %add3A_224 : i32 to vector<16xi32>
        %add3A_229 = arith.addi %mul3A_227, %add3A_228 : vector<16xi32>
        %gather3A_230 = tpu.vector_load_idx %arg6[%add3A_229] : memref<4112xi32, #tpu.memory_space<vmem>>[vector<16xi32>], vector<16xi32>,
        %eq3A_231 = arith.constant -2147483648 : i32
        %eq3A_232 = vector.broadcast %eq3A_231 : i32 to vector<16xi32>
        %eq3A_233 = arith.cmpi eq, %gather3A_230, %eq3A_232 : vector<16xi32>
        %jit3A_234 = arith.constant 0 : i32
        %broadcast_in_dim3A_235 = vector.broadcast %jit3A_234 : i32 to vector<16xi32>
        %select_n3A_236 = arith.select %eq3A_233, %broadcast_in_dim3A_235, %gather3A_230 : vector<16xi1>, vector<16xi32>
        %shift_right_arithmetic3A_237 = arith.constant 31 : i32
        %shift_right_arithmetic3A_238 = vector.broadcast %shift_right_arithmetic3A_237 : i32 to vector<16xi32>
        %shift_right_arithmetic3A_239 = arith.shrsi %select_n3A_236, %shift_right_arithmetic3A_238 : vector<16xi32>
        %not3A_240 = arith.constant dense<-1> : vector<16xi32>
        %not3A_241 = arith.xori %shift_right_arithmetic3A_239, %not3A_240 : vector<16xi32>
        %and3A_242 = arith.constant 2147483647 : i32
        %and3A_243 = vector.broadcast %and3A_242 : i32 to vector<16xi32>
        %and3A_244 = arith.andi %not3A_241, %and3A_243 : vector<16xi32>
        %xor3A_245 = arith.xori %select_n3A_236, %and3A_244 : vector<16xi32>
        %mul3A_246 = arith.constant 16 : i32
        %mul3A_247 = arith.muli %add3A_224, %mul3A_246 : i32
        %swap3A_248 = arith.index_cast %mul3A_247 : i32 to index
        %swap3A_249 = tpu.vector_load %arg7[%swap3A_248] {strides = array<i32>} : memref<4096xi32, #tpu.memory_space<vmem>>, vector<16xi32>,
        tpu.vector_store %arg7[%swap3A_248], %xor3A_245 {strides = array<i32>} : memref<4096xi32, #tpu.memory_space<vmem>>, vector<16xi32>,
        %shift_left3A_250 = arith.constant 8 : i32
        %shift_left3A_251 = vector.broadcast %shift_left3A_250 : i32 to vector<16xi32>
        %shift_left3A_252 = arith.shli %iota3A, %shift_left3A_251 : vector<16xi32>
        %add3A_253 = vector.broadcast %add3A_224 : i32 to vector<16xi32>
        %add3A_254 = arith.addi %add3A_253, %shift_left3A_252 : vector<16xi32>
        %mul3A_255 = arith.constant 16 : i32
        %mul3A_256 = arith.muli %add3A_224, %mul3A_255 : i32
        %swap3A_257 = arith.index_cast %mul3A_256 : i32 to index
        %swap3A_258 = tpu.vector_load %arg9[%swap3A_257] {strides = array<i32>} : memref<4096xi32, #tpu.memory_space<vmem>>, vector<16xi32>,
        tpu.vector_store %arg9[%swap3A_257], %add3A_254 {strides = array<i32>} : memref<4096xi32, #tpu.memory_space<vmem>>, vector<16xi32>,
        %mul3A_259 = arith.constant 4 : i32
        %mul3A_260 = arith.muli %mul3A_259, %scan3A_152 : i32
        %add3A_261 = arith.constant 3 : i32
        %add3A_262 = arith.addi %mul3A_260, %add3A_261 : i32
        %mul3A_263 = arith.constant 257 : i32
        %mul3A_264 = vector.broadcast %mul3A_263 : i32 to vector<16xi32>
        %mul3A_265 = arith.muli %iota3A, %mul3A_264 : vector<16xi32>
        %add3A_266 = vector.broadcast %add3A_262 : i32 to vector<16xi32>
        %add3A_267 = arith.addi %mul3A_265, %add3A_266 : vector<16xi32>
        %gather3A_268 = tpu.vector_load_idx %arg6[%add3A_267] : memref<4112xi32, #tpu.memory_space<vmem>>[vector<16xi32>], vector<16xi32>,
        %eq3A_269 = arith.constant -2147483648 : i32
        %eq3A_270 = vector.broadcast %eq3A_269 : i32 to vector<16xi32>
        %eq3A_271 = arith.cmpi eq, %gather3A_268, %eq3A_270 : vector<16xi32>
        %jit3A_272 = arith.constant 0 : i32
        %broadcast_in_dim3A_273 = vector.broadcast %jit3A_272 : i32 to vector<16xi32>
        %select_n3A_274 = arith.select %eq3A_271, %broadcast_in_dim3A_273, %gather3A_268 : vector<16xi1>, vector<16xi32>
        %shift_right_arithmetic3A_275 = arith.constant 31 : i32
        %shift_right_arithmetic3A_276 = vector.broadcast %shift_right_arithmetic3A_275 : i32 to vector<16xi32>
        %shift_right_arithmetic3A_277 = arith.shrsi %select_n3A_274, %shift_right_arithmetic3A_276 : vector<16xi32>
        %not3A_278 = arith.constant dense<-1> : vector<16xi32>
        %not3A_279 = arith.xori %shift_right_arithmetic3A_277, %not3A_278 : vector<16xi32>
        %and3A_280 = arith.constant 2147483647 : i32
        %and3A_281 = vector.broadcast %and3A_280 : i32 to vector<16xi32>
        %and3A_282 = arith.andi %not3A_279, %and3A_281 : vector<16xi32>
        %xor3A_283 = arith.xori %select_n3A_274, %and3A_282 : vector<16xi32>
        %mul3A_284 = arith.constant 16 : i32
        %mul3A_285 = arith.muli %add3A_262, %mul3A_284 : i32
        %swap3A_286 = arith.index_cast %mul3A_285 : i32 to index
        %swap3A_287 = tpu.vector_load %arg7[%swap3A_286] {strides = array<i32>} : memref<4096xi32, #tpu.memory_space<vmem>>, vector<16xi32>,
        tpu.vector_store %arg7[%swap3A_286], %xor3A_283 {strides = array<i32>} : memref<4096xi32, #tpu.memory_space<vmem>>, vector<16xi32>,
        %shift_left3A_288 = arith.constant 8 : i32
        %shift_left3A_289 = vector.broadcast %shift_left3A_288 : i32 to vector<16xi32>
        %shift_left3A_290 = arith.shli %iota3A, %shift_left3A_289 : vector<16xi32>
        %add3A_291 = vector.broadcast %add3A_262 : i32 to vector<16xi32>
        %add3A_292 = arith.addi %add3A_291, %shift_left3A_290 : vector<16xi32>
        %mul3A_293 = arith.constant 16 : i32
        %mul3A_294 = arith.muli %add3A_262, %mul3A_293 : i32
        %swap3A_295 = arith.index_cast %mul3A_294 : i32 to index
        %swap3A_296 = tpu.vector_load %arg9[%swap3A_295] {strides = array<i32>} : memref<4096xi32, #tpu.memory_space<vmem>>, vector<16xi32>,
        tpu.vector_store %arg9[%swap3A_295], %add3A_292 {strides = array<i32>} : memref<4096xi32, #tpu.memory_space<vmem>>, vector<16xi32>,
      }
      %scan3A_49 = arith.constant 64 : i32
      %scan3A_50 = arith.constant 0 : i32
      %scan3A_51 = arith.constant 0 : i32
      %scan3A_52 = arith.constant 64 : i32
      %scan3A_53 = arith.addi %scan3A_51, %scan3A_52 : i32
      %scan3A_54 = arith.constant 1 : i32
      scf.for %scan3A_152 = %scan3A_51 to %scan3A_53 step %scan3A_54  : i32 {
        %mul3A_153 = arith.constant 4 : i32
        %mul3A_154 = arith.muli %mul3A_153, %scan3A_152 : i32
        %add3A_155 = arith.constant 0 : i32
        %add3A_156 = arith.addi %mul3A_154, %add3A_155 : i32
        %broadcast_in_dim3A_157 = arith.constant 0 : i32
        %broadcast_in_dim3A_158 = vector.broadcast %broadcast_in_dim3A_157 : i32 to vector<16xi32>
        %mul3A_159 = arith.constant 16 : i32
        %mul3A_160 = arith.muli %add3A_156, %mul3A_159 : i32
        %swap3A = arith.index_cast %mul3A_160 : i32 to index
        %swap3A_161 = tpu.vector_load %arg11[%swap3A] {strides = array<i32>} : memref<4096xi32, #tpu.memory_space<vmem>>, vector<16xi32>,
        tpu.vector_store %arg11[%swap3A], %broadcast_in_dim3A_158 {strides = array<i32>} : memref<4096xi32, #tpu.memory_space<vmem>>, vector<16xi32>,
        %mul3A_162 = arith.constant 4 : i32
        %mul3A_163 = arith.muli %mul3A_162, %scan3A_152 : i32
        %add3A_164 = arith.constant 1 : i32
        %add3A_165 = arith.addi %mul3A_163, %add3A_164 : i32
        %broadcast_in_dim3A_166 = arith.constant 0 : i32
        %broadcast_in_dim3A_167 = vector.broadcast %broadcast_in_dim3A_166 : i32 to vector<16xi32>
        %mul3A_168 = arith.constant 16 : i32
        %mul3A_169 = arith.muli %add3A_165, %mul3A_168 : i32
        %swap3A_170 = arith.index_cast %mul3A_169 : i32 to index
        %swap3A_171 = tpu.vector_load %arg11[%swap3A_170] {strides = array<i32>} : memref<4096xi32, #tpu.memory_space<vmem>>, vector<16xi32>,
        tpu.vector_store %arg11[%swap3A_170], %broadcast_in_dim3A_167 {strides = array<i32>} : memref<4096xi32, #tpu.memory_space<vmem>>, vector<16xi32>,
        %mul3A_172 = arith.constant 4 : i32
        %mul3A_173 = arith.muli %mul3A_172, %scan3A_152 : i32
        %add3A_174 = arith.constant 2 : i32
        %add3A_175 = arith.addi %mul3A_173, %add3A_174 : i32
        %broadcast_in_dim3A_176 = arith.constant 0 : i32
        %broadcast_in_dim3A_177 = vector.broadcast %broadcast_in_dim3A_176 : i32 to vector<16xi32>
        %mul3A_178 = arith.constant 16 : i32
        %mul3A_179 = arith.muli %add3A_175, %mul3A_178 : i32
        %swap3A_180 = arith.index_cast %mul3A_179 : i32 to index
        %swap3A_181 = tpu.vector_load %arg11[%swap3A_180] {strides = array<i32>} : memref<4096xi32, #tpu.memory_space<vmem>>, vector<16xi32>,
        tpu.vector_store %arg11[%swap3A_180], %broadcast_in_dim3A_177 {strides = array<i32>} : memref<4096xi32, #tpu.memory_space<vmem>>, vector<16xi32>,
        %mul3A_182 = arith.constant 4 : i32
        %mul3A_183 = arith.muli %mul3A_182, %scan3A_152 : i32
        %add3A_184 = arith.constant 3 : i32
        %add3A_185 = arith.addi %mul3A_183, %add3A_184 : i32
        %broadcast_in_dim3A_186 = arith.constant 0 : i32
        %broadcast_in_dim3A_187 = vector.broadcast %broadcast_in_dim3A_186 : i32 to vector<16xi32>
        %mul3A_188 = arith.constant 16 : i32
        %mul3A_189 = arith.muli %add3A_185, %mul3A_188 : i32
        %swap3A_190 = arith.index_cast %mul3A_189 : i32 to index
        %swap3A_191 = tpu.vector_load %arg11[%swap3A_190] {strides = array<i32>} : memref<4096xi32, #tpu.memory_space<vmem>>, vector<16xi32>,
        tpu.vector_store %arg11[%swap3A_190], %broadcast_in_dim3A_187 {strides = array<i32>} : memref<4096xi32, #tpu.memory_space<vmem>>, vector<16xi32>,
      }
      %scan3A_55 = arith.constant 64 : i32
      %scan3A_56 = arith.constant 0 : i32
      %scan3A_57 = arith.constant 0 : i32
      %scan3A_58 = arith.constant 64 : i32
      %scan3A_59 = arith.addi %scan3A_57, %scan3A_58 : i32
      %scan3A_60 = arith.constant 1 : i32
      scf.for %scan3A_152 = %scan3A_57 to %scan3A_59 step %scan3A_60  : i32 {
        %mul3A_153 = arith.constant 4 : i32
        %mul3A_154 = arith.muli %mul3A_153, %scan3A_152 : i32
        %add3A_155 = arith.constant 0 : i32
        %add3A_156 = arith.addi %mul3A_154, %add3A_155 : i32
        %mul3A_157 = arith.constant 16 : i32
        %mul3A_158 = arith.muli %add3A_156, %mul3A_157 : i32
        %get3A = arith.index_cast %mul3A_158 : i32 to index
        %get3A_159 = tpu.vector_load %arg7[%get3A] {strides = array<i32>} : memref<4096xi32, #tpu.memory_space<vmem>>, vector<16xi32>,
        %shift_right_logical3A_160 = arith.constant 0 : i32
        %shift_right_logical3A_161 = vector.broadcast %shift_right_logical3A_160 : i32 to vector<16xi32>
        %shift_right_logical3A_162 = arith.shrui %get3A_159, %shift_right_logical3A_161 : vector<16xi32>
        %and3A_163 = arith.constant 255 : i32
        %and3A_164 = vector.broadcast %and3A_163 : i32 to vector<16xi32>
        %and3A_165 = arith.andi %shift_right_logical3A_162, %and3A_164 : vector<16xi32>
        %shift_left3A = arith.constant 4 : i32
        %shift_left3A_166 = vector.broadcast %shift_left3A : i32 to vector<16xi32>
        %shift_left3A_167 = arith.shli %and3A_165, %shift_left3A_166 : vector<16xi32>
        %or3A = arith.ori %shift_left3A_167, %iota3A : vector<16xi32>
        tpu.vector_store_idx %arg11[%or3A], %broadcast_in_dim3A_37 {add = true} : memref<4096xi32, #tpu.memory_space<vmem>>[vector<16xi32>], vector<16xi32>,
        %mul3A_168 = arith.constant 4 : i32
        %mul3A_169 = arith.muli %mul3A_168, %scan3A_152 : i32
        %add3A_170 = arith.constant 1 : i32
        %add3A_171 = arith.addi %mul3A_169, %add3A_170 : i32
        %mul3A_172 = arith.constant 16 : i32
        %mul3A_173 = arith.muli %add3A_171, %mul3A_172 : i32
        %get3A_174 = arith.index_cast %mul3A_173 : i32 to index
        %get3A_175 = tpu.vector_load %arg7[%get3A_174] {strides = array<i32>} : memref<4096xi32, #tpu.memory_space<vmem>>, vector<16xi32>,
        %shift_right_logical3A_176 = arith.constant 0 : i32
        %shift_right_logical3A_177 = vector.broadcast %shift_right_logical3A_176 : i32 to vector<16xi32>
        %shift_right_logical3A_178 = arith.shrui %get3A_175, %shift_right_logical3A_177 : vector<16xi32>
        %and3A_179 = arith.constant 255 : i32
        %and3A_180 = vector.broadcast %and3A_179 : i32 to vector<16xi32>
        %and3A_181 = arith.andi %shift_right_logical3A_178, %and3A_180 : vector<16xi32>
        %shift_left3A_182 = arith.constant 4 : i32
        %shift_left3A_183 = vector.broadcast %shift_left3A_182 : i32 to vector<16xi32>
        %shift_left3A_184 = arith.shli %and3A_181, %shift_left3A_183 : vector<16xi32>
        %or3A_185 = arith.ori %shift_left3A_184, %iota3A : vector<16xi32>
        tpu.vector_store_idx %arg11[%or3A_185], %broadcast_in_dim3A_37 {add = true} : memref<4096xi32, #tpu.memory_space<vmem>>[vector<16xi32>], vector<16xi32>,
        %mul3A_186 = arith.constant 4 : i32
        %mul3A_187 = arith.muli %mul3A_186, %scan3A_152 : i32
        %add3A_188 = arith.constant 2 : i32
        %add3A_189 = arith.addi %mul3A_187, %add3A_188 : i32
        %mul3A_190 = arith.constant 16 : i32
        %mul3A_191 = arith.muli %add3A_189, %mul3A_190 : i32
        %get3A_192 = arith.index_cast %mul3A_191 : i32 to index
        %get3A_193 = tpu.vector_load %arg7[%get3A_192] {strides = array<i32>} : memref<4096xi32, #tpu.memory_space<vmem>>, vector<16xi32>,
        %shift_right_logical3A_194 = arith.constant 0 : i32
        %shift_right_logical3A_195 = vector.broadcast %shift_right_logical3A_194 : i32 to vector<16xi32>
        %shift_right_logical3A_196 = arith.shrui %get3A_193, %shift_right_logical3A_195 : vector<16xi32>
        %and3A_197 = arith.constant 255 : i32
        %and3A_198 = vector.broadcast %and3A_197 : i32 to vector<16xi32>
        %and3A_199 = arith.andi %shift_right_logical3A_196, %and3A_198 : vector<16xi32>
        %shift_left3A_200 = arith.constant 4 : i32
        %shift_left3A_201 = vector.broadcast %shift_left3A_200 : i32 to vector<16xi32>
        %shift_left3A_202 = arith.shli %and3A_199, %shift_left3A_201 : vector<16xi32>
        %or3A_203 = arith.ori %shift_left3A_202, %iota3A : vector<16xi32>
        tpu.vector_store_idx %arg11[%or3A_203], %broadcast_in_dim3A_37 {add = true} : memref<4096xi32, #tpu.memory_space<vmem>>[vector<16xi32>], vector<16xi32>,
        %mul3A_204 = arith.constant 4 : i32
        %mul3A_205 = arith.muli %mul3A_204, %scan3A_152 : i32
        %add3A_206 = arith.constant 3 : i32
        %add3A_207 = arith.addi %mul3A_205, %add3A_206 : i32
        %mul3A_208 = arith.constant 16 : i32
        %mul3A_209 = arith.muli %add3A_207, %mul3A_208 : i32
        %get3A_210 = arith.index_cast %mul3A_209 : i32 to index
        %get3A_211 = tpu.vector_load %arg7[%get3A_210] {strides = array<i32>} : memref<4096xi32, #tpu.memory_space<vmem>>, vector<16xi32>,
        %shift_right_logical3A_212 = arith.constant 0 : i32
        %shift_right_logical3A_213 = vector.broadcast %shift_right_logical3A_212 : i32 to vector<16xi32>
        %shift_right_logical3A_214 = arith.shrui %get3A_211, %shift_right_logical3A_213 : vector<16xi32>
        %and3A_215 = arith.constant 255 : i32
        %and3A_216 = vector.broadcast %and3A_215 : i32 to vector<16xi32>
        %and3A_217 = arith.andi %shift_right_logical3A_214, %and3A_216 : vector<16xi32>
        %shift_left3A_218 = arith.constant 4 : i32
        %shift_left3A_219 = vector.broadcast %shift_left3A_218 : i32 to vector<16xi32>
        %shift_left3A_220 = arith.shli %and3A_217, %shift_left3A_219 : vector<16xi32>
        %or3A_221 = arith.ori %shift_left3A_220, %iota3A : vector<16xi32>
        tpu.vector_store_idx %arg11[%or3A_221], %broadcast_in_dim3A_37 {add = true} : memref<4096xi32, #tpu.memory_space<vmem>>[vector<16xi32>], vector<16xi32>,
      }
      %scan3A_61 = arith.constant 64 : i32
      %scan3A_62 = arith.constant 0 : i32
      %scan3A_63 = arith.constant 0 : i32
      %scan3A_64 = arith.constant 256 : i32
      %scan3A_65 = arith.addi %scan3A_63, %scan3A_64 : i32
      %scan3A_66 = arith.constant 1 : i32
      %scan3A_67 = scf.for %scan3A_152 = %scan3A_63 to %scan3A_65 step %scan3A_66 iter_args(%scan3A_153 = %scan3A_62) -> (i32)  : i32 {
        %mul3A_154 = arith.constant 16 : i32
        %mul3A_155 = arith.muli %scan3A_152, %mul3A_154 : i32
        %get3A = arith.index_cast %mul3A_155 : i32 to index
        %get3A_156 = tpu.vector_load %arg11[%get3A] {strides = array<i32>} : memref<4096xi32, #tpu.memory_space<vmem>>, vector<16xi32>,
        %broadcast_in_dim3A_157 = arith.constant true
        %broadcast_in_dim3A_158 = vector.broadcast %broadcast_in_dim3A_157 : i1 to vector<16xi1>
        %masked_cumsum3A = tpu.scan <sum>, %get3A_156 masked %broadcast_in_dim3A_158 : vector<16xi32>, vector<16xi1> -> vector<16xi32>
        %sub3A_159 = arith.subi %masked_cumsum3A, %get3A_156 : vector<16xi32>
        %add3A_160 = vector.broadcast %scan3A_153 : i32 to vector<16xi32>
        %add3A_161 = arith.addi %sub3A_159, %add3A_160 : vector<16xi32>
        %mul3A_162 = arith.constant 16 : i32
        %mul3A_163 = arith.muli %scan3A_152, %mul3A_162 : i32
        %swap3A = arith.index_cast %mul3A_163 : i32 to index
        %swap3A_164 = tpu.vector_load %arg11[%swap3A] {strides = array<i32>} : memref<4096xi32, #tpu.memory_space<vmem>>, vector<16xi32>,
        tpu.vector_store %arg11[%swap3A], %add3A_161 {strides = array<i32>} : memref<4096xi32, #tpu.memory_space<vmem>>, vector<16xi32>,
        %reduce_sum3A = arith.constant true
        %reduce_sum3A_165 = vector.broadcast %reduce_sum3A : i1 to vector<16xi1>
        %reduce_sum3A_166 = tpu.scan <sum>, %get3A_156 masked %reduce_sum3A_165 : vector<16xi32>, vector<16xi1> -> vector<16xi32>
        %reduce_sum3A_167 = vector.extract %reduce_sum3A_166[15] : i32 from vector<16xi32>
        %add3A_168 = arith.addi %scan3A_153, %reduce_sum3A_167 : i32
        scf.yield %add3A_168 : i32
      }
      %scan3A_68 = arith.constant 256 : i32
      %scan3A_69 = arith.constant 0 : i32
      %scan3A_70 = arith.constant 0 : i32
      %scan3A_71 = arith.constant 64 : i32
      %scan3A_72 = arith.addi %scan3A_70, %scan3A_71 : i32
      %scan3A_73 = arith.constant 1 : i32
      scf.for %scan3A_152 = %scan3A_70 to %scan3A_72 step %scan3A_73  : i32 {
        %mul3A_153 = arith.constant 4 : i32
        %mul3A_154 = arith.muli %mul3A_153, %scan3A_152 : i32
        %add3A_155 = arith.constant 0 : i32
        %add3A_156 = arith.addi %mul3A_154, %add3A_155 : i32
        %mul3A_157 = arith.constant 16 : i32
        %mul3A_158 = arith.muli %add3A_156, %mul3A_157 : i32
        %get3A = arith.index_cast %mul3A_158 : i32 to index
        %get3A_159 = tpu.vector_load %arg7[%get3A] {strides = array<i32>} : memref<4096xi32, #tpu.memory_space<vmem>>, vector<16xi32>,
        %mul3A_160 = arith.constant 16 : i32
        %mul3A_161 = arith.muli %add3A_156, %mul3A_160 : i32
        %get3A_162 = arith.index_cast %mul3A_161 : i32 to index
        %get3A_163 = tpu.vector_load %arg9[%get3A_162] {strides = array<i32>} : memref<4096xi32, #tpu.memory_space<vmem>>, vector<16xi32>,
        %shift_right_logical3A_164 = arith.constant 0 : i32
        %shift_right_logical3A_165 = vector.broadcast %shift_right_logical3A_164 : i32 to vector<16xi32>
        %shift_right_logical3A_166 = arith.shrui %get3A_159, %shift_right_logical3A_165 : vector<16xi32>
        %and3A_167 = arith.constant 255 : i32
        %and3A_168 = vector.broadcast %and3A_167 : i32 to vector<16xi32>
        %and3A_169 = arith.andi %shift_right_logical3A_166, %and3A_168 : vector<16xi32>
        %shift_left3A = arith.constant 4 : i32
        %shift_left3A_170 = vector.broadcast %shift_left3A : i32 to vector<16xi32>
        %shift_left3A_171 = arith.shli %and3A_169, %shift_left3A_170 : vector<16xi32>
        %or3A = arith.ori %shift_left3A_171, %iota3A : vector<16xi32>
        %gather3A = tpu.vector_load_idx %arg11[%or3A] : memref<4096xi32, #tpu.memory_space<vmem>>[vector<16xi32>], vector<16xi32>,
        %add3A_172 = arith.constant 1 : i32
        %add3A_173 = vector.broadcast %add3A_172 : i32 to vector<16xi32>
        %add3A_174 = arith.addi %gather3A, %add3A_173 : vector<16xi32>
        tpu.vector_store_idx %arg11[%or3A], %add3A_174 : memref<4096xi32, #tpu.memory_space<vmem>>[vector<16xi32>], vector<16xi32>,
        %and3A_175 = arith.constant 255 : i32
        %and3A_176 = vector.broadcast %and3A_175 : i32 to vector<16xi32>
        %and3A_177 = arith.andi %gather3A, %and3A_176 : vector<16xi32>
        %shift_left3A_178 = arith.constant 4 : i32
        %shift_left3A_179 = vector.broadcast %shift_left3A_178 : i32 to vector<16xi32>
        %shift_left3A_180 = arith.shli %and3A_177, %shift_left3A_179 : vector<16xi32>
        %shift_right_logical3A_181 = arith.constant 8 : i32
        %shift_right_logical3A_182 = vector.broadcast %shift_right_logical3A_181 : i32 to vector<16xi32>
        %shift_right_logical3A_183 = arith.shrui %gather3A, %shift_right_logical3A_182 : vector<16xi32>
        %or3A_184 = arith.ori %shift_left3A_180, %shift_right_logical3A_183 : vector<16xi32>
        tpu.vector_store_idx %arg8[%or3A_184], %get3A_159 : memref<4096xi32, #tpu.memory_space<vmem>>[vector<16xi32>], vector<16xi32>,
        tpu.vector_store_idx %arg10[%or3A_184], %get3A_163 : memref<4096xi32, #tpu.memory_space<vmem>>[vector<16xi32>], vector<16xi32>,
        %mul3A_185 = arith.constant 4 : i32
        %mul3A_186 = arith.muli %mul3A_185, %scan3A_152 : i32
        %add3A_187 = arith.constant 1 : i32
        %add3A_188 = arith.addi %mul3A_186, %add3A_187 : i32
        %mul3A_189 = arith.constant 16 : i32
        %mul3A_190 = arith.muli %add3A_188, %mul3A_189 : i32
        %get3A_191 = arith.index_cast %mul3A_190 : i32 to index
        %get3A_192 = tpu.vector_load %arg7[%get3A_191] {strides = array<i32>} : memref<4096xi32, #tpu.memory_space<vmem>>, vector<16xi32>,
        %mul3A_193 = arith.constant 16 : i32
        %mul3A_194 = arith.muli %add3A_188, %mul3A_193 : i32
        %get3A_195 = arith.index_cast %mul3A_194 : i32 to index
        %get3A_196 = tpu.vector_load %arg9[%get3A_195] {strides = array<i32>} : memref<4096xi32, #tpu.memory_space<vmem>>, vector<16xi32>,
        %shift_right_logical3A_197 = arith.constant 0 : i32
        %shift_right_logical3A_198 = vector.broadcast %shift_right_logical3A_197 : i32 to vector<16xi32>
        %shift_right_logical3A_199 = arith.shrui %get3A_192, %shift_right_logical3A_198 : vector<16xi32>
        %and3A_200 = arith.constant 255 : i32
        %and3A_201 = vector.broadcast %and3A_200 : i32 to vector<16xi32>
        %and3A_202 = arith.andi %shift_right_logical3A_199, %and3A_201 : vector<16xi32>
        %shift_left3A_203 = arith.constant 4 : i32
        %shift_left3A_204 = vector.broadcast %shift_left3A_203 : i32 to vector<16xi32>
        %shift_left3A_205 = arith.shli %and3A_202, %shift_left3A_204 : vector<16xi32>
        %or3A_206 = arith.ori %shift_left3A_205, %iota3A : vector<16xi32>
        %gather3A_207 = tpu.vector_load_idx %arg11[%or3A_206] : memref<4096xi32, #tpu.memory_space<vmem>>[vector<16xi32>], vector<16xi32>,
        %add3A_208 = arith.constant 1 : i32
        %add3A_209 = vector.broadcast %add3A_208 : i32 to vector<16xi32>
        %add3A_210 = arith.addi %gather3A_207, %add3A_209 : vector<16xi32>
        tpu.vector_store_idx %arg11[%or3A_206], %add3A_210 : memref<4096xi32, #tpu.memory_space<vmem>>[vector<16xi32>], vector<16xi32>,
        %and3A_211 = arith.constant 255 : i32
        %and3A_212 = vector.broadcast %and3A_211 : i32 to vector<16xi32>
        %and3A_213 = arith.andi %gather3A_207, %and3A_212 : vector<16xi32>
        %shift_left3A_214 = arith.constant 4 : i32
        %shift_left3A_215 = vector.broadcast %shift_left3A_214 : i32 to vector<16xi32>
        %shift_left3A_216 = arith.shli %and3A_213, %shift_left3A_215 : vector<16xi32>
        %shift_right_logical3A_217 = arith.constant 8 : i32
        %shift_right_logical3A_218 = vector.broadcast %shift_right_logical3A_217 : i32 to vector<16xi32>
        %shift_right_logical3A_219 = arith.shrui %gather3A_207, %shift_right_logical3A_218 : vector<16xi32>
        %or3A_220 = arith.ori %shift_left3A_216, %shift_right_logical3A_219 : vector<16xi32>
        tpu.vector_store_idx %arg8[%or3A_220], %get3A_192 : memref<4096xi32, #tpu.memory_space<vmem>>[vector<16xi32>], vector<16xi32>,
        tpu.vector_store_idx %arg10[%or3A_220], %get3A_196 : memref<4096xi32, #tpu.memory_space<vmem>>[vector<16xi32>], vector<16xi32>,
        %mul3A_221 = arith.constant 4 : i32
        %mul3A_222 = arith.muli %mul3A_221, %scan3A_152 : i32
        %add3A_223 = arith.constant 2 : i32
        %add3A_224 = arith.addi %mul3A_222, %add3A_223 : i32
        %mul3A_225 = arith.constant 16 : i32
        %mul3A_226 = arith.muli %add3A_224, %mul3A_225 : i32
        %get3A_227 = arith.index_cast %mul3A_226 : i32 to index
        %get3A_228 = tpu.vector_load %arg7[%get3A_227] {strides = array<i32>} : memref<4096xi32, #tpu.memory_space<vmem>>, vector<16xi32>,
        %mul3A_229 = arith.constant 16 : i32
        %mul3A_230 = arith.muli %add3A_224, %mul3A_229 : i32
        %get3A_231 = arith.index_cast %mul3A_230 : i32 to index
        %get3A_232 = tpu.vector_load %arg9[%get3A_231] {strides = array<i32>} : memref<4096xi32, #tpu.memory_space<vmem>>, vector<16xi32>,
        %shift_right_logical3A_233 = arith.constant 0 : i32
        %shift_right_logical3A_234 = vector.broadcast %shift_right_logical3A_233 : i32 to vector<16xi32>
        %shift_right_logical3A_235 = arith.shrui %get3A_228, %shift_right_logical3A_234 : vector<16xi32>
        %and3A_236 = arith.constant 255 : i32
        %and3A_237 = vector.broadcast %and3A_236 : i32 to vector<16xi32>
        %and3A_238 = arith.andi %shift_right_logical3A_235, %and3A_237 : vector<16xi32>
        %shift_left3A_239 = arith.constant 4 : i32
        %shift_left3A_240 = vector.broadcast %shift_left3A_239 : i32 to vector<16xi32>
        %shift_left3A_241 = arith.shli %and3A_238, %shift_left3A_240 : vector<16xi32>
        %or3A_242 = arith.ori %shift_left3A_241, %iota3A : vector<16xi32>
        %gather3A_243 = tpu.vector_load_idx %arg11[%or3A_242] : memref<4096xi32, #tpu.memory_space<vmem>>[vector<16xi32>], vector<16xi32>,
        %add3A_244 = arith.constant 1 : i32
        %add3A_245 = vector.broadcast %add3A_244 : i32 to vector<16xi32>
        %add3A_246 = arith.addi %gather3A_243, %add3A_245 : vector<16xi32>
        tpu.vector_store_idx %arg11[%or3A_242], %add3A_246 : memref<4096xi32, #tpu.memory_space<vmem>>[vector<16xi32>], vector<16xi32>,
        %and3A_247 = arith.constant 255 : i32
        %and3A_248 = vector.broadcast %and3A_247 : i32 to vector<16xi32>
        %and3A_249 = arith.andi %gather3A_243, %and3A_248 : vector<16xi32>
        %shift_left3A_250 = arith.constant 4 : i32
        %shift_left3A_251 = vector.broadcast %shift_left3A_250 : i32 to vector<16xi32>
        %shift_left3A_252 = arith.shli %and3A_249, %shift_left3A_251 : vector<16xi32>
        %shift_right_logical3A_253 = arith.constant 8 : i32
        %shift_right_logical3A_254 = vector.broadcast %shift_right_logical3A_253 : i32 to vector<16xi32>
        %shift_right_logical3A_255 = arith.shrui %gather3A_243, %shift_right_logical3A_254 : vector<16xi32>
        %or3A_256 = arith.ori %shift_left3A_252, %shift_right_logical3A_255 : vector<16xi32>
        tpu.vector_store_idx %arg8[%or3A_256], %get3A_228 : memref<4096xi32, #tpu.memory_space<vmem>>[vector<16xi32>], vector<16xi32>,
        tpu.vector_store_idx %arg10[%or3A_256], %get3A_232 : memref<4096xi32, #tpu.memory_space<vmem>>[vector<16xi32>], vector<16xi32>,
        %mul3A_257 = arith.constant 4 : i32
        %mul3A_258 = arith.muli %mul3A_257, %scan3A_152 : i32
        %add3A_259 = arith.constant 3 : i32
        %add3A_260 = arith.addi %mul3A_258, %add3A_259 : i32
        %mul3A_261 = arith.constant 16 : i32
        %mul3A_262 = arith.muli %add3A_260, %mul3A_261 : i32
        %get3A_263 = arith.index_cast %mul3A_262 : i32 to index
        %get3A_264 = tpu.vector_load %arg7[%get3A_263] {strides = array<i32>} : memref<4096xi32, #tpu.memory_space<vmem>>, vector<16xi32>,
        %mul3A_265 = arith.constant 16 : i32
        %mul3A_266 = arith.muli %add3A_260, %mul3A_265 : i32
        %get3A_267 = arith.index_cast %mul3A_266 : i32 to index
        %get3A_268 = tpu.vector_load %arg9[%get3A_267] {strides = array<i32>} : memref<4096xi32, #tpu.memory_space<vmem>>, vector<16xi32>,
        %shift_right_logical3A_269 = arith.constant 0 : i32
        %shift_right_logical3A_270 = vector.broadcast %shift_right_logical3A_269 : i32 to vector<16xi32>
        %shift_right_logical3A_271 = arith.shrui %get3A_264, %shift_right_logical3A_270 : vector<16xi32>
        %and3A_272 = arith.constant 255 : i32
        %and3A_273 = vector.broadcast %and3A_272 : i32 to vector<16xi32>
        %and3A_274 = arith.andi %shift_right_logical3A_271, %and3A_273 : vector<16xi32>
        %shift_left3A_275 = arith.constant 4 : i32
        %shift_left3A_276 = vector.broadcast %shift_left3A_275 : i32 to vector<16xi32>
        %shift_left3A_277 = arith.shli %and3A_274, %shift_left3A_276 : vector<16xi32>
        %or3A_278 = arith.ori %shift_left3A_277, %iota3A : vector<16xi32>
        %gather3A_279 = tpu.vector_load_idx %arg11[%or3A_278] : memref<4096xi32, #tpu.memory_space<vmem>>[vector<16xi32>], vector<16xi32>,
        %add3A_280 = arith.constant 1 : i32
        %add3A_281 = vector.broadcast %add3A_280 : i32 to vector<16xi32>
        %add3A_282 = arith.addi %gather3A_279, %add3A_281 : vector<16xi32>
        tpu.vector_store_idx %arg11[%or3A_278], %add3A_282 : memref<4096xi32, #tpu.memory_space<vmem>>[vector<16xi32>], vector<16xi32>,
        %and3A_283 = arith.constant 255 : i32
        %and3A_284 = vector.broadcast %and3A_283 : i32 to vector<16xi32>
        %and3A_285 = arith.andi %gather3A_279, %and3A_284 : vector<16xi32>
        %shift_left3A_286 = arith.constant 4 : i32
        %shift_left3A_287 = vector.broadcast %shift_left3A_286 : i32 to vector<16xi32>
        %shift_left3A_288 = arith.shli %and3A_285, %shift_left3A_287 : vector<16xi32>
        %shift_right_logical3A_289 = arith.constant 8 : i32
        %shift_right_logical3A_290 = vector.broadcast %shift_right_logical3A_289 : i32 to vector<16xi32>
        %shift_right_logical3A_291 = arith.shrui %gather3A_279, %shift_right_logical3A_290 : vector<16xi32>
        %or3A_292 = arith.ori %shift_left3A_288, %shift_right_logical3A_291 : vector<16xi32>
        tpu.vector_store_idx %arg8[%or3A_292], %get3A_264 : memref<4096xi32, #tpu.memory_space<vmem>>[vector<16xi32>], vector<16xi32>,
        tpu.vector_store_idx %arg10[%or3A_292], %get3A_268 : memref<4096xi32, #tpu.memory_space<vmem>>[vector<16xi32>], vector<16xi32>,
      }
      %scan3A_74 = arith.constant 64 : i32
      %scan3A_75 = arith.constant 0 : i32
      %scan3A_76 = arith.constant 0 : i32
      %scan3A_77 = arith.constant 64 : i32
      %scan3A_78 = arith.addi %scan3A_76, %scan3A_77 : i32
      %scan3A_79 = arith.constant 1 : i32
      scf.for %scan3A_152 = %scan3A_76 to %scan3A_78 step %scan3A_79  : i32 {
        %mul3A_153 = arith.constant 4 : i32
        %mul3A_154 = arith.muli %mul3A_153, %scan3A_152 : i32
        %add3A_155 = arith.constant 0 : i32
        %add3A_156 = arith.addi %mul3A_154, %add3A_155 : i32
        %broadcast_in_dim3A_157 = arith.constant 0 : i32
        %broadcast_in_dim3A_158 = vector.broadcast %broadcast_in_dim3A_157 : i32 to vector<16xi32>
        %mul3A_159 = arith.constant 16 : i32
        %mul3A_160 = arith.muli %add3A_156, %mul3A_159 : i32
        %swap3A = arith.index_cast %mul3A_160 : i32 to index
        %swap3A_161 = tpu.vector_load %arg11[%swap3A] {strides = array<i32>} : memref<4096xi32, #tpu.memory_space<vmem>>, vector<16xi32>,
        tpu.vector_store %arg11[%swap3A], %broadcast_in_dim3A_158 {strides = array<i32>} : memref<4096xi32, #tpu.memory_space<vmem>>, vector<16xi32>,
        %mul3A_162 = arith.constant 4 : i32
        %mul3A_163 = arith.muli %mul3A_162, %scan3A_152 : i32
        %add3A_164 = arith.constant 1 : i32
        %add3A_165 = arith.addi %mul3A_163, %add3A_164 : i32
        %broadcast_in_dim3A_166 = arith.constant 0 : i32
        %broadcast_in_dim3A_167 = vector.broadcast %broadcast_in_dim3A_166 : i32 to vector<16xi32>
        %mul3A_168 = arith.constant 16 : i32
        %mul3A_169 = arith.muli %add3A_165, %mul3A_168 : i32
        %swap3A_170 = arith.index_cast %mul3A_169 : i32 to index
        %swap3A_171 = tpu.vector_load %arg11[%swap3A_170] {strides = array<i32>} : memref<4096xi32, #tpu.memory_space<vmem>>, vector<16xi32>,
        tpu.vector_store %arg11[%swap3A_170], %broadcast_in_dim3A_167 {strides = array<i32>} : memref<4096xi32, #tpu.memory_space<vmem>>, vector<16xi32>,
        %mul3A_172 = arith.constant 4 : i32
        %mul3A_173 = arith.muli %mul3A_172, %scan3A_152 : i32
        %add3A_174 = arith.constant 2 : i32
        %add3A_175 = arith.addi %mul3A_173, %add3A_174 : i32
        %broadcast_in_dim3A_176 = arith.constant 0 : i32
        %broadcast_in_dim3A_177 = vector.broadcast %broadcast_in_dim3A_176 : i32 to vector<16xi32>
        %mul3A_178 = arith.constant 16 : i32
        %mul3A_179 = arith.muli %add3A_175, %mul3A_178 : i32
        %swap3A_180 = arith.index_cast %mul3A_179 : i32 to index
        %swap3A_181 = tpu.vector_load %arg11[%swap3A_180] {strides = array<i32>} : memref<4096xi32, #tpu.memory_space<vmem>>, vector<16xi32>,
        tpu.vector_store %arg11[%swap3A_180], %broadcast_in_dim3A_177 {strides = array<i32>} : memref<4096xi32, #tpu.memory_space<vmem>>, vector<16xi32>,
        %mul3A_182 = arith.constant 4 : i32
        %mul3A_183 = arith.muli %mul3A_182, %scan3A_152 : i32
        %add3A_184 = arith.constant 3 : i32
        %add3A_185 = arith.addi %mul3A_183, %add3A_184 : i32
        %broadcast_in_dim3A_186 = arith.constant 0 : i32
        %broadcast_in_dim3A_187 = vector.broadcast %broadcast_in_dim3A_186 : i32 to vector<16xi32>
        %mul3A_188 = arith.constant 16 : i32
        %mul3A_189 = arith.muli %add3A_185, %mul3A_188 : i32
        %swap3A_190 = arith.index_cast %mul3A_189 : i32 to index
        %swap3A_191 = tpu.vector_load %arg11[%swap3A_190] {strides = array<i32>} : memref<4096xi32, #tpu.memory_space<vmem>>, vector<16xi32>,
        tpu.vector_store %arg11[%swap3A_190], %broadcast_in_dim3A_187 {strides = array<i32>} : memref<4096xi32, #tpu.memory_space<vmem>>, vector<16xi32>,
      }
      %scan3A_80 = arith.constant 64 : i32
      %scan3A_81 = arith.constant 0 : i32
      %scan3A_82 = arith.constant 0 : i32
      %scan3A_83 = arith.constant 64 : i32
      %scan3A_84 = arith.addi %scan3A_82, %scan3A_83 : i32
      %scan3A_85 = arith.constant 1 : i32
      scf.for %scan3A_152 = %scan3A_82 to %scan3A_84 step %scan3A_85  : i32 {
        %mul3A_153 = arith.constant 4 : i32
        %mul3A_154 = arith.muli %mul3A_153, %scan3A_152 : i32
        %add3A_155 = arith.constant 0 : i32
        %add3A_156 = arith.addi %mul3A_154, %add3A_155 : i32
        %mul3A_157 = arith.constant 16 : i32
        %mul3A_158 = arith.muli %add3A_156, %mul3A_157 : i32
        %get3A = arith.index_cast %mul3A_158 : i32 to index
        %get3A_159 = tpu.vector_load %arg8[%get3A] {strides = array<i32>} : memref<4096xi32, #tpu.memory_space<vmem>>, vector<16xi32>,
        %shift_right_logical3A_160 = arith.constant 8 : i32
        %shift_right_logical3A_161 = vector.broadcast %shift_right_logical3A_160 : i32 to vector<16xi32>
        %shift_right_logical3A_162 = arith.shrui %get3A_159, %shift_right_logical3A_161 : vector<16xi32>
        %and3A_163 = arith.constant 255 : i32
        %and3A_164 = vector.broadcast %and3A_163 : i32 to vector<16xi32>
        %and3A_165 = arith.andi %shift_right_logical3A_162, %and3A_164 : vector<16xi32>
        %shift_left3A = arith.constant 4 : i32
        %shift_left3A_166 = vector.broadcast %shift_left3A : i32 to vector<16xi32>
        %shift_left3A_167 = arith.shli %and3A_165, %shift_left3A_166 : vector<16xi32>
        %or3A = arith.ori %shift_left3A_167, %iota3A : vector<16xi32>
        tpu.vector_store_idx %arg11[%or3A], %broadcast_in_dim3A_37 {add = true} : memref<4096xi32, #tpu.memory_space<vmem>>[vector<16xi32>], vector<16xi32>,
        %mul3A_168 = arith.constant 4 : i32
        %mul3A_169 = arith.muli %mul3A_168, %scan3A_152 : i32
        %add3A_170 = arith.constant 1 : i32
        %add3A_171 = arith.addi %mul3A_169, %add3A_170 : i32
        %mul3A_172 = arith.constant 16 : i32
        %mul3A_173 = arith.muli %add3A_171, %mul3A_172 : i32
        %get3A_174 = arith.index_cast %mul3A_173 : i32 to index
        %get3A_175 = tpu.vector_load %arg8[%get3A_174] {strides = array<i32>} : memref<4096xi32, #tpu.memory_space<vmem>>, vector<16xi32>,
        %shift_right_logical3A_176 = arith.constant 8 : i32
        %shift_right_logical3A_177 = vector.broadcast %shift_right_logical3A_176 : i32 to vector<16xi32>
        %shift_right_logical3A_178 = arith.shrui %get3A_175, %shift_right_logical3A_177 : vector<16xi32>
        %and3A_179 = arith.constant 255 : i32
        %and3A_180 = vector.broadcast %and3A_179 : i32 to vector<16xi32>
        %and3A_181 = arith.andi %shift_right_logical3A_178, %and3A_180 : vector<16xi32>
        %shift_left3A_182 = arith.constant 4 : i32
        %shift_left3A_183 = vector.broadcast %shift_left3A_182 : i32 to vector<16xi32>
        %shift_left3A_184 = arith.shli %and3A_181, %shift_left3A_183 : vector<16xi32>
        %or3A_185 = arith.ori %shift_left3A_184, %iota3A : vector<16xi32>
        tpu.vector_store_idx %arg11[%or3A_185], %broadcast_in_dim3A_37 {add = true} : memref<4096xi32, #tpu.memory_space<vmem>>[vector<16xi32>], vector<16xi32>,
        %mul3A_186 = arith.constant 4 : i32
        %mul3A_187 = arith.muli %mul3A_186, %scan3A_152 : i32
        %add3A_188 = arith.constant 2 : i32
        %add3A_189 = arith.addi %mul3A_187, %add3A_188 : i32
        %mul3A_190 = arith.constant 16 : i32
        %mul3A_191 = arith.muli %add3A_189, %mul3A_190 : i32
        %get3A_192 = arith.index_cast %mul3A_191 : i32 to index
        %get3A_193 = tpu.vector_load %arg8[%get3A_192] {strides = array<i32>} : memref<4096xi32, #tpu.memory_space<vmem>>, vector<16xi32>,
        %shift_right_logical3A_194 = arith.constant 8 : i32
        %shift_right_logical3A_195 = vector.broadcast %shift_right_logical3A_194 : i32 to vector<16xi32>
        %shift_right_logical3A_196 = arith.shrui %get3A_193, %shift_right_logical3A_195 : vector<16xi32>
        %and3A_197 = arith.constant 255 : i32
        %and3A_198 = vector.broadcast %and3A_197 : i32 to vector<16xi32>
        %and3A_199 = arith.andi %shift_right_logical3A_196, %and3A_198 : vector<16xi32>
        %shift_left3A_200 = arith.constant 4 : i32
        %shift_left3A_201 = vector.broadcast %shift_left3A_200 : i32 to vector<16xi32>
        %shift_left3A_202 = arith.shli %and3A_199, %shift_left3A_201 : vector<16xi32>
        %or3A_203 = arith.ori %shift_left3A_202, %iota3A : vector<16xi32>
        tpu.vector_store_idx %arg11[%or3A_203], %broadcast_in_dim3A_37 {add = true} : memref<4096xi32, #tpu.memory_space<vmem>>[vector<16xi32>], vector<16xi32>,
        %mul3A_204 = arith.constant 4 : i32
        %mul3A_205 = arith.muli %mul3A_204, %scan3A_152 : i32
        %add3A_206 = arith.constant 3 : i32
        %add3A_207 = arith.addi %mul3A_205, %add3A_206 : i32
        %mul3A_208 = arith.constant 16 : i32
        %mul3A_209 = arith.muli %add3A_207, %mul3A_208 : i32
        %get3A_210 = arith.index_cast %mul3A_209 : i32 to index
        %get3A_211 = tpu.vector_load %arg8[%get3A_210] {strides = array<i32>} : memref<4096xi32, #tpu.memory_space<vmem>>, vector<16xi32>,
        %shift_right_logical3A_212 = arith.constant 8 : i32
        %shift_right_logical3A_213 = vector.broadcast %shift_right_logical3A_212 : i32 to vector<16xi32>
        %shift_right_logical3A_214 = arith.shrui %get3A_211, %shift_right_logical3A_213 : vector<16xi32>
        %and3A_215 = arith.constant 255 : i32
        %and3A_216 = vector.broadcast %and3A_215 : i32 to vector<16xi32>
        %and3A_217 = arith.andi %shift_right_logical3A_214, %and3A_216 : vector<16xi32>
        %shift_left3A_218 = arith.constant 4 : i32
        %shift_left3A_219 = vector.broadcast %shift_left3A_218 : i32 to vector<16xi32>
        %shift_left3A_220 = arith.shli %and3A_217, %shift_left3A_219 : vector<16xi32>
        %or3A_221 = arith.ori %shift_left3A_220, %iota3A : vector<16xi32>
        tpu.vector_store_idx %arg11[%or3A_221], %broadcast_in_dim3A_37 {add = true} : memref<4096xi32, #tpu.memory_space<vmem>>[vector<16xi32>], vector<16xi32>,
      }
      %scan3A_86 = arith.constant 64 : i32
      %scan3A_87 = arith.constant 0 : i32
      %scan3A_88 = arith.constant 0 : i32
      %scan3A_89 = arith.constant 256 : i32
      %scan3A_90 = arith.addi %scan3A_88, %scan3A_89 : i32
      %scan3A_91 = arith.constant 1 : i32
      %scan3A_92 = scf.for %scan3A_152 = %scan3A_88 to %scan3A_90 step %scan3A_91 iter_args(%scan3A_153 = %scan3A_87) -> (i32)  : i32 {
        %mul3A_154 = arith.constant 16 : i32
        %mul3A_155 = arith.muli %scan3A_152, %mul3A_154 : i32
        %get3A = arith.index_cast %mul3A_155 : i32 to index
        %get3A_156 = tpu.vector_load %arg11[%get3A] {strides = array<i32>} : memref<4096xi32, #tpu.memory_space<vmem>>, vector<16xi32>,
        %broadcast_in_dim3A_157 = arith.constant true
        %broadcast_in_dim3A_158 = vector.broadcast %broadcast_in_dim3A_157 : i1 to vector<16xi1>
        %masked_cumsum3A = tpu.scan <sum>, %get3A_156 masked %broadcast_in_dim3A_158 : vector<16xi32>, vector<16xi1> -> vector<16xi32>
        %sub3A_159 = arith.subi %masked_cumsum3A, %get3A_156 : vector<16xi32>
        %add3A_160 = vector.broadcast %scan3A_153 : i32 to vector<16xi32>
        %add3A_161 = arith.addi %sub3A_159, %add3A_160 : vector<16xi32>
        %mul3A_162 = arith.constant 16 : i32
        %mul3A_163 = arith.muli %scan3A_152, %mul3A_162 : i32
        %swap3A = arith.index_cast %mul3A_163 : i32 to index
        %swap3A_164 = tpu.vector_load %arg11[%swap3A] {strides = array<i32>} : memref<4096xi32, #tpu.memory_space<vmem>>, vector<16xi32>,
        tpu.vector_store %arg11[%swap3A], %add3A_161 {strides = array<i32>} : memref<4096xi32, #tpu.memory_space<vmem>>, vector<16xi32>,
        %reduce_sum3A = arith.constant true
        %reduce_sum3A_165 = vector.broadcast %reduce_sum3A : i1 to vector<16xi1>
        %reduce_sum3A_166 = tpu.scan <sum>, %get3A_156 masked %reduce_sum3A_165 : vector<16xi32>, vector<16xi1> -> vector<16xi32>
        %reduce_sum3A_167 = vector.extract %reduce_sum3A_166[15] : i32 from vector<16xi32>
        %add3A_168 = arith.addi %scan3A_153, %reduce_sum3A_167 : i32
        scf.yield %add3A_168 : i32
      }
      %scan3A_93 = arith.constant 256 : i32
      %scan3A_94 = arith.constant 0 : i32
      %scan3A_95 = arith.constant 0 : i32
      %scan3A_96 = arith.constant 64 : i32
      %scan3A_97 = arith.addi %scan3A_95, %scan3A_96 : i32
      %scan3A_98 = arith.constant 1 : i32
      scf.for %scan3A_152 = %scan3A_95 to %scan3A_97 step %scan3A_98  : i32 {
        %mul3A_153 = arith.constant 4 : i32
        %mul3A_154 = arith.muli %mul3A_153, %scan3A_152 : i32
        %add3A_155 = arith.constant 0 : i32
        %add3A_156 = arith.addi %mul3A_154, %add3A_155 : i32
        %mul3A_157 = arith.constant 16 : i32
        %mul3A_158 = arith.muli %add3A_156, %mul3A_157 : i32
        %get3A = arith.index_cast %mul3A_158 : i32 to index
        %get3A_159 = tpu.vector_load %arg8[%get3A] {strides = array<i32>} : memref<4096xi32, #tpu.memory_space<vmem>>, vector<16xi32>,
        %mul3A_160 = arith.constant 16 : i32
        %mul3A_161 = arith.muli %add3A_156, %mul3A_160 : i32
        %get3A_162 = arith.index_cast %mul3A_161 : i32 to index
        %get3A_163 = tpu.vector_load %arg10[%get3A_162] {strides = array<i32>} : memref<4096xi32, #tpu.memory_space<vmem>>, vector<16xi32>,
        %shift_right_logical3A_164 = arith.constant 8 : i32
        %shift_right_logical3A_165 = vector.broadcast %shift_right_logical3A_164 : i32 to vector<16xi32>
        %shift_right_logical3A_166 = arith.shrui %get3A_159, %shift_right_logical3A_165 : vector<16xi32>
        %and3A_167 = arith.constant 255 : i32
        %and3A_168 = vector.broadcast %and3A_167 : i32 to vector<16xi32>
        %and3A_169 = arith.andi %shift_right_logical3A_166, %and3A_168 : vector<16xi32>
        %shift_left3A = arith.constant 4 : i32
        %shift_left3A_170 = vector.broadcast %shift_left3A : i32 to vector<16xi32>
        %shift_left3A_171 = arith.shli %and3A_169, %shift_left3A_170 : vector<16xi32>
        %or3A = arith.ori %shift_left3A_171, %iota3A : vector<16xi32>
        %gather3A = tpu.vector_load_idx %arg11[%or3A] : memref<4096xi32, #tpu.memory_space<vmem>>[vector<16xi32>], vector<16xi32>,
        %add3A_172 = arith.constant 1 : i32
        %add3A_173 = vector.broadcast %add3A_172 : i32 to vector<16xi32>
        %add3A_174 = arith.addi %gather3A, %add3A_173 : vector<16xi32>
        tpu.vector_store_idx %arg11[%or3A], %add3A_174 : memref<4096xi32, #tpu.memory_space<vmem>>[vector<16xi32>], vector<16xi32>,
        %and3A_175 = arith.constant 255 : i32
        %and3A_176 = vector.broadcast %and3A_175 : i32 to vector<16xi32>
        %and3A_177 = arith.andi %gather3A, %and3A_176 : vector<16xi32>
        %shift_left3A_178 = arith.constant 4 : i32
        %shift_left3A_179 = vector.broadcast %shift_left3A_178 : i32 to vector<16xi32>
        %shift_left3A_180 = arith.shli %and3A_177, %shift_left3A_179 : vector<16xi32>
        %shift_right_logical3A_181 = arith.constant 8 : i32
        %shift_right_logical3A_182 = vector.broadcast %shift_right_logical3A_181 : i32 to vector<16xi32>
        %shift_right_logical3A_183 = arith.shrui %gather3A, %shift_right_logical3A_182 : vector<16xi32>
        %or3A_184 = arith.ori %shift_left3A_180, %shift_right_logical3A_183 : vector<16xi32>
        tpu.vector_store_idx %arg7[%or3A_184], %get3A_159 : memref<4096xi32, #tpu.memory_space<vmem>>[vector<16xi32>], vector<16xi32>,
        tpu.vector_store_idx %arg9[%or3A_184], %get3A_163 : memref<4096xi32, #tpu.memory_space<vmem>>[vector<16xi32>], vector<16xi32>,
        %mul3A_185 = arith.constant 4 : i32
        %mul3A_186 = arith.muli %mul3A_185, %scan3A_152 : i32
        %add3A_187 = arith.constant 1 : i32
        %add3A_188 = arith.addi %mul3A_186, %add3A_187 : i32
        %mul3A_189 = arith.constant 16 : i32
        %mul3A_190 = arith.muli %add3A_188, %mul3A_189 : i32
        %get3A_191 = arith.index_cast %mul3A_190 : i32 to index
        %get3A_192 = tpu.vector_load %arg8[%get3A_191] {strides = array<i32>} : memref<4096xi32, #tpu.memory_space<vmem>>, vector<16xi32>,
        %mul3A_193 = arith.constant 16 : i32
        %mul3A_194 = arith.muli %add3A_188, %mul3A_193 : i32
        %get3A_195 = arith.index_cast %mul3A_194 : i32 to index
        %get3A_196 = tpu.vector_load %arg10[%get3A_195] {strides = array<i32>} : memref<4096xi32, #tpu.memory_space<vmem>>, vector<16xi32>,
        %shift_right_logical3A_197 = arith.constant 8 : i32
        %shift_right_logical3A_198 = vector.broadcast %shift_right_logical3A_197 : i32 to vector<16xi32>
        %shift_right_logical3A_199 = arith.shrui %get3A_192, %shift_right_logical3A_198 : vector<16xi32>
        %and3A_200 = arith.constant 255 : i32
        %and3A_201 = vector.broadcast %and3A_200 : i32 to vector<16xi32>
        %and3A_202 = arith.andi %shift_right_logical3A_199, %and3A_201 : vector<16xi32>
        %shift_left3A_203 = arith.constant 4 : i32
        %shift_left3A_204 = vector.broadcast %shift_left3A_203 : i32 to vector<16xi32>
        %shift_left3A_205 = arith.shli %and3A_202, %shift_left3A_204 : vector<16xi32>
        %or3A_206 = arith.ori %shift_left3A_205, %iota3A : vector<16xi32>
        %gather3A_207 = tpu.vector_load_idx %arg11[%or3A_206] : memref<4096xi32, #tpu.memory_space<vmem>>[vector<16xi32>], vector<16xi32>,
        %add3A_208 = arith.constant 1 : i32
        %add3A_209 = vector.broadcast %add3A_208 : i32 to vector<16xi32>
        %add3A_210 = arith.addi %gather3A_207, %add3A_209 : vector<16xi32>
        tpu.vector_store_idx %arg11[%or3A_206], %add3A_210 : memref<4096xi32, #tpu.memory_space<vmem>>[vector<16xi32>], vector<16xi32>,
        %and3A_211 = arith.constant 255 : i32
        %and3A_212 = vector.broadcast %and3A_211 : i32 to vector<16xi32>
        %and3A_213 = arith.andi %gather3A_207, %and3A_212 : vector<16xi32>
        %shift_left3A_214 = arith.constant 4 : i32
        %shift_left3A_215 = vector.broadcast %shift_left3A_214 : i32 to vector<16xi32>
        %shift_left3A_216 = arith.shli %and3A_213, %shift_left3A_215 : vector<16xi32>
        %shift_right_logical3A_217 = arith.constant 8 : i32
        %shift_right_logical3A_218 = vector.broadcast %shift_right_logical3A_217 : i32 to vector<16xi32>
        %shift_right_logical3A_219 = arith.shrui %gather3A_207, %shift_right_logical3A_218 : vector<16xi32>
        %or3A_220 = arith.ori %shift_left3A_216, %shift_right_logical3A_219 : vector<16xi32>
        tpu.vector_store_idx %arg7[%or3A_220], %get3A_192 : memref<4096xi32, #tpu.memory_space<vmem>>[vector<16xi32>], vector<16xi32>,
        tpu.vector_store_idx %arg9[%or3A_220], %get3A_196 : memref<4096xi32, #tpu.memory_space<vmem>>[vector<16xi32>], vector<16xi32>,
        %mul3A_221 = arith.constant 4 : i32
        %mul3A_222 = arith.muli %mul3A_221, %scan3A_152 : i32
        %add3A_223 = arith.constant 2 : i32
        %add3A_224 = arith.addi %mul3A_222, %add3A_223 : i32
        %mul3A_225 = arith.constant 16 : i32
        %mul3A_226 = arith.muli %add3A_224, %mul3A_225 : i32
        %get3A_227 = arith.index_cast %mul3A_226 : i32 to index
        %get3A_228 = tpu.vector_load %arg8[%get3A_227] {strides = array<i32>} : memref<4096xi32, #tpu.memory_space<vmem>>, vector<16xi32>,
        %mul3A_229 = arith.constant 16 : i32
        %mul3A_230 = arith.muli %add3A_224, %mul3A_229 : i32
        %get3A_231 = arith.index_cast %mul3A_230 : i32 to index
        %get3A_232 = tpu.vector_load %arg10[%get3A_231] {strides = array<i32>} : memref<4096xi32, #tpu.memory_space<vmem>>, vector<16xi32>,
        %shift_right_logical3A_233 = arith.constant 8 : i32
        %shift_right_logical3A_234 = vector.broadcast %shift_right_logical3A_233 : i32 to vector<16xi32>
        %shift_right_logical3A_235 = arith.shrui %get3A_228, %shift_right_logical3A_234 : vector<16xi32>
        %and3A_236 = arith.constant 255 : i32
        %and3A_237 = vector.broadcast %and3A_236 : i32 to vector<16xi32>
        %and3A_238 = arith.andi %shift_right_logical3A_235, %and3A_237 : vector<16xi32>
        %shift_left3A_239 = arith.constant 4 : i32
        %shift_left3A_240 = vector.broadcast %shift_left3A_239 : i32 to vector<16xi32>
        %shift_left3A_241 = arith.shli %and3A_238, %shift_left3A_240 : vector<16xi32>
        %or3A_242 = arith.ori %shift_left3A_241, %iota3A : vector<16xi32>
        %gather3A_243 = tpu.vector_load_idx %arg11[%or3A_242] : memref<4096xi32, #tpu.memory_space<vmem>>[vector<16xi32>], vector<16xi32>,
        %add3A_244 = arith.constant 1 : i32
        %add3A_245 = vector.broadcast %add3A_244 : i32 to vector<16xi32>
        %add3A_246 = arith.addi %gather3A_243, %add3A_245 : vector<16xi32>
        tpu.vector_store_idx %arg11[%or3A_242], %add3A_246 : memref<4096xi32, #tpu.memory_space<vmem>>[vector<16xi32>], vector<16xi32>,
        %and3A_247 = arith.constant 255 : i32
        %and3A_248 = vector.broadcast %and3A_247 : i32 to vector<16xi32>
        %and3A_249 = arith.andi %gather3A_243, %and3A_248 : vector<16xi32>
        %shift_left3A_250 = arith.constant 4 : i32
        %shift_left3A_251 = vector.broadcast %shift_left3A_250 : i32 to vector<16xi32>
        %shift_left3A_252 = arith.shli %and3A_249, %shift_left3A_251 : vector<16xi32>
        %shift_right_logical3A_253 = arith.constant 8 : i32
        %shift_right_logical3A_254 = vector.broadcast %shift_right_logical3A_253 : i32 to vector<16xi32>
        %shift_right_logical3A_255 = arith.shrui %gather3A_243, %shift_right_logical3A_254 : vector<16xi32>
        %or3A_256 = arith.ori %shift_left3A_252, %shift_right_logical3A_255 : vector<16xi32>
        tpu.vector_store_idx %arg7[%or3A_256], %get3A_228 : memref<4096xi32, #tpu.memory_space<vmem>>[vector<16xi32>], vector<16xi32>,
        tpu.vector_store_idx %arg9[%or3A_256], %get3A_232 : memref<4096xi32, #tpu.memory_space<vmem>>[vector<16xi32>], vector<16xi32>,
        %mul3A_257 = arith.constant 4 : i32
        %mul3A_258 = arith.muli %mul3A_257, %scan3A_152 : i32
        %add3A_259 = arith.constant 3 : i32
        %add3A_260 = arith.addi %mul3A_258, %add3A_259 : i32
        %mul3A_261 = arith.constant 16 : i32
        %mul3A_262 = arith.muli %add3A_260, %mul3A_261 : i32
        %get3A_263 = arith.index_cast %mul3A_262 : i32 to index
        %get3A_264 = tpu.vector_load %arg8[%get3A_263] {strides = array<i32>} : memref<4096xi32, #tpu.memory_space<vmem>>, vector<16xi32>,
        %mul3A_265 = arith.constant 16 : i32
        %mul3A_266 = arith.muli %add3A_260, %mul3A_265 : i32
        %get3A_267 = arith.index_cast %mul3A_266 : i32 to index
        %get3A_268 = tpu.vector_load %arg10[%get3A_267] {strides = array<i32>} : memref<4096xi32, #tpu.memory_space<vmem>>, vector<16xi32>,
        %shift_right_logical3A_269 = arith.constant 8 : i32
        %shift_right_logical3A_270 = vector.broadcast %shift_right_logical3A_269 : i32 to vector<16xi32>
        %shift_right_logical3A_271 = arith.shrui %get3A_264, %shift_right_logical3A_270 : vector<16xi32>
        %and3A_272 = arith.constant 255 : i32
        %and3A_273 = vector.broadcast %and3A_272 : i32 to vector<16xi32>
        %and3A_274 = arith.andi %shift_right_logical3A_271, %and3A_273 : vector<16xi32>
        %shift_left3A_275 = arith.constant 4 : i32
        %shift_left3A_276 = vector.broadcast %shift_left3A_275 : i32 to vector<16xi32>
        %shift_left3A_277 = arith.shli %and3A_274, %shift_left3A_276 : vector<16xi32>
        %or3A_278 = arith.ori %shift_left3A_277, %iota3A : vector<16xi32>
        %gather3A_279 = tpu.vector_load_idx %arg11[%or3A_278] : memref<4096xi32, #tpu.memory_space<vmem>>[vector<16xi32>], vector<16xi32>,
        %add3A_280 = arith.constant 1 : i32
        %add3A_281 = vector.broadcast %add3A_280 : i32 to vector<16xi32>
        %add3A_282 = arith.addi %gather3A_279, %add3A_281 : vector<16xi32>
        tpu.vector_store_idx %arg11[%or3A_278], %add3A_282 : memref<4096xi32, #tpu.memory_space<vmem>>[vector<16xi32>], vector<16xi32>,
        %and3A_283 = arith.constant 255 : i32
        %and3A_284 = vector.broadcast %and3A_283 : i32 to vector<16xi32>
        %and3A_285 = arith.andi %gather3A_279, %and3A_284 : vector<16xi32>
        %shift_left3A_286 = arith.constant 4 : i32
        %shift_left3A_287 = vector.broadcast %shift_left3A_286 : i32 to vector<16xi32>
        %shift_left3A_288 = arith.shli %and3A_285, %shift_left3A_287 : vector<16xi32>
        %shift_right_logical3A_289 = arith.constant 8 : i32
        %shift_right_logical3A_290 = vector.broadcast %shift_right_logical3A_289 : i32 to vector<16xi32>
        %shift_right_logical3A_291 = arith.shrui %gather3A_279, %shift_right_logical3A_290 : vector<16xi32>
        %or3A_292 = arith.ori %shift_left3A_288, %shift_right_logical3A_291 : vector<16xi32>
        tpu.vector_store_idx %arg7[%or3A_292], %get3A_264 : memref<4096xi32, #tpu.memory_space<vmem>>[vector<16xi32>], vector<16xi32>,
        tpu.vector_store_idx %arg9[%or3A_292], %get3A_268 : memref<4096xi32, #tpu.memory_space<vmem>>[vector<16xi32>], vector<16xi32>,
      }
      %scan3A_99 = arith.constant 64 : i32
      %scan3A_100 = arith.constant 0 : i32
      %scan3A_101 = arith.constant 0 : i32
      %scan3A_102 = arith.constant 64 : i32
      %scan3A_103 = arith.addi %scan3A_101, %scan3A_102 : i32
      %scan3A_104 = arith.constant 1 : i32
      scf.for %scan3A_152 = %scan3A_101 to %scan3A_103 step %scan3A_104  : i32 {
        %mul3A_153 = arith.constant 4 : i32
        %mul3A_154 = arith.muli %mul3A_153, %scan3A_152 : i32
        %add3A_155 = arith.constant 0 : i32
        %add3A_156 = arith.addi %mul3A_154, %add3A_155 : i32
        %broadcast_in_dim3A_157 = arith.constant 0 : i32
        %broadcast_in_dim3A_158 = vector.broadcast %broadcast_in_dim3A_157 : i32 to vector<16xi32>
        %mul3A_159 = arith.constant 16 : i32
        %mul3A_160 = arith.muli %add3A_156, %mul3A_159 : i32
        %swap3A = arith.index_cast %mul3A_160 : i32 to index
        %swap3A_161 = tpu.vector_load %arg11[%swap3A] {strides = array<i32>} : memref<4096xi32, #tpu.memory_space<vmem>>, vector<16xi32>,
        tpu.vector_store %arg11[%swap3A], %broadcast_in_dim3A_158 {strides = array<i32>} : memref<4096xi32, #tpu.memory_space<vmem>>, vector<16xi32>,
        %mul3A_162 = arith.constant 4 : i32
        %mul3A_163 = arith.muli %mul3A_162, %scan3A_152 : i32
        %add3A_164 = arith.constant 1 : i32
        %add3A_165 = arith.addi %mul3A_163, %add3A_164 : i32
        %broadcast_in_dim3A_166 = arith.constant 0 : i32
        %broadcast_in_dim3A_167 = vector.broadcast %broadcast_in_dim3A_166 : i32 to vector<16xi32>
        %mul3A_168 = arith.constant 16 : i32
        %mul3A_169 = arith.muli %add3A_165, %mul3A_168 : i32
        %swap3A_170 = arith.index_cast %mul3A_169 : i32 to index
        %swap3A_171 = tpu.vector_load %arg11[%swap3A_170] {strides = array<i32>} : memref<4096xi32, #tpu.memory_space<vmem>>, vector<16xi32>,
        tpu.vector_store %arg11[%swap3A_170], %broadcast_in_dim3A_167 {strides = array<i32>} : memref<4096xi32, #tpu.memory_space<vmem>>, vector<16xi32>,
        %mul3A_172 = arith.constant 4 : i32
        %mul3A_173 = arith.muli %mul3A_172, %scan3A_152 : i32
        %add3A_174 = arith.constant 2 : i32
        %add3A_175 = arith.addi %mul3A_173, %add3A_174 : i32
        %broadcast_in_dim3A_176 = arith.constant 0 : i32
        %broadcast_in_dim3A_177 = vector.broadcast %broadcast_in_dim3A_176 : i32 to vector<16xi32>
        %mul3A_178 = arith.constant 16 : i32
        %mul3A_179 = arith.muli %add3A_175, %mul3A_178 : i32
        %swap3A_180 = arith.index_cast %mul3A_179 : i32 to index
        %swap3A_181 = tpu.vector_load %arg11[%swap3A_180] {strides = array<i32>} : memref<4096xi32, #tpu.memory_space<vmem>>, vector<16xi32>,
        tpu.vector_store %arg11[%swap3A_180], %broadcast_in_dim3A_177 {strides = array<i32>} : memref<4096xi32, #tpu.memory_space<vmem>>, vector<16xi32>,
        %mul3A_182 = arith.constant 4 : i32
        %mul3A_183 = arith.muli %mul3A_182, %scan3A_152 : i32
        %add3A_184 = arith.constant 3 : i32
        %add3A_185 = arith.addi %mul3A_183, %add3A_184 : i32
        %broadcast_in_dim3A_186 = arith.constant 0 : i32
        %broadcast_in_dim3A_187 = vector.broadcast %broadcast_in_dim3A_186 : i32 to vector<16xi32>
        %mul3A_188 = arith.constant 16 : i32
        %mul3A_189 = arith.muli %add3A_185, %mul3A_188 : i32
        %swap3A_190 = arith.index_cast %mul3A_189 : i32 to index
        %swap3A_191 = tpu.vector_load %arg11[%swap3A_190] {strides = array<i32>} : memref<4096xi32, #tpu.memory_space<vmem>>, vector<16xi32>,
        tpu.vector_store %arg11[%swap3A_190], %broadcast_in_dim3A_187 {strides = array<i32>} : memref<4096xi32, #tpu.memory_space<vmem>>, vector<16xi32>,
      }
      %scan3A_105 = arith.constant 64 : i32
      %scan3A_106 = arith.constant 0 : i32
      %scan3A_107 = arith.constant 0 : i32
      %scan3A_108 = arith.constant 64 : i32
      %scan3A_109 = arith.addi %scan3A_107, %scan3A_108 : i32
      %scan3A_110 = arith.constant 1 : i32
      scf.for %scan3A_152 = %scan3A_107 to %scan3A_109 step %scan3A_110  : i32 {
        %mul3A_153 = arith.constant 4 : i32
        %mul3A_154 = arith.muli %mul3A_153, %scan3A_152 : i32
        %add3A_155 = arith.constant 0 : i32
        %add3A_156 = arith.addi %mul3A_154, %add3A_155 : i32
        %mul3A_157 = arith.constant 16 : i32
        %mul3A_158 = arith.muli %add3A_156, %mul3A_157 : i32
        %get3A = arith.index_cast %mul3A_158 : i32 to index
        %get3A_159 = tpu.vector_load %arg7[%get3A] {strides = array<i32>} : memref<4096xi32, #tpu.memory_space<vmem>>, vector<16xi32>,
        %shift_right_logical3A_160 = arith.constant 16 : i32
        %shift_right_logical3A_161 = vector.broadcast %shift_right_logical3A_160 : i32 to vector<16xi32>
        %shift_right_logical3A_162 = arith.shrui %get3A_159, %shift_right_logical3A_161 : vector<16xi32>
        %and3A_163 = arith.constant 255 : i32
        %and3A_164 = vector.broadcast %and3A_163 : i32 to vector<16xi32>
        %and3A_165 = arith.andi %shift_right_logical3A_162, %and3A_164 : vector<16xi32>
        %shift_left3A = arith.constant 4 : i32
        %shift_left3A_166 = vector.broadcast %shift_left3A : i32 to vector<16xi32>
        %shift_left3A_167 = arith.shli %and3A_165, %shift_left3A_166 : vector<16xi32>
        %or3A = arith.ori %shift_left3A_167, %iota3A : vector<16xi32>
        tpu.vector_store_idx %arg11[%or3A], %broadcast_in_dim3A_37 {add = true} : memref<4096xi32, #tpu.memory_space<vmem>>[vector<16xi32>], vector<16xi32>,
        %mul3A_168 = arith.constant 4 : i32
        %mul3A_169 = arith.muli %mul3A_168, %scan3A_152 : i32
        %add3A_170 = arith.constant 1 : i32
        %add3A_171 = arith.addi %mul3A_169, %add3A_170 : i32
        %mul3A_172 = arith.constant 16 : i32
        %mul3A_173 = arith.muli %add3A_171, %mul3A_172 : i32
        %get3A_174 = arith.index_cast %mul3A_173 : i32 to index
        %get3A_175 = tpu.vector_load %arg7[%get3A_174] {strides = array<i32>} : memref<4096xi32, #tpu.memory_space<vmem>>, vector<16xi32>,
        %shift_right_logical3A_176 = arith.constant 16 : i32
        %shift_right_logical3A_177 = vector.broadcast %shift_right_logical3A_176 : i32 to vector<16xi32>
        %shift_right_logical3A_178 = arith.shrui %get3A_175, %shift_right_logical3A_177 : vector<16xi32>
        %and3A_179 = arith.constant 255 : i32
        %and3A_180 = vector.broadcast %and3A_179 : i32 to vector<16xi32>
        %and3A_181 = arith.andi %shift_right_logical3A_178, %and3A_180 : vector<16xi32>
        %shift_left3A_182 = arith.constant 4 : i32
        %shift_left3A_183 = vector.broadcast %shift_left3A_182 : i32 to vector<16xi32>
        %shift_left3A_184 = arith.shli %and3A_181, %shift_left3A_183 : vector<16xi32>
        %or3A_185 = arith.ori %shift_left3A_184, %iota3A : vector<16xi32>
        tpu.vector_store_idx %arg11[%or3A_185], %broadcast_in_dim3A_37 {add = true} : memref<4096xi32, #tpu.memory_space<vmem>>[vector<16xi32>], vector<16xi32>,
        %mul3A_186 = arith.constant 4 : i32
        %mul3A_187 = arith.muli %mul3A_186, %scan3A_152 : i32
        %add3A_188 = arith.constant 2 : i32
        %add3A_189 = arith.addi %mul3A_187, %add3A_188 : i32
        %mul3A_190 = arith.constant 16 : i32
        %mul3A_191 = arith.muli %add3A_189, %mul3A_190 : i32
        %get3A_192 = arith.index_cast %mul3A_191 : i32 to index
        %get3A_193 = tpu.vector_load %arg7[%get3A_192] {strides = array<i32>} : memref<4096xi32, #tpu.memory_space<vmem>>, vector<16xi32>,
        %shift_right_logical3A_194 = arith.constant 16 : i32
        %shift_right_logical3A_195 = vector.broadcast %shift_right_logical3A_194 : i32 to vector<16xi32>
        %shift_right_logical3A_196 = arith.shrui %get3A_193, %shift_right_logical3A_195 : vector<16xi32>
        %and3A_197 = arith.constant 255 : i32
        %and3A_198 = vector.broadcast %and3A_197 : i32 to vector<16xi32>
        %and3A_199 = arith.andi %shift_right_logical3A_196, %and3A_198 : vector<16xi32>
        %shift_left3A_200 = arith.constant 4 : i32
        %shift_left3A_201 = vector.broadcast %shift_left3A_200 : i32 to vector<16xi32>
        %shift_left3A_202 = arith.shli %and3A_199, %shift_left3A_201 : vector<16xi32>
        %or3A_203 = arith.ori %shift_left3A_202, %iota3A : vector<16xi32>
        tpu.vector_store_idx %arg11[%or3A_203], %broadcast_in_dim3A_37 {add = true} : memref<4096xi32, #tpu.memory_space<vmem>>[vector<16xi32>], vector<16xi32>,
        %mul3A_204 = arith.constant 4 : i32
        %mul3A_205 = arith.muli %mul3A_204, %scan3A_152 : i32
        %add3A_206 = arith.constant 3 : i32
        %add3A_207 = arith.addi %mul3A_205, %add3A_206 : i32
        %mul3A_208 = arith.constant 16 : i32
        %mul3A_209 = arith.muli %add3A_207, %mul3A_208 : i32
        %get3A_210 = arith.index_cast %mul3A_209 : i32 to index
        %get3A_211 = tpu.vector_load %arg7[%get3A_210] {strides = array<i32>} : memref<4096xi32, #tpu.memory_space<vmem>>, vector<16xi32>,
        %shift_right_logical3A_212 = arith.constant 16 : i32
        %shift_right_logical3A_213 = vector.broadcast %shift_right_logical3A_212 : i32 to vector<16xi32>
        %shift_right_logical3A_214 = arith.shrui %get3A_211, %shift_right_logical3A_213 : vector<16xi32>
        %and3A_215 = arith.constant 255 : i32
        %and3A_216 = vector.broadcast %and3A_215 : i32 to vector<16xi32>
        %and3A_217 = arith.andi %shift_right_logical3A_214, %and3A_216 : vector<16xi32>
        %shift_left3A_218 = arith.constant 4 : i32
        %shift_left3A_219 = vector.broadcast %shift_left3A_218 : i32 to vector<16xi32>
        %shift_left3A_220 = arith.shli %and3A_217, %shift_left3A_219 : vector<16xi32>
        %or3A_221 = arith.ori %shift_left3A_220, %iota3A : vector<16xi32>
        tpu.vector_store_idx %arg11[%or3A_221], %broadcast_in_dim3A_37 {add = true} : memref<4096xi32, #tpu.memory_space<vmem>>[vector<16xi32>], vector<16xi32>,
      }
      %scan3A_111 = arith.constant 64 : i32
      %scan3A_112 = arith.constant 0 : i32
      %scan3A_113 = arith.constant 0 : i32
      %scan3A_114 = arith.constant 256 : i32
      %scan3A_115 = arith.addi %scan3A_113, %scan3A_114 : i32
      %scan3A_116 = arith.constant 1 : i32
      %scan3A_117 = scf.for %scan3A_152 = %scan3A_113 to %scan3A_115 step %scan3A_116 iter_args(%scan3A_153 = %scan3A_112) -> (i32)  : i32 {
        %mul3A_154 = arith.constant 16 : i32
        %mul3A_155 = arith.muli %scan3A_152, %mul3A_154 : i32
        %get3A = arith.index_cast %mul3A_155 : i32 to index
        %get3A_156 = tpu.vector_load %arg11[%get3A] {strides = array<i32>} : memref<4096xi32, #tpu.memory_space<vmem>>, vector<16xi32>,
        %broadcast_in_dim3A_157 = arith.constant true
        %broadcast_in_dim3A_158 = vector.broadcast %broadcast_in_dim3A_157 : i1 to vector<16xi1>
        %masked_cumsum3A = tpu.scan <sum>, %get3A_156 masked %broadcast_in_dim3A_158 : vector<16xi32>, vector<16xi1> -> vector<16xi32>
        %sub3A_159 = arith.subi %masked_cumsum3A, %get3A_156 : vector<16xi32>
        %add3A_160 = vector.broadcast %scan3A_153 : i32 to vector<16xi32>
        %add3A_161 = arith.addi %sub3A_159, %add3A_160 : vector<16xi32>
        %mul3A_162 = arith.constant 16 : i32
        %mul3A_163 = arith.muli %scan3A_152, %mul3A_162 : i32
        %swap3A = arith.index_cast %mul3A_163 : i32 to index
        %swap3A_164 = tpu.vector_load %arg11[%swap3A] {strides = array<i32>} : memref<4096xi32, #tpu.memory_space<vmem>>, vector<16xi32>,
        tpu.vector_store %arg11[%swap3A], %add3A_161 {strides = array<i32>} : memref<4096xi32, #tpu.memory_space<vmem>>, vector<16xi32>,
        %reduce_sum3A = arith.constant true
        %reduce_sum3A_165 = vector.broadcast %reduce_sum3A : i1 to vector<16xi1>
        %reduce_sum3A_166 = tpu.scan <sum>, %get3A_156 masked %reduce_sum3A_165 : vector<16xi32>, vector<16xi1> -> vector<16xi32>
        %reduce_sum3A_167 = vector.extract %reduce_sum3A_166[15] : i32 from vector<16xi32>
        %add3A_168 = arith.addi %scan3A_153, %reduce_sum3A_167 : i32
        scf.yield %add3A_168 : i32
      }
      %scan3A_118 = arith.constant 256 : i32
      %scan3A_119 = arith.constant 0 : i32
      %scan3A_120 = arith.constant 0 : i32
      %scan3A_121 = arith.constant 64 : i32
      %scan3A_122 = arith.addi %scan3A_120, %scan3A_121 : i32
      %scan3A_123 = arith.constant 1 : i32
      scf.for %scan3A_152 = %scan3A_120 to %scan3A_122 step %scan3A_123  : i32 {
        %mul3A_153 = arith.constant 4 : i32
        %mul3A_154 = arith.muli %mul3A_153, %scan3A_152 : i32
        %add3A_155 = arith.constant 0 : i32
        %add3A_156 = arith.addi %mul3A_154, %add3A_155 : i32
        %mul3A_157 = arith.constant 16 : i32
        %mul3A_158 = arith.muli %add3A_156, %mul3A_157 : i32
        %get3A = arith.index_cast %mul3A_158 : i32 to index
        %get3A_159 = tpu.vector_load %arg7[%get3A] {strides = array<i32>} : memref<4096xi32, #tpu.memory_space<vmem>>, vector<16xi32>,
        %mul3A_160 = arith.constant 16 : i32
        %mul3A_161 = arith.muli %add3A_156, %mul3A_160 : i32
        %get3A_162 = arith.index_cast %mul3A_161 : i32 to index
        %get3A_163 = tpu.vector_load %arg9[%get3A_162] {strides = array<i32>} : memref<4096xi32, #tpu.memory_space<vmem>>, vector<16xi32>,
        %shift_right_logical3A_164 = arith.constant 16 : i32
        %shift_right_logical3A_165 = vector.broadcast %shift_right_logical3A_164 : i32 to vector<16xi32>
        %shift_right_logical3A_166 = arith.shrui %get3A_159, %shift_right_logical3A_165 : vector<16xi32>
        %and3A_167 = arith.constant 255 : i32
        %and3A_168 = vector.broadcast %and3A_167 : i32 to vector<16xi32>
        %and3A_169 = arith.andi %shift_right_logical3A_166, %and3A_168 : vector<16xi32>
        %shift_left3A = arith.constant 4 : i32
        %shift_left3A_170 = vector.broadcast %shift_left3A : i32 to vector<16xi32>
        %shift_left3A_171 = arith.shli %and3A_169, %shift_left3A_170 : vector<16xi32>
        %or3A = arith.ori %shift_left3A_171, %iota3A : vector<16xi32>
        %gather3A = tpu.vector_load_idx %arg11[%or3A] : memref<4096xi32, #tpu.memory_space<vmem>>[vector<16xi32>], vector<16xi32>,
        %add3A_172 = arith.constant 1 : i32
        %add3A_173 = vector.broadcast %add3A_172 : i32 to vector<16xi32>
        %add3A_174 = arith.addi %gather3A, %add3A_173 : vector<16xi32>
        tpu.vector_store_idx %arg11[%or3A], %add3A_174 : memref<4096xi32, #tpu.memory_space<vmem>>[vector<16xi32>], vector<16xi32>,
        %and3A_175 = arith.constant 255 : i32
        %and3A_176 = vector.broadcast %and3A_175 : i32 to vector<16xi32>
        %and3A_177 = arith.andi %gather3A, %and3A_176 : vector<16xi32>
        %shift_left3A_178 = arith.constant 4 : i32
        %shift_left3A_179 = vector.broadcast %shift_left3A_178 : i32 to vector<16xi32>
        %shift_left3A_180 = arith.shli %and3A_177, %shift_left3A_179 : vector<16xi32>
        %shift_right_logical3A_181 = arith.constant 8 : i32
        %shift_right_logical3A_182 = vector.broadcast %shift_right_logical3A_181 : i32 to vector<16xi32>
        %shift_right_logical3A_183 = arith.shrui %gather3A, %shift_right_logical3A_182 : vector<16xi32>
        %or3A_184 = arith.ori %shift_left3A_180, %shift_right_logical3A_183 : vector<16xi32>
        tpu.vector_store_idx %arg8[%or3A_184], %get3A_159 : memref<4096xi32, #tpu.memory_space<vmem>>[vector<16xi32>], vector<16xi32>,
        tpu.vector_store_idx %arg10[%or3A_184], %get3A_163 : memref<4096xi32, #tpu.memory_space<vmem>>[vector<16xi32>], vector<16xi32>,
        %mul3A_185 = arith.constant 4 : i32
        %mul3A_186 = arith.muli %mul3A_185, %scan3A_152 : i32
        %add3A_187 = arith.constant 1 : i32
        %add3A_188 = arith.addi %mul3A_186, %add3A_187 : i32
        %mul3A_189 = arith.constant 16 : i32
        %mul3A_190 = arith.muli %add3A_188, %mul3A_189 : i32
        %get3A_191 = arith.index_cast %mul3A_190 : i32 to index
        %get3A_192 = tpu.vector_load %arg7[%get3A_191] {strides = array<i32>} : memref<4096xi32, #tpu.memory_space<vmem>>, vector<16xi32>,
        %mul3A_193 = arith.constant 16 : i32
        %mul3A_194 = arith.muli %add3A_188, %mul3A_193 : i32
        %get3A_195 = arith.index_cast %mul3A_194 : i32 to index
        %get3A_196 = tpu.vector_load %arg9[%get3A_195] {strides = array<i32>} : memref<4096xi32, #tpu.memory_space<vmem>>, vector<16xi32>,
        %shift_right_logical3A_197 = arith.constant 16 : i32
        %shift_right_logical3A_198 = vector.broadcast %shift_right_logical3A_197 : i32 to vector<16xi32>
        %shift_right_logical3A_199 = arith.shrui %get3A_192, %shift_right_logical3A_198 : vector<16xi32>
        %and3A_200 = arith.constant 255 : i32
        %and3A_201 = vector.broadcast %and3A_200 : i32 to vector<16xi32>
        %and3A_202 = arith.andi %shift_right_logical3A_199, %and3A_201 : vector<16xi32>
        %shift_left3A_203 = arith.constant 4 : i32
        %shift_left3A_204 = vector.broadcast %shift_left3A_203 : i32 to vector<16xi32>
        %shift_left3A_205 = arith.shli %and3A_202, %shift_left3A_204 : vector<16xi32>
        %or3A_206 = arith.ori %shift_left3A_205, %iota3A : vector<16xi32>
        %gather3A_207 = tpu.vector_load_idx %arg11[%or3A_206] : memref<4096xi32, #tpu.memory_space<vmem>>[vector<16xi32>], vector<16xi32>,
        %add3A_208 = arith.constant 1 : i32
        %add3A_209 = vector.broadcast %add3A_208 : i32 to vector<16xi32>
        %add3A_210 = arith.addi %gather3A_207, %add3A_209 : vector<16xi32>
        tpu.vector_store_idx %arg11[%or3A_206], %add3A_210 : memref<4096xi32, #tpu.memory_space<vmem>>[vector<16xi32>], vector<16xi32>,
        %and3A_211 = arith.constant 255 : i32
        %and3A_212 = vector.broadcast %and3A_211 : i32 to vector<16xi32>
        %and3A_213 = arith.andi %gather3A_207, %and3A_212 : vector<16xi32>
        %shift_left3A_214 = arith.constant 4 : i32
        %shift_left3A_215 = vector.broadcast %shift_left3A_214 : i32 to vector<16xi32>
        %shift_left3A_216 = arith.shli %and3A_213, %shift_left3A_215 : vector<16xi32>
        %shift_right_logical3A_217 = arith.constant 8 : i32
        %shift_right_logical3A_218 = vector.broadcast %shift_right_logical3A_217 : i32 to vector<16xi32>
        %shift_right_logical3A_219 = arith.shrui %gather3A_207, %shift_right_logical3A_218 : vector<16xi32>
        %or3A_220 = arith.ori %shift_left3A_216, %shift_right_logical3A_219 : vector<16xi32>
        tpu.vector_store_idx %arg8[%or3A_220], %get3A_192 : memref<4096xi32, #tpu.memory_space<vmem>>[vector<16xi32>], vector<16xi32>,
        tpu.vector_store_idx %arg10[%or3A_220], %get3A_196 : memref<4096xi32, #tpu.memory_space<vmem>>[vector<16xi32>], vector<16xi32>,
        %mul3A_221 = arith.constant 4 : i32
        %mul3A_222 = arith.muli %mul3A_221, %scan3A_152 : i32
        %add3A_223 = arith.constant 2 : i32
        %add3A_224 = arith.addi %mul3A_222, %add3A_223 : i32
        %mul3A_225 = arith.constant 16 : i32
        %mul3A_226 = arith.muli %add3A_224, %mul3A_225 : i32
        %get3A_227 = arith.index_cast %mul3A_226 : i32 to index
        %get3A_228 = tpu.vector_load %arg7[%get3A_227] {strides = array<i32>} : memref<4096xi32, #tpu.memory_space<vmem>>, vector<16xi32>,
        %mul3A_229 = arith.constant 16 : i32
        %mul3A_230 = arith.muli %add3A_224, %mul3A_229 : i32
        %get3A_231 = arith.index_cast %mul3A_230 : i32 to index
        %get3A_232 = tpu.vector_load %arg9[%get3A_231] {strides = array<i32>} : memref<4096xi32, #tpu.memory_space<vmem>>, vector<16xi32>,
        %shift_right_logical3A_233 = arith.constant 16 : i32
        %shift_right_logical3A_234 = vector.broadcast %shift_right_logical3A_233 : i32 to vector<16xi32>
        %shift_right_logical3A_235 = arith.shrui %get3A_228, %shift_right_logical3A_234 : vector<16xi32>
        %and3A_236 = arith.constant 255 : i32
        %and3A_237 = vector.broadcast %and3A_236 : i32 to vector<16xi32>
        %and3A_238 = arith.andi %shift_right_logical3A_235, %and3A_237 : vector<16xi32>
        %shift_left3A_239 = arith.constant 4 : i32
        %shift_left3A_240 = vector.broadcast %shift_left3A_239 : i32 to vector<16xi32>
        %shift_left3A_241 = arith.shli %and3A_238, %shift_left3A_240 : vector<16xi32>
        %or3A_242 = arith.ori %shift_left3A_241, %iota3A : vector<16xi32>
        %gather3A_243 = tpu.vector_load_idx %arg11[%or3A_242] : memref<4096xi32, #tpu.memory_space<vmem>>[vector<16xi32>], vector<16xi32>,
        %add3A_244 = arith.constant 1 : i32
        %add3A_245 = vector.broadcast %add3A_244 : i32 to vector<16xi32>
        %add3A_246 = arith.addi %gather3A_243, %add3A_245 : vector<16xi32>
        tpu.vector_store_idx %arg11[%or3A_242], %add3A_246 : memref<4096xi32, #tpu.memory_space<vmem>>[vector<16xi32>], vector<16xi32>,
        %and3A_247 = arith.constant 255 : i32
        %and3A_248 = vector.broadcast %and3A_247 : i32 to vector<16xi32>
        %and3A_249 = arith.andi %gather3A_243, %and3A_248 : vector<16xi32>
        %shift_left3A_250 = arith.constant 4 : i32
        %shift_left3A_251 = vector.broadcast %shift_left3A_250 : i32 to vector<16xi32>
        %shift_left3A_252 = arith.shli %and3A_249, %shift_left3A_251 : vector<16xi32>
        %shift_right_logical3A_253 = arith.constant 8 : i32
        %shift_right_logical3A_254 = vector.broadcast %shift_right_logical3A_253 : i32 to vector<16xi32>
        %shift_right_logical3A_255 = arith.shrui %gather3A_243, %shift_right_logical3A_254 : vector<16xi32>
        %or3A_256 = arith.ori %shift_left3A_252, %shift_right_logical3A_255 : vector<16xi32>
        tpu.vector_store_idx %arg8[%or3A_256], %get3A_228 : memref<4096xi32, #tpu.memory_space<vmem>>[vector<16xi32>], vector<16xi32>,
        tpu.vector_store_idx %arg10[%or3A_256], %get3A_232 : memref<4096xi32, #tpu.memory_space<vmem>>[vector<16xi32>], vector<16xi32>,
        %mul3A_257 = arith.constant 4 : i32
        %mul3A_258 = arith.muli %mul3A_257, %scan3A_152 : i32
        %add3A_259 = arith.constant 3 : i32
        %add3A_260 = arith.addi %mul3A_258, %add3A_259 : i32
        %mul3A_261 = arith.constant 16 : i32
        %mul3A_262 = arith.muli %add3A_260, %mul3A_261 : i32
        %get3A_263 = arith.index_cast %mul3A_262 : i32 to index
        %get3A_264 = tpu.vector_load %arg7[%get3A_263] {strides = array<i32>} : memref<4096xi32, #tpu.memory_space<vmem>>, vector<16xi32>,
        %mul3A_265 = arith.constant 16 : i32
        %mul3A_266 = arith.muli %add3A_260, %mul3A_265 : i32
        %get3A_267 = arith.index_cast %mul3A_266 : i32 to index
        %get3A_268 = tpu.vector_load %arg9[%get3A_267] {strides = array<i32>} : memref<4096xi32, #tpu.memory_space<vmem>>, vector<16xi32>,
        %shift_right_logical3A_269 = arith.constant 16 : i32
        %shift_right_logical3A_270 = vector.broadcast %shift_right_logical3A_269 : i32 to vector<16xi32>
        %shift_right_logical3A_271 = arith.shrui %get3A_264, %shift_right_logical3A_270 : vector<16xi32>
        %and3A_272 = arith.constant 255 : i32
        %and3A_273 = vector.broadcast %and3A_272 : i32 to vector<16xi32>
        %and3A_274 = arith.andi %shift_right_logical3A_271, %and3A_273 : vector<16xi32>
        %shift_left3A_275 = arith.constant 4 : i32
        %shift_left3A_276 = vector.broadcast %shift_left3A_275 : i32 to vector<16xi32>
        %shift_left3A_277 = arith.shli %and3A_274, %shift_left3A_276 : vector<16xi32>
        %or3A_278 = arith.ori %shift_left3A_277, %iota3A : vector<16xi32>
        %gather3A_279 = tpu.vector_load_idx %arg11[%or3A_278] : memref<4096xi32, #tpu.memory_space<vmem>>[vector<16xi32>], vector<16xi32>,
        %add3A_280 = arith.constant 1 : i32
        %add3A_281 = vector.broadcast %add3A_280 : i32 to vector<16xi32>
        %add3A_282 = arith.addi %gather3A_279, %add3A_281 : vector<16xi32>
        tpu.vector_store_idx %arg11[%or3A_278], %add3A_282 : memref<4096xi32, #tpu.memory_space<vmem>>[vector<16xi32>], vector<16xi32>,
        %and3A_283 = arith.constant 255 : i32
        %and3A_284 = vector.broadcast %and3A_283 : i32 to vector<16xi32>
        %and3A_285 = arith.andi %gather3A_279, %and3A_284 : vector<16xi32>
        %shift_left3A_286 = arith.constant 4 : i32
        %shift_left3A_287 = vector.broadcast %shift_left3A_286 : i32 to vector<16xi32>
        %shift_left3A_288 = arith.shli %and3A_285, %shift_left3A_287 : vector<16xi32>
        %shift_right_logical3A_289 = arith.constant 8 : i32
        %shift_right_logical3A_290 = vector.broadcast %shift_right_logical3A_289 : i32 to vector<16xi32>
        %shift_right_logical3A_291 = arith.shrui %gather3A_279, %shift_right_logical3A_290 : vector<16xi32>
        %or3A_292 = arith.ori %shift_left3A_288, %shift_right_logical3A_291 : vector<16xi32>
        tpu.vector_store_idx %arg8[%or3A_292], %get3A_264 : memref<4096xi32, #tpu.memory_space<vmem>>[vector<16xi32>], vector<16xi32>,
        tpu.vector_store_idx %arg10[%or3A_292], %get3A_268 : memref<4096xi32, #tpu.memory_space<vmem>>[vector<16xi32>], vector<16xi32>,
      }
      %scan3A_124 = arith.constant 64 : i32
      %scan3A_125 = arith.constant 0 : i32
      %scan3A_126 = arith.constant 0 : i32
      %scan3A_127 = arith.constant 64 : i32
      %scan3A_128 = arith.addi %scan3A_126, %scan3A_127 : i32
      %scan3A_129 = arith.constant 1 : i32
      scf.for %scan3A_152 = %scan3A_126 to %scan3A_128 step %scan3A_129  : i32 {
        %mul3A_153 = arith.constant 4 : i32
        %mul3A_154 = arith.muli %mul3A_153, %scan3A_152 : i32
        %add3A_155 = arith.constant 0 : i32
        %add3A_156 = arith.addi %mul3A_154, %add3A_155 : i32
        %broadcast_in_dim3A_157 = arith.constant 0 : i32
        %broadcast_in_dim3A_158 = vector.broadcast %broadcast_in_dim3A_157 : i32 to vector<16xi32>
        %mul3A_159 = arith.constant 16 : i32
        %mul3A_160 = arith.muli %add3A_156, %mul3A_159 : i32
        %swap3A = arith.index_cast %mul3A_160 : i32 to index
        %swap3A_161 = tpu.vector_load %arg11[%swap3A] {strides = array<i32>} : memref<4096xi32, #tpu.memory_space<vmem>>, vector<16xi32>,
        tpu.vector_store %arg11[%swap3A], %broadcast_in_dim3A_158 {strides = array<i32>} : memref<4096xi32, #tpu.memory_space<vmem>>, vector<16xi32>,
        %mul3A_162 = arith.constant 4 : i32
        %mul3A_163 = arith.muli %mul3A_162, %scan3A_152 : i32
        %add3A_164 = arith.constant 1 : i32
        %add3A_165 = arith.addi %mul3A_163, %add3A_164 : i32
        %broadcast_in_dim3A_166 = arith.constant 0 : i32
        %broadcast_in_dim3A_167 = vector.broadcast %broadcast_in_dim3A_166 : i32 to vector<16xi32>
        %mul3A_168 = arith.constant 16 : i32
        %mul3A_169 = arith.muli %add3A_165, %mul3A_168 : i32
        %swap3A_170 = arith.index_cast %mul3A_169 : i32 to index
        %swap3A_171 = tpu.vector_load %arg11[%swap3A_170] {strides = array<i32>} : memref<4096xi32, #tpu.memory_space<vmem>>, vector<16xi32>,
        tpu.vector_store %arg11[%swap3A_170], %broadcast_in_dim3A_167 {strides = array<i32>} : memref<4096xi32, #tpu.memory_space<vmem>>, vector<16xi32>,
        %mul3A_172 = arith.constant 4 : i32
        %mul3A_173 = arith.muli %mul3A_172, %scan3A_152 : i32
        %add3A_174 = arith.constant 2 : i32
        %add3A_175 = arith.addi %mul3A_173, %add3A_174 : i32
        %broadcast_in_dim3A_176 = arith.constant 0 : i32
        %broadcast_in_dim3A_177 = vector.broadcast %broadcast_in_dim3A_176 : i32 to vector<16xi32>
        %mul3A_178 = arith.constant 16 : i32
        %mul3A_179 = arith.muli %add3A_175, %mul3A_178 : i32
        %swap3A_180 = arith.index_cast %mul3A_179 : i32 to index
        %swap3A_181 = tpu.vector_load %arg11[%swap3A_180] {strides = array<i32>} : memref<4096xi32, #tpu.memory_space<vmem>>, vector<16xi32>,
        tpu.vector_store %arg11[%swap3A_180], %broadcast_in_dim3A_177 {strides = array<i32>} : memref<4096xi32, #tpu.memory_space<vmem>>, vector<16xi32>,
        %mul3A_182 = arith.constant 4 : i32
        %mul3A_183 = arith.muli %mul3A_182, %scan3A_152 : i32
        %add3A_184 = arith.constant 3 : i32
        %add3A_185 = arith.addi %mul3A_183, %add3A_184 : i32
        %broadcast_in_dim3A_186 = arith.constant 0 : i32
        %broadcast_in_dim3A_187 = vector.broadcast %broadcast_in_dim3A_186 : i32 to vector<16xi32>
        %mul3A_188 = arith.constant 16 : i32
        %mul3A_189 = arith.muli %add3A_185, %mul3A_188 : i32
        %swap3A_190 = arith.index_cast %mul3A_189 : i32 to index
        %swap3A_191 = tpu.vector_load %arg11[%swap3A_190] {strides = array<i32>} : memref<4096xi32, #tpu.memory_space<vmem>>, vector<16xi32>,
        tpu.vector_store %arg11[%swap3A_190], %broadcast_in_dim3A_187 {strides = array<i32>} : memref<4096xi32, #tpu.memory_space<vmem>>, vector<16xi32>,
      }
      %scan3A_130 = arith.constant 64 : i32
      %scan3A_131 = arith.constant 0 : i32
      %scan3A_132 = arith.constant 0 : i32
      %scan3A_133 = arith.constant 64 : i32
      %scan3A_134 = arith.addi %scan3A_132, %scan3A_133 : i32
      %scan3A_135 = arith.constant 1 : i32
      scf.for %scan3A_152 = %scan3A_132 to %scan3A_134 step %scan3A_135  : i32 {
        %mul3A_153 = arith.constant 4 : i32
        %mul3A_154 = arith.muli %mul3A_153, %scan3A_152 : i32
        %add3A_155 = arith.constant 0 : i32
        %add3A_156 = arith.addi %mul3A_154, %add3A_155 : i32
        %mul3A_157 = arith.constant 16 : i32
        %mul3A_158 = arith.muli %add3A_156, %mul3A_157 : i32
        %get3A = arith.index_cast %mul3A_158 : i32 to index
        %get3A_159 = tpu.vector_load %arg8[%get3A] {strides = array<i32>} : memref<4096xi32, #tpu.memory_space<vmem>>, vector<16xi32>,
        %shift_right_logical3A_160 = arith.constant 24 : i32
        %shift_right_logical3A_161 = vector.broadcast %shift_right_logical3A_160 : i32 to vector<16xi32>
        %shift_right_logical3A_162 = arith.shrui %get3A_159, %shift_right_logical3A_161 : vector<16xi32>
        %and3A_163 = arith.constant 255 : i32
        %and3A_164 = vector.broadcast %and3A_163 : i32 to vector<16xi32>
        %and3A_165 = arith.andi %shift_right_logical3A_162, %and3A_164 : vector<16xi32>
        %shift_left3A = arith.constant 4 : i32
        %shift_left3A_166 = vector.broadcast %shift_left3A : i32 to vector<16xi32>
        %shift_left3A_167 = arith.shli %and3A_165, %shift_left3A_166 : vector<16xi32>
        %or3A = arith.ori %shift_left3A_167, %iota3A : vector<16xi32>
        tpu.vector_store_idx %arg11[%or3A], %broadcast_in_dim3A_37 {add = true} : memref<4096xi32, #tpu.memory_space<vmem>>[vector<16xi32>], vector<16xi32>,
        %mul3A_168 = arith.constant 4 : i32
        %mul3A_169 = arith.muli %mul3A_168, %scan3A_152 : i32
        %add3A_170 = arith.constant 1 : i32
        %add3A_171 = arith.addi %mul3A_169, %add3A_170 : i32
        %mul3A_172 = arith.constant 16 : i32
        %mul3A_173 = arith.muli %add3A_171, %mul3A_172 : i32
        %get3A_174 = arith.index_cast %mul3A_173 : i32 to index
        %get3A_175 = tpu.vector_load %arg8[%get3A_174] {strides = array<i32>} : memref<4096xi32, #tpu.memory_space<vmem>>, vector<16xi32>,
        %shift_right_logical3A_176 = arith.constant 24 : i32
        %shift_right_logical3A_177 = vector.broadcast %shift_right_logical3A_176 : i32 to vector<16xi32>
        %shift_right_logical3A_178 = arith.shrui %get3A_175, %shift_right_logical3A_177 : vector<16xi32>
        %and3A_179 = arith.constant 255 : i32
        %and3A_180 = vector.broadcast %and3A_179 : i32 to vector<16xi32>
        %and3A_181 = arith.andi %shift_right_logical3A_178, %and3A_180 : vector<16xi32>
        %shift_left3A_182 = arith.constant 4 : i32
        %shift_left3A_183 = vector.broadcast %shift_left3A_182 : i32 to vector<16xi32>
        %shift_left3A_184 = arith.shli %and3A_181, %shift_left3A_183 : vector<16xi32>
        %or3A_185 = arith.ori %shift_left3A_184, %iota3A : vector<16xi32>
        tpu.vector_store_idx %arg11[%or3A_185], %broadcast_in_dim3A_37 {add = true} : memref<4096xi32, #tpu.memory_space<vmem>>[vector<16xi32>], vector<16xi32>,
        %mul3A_186 = arith.constant 4 : i32
        %mul3A_187 = arith.muli %mul3A_186, %scan3A_152 : i32
        %add3A_188 = arith.constant 2 : i32
        %add3A_189 = arith.addi %mul3A_187, %add3A_188 : i32
        %mul3A_190 = arith.constant 16 : i32
        %mul3A_191 = arith.muli %add3A_189, %mul3A_190 : i32
        %get3A_192 = arith.index_cast %mul3A_191 : i32 to index
        %get3A_193 = tpu.vector_load %arg8[%get3A_192] {strides = array<i32>} : memref<4096xi32, #tpu.memory_space<vmem>>, vector<16xi32>,
        %shift_right_logical3A_194 = arith.constant 24 : i32
        %shift_right_logical3A_195 = vector.broadcast %shift_right_logical3A_194 : i32 to vector<16xi32>
        %shift_right_logical3A_196 = arith.shrui %get3A_193, %shift_right_logical3A_195 : vector<16xi32>
        %and3A_197 = arith.constant 255 : i32
        %and3A_198 = vector.broadcast %and3A_197 : i32 to vector<16xi32>
        %and3A_199 = arith.andi %shift_right_logical3A_196, %and3A_198 : vector<16xi32>
        %shift_left3A_200 = arith.constant 4 : i32
        %shift_left3A_201 = vector.broadcast %shift_left3A_200 : i32 to vector<16xi32>
        %shift_left3A_202 = arith.shli %and3A_199, %shift_left3A_201 : vector<16xi32>
        %or3A_203 = arith.ori %shift_left3A_202, %iota3A : vector<16xi32>
        tpu.vector_store_idx %arg11[%or3A_203], %broadcast_in_dim3A_37 {add = true} : memref<4096xi32, #tpu.memory_space<vmem>>[vector<16xi32>], vector<16xi32>,
        %mul3A_204 = arith.constant 4 : i32
        %mul3A_205 = arith.muli %mul3A_204, %scan3A_152 : i32
        %add3A_206 = arith.constant 3 : i32
        %add3A_207 = arith.addi %mul3A_205, %add3A_206 : i32
        %mul3A_208 = arith.constant 16 : i32
        %mul3A_209 = arith.muli %add3A_207, %mul3A_208 : i32
        %get3A_210 = arith.index_cast %mul3A_209 : i32 to index
        %get3A_211 = tpu.vector_load %arg8[%get3A_210] {strides = array<i32>} : memref<4096xi32, #tpu.memory_space<vmem>>, vector<16xi32>,
        %shift_right_logical3A_212 = arith.constant 24 : i32
        %shift_right_logical3A_213 = vector.broadcast %shift_right_logical3A_212 : i32 to vector<16xi32>
        %shift_right_logical3A_214 = arith.shrui %get3A_211, %shift_right_logical3A_213 : vector<16xi32>
        %and3A_215 = arith.constant 255 : i32
        %and3A_216 = vector.broadcast %and3A_215 : i32 to vector<16xi32>
        %and3A_217 = arith.andi %shift_right_logical3A_214, %and3A_216 : vector<16xi32>
        %shift_left3A_218 = arith.constant 4 : i32
        %shift_left3A_219 = vector.broadcast %shift_left3A_218 : i32 to vector<16xi32>
        %shift_left3A_220 = arith.shli %and3A_217, %shift_left3A_219 : vector<16xi32>
        %or3A_221 = arith.ori %shift_left3A_220, %iota3A : vector<16xi32>
        tpu.vector_store_idx %arg11[%or3A_221], %broadcast_in_dim3A_37 {add = true} : memref<4096xi32, #tpu.memory_space<vmem>>[vector<16xi32>], vector<16xi32>,
      }
      %scan3A_136 = arith.constant 64 : i32
      %scan3A_137 = arith.constant 0 : i32
      %scan3A_138 = arith.constant 0 : i32
      %scan3A_139 = arith.constant 256 : i32
      %scan3A_140 = arith.addi %scan3A_138, %scan3A_139 : i32
      %scan3A_141 = arith.constant 1 : i32
      %scan3A_142 = scf.for %scan3A_152 = %scan3A_138 to %scan3A_140 step %scan3A_141 iter_args(%scan3A_153 = %scan3A_137) -> (i32)  : i32 {
        %mul3A_154 = arith.constant 16 : i32
        %mul3A_155 = arith.muli %scan3A_152, %mul3A_154 : i32
        %get3A = arith.index_cast %mul3A_155 : i32 to index
        %get3A_156 = tpu.vector_load %arg11[%get3A] {strides = array<i32>} : memref<4096xi32, #tpu.memory_space<vmem>>, vector<16xi32>,
        %broadcast_in_dim3A_157 = arith.constant true
        %broadcast_in_dim3A_158 = vector.broadcast %broadcast_in_dim3A_157 : i1 to vector<16xi1>
        %masked_cumsum3A = tpu.scan <sum>, %get3A_156 masked %broadcast_in_dim3A_158 : vector<16xi32>, vector<16xi1> -> vector<16xi32>
        %sub3A_159 = arith.subi %masked_cumsum3A, %get3A_156 : vector<16xi32>
        %add3A_160 = vector.broadcast %scan3A_153 : i32 to vector<16xi32>
        %add3A_161 = arith.addi %sub3A_159, %add3A_160 : vector<16xi32>
        %mul3A_162 = arith.constant 16 : i32
        %mul3A_163 = arith.muli %scan3A_152, %mul3A_162 : i32
        %swap3A = arith.index_cast %mul3A_163 : i32 to index
        %swap3A_164 = tpu.vector_load %arg11[%swap3A] {strides = array<i32>} : memref<4096xi32, #tpu.memory_space<vmem>>, vector<16xi32>,
        tpu.vector_store %arg11[%swap3A], %add3A_161 {strides = array<i32>} : memref<4096xi32, #tpu.memory_space<vmem>>, vector<16xi32>,
        %reduce_sum3A = arith.constant true
        %reduce_sum3A_165 = vector.broadcast %reduce_sum3A : i1 to vector<16xi1>
        %reduce_sum3A_166 = tpu.scan <sum>, %get3A_156 masked %reduce_sum3A_165 : vector<16xi32>, vector<16xi1> -> vector<16xi32>
        %reduce_sum3A_167 = vector.extract %reduce_sum3A_166[15] : i32 from vector<16xi32>
        %add3A_168 = arith.addi %scan3A_153, %reduce_sum3A_167 : i32
        scf.yield %add3A_168 : i32
      }
      %scan3A_143 = arith.constant 256 : i32
      %scan3A_144 = arith.constant 0 : i32
      %scan3A_145 = arith.constant 0 : i32
      %scan3A_146 = arith.constant 64 : i32
      %scan3A_147 = arith.addi %scan3A_145, %scan3A_146 : i32
      %scan3A_148 = arith.constant 1 : i32
      scf.for %scan3A_152 = %scan3A_145 to %scan3A_147 step %scan3A_148  : i32 {
        %mul3A_153 = arith.constant 4 : i32
        %mul3A_154 = arith.muli %mul3A_153, %scan3A_152 : i32
        %add3A_155 = arith.constant 0 : i32
        %add3A_156 = arith.addi %mul3A_154, %add3A_155 : i32
        %mul3A_157 = arith.constant 16 : i32
        %mul3A_158 = arith.muli %add3A_156, %mul3A_157 : i32
        %get3A = arith.index_cast %mul3A_158 : i32 to index
        %get3A_159 = tpu.vector_load %arg8[%get3A] {strides = array<i32>} : memref<4096xi32, #tpu.memory_space<vmem>>, vector<16xi32>,
        %mul3A_160 = arith.constant 16 : i32
        %mul3A_161 = arith.muli %add3A_156, %mul3A_160 : i32
        %get3A_162 = arith.index_cast %mul3A_161 : i32 to index
        %get3A_163 = tpu.vector_load %arg10[%get3A_162] {strides = array<i32>} : memref<4096xi32, #tpu.memory_space<vmem>>, vector<16xi32>,
        %shift_right_logical3A_164 = arith.constant 24 : i32
        %shift_right_logical3A_165 = vector.broadcast %shift_right_logical3A_164 : i32 to vector<16xi32>
        %shift_right_logical3A_166 = arith.shrui %get3A_159, %shift_right_logical3A_165 : vector<16xi32>
        %and3A_167 = arith.constant 255 : i32
        %and3A_168 = vector.broadcast %and3A_167 : i32 to vector<16xi32>
        %and3A_169 = arith.andi %shift_right_logical3A_166, %and3A_168 : vector<16xi32>
        %shift_left3A = arith.constant 4 : i32
        %shift_left3A_170 = vector.broadcast %shift_left3A : i32 to vector<16xi32>
        %shift_left3A_171 = arith.shli %and3A_169, %shift_left3A_170 : vector<16xi32>
        %or3A = arith.ori %shift_left3A_171, %iota3A : vector<16xi32>
        %gather3A = tpu.vector_load_idx %arg11[%or3A] : memref<4096xi32, #tpu.memory_space<vmem>>[vector<16xi32>], vector<16xi32>,
        %add3A_172 = arith.constant 1 : i32
        %add3A_173 = vector.broadcast %add3A_172 : i32 to vector<16xi32>
        %add3A_174 = arith.addi %gather3A, %add3A_173 : vector<16xi32>
        tpu.vector_store_idx %arg11[%or3A], %add3A_174 : memref<4096xi32, #tpu.memory_space<vmem>>[vector<16xi32>], vector<16xi32>,
        tpu.vector_store_idx %arg9[%gather3A], %get3A_163 : memref<4096xi32, #tpu.memory_space<vmem>>[vector<16xi32>], vector<16xi32>,
        %mul3A_175 = arith.constant 4 : i32
        %mul3A_176 = arith.muli %mul3A_175, %scan3A_152 : i32
        %add3A_177 = arith.constant 1 : i32
        %add3A_178 = arith.addi %mul3A_176, %add3A_177 : i32
        %mul3A_179 = arith.constant 16 : i32
        %mul3A_180 = arith.muli %add3A_178, %mul3A_179 : i32
        %get3A_181 = arith.index_cast %mul3A_180 : i32 to index
        %get3A_182 = tpu.vector_load %arg8[%get3A_181] {strides = array<i32>} : memref<4096xi32, #tpu.memory_space<vmem>>, vector<16xi32>,
        %mul3A_183 = arith.constant 16 : i32
        %mul3A_184 = arith.muli %add3A_178, %mul3A_183 : i32
        %get3A_185 = arith.index_cast %mul3A_184 : i32 to index
        %get3A_186 = tpu.vector_load %arg10[%get3A_185] {strides = array<i32>} : memref<4096xi32, #tpu.memory_space<vmem>>, vector<16xi32>,
        %shift_right_logical3A_187 = arith.constant 24 : i32
        %shift_right_logical3A_188 = vector.broadcast %shift_right_logical3A_187 : i32 to vector<16xi32>
        %shift_right_logical3A_189 = arith.shrui %get3A_182, %shift_right_logical3A_188 : vector<16xi32>
        %and3A_190 = arith.constant 255 : i32
        %and3A_191 = vector.broadcast %and3A_190 : i32 to vector<16xi32>
        %and3A_192 = arith.andi %shift_right_logical3A_189, %and3A_191 : vector<16xi32>
        %shift_left3A_193 = arith.constant 4 : i32
        %shift_left3A_194 = vector.broadcast %shift_left3A_193 : i32 to vector<16xi32>
        %shift_left3A_195 = arith.shli %and3A_192, %shift_left3A_194 : vector<16xi32>
        %or3A_196 = arith.ori %shift_left3A_195, %iota3A : vector<16xi32>
        %gather3A_197 = tpu.vector_load_idx %arg11[%or3A_196] : memref<4096xi32, #tpu.memory_space<vmem>>[vector<16xi32>], vector<16xi32>,
        %add3A_198 = arith.constant 1 : i32
        %add3A_199 = vector.broadcast %add3A_198 : i32 to vector<16xi32>
        %add3A_200 = arith.addi %gather3A_197, %add3A_199 : vector<16xi32>
        tpu.vector_store_idx %arg11[%or3A_196], %add3A_200 : memref<4096xi32, #tpu.memory_space<vmem>>[vector<16xi32>], vector<16xi32>,
        tpu.vector_store_idx %arg9[%gather3A_197], %get3A_186 : memref<4096xi32, #tpu.memory_space<vmem>>[vector<16xi32>], vector<16xi32>,
        %mul3A_201 = arith.constant 4 : i32
        %mul3A_202 = arith.muli %mul3A_201, %scan3A_152 : i32
        %add3A_203 = arith.constant 2 : i32
        %add3A_204 = arith.addi %mul3A_202, %add3A_203 : i32
        %mul3A_205 = arith.constant 16 : i32
        %mul3A_206 = arith.muli %add3A_204, %mul3A_205 : i32
        %get3A_207 = arith.index_cast %mul3A_206 : i32 to index
        %get3A_208 = tpu.vector_load %arg8[%get3A_207] {strides = array<i32>} : memref<4096xi32, #tpu.memory_space<vmem>>, vector<16xi32>,
        %mul3A_209 = arith.constant 16 : i32
        %mul3A_210 = arith.muli %add3A_204, %mul3A_209 : i32
        %get3A_211 = arith.index_cast %mul3A_210 : i32 to index
        %get3A_212 = tpu.vector_load %arg10[%get3A_211] {strides = array<i32>} : memref<4096xi32, #tpu.memory_space<vmem>>, vector<16xi32>,
        %shift_right_logical3A_213 = arith.constant 24 : i32
        %shift_right_logical3A_214 = vector.broadcast %shift_right_logical3A_213 : i32 to vector<16xi32>
        %shift_right_logical3A_215 = arith.shrui %get3A_208, %shift_right_logical3A_214 : vector<16xi32>
        %and3A_216 = arith.constant 255 : i32
        %and3A_217 = vector.broadcast %and3A_216 : i32 to vector<16xi32>
        %and3A_218 = arith.andi %shift_right_logical3A_215, %and3A_217 : vector<16xi32>
        %shift_left3A_219 = arith.constant 4 : i32
        %shift_left3A_220 = vector.broadcast %shift_left3A_219 : i32 to vector<16xi32>
        %shift_left3A_221 = arith.shli %and3A_218, %shift_left3A_220 : vector<16xi32>
        %or3A_222 = arith.ori %shift_left3A_221, %iota3A : vector<16xi32>
        %gather3A_223 = tpu.vector_load_idx %arg11[%or3A_222] : memref<4096xi32, #tpu.memory_space<vmem>>[vector<16xi32>], vector<16xi32>,
        %add3A_224 = arith.constant 1 : i32
        %add3A_225 = vector.broadcast %add3A_224 : i32 to vector<16xi32>
        %add3A_226 = arith.addi %gather3A_223, %add3A_225 : vector<16xi32>
        tpu.vector_store_idx %arg11[%or3A_222], %add3A_226 : memref<4096xi32, #tpu.memory_space<vmem>>[vector<16xi32>], vector<16xi32>,
        tpu.vector_store_idx %arg9[%gather3A_223], %get3A_212 : memref<4096xi32, #tpu.memory_space<vmem>>[vector<16xi32>], vector<16xi32>,
        %mul3A_227 = arith.constant 4 : i32
        %mul3A_228 = arith.muli %mul3A_227, %scan3A_152 : i32
        %add3A_229 = arith.constant 3 : i32
        %add3A_230 = arith.addi %mul3A_228, %add3A_229 : i32
        %mul3A_231 = arith.constant 16 : i32
        %mul3A_232 = arith.muli %add3A_230, %mul3A_231 : i32
        %get3A_233 = arith.index_cast %mul3A_232 : i32 to index
        %get3A_234 = tpu.vector_load %arg8[%get3A_233] {strides = array<i32>} : memref<4096xi32, #tpu.memory_space<vmem>>, vector<16xi32>,
        %mul3A_235 = arith.constant 16 : i32
        %mul3A_236 = arith.muli %add3A_230, %mul3A_235 : i32
        %get3A_237 = arith.index_cast %mul3A_236 : i32 to index
        %get3A_238 = tpu.vector_load %arg10[%get3A_237] {strides = array<i32>} : memref<4096xi32, #tpu.memory_space<vmem>>, vector<16xi32>,
        %shift_right_logical3A_239 = arith.constant 24 : i32
        %shift_right_logical3A_240 = vector.broadcast %shift_right_logical3A_239 : i32 to vector<16xi32>
        %shift_right_logical3A_241 = arith.shrui %get3A_234, %shift_right_logical3A_240 : vector<16xi32>
        %and3A_242 = arith.constant 255 : i32
        %and3A_243 = vector.broadcast %and3A_242 : i32 to vector<16xi32>
        %and3A_244 = arith.andi %shift_right_logical3A_241, %and3A_243 : vector<16xi32>
        %shift_left3A_245 = arith.constant 4 : i32
        %shift_left3A_246 = vector.broadcast %shift_left3A_245 : i32 to vector<16xi32>
        %shift_left3A_247 = arith.shli %and3A_244, %shift_left3A_246 : vector<16xi32>
        %or3A_248 = arith.ori %shift_left3A_247, %iota3A : vector<16xi32>
        %gather3A_249 = tpu.vector_load_idx %arg11[%or3A_248] : memref<4096xi32, #tpu.memory_space<vmem>>[vector<16xi32>], vector<16xi32>,
        %add3A_250 = arith.constant 1 : i32
        %add3A_251 = vector.broadcast %add3A_250 : i32 to vector<16xi32>
        %add3A_252 = arith.addi %gather3A_249, %add3A_251 : vector<16xi32>
        tpu.vector_store_idx %arg11[%or3A_248], %add3A_252 : memref<4096xi32, #tpu.memory_space<vmem>>[vector<16xi32>], vector<16xi32>,
        tpu.vector_store_idx %arg9[%gather3A_249], %get3A_238 : memref<4096xi32, #tpu.memory_space<vmem>>[vector<16xi32>], vector<16xi32>,
      }
      %scan3A_149 = arith.constant 64 : i32
      %mul3A_150 = arith.constant 4096 : i32
      %mul3A_151 = arith.muli %arg1, %mul3A_150 : i32
      "tpu.region"() ({
        %run_scoped3A = tpu.sem_alloc : memref<!tpu.dma_semaphore, #tpu.memory_space<semaphore_mem>>
        %dma_start3A = tpu.memref_slice %arg12[%mul3A_151] : memref<16384xi32, #tpu.memory_space<vmem_shared>> -> memref<4096xi32, #tpu.memory_space<vmem_shared>>
        %dma_start3A_152 = tpu.memref_slice %arg12[%mul3A_151] : memref<16384xi32, #tpu.memory_space<vmem_shared>> -> memref<4096xi32, #tpu.memory_space<vmem_shared>>
        tpu.enqueue_dma source(%arg9 : memref<4096xi32, #tpu.memory_space<vmem>>) target(%dma_start3A_152 : memref<4096xi32, #tpu.memory_space<vmem_shared>>) target_semaphore(%run_scoped3A : memref<!tpu.dma_semaphore, #tpu.memory_space<semaphore_mem>>)
        %dma_wait3A = tpu.memref_slice %arg12[%mul3A_151] : memref<16384xi32, #tpu.memory_space<vmem_shared>> -> memref<4096xi32, #tpu.memory_space<vmem_shared>>
        %dma_wait3A_153 = tpu.memref_slice %arg12[%mul3A_151] : memref<16384xi32, #tpu.memory_space<vmem_shared>> -> memref<4096xi32, #tpu.memory_space<vmem_shared>>
        tpu.wait_dma2 semaphore(%run_scoped3A : memref<!tpu.dma_semaphore, #tpu.memory_space<semaphore_mem>>) src(%arg9 : memref<4096xi32, #tpu.memory_space<vmem>>) dst(%dma_wait3A_153 : memref<4096xi32, #tpu.memory_space<vmem_shared>>)
        tpu.yield
      }) : () -> ()
    } else {
    }
    %barrier3A = arith.constant 0 : index
    tpu.barrier barrier_id(%barrier3A)
    %mul3A = arith.constant 2 : i32
    %mul3A_2 = arith.muli %arg1, %mul3A : i32
    %add3A = arith.addi %mul3A_2, %arg0 : i32
    %shift_right_logical3A = arith.constant 3 : i32
    %shift_right_logical3A_3 = arith.shrui %add3A, %shift_right_logical3A : i32
    %and3A = arith.constant 7 : i32
    %and3A_4 = arith.andi %add3A, %and3A : i32
    %mul3A_5 = arith.constant 4096 : i32
    %mul3A_6 = arith.muli %shift_right_logical3A_3, %mul3A_5 : i32
    "tpu.region"() ({
      %run_scoped3A = tpu.sem_alloc : memref<!tpu.dma_semaphore, #tpu.memory_space<semaphore_mem>>
      %dma_start3A = tpu.memref_slice %arg12[%mul3A_6] : memref<16384xi32, #tpu.memory_space<vmem_shared>> -> memref<4096xi32, #tpu.memory_space<vmem_shared>>
      %dma_start3A_35 = tpu.memref_slice %arg12[%mul3A_6] : memref<16384xi32, #tpu.memory_space<vmem_shared>> -> memref<4096xi32, #tpu.memory_space<vmem_shared>>
      tpu.enqueue_dma source(%dma_start3A_35 : memref<4096xi32, #tpu.memory_space<vmem_shared>>) target(%arg13 : memref<4096xi32, #tpu.memory_space<vmem>>) target_semaphore(%run_scoped3A : memref<!tpu.dma_semaphore, #tpu.memory_space<semaphore_mem>>)
      %dma_wait3A = tpu.memref_slice %arg12[%mul3A_6] : memref<16384xi32, #tpu.memory_space<vmem_shared>> -> memref<4096xi32, #tpu.memory_space<vmem_shared>>
      %dma_wait3A_36 = tpu.memref_slice %arg12[%mul3A_6] : memref<16384xi32, #tpu.memory_space<vmem_shared>> -> memref<4096xi32, #tpu.memory_space<vmem_shared>>
      tpu.wait_dma2 semaphore(%run_scoped3A : memref<!tpu.dma_semaphore, #tpu.memory_space<semaphore_mem>>) src(%dma_wait3A_36 : memref<4096xi32, #tpu.memory_space<vmem_shared>>) dst(%arg13 : memref<4096xi32, #tpu.memory_space<vmem>>)
      tpu.yield
    }) : () -> ()
    %mul3A_7 = arith.constant 29 : i32
    %mul3A_8 = arith.muli %and3A_4, %mul3A_7 : i32
    %add3A_9 = arith.constant 29 : i32
    %add3A_10 = arith.addi %mul3A_8, %add3A_9 : i32
    %min3A = arith.constant 230 : i32
    %min3A_11 = arith.minsi %add3A_10, %min3A : i32
    %sub3A = arith.subi %min3A_11, %mul3A_8 : i32
    %ge3A = arith.constant 1 : i32
    %ge3A_12 = arith.cmpi sge, %sub3A, %ge3A : i32
    %convert_element_type3A_13 = arith.extui %ge3A_12 : i1 to i32
    %cond3A_14 = arith.constant 0 : i32
    %cond3A_15 = arith.cmpi ne, %convert_element_type3A_13, %cond3A_14 : i32
    scf.if %cond3A_15 {
      %mul3A_35 = arith.constant 16 : i32
      %mul3A_36 = arith.muli %mul3A_8, %mul3A_35 : i32
      %add3A_37 = vector.broadcast %mul3A_36 : i32 to vector<16xi32>
      %add3A_38 = arith.addi %add3A_37, %iota3A : vector<16xi32>
      %gather3A = tpu.vector_load_idx %arg13[%add3A_38] : memref<4096xi32, #tpu.memory_space<vmem>>[vector<16xi32>], vector<16xi32>,
      %swap3A = arith.constant 0 : index
      %swap3A_39 = tpu.vector_load %arg14[%swap3A] {strides = array<i32>} : memref<16xi32, #tpu.memory_space<vmem>>, vector<16xi32>,
      tpu.vector_store %arg14[%swap3A], %gather3A {strides = array<i32>} : memref<16xi32, #tpu.memory_space<vmem>>, vector<16xi32>,
      %dma_start3A = arith.constant 0 : i32
      %dma_start3A_40 = arith.constant 0 : i32
      %dma_start3A_41 = tpu.memref_slice %arg2[%shift_right_logical3A_3, %dma_start3A, %dma_start3A_40] : memref<4x4096x2048xf32, #tpu.memory_space<hbm>> -> memref<1x4096x2048xf32, #tpu.memory_space<hbm>>
      %dma_start3A_42 = tpu.memref_squeeze %dma_start3A_41 : memref<1x4096x2048xf32, #tpu.memory_space<hbm>> -> memref<4096x2048xf32, #tpu.memory_space<hbm>>
      %dma_start3A_43 = arith.constant 0 : i32
      %dma_start3A_44 = arith.constant 0 : i32
      %dma_start3A_45 = tpu.memref_slice %dma_start3A_42[%dma_start3A_43, %dma_start3A_44] : memref<4096x2048xf32, #tpu.memory_space<hbm>> -> memref<4096x2048xf32, #tpu.memory_space<hbm>>
      tpu.enqueue_indirect_dma source(%dma_start3A_45 : memref<4096x2048xf32, #tpu.memory_space<hbm>>) target(%arg16 : memref<16x2048xf32, #tpu.memory_space<vmem>>) offsets(%arg14 : memref<16xi32, #tpu.memory_space<vmem>>) semaphore(%arg18 : memref<!tpu.dma_semaphore, #tpu.memory_space<semaphore_mem>>)
    } else {
    }
    %scan3A = arith.constant 0 : i32
    %scan3A_16 = arith.constant 0 : i32
    %scan3A_17 = arith.constant 15 : i32
    %scan3A_18 = arith.addi %scan3A_16, %scan3A_17 : i32
    %scan3A_19 = arith.constant 1 : i32
    scf.for %scan3A_35 = %scan3A_16 to %scan3A_18 step %scan3A_19  : i32 {
      %mul3A_36 = arith.constant 2 : i32
      %mul3A_37 = arith.muli %mul3A_36, %scan3A_35 : i32
      %add3A_38 = arith.addi %mul3A_8, %mul3A_37 : i32
      %add3A_39 = arith.constant 0 : i32
      %add3A_40 = arith.addi %add3A_38, %add3A_39 : i32
      %lt3A_41 = arith.cmpi slt, %add3A_40, %min3A_11 : i32
      %convert_element_type3A_42 = arith.extui %lt3A_41 : i1 to i32
      %cond3A_43 = arith.constant 0 : i32
      %cond3A_44 = arith.cmpi ne, %convert_element_type3A_42, %cond3A_43 : i32
      scf.if %cond3A_44 {
        %dma_wait3A = arith.constant 0 : i32
        %dma_wait3A_51 = arith.constant 0 : i32
        %dma_wait3A_52 = tpu.memref_slice %arg2[%shift_right_logical3A_3, %dma_wait3A, %dma_wait3A_51] : memref<4x4096x2048xf32, #tpu.memory_space<hbm>> -> memref<1x4096x2048xf32, #tpu.memory_space<hbm>>
        %dma_wait3A_53 = tpu.memref_squeeze %dma_wait3A_52 : memref<1x4096x2048xf32, #tpu.memory_space<hbm>> -> memref<4096x2048xf32, #tpu.memory_space<hbm>>
        %dma_wait3A_54 = arith.constant 0 : i32
        %dma_wait3A_55 = arith.constant 0 : i32
        %dma_wait3A_56 = tpu.memref_slice %dma_wait3A_53[%dma_wait3A_54, %dma_wait3A_55] : memref<4096x2048xf32, #tpu.memory_space<hbm>> -> memref<4096x2048xf32, #tpu.memory_space<hbm>>
        tpu.wait_indirect_dma semaphore(%arg18 : memref<!tpu.dma_semaphore, #tpu.memory_space<semaphore_mem>>) src(%dma_wait3A_56 : memref<4096x2048xf32, #tpu.memory_space<hbm>>) dst(%arg16 : memref<16x2048xf32, #tpu.memory_space<vmem>>)
        %add3A_57 = arith.constant 1 : i32
        %add3A_58 = arith.addi %add3A_40, %add3A_57 : i32
        %lt3A_59 = arith.cmpi slt, %add3A_58, %min3A_11 : i32
        %convert_element_type3A_60 = arith.extui %lt3A_59 : i1 to i32
        %cond3A_61 = arith.constant 0 : i32
        %cond3A_62 = arith.cmpi ne, %convert_element_type3A_60, %cond3A_61 : i32
        scf.if %cond3A_62 {
          %sub3A_302 = arith.subi %add3A_40, %mul3A_8 : i32
          %ge3A_303 = arith.constant 1 : i32
          %ge3A_304 = arith.cmpi sge, %sub3A_302, %ge3A_303 : i32
          %convert_element_type3A_305 = arith.extui %ge3A_304 : i1 to i32
          %cond3A_306 = arith.constant 0 : i32
          %cond3A_307 = arith.cmpi ne, %convert_element_type3A_305, %cond3A_306 : i32
          scf.if %cond3A_307 {
            %dma_wait3A_322 = arith.constant 0 : i32
            %dma_wait3A_323 = arith.constant 0 : i32
            %dma_wait3A_324 = arith.constant 0 : i32
            %dma_wait3A_325 = arith.constant 0 : i32
            %dma_wait3A_326 = tpu.memref_slice %arg17[%dma_wait3A_324, %dma_wait3A_325] : memref<16x2048xf32, #tpu.memory_space<vmem>> -> memref<16x128xf32, #tpu.memory_space<vmem>>
            %dma_wait3A_327 = arith.constant 0 : i32
            %dma_wait3A_328 = arith.constant 0 : i32
            %dma_wait3A_329 = tpu.memref_slice %arg4[%dma_wait3A_327, %dma_wait3A_322, %dma_wait3A_323, %dma_wait3A_328] : memref<3686x16x4x128xf32, #tpu.memory_space<hbm>> -> memref<16x1x1x128xf32, #tpu.memory_space<hbm>>
            %dma_wait3A_330 = tpu.memref_squeeze %dma_wait3A_329 : memref<16x1x1x128xf32, #tpu.memory_space<hbm>> -> memref<16x128xf32, #tpu.memory_space<hbm>>
            %dma_wait3A_331 = arith.constant 0 : i32
            %dma_wait3A_332 = arith.constant 0 : i32
            %dma_wait3A_333 = tpu.memref_slice %arg4[%dma_wait3A_331, %dma_wait3A_322, %dma_wait3A_323, %dma_wait3A_332] : memref<3686x16x4x128xf32, #tpu.memory_space<hbm>> -> memref<16x1x1x128xf32, #tpu.memory_space<hbm>>
            %dma_wait3A_334 = tpu.memref_squeeze %dma_wait3A_333 : memref<16x1x1x128xf32, #tpu.memory_space<hbm>> -> memref<16x128xf32, #tpu.memory_space<hbm>>
            %dma_wait3A_335 = arith.constant 0 : i32
            %dma_wait3A_336 = arith.constant 0 : i32
            %dma_wait3A_337 = tpu.memref_slice %arg17[%dma_wait3A_335, %dma_wait3A_336] : memref<16x2048xf32, #tpu.memory_space<vmem>> -> memref<16x128xf32, #tpu.memory_space<vmem>>
            tpu.wait_dma2 semaphore(%arg21 : memref<!tpu.dma_semaphore, #tpu.memory_space<semaphore_mem>>) src(%dma_wait3A_337 : memref<16x128xf32, #tpu.memory_space<vmem>>) dst(%dma_wait3A_334 : memref<16x128xf32, #tpu.memory_space<hbm>>)
            %dma_wait3A_338 = arith.constant 0 : i32
            %dma_wait3A_339 = arith.constant 0 : i32
            %dma_wait3A_340 = arith.constant 0 : i32
            %dma_wait3A_341 = arith.constant 0 : i32
            %dma_wait3A_342 = tpu.memref_slice %arg17[%dma_wait3A_340, %dma_wait3A_341] : memref<16x2048xf32, #tpu.memory_space<vmem>> -> memref<16x128xf32, #tpu.memory_space<vmem>>
            %dma_wait3A_343 = arith.constant 0 : i32
            %dma_wait3A_344 = arith.constant 0 : i32
            %dma_wait3A_345 = tpu.memref_slice %arg4[%dma_wait3A_343, %dma_wait3A_338, %dma_wait3A_339, %dma_wait3A_344] : memref<3686x16x4x128xf32, #tpu.memory_space<hbm>> -> memref<16x1x1x128xf32, #tpu.memory_space<hbm>>
            %dma_wait3A_346 = tpu.memref_squeeze %dma_wait3A_345 : memref<16x1x1x128xf32, #tpu.memory_space<hbm>> -> memref<16x128xf32, #tpu.memory_space<hbm>>
            %dma_wait3A_347 = arith.constant 0 : i32
            %dma_wait3A_348 = arith.constant 0 : i32
            %dma_wait3A_349 = tpu.memref_slice %arg4[%dma_wait3A_347, %dma_wait3A_338, %dma_wait3A_339, %dma_wait3A_348] : memref<3686x16x4x128xf32, #tpu.memory_space<hbm>> -> memref<16x1x1x128xf32, #tpu.memory_space<hbm>>
            %dma_wait3A_350 = tpu.memref_squeeze %dma_wait3A_349 : memref<16x1x1x128xf32, #tpu.memory_space<hbm>> -> memref<16x128xf32, #tpu.memory_space<hbm>>
            %dma_wait3A_351 = arith.constant 0 : i32
            %dma_wait3A_352 = arith.constant 0 : i32
            %dma_wait3A_353 = tpu.memref_slice %arg17[%dma_wait3A_351, %dma_wait3A_352] : memref<16x2048xf32, #tpu.memory_space<vmem>> -> memref<16x128xf32, #tpu.memory_space<vmem>>
            tpu.wait_dma2 semaphore(%arg21 : memref<!tpu.dma_semaphore, #tpu.memory_space<semaphore_mem>>) src(%dma_wait3A_353 : memref<16x128xf32, #tpu.memory_space<vmem>>) dst(%dma_wait3A_350 : memref<16x128xf32, #tpu.memory_space<hbm>>)
            %dma_wait3A_354 = arith.constant 0 : i32
            %dma_wait3A_355 = arith.constant 0 : i32
            %dma_wait3A_356 = arith.constant 0 : i32
            %dma_wait3A_357 = arith.constant 0 : i32
            %dma_wait3A_358 = tpu.memref_slice %arg17[%dma_wait3A_356, %dma_wait3A_357] : memref<16x2048xf32, #tpu.memory_space<vmem>> -> memref<16x128xf32, #tpu.memory_space<vmem>>
            %dma_wait3A_359 = arith.constant 0 : i32
            %dma_wait3A_360 = arith.constant 0 : i32
            %dma_wait3A_361 = tpu.memref_slice %arg4[%dma_wait3A_359, %dma_wait3A_354, %dma_wait3A_355, %dma_wait3A_360] : memref<3686x16x4x128xf32, #tpu.memory_space<hbm>> -> memref<16x1x1x128xf32, #tpu.memory_space<hbm>>
            %dma_wait3A_362 = tpu.memref_squeeze %dma_wait3A_361 : memref<16x1x1x128xf32, #tpu.memory_space<hbm>> -> memref<16x128xf32, #tpu.memory_space<hbm>>
            %dma_wait3A_363 = arith.constant 0 : i32
            %dma_wait3A_364 = arith.constant 0 : i32
            %dma_wait3A_365 = tpu.memref_slice %arg4[%dma_wait3A_363, %dma_wait3A_354, %dma_wait3A_355, %dma_wait3A_364] : memref<3686x16x4x128xf32, #tpu.memory_space<hbm>> -> memref<16x1x1x128xf32, #tpu.memory_space<hbm>>
            %dma_wait3A_366 = tpu.memref_squeeze %dma_wait3A_365 : memref<16x1x1x128xf32, #tpu.memory_space<hbm>> -> memref<16x128xf32, #tpu.memory_space<hbm>>
            %dma_wait3A_367 = arith.constant 0 : i32
            %dma_wait3A_368 = arith.constant 0 : i32
            %dma_wait3A_369 = tpu.memref_slice %arg17[%dma_wait3A_367, %dma_wait3A_368] : memref<16x2048xf32, #tpu.memory_space<vmem>> -> memref<16x128xf32, #tpu.memory_space<vmem>>
            tpu.wait_dma2 semaphore(%arg21 : memref<!tpu.dma_semaphore, #tpu.memory_space<semaphore_mem>>) src(%dma_wait3A_369 : memref<16x128xf32, #tpu.memory_space<vmem>>) dst(%dma_wait3A_366 : memref<16x128xf32, #tpu.memory_space<hbm>>)
            %dma_wait3A_370 = arith.constant 0 : i32
            %dma_wait3A_371 = arith.constant 0 : i32
            %dma_wait3A_372 = arith.constant 0 : i32
            %dma_wait3A_373 = arith.constant 0 : i32
            %dma_wait3A_374 = tpu.memref_slice %arg17[%dma_wait3A_372, %dma_wait3A_373] : memref<16x2048xf32, #tpu.memory_space<vmem>> -> memref<16x128xf32, #tpu.memory_space<vmem>>
            %dma_wait3A_375 = arith.constant 0 : i32
            %dma_wait3A_376 = arith.constant 0 : i32
            %dma_wait3A_377 = tpu.memref_slice %arg4[%dma_wait3A_375, %dma_wait3A_370, %dma_wait3A_371, %dma_wait3A_376] : memref<3686x16x4x128xf32, #tpu.memory_space<hbm>> -> memref<16x1x1x128xf32, #tpu.memory_space<hbm>>
            %dma_wait3A_378 = tpu.memref_squeeze %dma_wait3A_377 : memref<16x1x1x128xf32, #tpu.memory_space<hbm>> -> memref<16x128xf32, #tpu.memory_space<hbm>>
            %dma_wait3A_379 = arith.constant 0 : i32
            %dma_wait3A_380 = arith.constant 0 : i32
            %dma_wait3A_381 = tpu.memref_slice %arg4[%dma_wait3A_379, %dma_wait3A_370, %dma_wait3A_371, %dma_wait3A_380] : memref<3686x16x4x128xf32, #tpu.memory_space<hbm>> -> memref<16x1x1x128xf32, #tpu.memory_space<hbm>>
            %dma_wait3A_382 = tpu.memref_squeeze %dma_wait3A_381 : memref<16x1x1x128xf32, #tpu.memory_space<hbm>> -> memref<16x128xf32, #tpu.memory_space<hbm>>
            %dma_wait3A_383 = arith.constant 0 : i32
            %dma_wait3A_384 = arith.constant 0 : i32
            %dma_wait3A_385 = tpu.memref_slice %arg17[%dma_wait3A_383, %dma_wait3A_384] : memref<16x2048xf32, #tpu.memory_space<vmem>> -> memref<16x128xf32, #tpu.memory_space<vmem>>
            tpu.wait_dma2 semaphore(%arg21 : memref<!tpu.dma_semaphore, #tpu.memory_space<semaphore_mem>>) src(%dma_wait3A_385 : memref<16x128xf32, #tpu.memory_space<vmem>>) dst(%dma_wait3A_382 : memref<16x128xf32, #tpu.memory_space<hbm>>)
            %dma_wait3A_386 = arith.constant 0 : i32
            %dma_wait3A_387 = arith.constant 0 : i32
            %dma_wait3A_388 = arith.constant 0 : i32
            %dma_wait3A_389 = arith.constant 0 : i32
            %dma_wait3A_390 = tpu.memref_slice %arg17[%dma_wait3A_388, %dma_wait3A_389] : memref<16x2048xf32, #tpu.memory_space<vmem>> -> memref<16x128xf32, #tpu.memory_space<vmem>>
            %dma_wait3A_391 = arith.constant 0 : i32
            %dma_wait3A_392 = arith.constant 0 : i32
            %dma_wait3A_393 = tpu.memref_slice %arg4[%dma_wait3A_391, %dma_wait3A_386, %dma_wait3A_387, %dma_wait3A_392] : memref<3686x16x4x128xf32, #tpu.memory_space<hbm>> -> memref<16x1x1x128xf32, #tpu.memory_space<hbm>>
            %dma_wait3A_394 = tpu.memref_squeeze %dma_wait3A_393 : memref<16x1x1x128xf32, #tpu.memory_space<hbm>> -> memref<16x128xf32, #tpu.memory_space<hbm>>
            %dma_wait3A_395 = arith.constant 0 : i32
            %dma_wait3A_396 = arith.constant 0 : i32
            %dma_wait3A_397 = tpu.memref_slice %arg4[%dma_wait3A_395, %dma_wait3A_386, %dma_wait3A_387, %dma_wait3A_396] : memref<3686x16x4x128xf32, #tpu.memory_space<hbm>> -> memref<16x1x1x128xf32, #tpu.memory_space<hbm>>
            %dma_wait3A_398 = tpu.memref_squeeze %dma_wait3A_397 : memref<16x1x1x128xf32, #tpu.memory_space<hbm>> -> memref<16x128xf32, #tpu.memory_space<hbm>>
            %dma_wait3A_399 = arith.constant 0 : i32
            %dma_wait3A_400 = arith.constant 0 : i32
            %dma_wait3A_401 = tpu.memref_slice %arg17[%dma_wait3A_399, %dma_wait3A_400] : memref<16x2048xf32, #tpu.memory_space<vmem>> -> memref<16x128xf32, #tpu.memory_space<vmem>>
            tpu.wait_dma2 semaphore(%arg21 : memref<!tpu.dma_semaphore, #tpu.memory_space<semaphore_mem>>) src(%dma_wait3A_401 : memref<16x128xf32, #tpu.memory_space<vmem>>) dst(%dma_wait3A_398 : memref<16x128xf32, #tpu.memory_space<hbm>>)
            %dma_wait3A_402 = arith.constant 0 : i32
            %dma_wait3A_403 = arith.constant 0 : i32
            %dma_wait3A_404 = arith.constant 0 : i32
            %dma_wait3A_405 = arith.constant 0 : i32
            %dma_wait3A_406 = tpu.memref_slice %arg17[%dma_wait3A_404, %dma_wait3A_405] : memref<16x2048xf32, #tpu.memory_space<vmem>> -> memref<16x128xf32, #tpu.memory_space<vmem>>
            %dma_wait3A_407 = arith.constant 0 : i32
            %dma_wait3A_408 = arith.constant 0 : i32
            %dma_wait3A_409 = tpu.memref_slice %arg4[%dma_wait3A_407, %dma_wait3A_402, %dma_wait3A_403, %dma_wait3A_408] : memref<3686x16x4x128xf32, #tpu.memory_space<hbm>> -> memref<16x1x1x128xf32, #tpu.memory_space<hbm>>
            %dma_wait3A_410 = tpu.memref_squeeze %dma_wait3A_409 : memref<16x1x1x128xf32, #tpu.memory_space<hbm>> -> memref<16x128xf32, #tpu.memory_space<hbm>>
            %dma_wait3A_411 = arith.constant 0 : i32
            %dma_wait3A_412 = arith.constant 0 : i32
            %dma_wait3A_413 = tpu.memref_slice %arg4[%dma_wait3A_411, %dma_wait3A_402, %dma_wait3A_403, %dma_wait3A_412] : memref<3686x16x4x128xf32, #tpu.memory_space<hbm>> -> memref<16x1x1x128xf32, #tpu.memory_space<hbm>>
            %dma_wait3A_414 = tpu.memref_squeeze %dma_wait3A_413 : memref<16x1x1x128xf32, #tpu.memory_space<hbm>> -> memref<16x128xf32, #tpu.memory_space<hbm>>
            %dma_wait3A_415 = arith.constant 0 : i32
            %dma_wait3A_416 = arith.constant 0 : i32
            %dma_wait3A_417 = tpu.memref_slice %arg17[%dma_wait3A_415, %dma_wait3A_416] : memref<16x2048xf32, #tpu.memory_space<vmem>> -> memref<16x128xf32, #tpu.memory_space<vmem>>
            tpu.wait_dma2 semaphore(%arg21 : memref<!tpu.dma_semaphore, #tpu.memory_space<semaphore_mem>>) src(%dma_wait3A_417 : memref<16x128xf32, #tpu.memory_space<vmem>>) dst(%dma_wait3A_414 : memref<16x128xf32, #tpu.memory_space<hbm>>)
            %dma_wait3A_418 = arith.constant 0 : i32
            %dma_wait3A_419 = arith.constant 0 : i32
            %dma_wait3A_420 = arith.constant 0 : i32
            %dma_wait3A_421 = arith.constant 0 : i32
            %dma_wait3A_422 = tpu.memref_slice %arg17[%dma_wait3A_420, %dma_wait3A_421] : memref<16x2048xf32, #tpu.memory_space<vmem>> -> memref<16x128xf32, #tpu.memory_space<vmem>>
            %dma_wait3A_423 = arith.constant 0 : i32
            %dma_wait3A_424 = arith.constant 0 : i32
            %dma_wait3A_425 = tpu.memref_slice %arg4[%dma_wait3A_423, %dma_wait3A_418, %dma_wait3A_419, %dma_wait3A_424] : memref<3686x16x4x128xf32, #tpu.memory_space<hbm>> -> memref<16x1x1x128xf32, #tpu.memory_space<hbm>>
            %dma_wait3A_426 = tpu.memref_squeeze %dma_wait3A_425 : memref<16x1x1x128xf32, #tpu.memory_space<hbm>> -> memref<16x128xf32, #tpu.memory_space<hbm>>
            %dma_wait3A_427 = arith.constant 0 : i32
            %dma_wait3A_428 = arith.constant 0 : i32
            %dma_wait3A_429 = tpu.memref_slice %arg4[%dma_wait3A_427, %dma_wait3A_418, %dma_wait3A_419, %dma_wait3A_428] : memref<3686x16x4x128xf32, #tpu.memory_space<hbm>> -> memref<16x1x1x128xf32, #tpu.memory_space<hbm>>
            %dma_wait3A_430 = tpu.memref_squeeze %dma_wait3A_429 : memref<16x1x1x128xf32, #tpu.memory_space<hbm>> -> memref<16x128xf32, #tpu.memory_space<hbm>>
            %dma_wait3A_431 = arith.constant 0 : i32
            %dma_wait3A_432 = arith.constant 0 : i32
            %dma_wait3A_433 = tpu.memref_slice %arg17[%dma_wait3A_431, %dma_wait3A_432] : memref<16x2048xf32, #tpu.memory_space<vmem>> -> memref<16x128xf32, #tpu.memory_space<vmem>>
            tpu.wait_dma2 semaphore(%arg21 : memref<!tpu.dma_semaphore, #tpu.memory_space<semaphore_mem>>) src(%dma_wait3A_433 : memref<16x128xf32, #tpu.memory_space<vmem>>) dst(%dma_wait3A_430 : memref<16x128xf32, #tpu.memory_space<hbm>>)
            %dma_wait3A_434 = arith.constant 0 : i32
            %dma_wait3A_435 = arith.constant 0 : i32
            %dma_wait3A_436 = arith.constant 0 : i32
            %dma_wait3A_437 = arith.constant 0 : i32
            %dma_wait3A_438 = tpu.memref_slice %arg17[%dma_wait3A_436, %dma_wait3A_437] : memref<16x2048xf32, #tpu.memory_space<vmem>> -> memref<16x128xf32, #tpu.memory_space<vmem>>
            %dma_wait3A_439 = arith.constant 0 : i32
            %dma_wait3A_440 = arith.constant 0 : i32
            %dma_wait3A_441 = tpu.memref_slice %arg4[%dma_wait3A_439, %dma_wait3A_434, %dma_wait3A_435, %dma_wait3A_440] : memref<3686x16x4x128xf32, #tpu.memory_space<hbm>> -> memref<16x1x1x128xf32, #tpu.memory_space<hbm>>
            %dma_wait3A_442 = tpu.memref_squeeze %dma_wait3A_441 : memref<16x1x1x128xf32, #tpu.memory_space<hbm>> -> memref<16x128xf32, #tpu.memory_space<hbm>>
            %dma_wait3A_443 = arith.constant 0 : i32
            %dma_wait3A_444 = arith.constant 0 : i32
            %dma_wait3A_445 = tpu.memref_slice %arg4[%dma_wait3A_443, %dma_wait3A_434, %dma_wait3A_435, %dma_wait3A_444] : memref<3686x16x4x128xf32, #tpu.memory_space<hbm>> -> memref<16x1x1x128xf32, #tpu.memory_space<hbm>>
            %dma_wait3A_446 = tpu.memref_squeeze %dma_wait3A_445 : memref<16x1x1x128xf32, #tpu.memory_space<hbm>> -> memref<16x128xf32, #tpu.memory_space<hbm>>
            %dma_wait3A_447 = arith.constant 0 : i32
            %dma_wait3A_448 = arith.constant 0 : i32
            %dma_wait3A_449 = tpu.memref_slice %arg17[%dma_wait3A_447, %dma_wait3A_448] : memref<16x2048xf32, #tpu.memory_space<vmem>> -> memref<16x128xf32, #tpu.memory_space<vmem>>
            tpu.wait_dma2 semaphore(%arg21 : memref<!tpu.dma_semaphore, #tpu.memory_space<semaphore_mem>>) src(%dma_wait3A_449 : memref<16x128xf32, #tpu.memory_space<vmem>>) dst(%dma_wait3A_446 : memref<16x128xf32, #tpu.memory_space<hbm>>)
            %dma_wait3A_450 = arith.constant 0 : i32
            %dma_wait3A_451 = arith.constant 0 : i32
            %dma_wait3A_452 = arith.constant 0 : i32
            %dma_wait3A_453 = arith.constant 0 : i32
            %dma_wait3A_454 = tpu.memref_slice %arg17[%dma_wait3A_452, %dma_wait3A_453] : memref<16x2048xf32, #tpu.memory_space<vmem>> -> memref<16x128xf32, #tpu.memory_space<vmem>>
            %dma_wait3A_455 = arith.constant 0 : i32
            %dma_wait3A_456 = arith.constant 0 : i32
            %dma_wait3A_457 = tpu.memref_slice %arg4[%dma_wait3A_455, %dma_wait3A_450, %dma_wait3A_451, %dma_wait3A_456] : memref<3686x16x4x128xf32, #tpu.memory_space<hbm>> -> memref<16x1x1x128xf32, #tpu.memory_space<hbm>>
            %dma_wait3A_458 = tpu.memref_squeeze %dma_wait3A_457 : memref<16x1x1x128xf32, #tpu.memory_space<hbm>> -> memref<16x128xf32, #tpu.memory_space<hbm>>
            %dma_wait3A_459 = arith.constant 0 : i32
            %dma_wait3A_460 = arith.constant 0 : i32
            %dma_wait3A_461 = tpu.memref_slice %arg4[%dma_wait3A_459, %dma_wait3A_450, %dma_wait3A_451, %dma_wait3A_460] : memref<3686x16x4x128xf32, #tpu.memory_space<hbm>> -> memref<16x1x1x128xf32, #tpu.memory_space<hbm>>
            %dma_wait3A_462 = tpu.memref_squeeze %dma_wait3A_461 : memref<16x1x1x128xf32, #tpu.memory_space<hbm>> -> memref<16x128xf32, #tpu.memory_space<hbm>>
            %dma_wait3A_463 = arith.constant 0 : i32
            %dma_wait3A_464 = arith.constant 0 : i32
            %dma_wait3A_465 = tpu.memref_slice %arg17[%dma_wait3A_463, %dma_wait3A_464] : memref<16x2048xf32, #tpu.memory_space<vmem>> -> memref<16x128xf32, #tpu.memory_space<vmem>>
            tpu.wait_dma2 semaphore(%arg21 : memref<!tpu.dma_semaphore, #tpu.memory_space<semaphore_mem>>) src(%dma_wait3A_465 : memref<16x128xf32, #tpu.memory_space<vmem>>) dst(%dma_wait3A_462 : memref<16x128xf32, #tpu.memory_space<hbm>>)
            %dma_wait3A_466 = arith.constant 0 : i32
            %dma_wait3A_467 = arith.constant 0 : i32
            %dma_wait3A_468 = arith.constant 0 : i32
            %dma_wait3A_469 = arith.constant 0 : i32
            %dma_wait3A_470 = tpu.memref_slice %arg17[%dma_wait3A_468, %dma_wait3A_469] : memref<16x2048xf32, #tpu.memory_space<vmem>> -> memref<16x128xf32, #tpu.memory_space<vmem>>
            %dma_wait3A_471 = arith.constant 0 : i32
            %dma_wait3A_472 = arith.constant 0 : i32
            %dma_wait3A_473 = tpu.memref_slice %arg4[%dma_wait3A_471, %dma_wait3A_466, %dma_wait3A_467, %dma_wait3A_472] : memref<3686x16x4x128xf32, #tpu.memory_space<hbm>> -> memref<16x1x1x128xf32, #tpu.memory_space<hbm>>
            %dma_wait3A_474 = tpu.memref_squeeze %dma_wait3A_473 : memref<16x1x1x128xf32, #tpu.memory_space<hbm>> -> memref<16x128xf32, #tpu.memory_space<hbm>>
            %dma_wait3A_475 = arith.constant 0 : i32
            %dma_wait3A_476 = arith.constant 0 : i32
            %dma_wait3A_477 = tpu.memref_slice %arg4[%dma_wait3A_475, %dma_wait3A_466, %dma_wait3A_467, %dma_wait3A_476] : memref<3686x16x4x128xf32, #tpu.memory_space<hbm>> -> memref<16x1x1x128xf32, #tpu.memory_space<hbm>>
            %dma_wait3A_478 = tpu.memref_squeeze %dma_wait3A_477 : memref<16x1x1x128xf32, #tpu.memory_space<hbm>> -> memref<16x128xf32, #tpu.memory_space<hbm>>
            %dma_wait3A_479 = arith.constant 0 : i32
            %dma_wait3A_480 = arith.constant 0 : i32
            %dma_wait3A_481 = tpu.memref_slice %arg17[%dma_wait3A_479, %dma_wait3A_480] : memref<16x2048xf32, #tpu.memory_space<vmem>> -> memref<16x128xf32, #tpu.memory_space<vmem>>
            tpu.wait_dma2 semaphore(%arg21 : memref<!tpu.dma_semaphore, #tpu.memory_space<semaphore_mem>>) src(%dma_wait3A_481 : memref<16x128xf32, #tpu.memory_space<vmem>>) dst(%dma_wait3A_478 : memref<16x128xf32, #tpu.memory_space<hbm>>)
            %dma_wait3A_482 = arith.constant 0 : i32
            %dma_wait3A_483 = arith.constant 0 : i32
            %dma_wait3A_484 = arith.constant 0 : i32
            %dma_wait3A_485 = arith.constant 0 : i32
            %dma_wait3A_486 = tpu.memref_slice %arg17[%dma_wait3A_484, %dma_wait3A_485] : memref<16x2048xf32, #tpu.memory_space<vmem>> -> memref<16x128xf32, #tpu.memory_space<vmem>>
            %dma_wait3A_487 = arith.constant 0 : i32
            %dma_wait3A_488 = arith.constant 0 : i32
            %dma_wait3A_489 = tpu.memref_slice %arg4[%dma_wait3A_487, %dma_wait3A_482, %dma_wait3A_483, %dma_wait3A_488] : memref<3686x16x4x128xf32, #tpu.memory_space<hbm>> -> memref<16x1x1x128xf32, #tpu.memory_space<hbm>>
            %dma_wait3A_490 = tpu.memref_squeeze %dma_wait3A_489 : memref<16x1x1x128xf32, #tpu.memory_space<hbm>> -> memref<16x128xf32, #tpu.memory_space<hbm>>
            %dma_wait3A_491 = arith.constant 0 : i32
            %dma_wait3A_492 = arith.constant 0 : i32
            %dma_wait3A_493 = tpu.memref_slice %arg4[%dma_wait3A_491, %dma_wait3A_482, %dma_wait3A_483, %dma_wait3A_492] : memref<3686x16x4x128xf32, #tpu.memory_space<hbm>> -> memref<16x1x1x128xf32, #tpu.memory_space<hbm>>
            %dma_wait3A_494 = tpu.memref_squeeze %dma_wait3A_493 : memref<16x1x1x128xf32, #tpu.memory_space<hbm>> -> memref<16x128xf32, #tpu.memory_space<hbm>>
            %dma_wait3A_495 = arith.constant 0 : i32
            %dma_wait3A_496 = arith.constant 0 : i32
            %dma_wait3A_497 = tpu.memref_slice %arg17[%dma_wait3A_495, %dma_wait3A_496] : memref<16x2048xf32, #tpu.memory_space<vmem>> -> memref<16x128xf32, #tpu.memory_space<vmem>>
            tpu.wait_dma2 semaphore(%arg21 : memref<!tpu.dma_semaphore, #tpu.memory_space<semaphore_mem>>) src(%dma_wait3A_497 : memref<16x128xf32, #tpu.memory_space<vmem>>) dst(%dma_wait3A_494 : memref<16x128xf32, #tpu.memory_space<hbm>>)
            %dma_wait3A_498 = arith.constant 0 : i32
            %dma_wait3A_499 = arith.constant 0 : i32
            %dma_wait3A_500 = arith.constant 0 : i32
            %dma_wait3A_501 = arith.constant 0 : i32
            %dma_wait3A_502 = tpu.memref_slice %arg17[%dma_wait3A_500, %dma_wait3A_501] : memref<16x2048xf32, #tpu.memory_space<vmem>> -> memref<16x128xf32, #tpu.memory_space<vmem>>
            %dma_wait3A_503 = arith.constant 0 : i32
            %dma_wait3A_504 = arith.constant 0 : i32
            %dma_wait3A_505 = tpu.memref_slice %arg4[%dma_wait3A_503, %dma_wait3A_498, %dma_wait3A_499, %dma_wait3A_504] : memref<3686x16x4x128xf32, #tpu.memory_space<hbm>> -> memref<16x1x1x128xf32, #tpu.memory_space<hbm>>
            %dma_wait3A_506 = tpu.memref_squeeze %dma_wait3A_505 : memref<16x1x1x128xf32, #tpu.memory_space<hbm>> -> memref<16x128xf32, #tpu.memory_space<hbm>>
            %dma_wait3A_507 = arith.constant 0 : i32
            %dma_wait3A_508 = arith.constant 0 : i32
            %dma_wait3A_509 = tpu.memref_slice %arg4[%dma_wait3A_507, %dma_wait3A_498, %dma_wait3A_499, %dma_wait3A_508] : memref<3686x16x4x128xf32, #tpu.memory_space<hbm>> -> memref<16x1x1x128xf32, #tpu.memory_space<hbm>>
            %dma_wait3A_510 = tpu.memref_squeeze %dma_wait3A_509 : memref<16x1x1x128xf32, #tpu.memory_space<hbm>> -> memref<16x128xf32, #tpu.memory_space<hbm>>
            %dma_wait3A_511 = arith.constant 0 : i32
            %dma_wait3A_512 = arith.constant 0 : i32
            %dma_wait3A_513 = tpu.memref_slice %arg17[%dma_wait3A_511, %dma_wait3A_512] : memref<16x2048xf32, #tpu.memory_space<vmem>> -> memref<16x128xf32, #tpu.memory_space<vmem>>
            tpu.wait_dma2 semaphore(%arg21 : memref<!tpu.dma_semaphore, #tpu.memory_space<semaphore_mem>>) src(%dma_wait3A_513 : memref<16x128xf32, #tpu.memory_space<vmem>>) dst(%dma_wait3A_510 : memref<16x128xf32, #tpu.memory_space<hbm>>)
            %dma_wait3A_514 = arith.constant 0 : i32
            %dma_wait3A_515 = arith.constant 0 : i32
            %dma_wait3A_516 = arith.constant 0 : i32
            %dma_wait3A_517 = arith.constant 0 : i32
            %dma_wait3A_518 = tpu.memref_slice %arg17[%dma_wait3A_516, %dma_wait3A_517] : memref<16x2048xf32, #tpu.memory_space<vmem>> -> memref<16x128xf32, #tpu.memory_space<vmem>>
            %dma_wait3A_519 = arith.constant 0 : i32
            %dma_wait3A_520 = arith.constant 0 : i32
            %dma_wait3A_521 = tpu.memref_slice %arg4[%dma_wait3A_519, %dma_wait3A_514, %dma_wait3A_515, %dma_wait3A_520] : memref<3686x16x4x128xf32, #tpu.memory_space<hbm>> -> memref<16x1x1x128xf32, #tpu.memory_space<hbm>>
            %dma_wait3A_522 = tpu.memref_squeeze %dma_wait3A_521 : memref<16x1x1x128xf32, #tpu.memory_space<hbm>> -> memref<16x128xf32, #tpu.memory_space<hbm>>
            %dma_wait3A_523 = arith.constant 0 : i32
            %dma_wait3A_524 = arith.constant 0 : i32
            %dma_wait3A_525 = tpu.memref_slice %arg4[%dma_wait3A_523, %dma_wait3A_514, %dma_wait3A_515, %dma_wait3A_524] : memref<3686x16x4x128xf32, #tpu.memory_space<hbm>> -> memref<16x1x1x128xf32, #tpu.memory_space<hbm>>
            %dma_wait3A_526 = tpu.memref_squeeze %dma_wait3A_525 : memref<16x1x1x128xf32, #tpu.memory_space<hbm>> -> memref<16x128xf32, #tpu.memory_space<hbm>>
            %dma_wait3A_527 = arith.constant 0 : i32
            %dma_wait3A_528 = arith.constant 0 : i32
            %dma_wait3A_529 = tpu.memref_slice %arg17[%dma_wait3A_527, %dma_wait3A_528] : memref<16x2048xf32, #tpu.memory_space<vmem>> -> memref<16x128xf32, #tpu.memory_space<vmem>>
            tpu.wait_dma2 semaphore(%arg21 : memref<!tpu.dma_semaphore, #tpu.memory_space<semaphore_mem>>) src(%dma_wait3A_529 : memref<16x128xf32, #tpu.memory_space<vmem>>) dst(%dma_wait3A_526 : memref<16x128xf32, #tpu.memory_space<hbm>>)
            %dma_wait3A_530 = arith.constant 0 : i32
            %dma_wait3A_531 = arith.constant 0 : i32
            %dma_wait3A_532 = arith.constant 0 : i32
            %dma_wait3A_533 = arith.constant 0 : i32
            %dma_wait3A_534 = tpu.memref_slice %arg17[%dma_wait3A_532, %dma_wait3A_533] : memref<16x2048xf32, #tpu.memory_space<vmem>> -> memref<16x128xf32, #tpu.memory_space<vmem>>
            %dma_wait3A_535 = arith.constant 0 : i32
            %dma_wait3A_536 = arith.constant 0 : i32
            %dma_wait3A_537 = tpu.memref_slice %arg4[%dma_wait3A_535, %dma_wait3A_530, %dma_wait3A_531, %dma_wait3A_536] : memref<3686x16x4x128xf32, #tpu.memory_space<hbm>> -> memref<16x1x1x128xf32, #tpu.memory_space<hbm>>
            %dma_wait3A_538 = tpu.memref_squeeze %dma_wait3A_537 : memref<16x1x1x128xf32, #tpu.memory_space<hbm>> -> memref<16x128xf32, #tpu.memory_space<hbm>>
            %dma_wait3A_539 = arith.constant 0 : i32
            %dma_wait3A_540 = arith.constant 0 : i32
            %dma_wait3A_541 = tpu.memref_slice %arg4[%dma_wait3A_539, %dma_wait3A_530, %dma_wait3A_531, %dma_wait3A_540] : memref<3686x16x4x128xf32, #tpu.memory_space<hbm>> -> memref<16x1x1x128xf32, #tpu.memory_space<hbm>>
            %dma_wait3A_542 = tpu.memref_squeeze %dma_wait3A_541 : memref<16x1x1x128xf32, #tpu.memory_space<hbm>> -> memref<16x128xf32, #tpu.memory_space<hbm>>
            %dma_wait3A_543 = arith.constant 0 : i32
            %dma_wait3A_544 = arith.constant 0 : i32
            %dma_wait3A_545 = tpu.memref_slice %arg17[%dma_wait3A_543, %dma_wait3A_544] : memref<16x2048xf32, #tpu.memory_space<vmem>> -> memref<16x128xf32, #tpu.memory_space<vmem>>
            tpu.wait_dma2 semaphore(%arg21 : memref<!tpu.dma_semaphore, #tpu.memory_space<semaphore_mem>>) src(%dma_wait3A_545 : memref<16x128xf32, #tpu.memory_space<vmem>>) dst(%dma_wait3A_542 : memref<16x128xf32, #tpu.memory_space<hbm>>)
            %dma_wait3A_546 = arith.constant 0 : i32
            %dma_wait3A_547 = arith.constant 0 : i32
            %dma_wait3A_548 = arith.constant 0 : i32
            %dma_wait3A_549 = arith.constant 0 : i32
            %dma_wait3A_550 = tpu.memref_slice %arg17[%dma_wait3A_548, %dma_wait3A_549] : memref<16x2048xf32, #tpu.memory_space<vmem>> -> memref<16x128xf32, #tpu.memory_space<vmem>>
            %dma_wait3A_551 = arith.constant 0 : i32
            %dma_wait3A_552 = arith.constant 0 : i32
            %dma_wait3A_553 = tpu.memref_slice %arg4[%dma_wait3A_551, %dma_wait3A_546, %dma_wait3A_547, %dma_wait3A_552] : memref<3686x16x4x128xf32, #tpu.memory_space<hbm>> -> memref<16x1x1x128xf32, #tpu.memory_space<hbm>>
            %dma_wait3A_554 = tpu.memref_squeeze %dma_wait3A_553 : memref<16x1x1x128xf32, #tpu.memory_space<hbm>> -> memref<16x128xf32, #tpu.memory_space<hbm>>
            %dma_wait3A_555 = arith.constant 0 : i32
            %dma_wait3A_556 = arith.constant 0 : i32
            %dma_wait3A_557 = tpu.memref_slice %arg4[%dma_wait3A_555, %dma_wait3A_546, %dma_wait3A_547, %dma_wait3A_556] : memref<3686x16x4x128xf32, #tpu.memory_space<hbm>> -> memref<16x1x1x128xf32, #tpu.memory_space<hbm>>
            %dma_wait3A_558 = tpu.memref_squeeze %dma_wait3A_557 : memref<16x1x1x128xf32, #tpu.memory_space<hbm>> -> memref<16x128xf32, #tpu.memory_space<hbm>>
            %dma_wait3A_559 = arith.constant 0 : i32
            %dma_wait3A_560 = arith.constant 0 : i32
            %dma_wait3A_561 = tpu.memref_slice %arg17[%dma_wait3A_559, %dma_wait3A_560] : memref<16x2048xf32, #tpu.memory_space<vmem>> -> memref<16x128xf32, #tpu.memory_space<vmem>>
            tpu.wait_dma2 semaphore(%arg21 : memref<!tpu.dma_semaphore, #tpu.memory_space<semaphore_mem>>) src(%dma_wait3A_561 : memref<16x128xf32, #tpu.memory_space<vmem>>) dst(%dma_wait3A_558 : memref<16x128xf32, #tpu.memory_space<hbm>>)
            %dma_wait3A_562 = arith.constant 0 : i32
            %dma_wait3A_563 = arith.constant 0 : i32
            %dma_wait3A_564 = arith.constant 0 : i32
            %dma_wait3A_565 = arith.constant 0 : i32
            %dma_wait3A_566 = tpu.memref_slice %arg17[%dma_wait3A_564, %dma_wait3A_565] : memref<16x2048xf32, #tpu.memory_space<vmem>> -> memref<16x128xf32, #tpu.memory_space<vmem>>
            %dma_wait3A_567 = arith.constant 0 : i32
            %dma_wait3A_568 = arith.constant 0 : i32
            %dma_wait3A_569 = tpu.memref_slice %arg4[%dma_wait3A_567, %dma_wait3A_562, %dma_wait3A_563, %dma_wait3A_568] : memref<3686x16x4x128xf32, #tpu.memory_space<hbm>> -> memref<16x1x1x128xf32, #tpu.memory_space<hbm>>
            %dma_wait3A_570 = tpu.memref_squeeze %dma_wait3A_569 : memref<16x1x1x128xf32, #tpu.memory_space<hbm>> -> memref<16x128xf32, #tpu.memory_space<hbm>>
            %dma_wait3A_571 = arith.constant 0 : i32
            %dma_wait3A_572 = arith.constant 0 : i32
            %dma_wait3A_573 = tpu.memref_slice %arg4[%dma_wait3A_571, %dma_wait3A_562, %dma_wait3A_563, %dma_wait3A_572] : memref<3686x16x4x128xf32, #tpu.memory_space<hbm>> -> memref<16x1x1x128xf32, #tpu.memory_space<hbm>>
            %dma_wait3A_574 = tpu.memref_squeeze %dma_wait3A_573 : memref<16x1x1x128xf32, #tpu.memory_space<hbm>> -> memref<16x128xf32, #tpu.memory_space<hbm>>
            %dma_wait3A_575 = arith.constant 0 : i32
            %dma_wait3A_576 = arith.constant 0 : i32
            %dma_wait3A_577 = tpu.memref_slice %arg17[%dma_wait3A_575, %dma_wait3A_576] : memref<16x2048xf32, #tpu.memory_space<vmem>> -> memref<16x128xf32, #tpu.memory_space<vmem>>
            tpu.wait_dma2 semaphore(%arg21 : memref<!tpu.dma_semaphore, #tpu.memory_space<semaphore_mem>>) src(%dma_wait3A_577 : memref<16x128xf32, #tpu.memory_space<vmem>>) dst(%dma_wait3A_574 : memref<16x128xf32, #tpu.memory_space<hbm>>)
          } else {
          }
          %add3A_308 = arith.constant 1 : i32
          %add3A_309 = arith.addi %add3A_40, %add3A_308 : i32
          %mul3A_310 = arith.constant 16 : i32
          %mul3A_311 = arith.muli %add3A_309, %mul3A_310 : i32
          %add3A_312 = vector.broadcast %mul3A_311 : i32 to vector<16xi32>
          %add3A_313 = arith.addi %add3A_312, %iota3A : vector<16xi32>
          %gather3A = tpu.vector_load_idx %arg13[%add3A_313] : memref<4096xi32, #tpu.memory_space<vmem>>[vector<16xi32>], vector<16xi32>,
          %swap3A = arith.constant 0 : index
          %swap3A_314 = tpu.vector_load %arg15[%swap3A] {strides = array<i32>} : memref<16xi32, #tpu.memory_space<vmem>>, vector<16xi32>,
          tpu.vector_store %arg15[%swap3A], %gather3A {strides = array<i32>} : memref<16xi32, #tpu.memory_space<vmem>>, vector<16xi32>,
          %dma_start3A_315 = arith.constant 0 : i32
          %dma_start3A_316 = arith.constant 0 : i32
          %dma_start3A_317 = tpu.memref_slice %arg2[%shift_right_logical3A_3, %dma_start3A_315, %dma_start3A_316] : memref<4x4096x2048xf32, #tpu.memory_space<hbm>> -> memref<1x4096x2048xf32, #tpu.memory_space<hbm>>
          %dma_start3A_318 = tpu.memref_squeeze %dma_start3A_317 : memref<1x4096x2048xf32, #tpu.memory_space<hbm>> -> memref<4096x2048xf32, #tpu.memory_space<hbm>>
          %dma_start3A_319 = arith.constant 0 : i32
          %dma_start3A_320 = arith.constant 0 : i32
          %dma_start3A_321 = tpu.memref_slice %dma_start3A_318[%dma_start3A_319, %dma_start3A_320] : memref<4096x2048xf32, #tpu.memory_space<hbm>> -> memref<4096x2048xf32, #tpu.memory_space<hbm>>
          tpu.enqueue_indirect_dma source(%dma_start3A_321 : memref<4096x2048xf32, #tpu.memory_space<hbm>>) target(%arg17 : memref<16x2048xf32, #tpu.memory_space<vmem>>) offsets(%arg15 : memref<16xi32, #tpu.memory_space<vmem>>) semaphore(%arg19 : memref<!tpu.dma_semaphore, #tpu.memory_space<semaphore_mem>>)
        } else {
        }
        %mul3A_63 = arith.constant 16 : i32
        %mul3A_64 = arith.muli %add3A_40, %mul3A_63 : i32
        %dma_start3A = arith.constant 0 : i32
        %dma_start3A_65 = arith.constant 0 : i32
        %dma_start3A_66 = arith.constant 0 : i32
        %dma_start3A_67 = tpu.memref_slice %arg16[%dma_start3A_65, %dma_start3A_66] : memref<16x2048xf32, #tpu.memory_space<vmem>> -> memref<16x128xf32, #tpu.memory_space<vmem>>
        %dma_start3A_68 = arith.constant 0 : i32
        %dma_start3A_69 = tpu.memref_slice %arg4[%mul3A_64, %dma_start3A, %shift_right_logical3A_3, %dma_start3A_68] : memref<3686x16x4x128xf32, #tpu.memory_space<hbm>> -> memref<16x1x1x128xf32, #tpu.memory_space<hbm>>
        %dma_start3A_70 = tpu.memref_squeeze %dma_start3A_69 : memref<16x1x1x128xf32, #tpu.memory_space<hbm>> -> memref<16x128xf32, #tpu.memory_space<hbm>>
        %dma_start3A_71 = arith.constant 0 : i32
        %dma_start3A_72 = tpu.memref_slice %arg4[%mul3A_64, %dma_start3A, %shift_right_logical3A_3, %dma_start3A_71] : memref<3686x16x4x128xf32, #tpu.memory_space<hbm>> -> memref<16x1x1x128xf32, #tpu.memory_space<hbm>>
        %dma_start3A_73 = tpu.memref_squeeze %dma_start3A_72 : memref<16x1x1x128xf32, #tpu.memory_space<hbm>> -> memref<16x128xf32, #tpu.memory_space<hbm>>
        %dma_start3A_74 = arith.constant 0 : i32
        %dma_start3A_75 = arith.constant 0 : i32
        %dma_start3A_76 = tpu.memref_slice %arg16[%dma_start3A_74, %dma_start3A_75] : memref<16x2048xf32, #tpu.memory_space<vmem>> -> memref<16x128xf32, #tpu.memory_space<vmem>>
        tpu.enqueue_dma source(%dma_start3A_76 : memref<16x128xf32, #tpu.memory_space<vmem>>) target(%dma_start3A_73 : memref<16x128xf32, #tpu.memory_space<hbm>>) target_semaphore(%arg20 : memref<!tpu.dma_semaphore, #tpu.memory_space<semaphore_mem>>)
        %mul3A_77 = arith.constant 16 : i32
        %mul3A_78 = arith.muli %add3A_40, %mul3A_77 : i32
        %dma_start3A_79 = arith.constant 1 : i32
        %dma_start3A_80 = arith.constant 0 : i32
        %dma_start3A_81 = arith.constant 128 : i32
        %dma_start3A_82 = tpu.memref_slice %arg16[%dma_start3A_80, %dma_start3A_81] : memref<16x2048xf32, #tpu.memory_space<vmem>> -> memref<16x128xf32, #tpu.memory_space<vmem>>
        %dma_start3A_83 = arith.constant 0 : i32
        %dma_start3A_84 = tpu.memref_slice %arg4[%mul3A_78, %dma_start3A_79, %shift_right_logical3A_3, %dma_start3A_83] : memref<3686x16x4x128xf32, #tpu.memory_space<hbm>> -> memref<16x1x1x128xf32, #tpu.memory_space<hbm>>
        %dma_start3A_85 = tpu.memref_squeeze %dma_start3A_84 : memref<16x1x1x128xf32, #tpu.memory_space<hbm>> -> memref<16x128xf32, #tpu.memory_space<hbm>>
        %dma_start3A_86 = arith.constant 0 : i32
        %dma_start3A_87 = tpu.memref_slice %arg4[%mul3A_78, %dma_start3A_79, %shift_right_logical3A_3, %dma_start3A_86] : memref<3686x16x4x128xf32, #tpu.memory_space<hbm>> -> memref<16x1x1x128xf32, #tpu.memory_space<hbm>>
        %dma_start3A_88 = tpu.memref_squeeze %dma_start3A_87 : memref<16x1x1x128xf32, #tpu.memory_space<hbm>> -> memref<16x128xf32, #tpu.memory_space<hbm>>
        %dma_start3A_89 = arith.constant 0 : i32
        %dma_start3A_90 = arith.constant 128 : i32
        %dma_start3A_91 = tpu.memref_slice %arg16[%dma_start3A_89, %dma_start3A_90] : memref<16x2048xf32, #tpu.memory_space<vmem>> -> memref<16x128xf32, #tpu.memory_space<vmem>>
        tpu.enqueue_dma source(%dma_start3A_91 : memref<16x128xf32, #tpu.memory_space<vmem>>) target(%dma_start3A_88 : memref<16x128xf32, #tpu.memory_space<hbm>>) target_semaphore(%arg20 : memref<!tpu.dma_semaphore, #tpu.memory_space<semaphore_mem>>)
        %mul3A_92 = arith.constant 16 : i32
        %mul3A_93 = arith.muli %add3A_40, %mul3A_92 : i32
        %dma_start3A_94 = arith.constant 2 : i32
        %dma_start3A_95 = arith.constant 0 : i32
        %dma_start3A_96 = arith.constant 256 : i32
        %dma_start3A_97 = tpu.memref_slice %arg16[%dma_start3A_95, %dma_start3A_96] : memref<16x2048xf32, #tpu.memory_space<vmem>> -> memref<16x128xf32, #tpu.memory_space<vmem>>
        %dma_start3A_98 = arith.constant 0 : i32
        %dma_start3A_99 = tpu.memref_slice %arg4[%mul3A_93, %dma_start3A_94, %shift_right_logical3A_3, %dma_start3A_98] : memref<3686x16x4x128xf32, #tpu.memory_space<hbm>> -> memref<16x1x1x128xf32, #tpu.memory_space<hbm>>
        %dma_start3A_100 = tpu.memref_squeeze %dma_start3A_99 : memref<16x1x1x128xf32, #tpu.memory_space<hbm>> -> memref<16x128xf32, #tpu.memory_space<hbm>>
        %dma_start3A_101 = arith.constant 0 : i32
        %dma_start3A_102 = tpu.memref_slice %arg4[%mul3A_93, %dma_start3A_94, %shift_right_logical3A_3, %dma_start3A_101] : memref<3686x16x4x128xf32, #tpu.memory_space<hbm>> -> memref<16x1x1x128xf32, #tpu.memory_space<hbm>>
        %dma_start3A_103 = tpu.memref_squeeze %dma_start3A_102 : memref<16x1x1x128xf32, #tpu.memory_space<hbm>> -> memref<16x128xf32, #tpu.memory_space<hbm>>
        %dma_start3A_104 = arith.constant 0 : i32
        %dma_start3A_105 = arith.constant 256 : i32
        %dma_start3A_106 = tpu.memref_slice %arg16[%dma_start3A_104, %dma_start3A_105] : memref<16x2048xf32, #tpu.memory_space<vmem>> -> memref<16x128xf32, #tpu.memory_space<vmem>>
        tpu.enqueue_dma source(%dma_start3A_106 : memref<16x128xf32, #tpu.memory_space<vmem>>) target(%dma_start3A_103 : memref<16x128xf32, #tpu.memory_space<hbm>>) target_semaphore(%arg20 : memref<!tpu.dma_semaphore, #tpu.memory_space<semaphore_mem>>)
        %mul3A_107 = arith.constant 16 : i32
        %mul3A_108 = arith.muli %add3A_40, %mul3A_107 : i32
        %dma_start3A_109 = arith.constant 3 : i32
        %dma_start3A_110 = arith.constant 0 : i32
        %dma_start3A_111 = arith.constant 384 : i32
        %dma_start3A_112 = tpu.memref_slice %arg16[%dma_start3A_110, %dma_start3A_111] : memref<16x2048xf32, #tpu.memory_space<vmem>> -> memref<16x128xf32, #tpu.memory_space<vmem>>
        %dma_start3A_113 = arith.constant 0 : i32
        %dma_start3A_114 = tpu.memref_slice %arg4[%mul3A_108, %dma_start3A_109, %shift_right_logical3A_3, %dma_start3A_113] : memref<3686x16x4x128xf32, #tpu.memory_space<hbm>> -> memref<16x1x1x128xf32, #tpu.memory_space<hbm>>
        %dma_start3A_115 = tpu.memref_squeeze %dma_start3A_114 : memref<16x1x1x128xf32, #tpu.memory_space<hbm>> -> memref<16x128xf32, #tpu.memory_space<hbm>>
        %dma_start3A_116 = arith.constant 0 : i32
        %dma_start3A_117 = tpu.memref_slice %arg4[%mul3A_108, %dma_start3A_109, %shift_right_logical3A_3, %dma_start3A_116] : memref<3686x16x4x128xf32, #tpu.memory_space<hbm>> -> memref<16x1x1x128xf32, #tpu.memory_space<hbm>>
        %dma_start3A_118 = tpu.memref_squeeze %dma_start3A_117 : memref<16x1x1x128xf32, #tpu.memory_space<hbm>> -> memref<16x128xf32, #tpu.memory_space<hbm>>
        %dma_start3A_119 = arith.constant 0 : i32
        %dma_start3A_120 = arith.constant 384 : i32
        %dma_start3A_121 = tpu.memref_slice %arg16[%dma_start3A_119, %dma_start3A_120] : memref<16x2048xf32, #tpu.memory_space<vmem>> -> memref<16x128xf32, #tpu.memory_space<vmem>>
        tpu.enqueue_dma source(%dma_start3A_121 : memref<16x128xf32, #tpu.memory_space<vmem>>) target(%dma_start3A_118 : memref<16x128xf32, #tpu.memory_space<hbm>>) target_semaphore(%arg20 : memref<!tpu.dma_semaphore, #tpu.memory_space<semaphore_mem>>)
        %mul3A_122 = arith.constant 16 : i32
        %mul3A_123 = arith.muli %add3A_40, %mul3A_122 : i32
        %dma_start3A_124 = arith.constant 4 : i32
        %dma_start3A_125 = arith.constant 0 : i32
        %dma_start3A_126 = arith.constant 512 : i32
        %dma_start3A_127 = tpu.memref_slice %arg16[%dma_start3A_125, %dma_start3A_126] : memref<16x2048xf32, #tpu.memory_space<vmem>> -> memref<16x128xf32, #tpu.memory_space<vmem>>
        %dma_start3A_128 = arith.constant 0 : i32
        %dma_start3A_129 = tpu.memref_slice %arg4[%mul3A_123, %dma_start3A_124, %shift_right_logical3A_3, %dma_start3A_128] : memref<3686x16x4x128xf32, #tpu.memory_space<hbm>> -> memref<16x1x1x128xf32, #tpu.memory_space<hbm>>
        %dma_start3A_130 = tpu.memref_squeeze %dma_start3A_129 : memref<16x1x1x128xf32, #tpu.memory_space<hbm>> -> memref<16x128xf32, #tpu.memory_space<hbm>>
        %dma_start3A_131 = arith.constant 0 : i32
        %dma_start3A_132 = tpu.memref_slice %arg4[%mul3A_123, %dma_start3A_124, %shift_right_logical3A_3, %dma_start3A_131] : memref<3686x16x4x128xf32, #tpu.memory_space<hbm>> -> memref<16x1x1x128xf32, #tpu.memory_space<hbm>>
        %dma_start3A_133 = tpu.memref_squeeze %dma_start3A_132 : memref<16x1x1x128xf32, #tpu.memory_space<hbm>> -> memref<16x128xf32, #tpu.memory_space<hbm>>
        %dma_start3A_134 = arith.constant 0 : i32
        %dma_start3A_135 = arith.constant 512 : i32
        %dma_start3A_136 = tpu.memref_slice %arg16[%dma_start3A_134, %dma_start3A_135] : memref<16x2048xf32, #tpu.memory_space<vmem>> -> memref<16x128xf32, #tpu.memory_space<vmem>>
        tpu.enqueue_dma source(%dma_start3A_136 : memref<16x128xf32, #tpu.memory_space<vmem>>) target(%dma_start3A_133 : memref<16x128xf32, #tpu.memory_space<hbm>>) target_semaphore(%arg20 : memref<!tpu.dma_semaphore, #tpu.memory_space<semaphore_mem>>)
        %mul3A_137 = arith.constant 16 : i32
        %mul3A_138 = arith.muli %add3A_40, %mul3A_137 : i32
        %dma_start3A_139 = arith.constant 5 : i32
        %dma_start3A_140 = arith.constant 0 : i32
        %dma_start3A_141 = arith.constant 640 : i32
        %dma_start3A_142 = tpu.memref_slice %arg16[%dma_start3A_140, %dma_start3A_141] : memref<16x2048xf32, #tpu.memory_space<vmem>> -> memref<16x128xf32, #tpu.memory_space<vmem>>
        %dma_start3A_143 = arith.constant 0 : i32
        %dma_start3A_144 = tpu.memref_slice %arg4[%mul3A_138, %dma_start3A_139, %shift_right_logical3A_3, %dma_start3A_143] : memref<3686x16x4x128xf32, #tpu.memory_space<hbm>> -> memref<16x1x1x128xf32, #tpu.memory_space<hbm>>
        %dma_start3A_145 = tpu.memref_squeeze %dma_start3A_144 : memref<16x1x1x128xf32, #tpu.memory_space<hbm>> -> memref<16x128xf32, #tpu.memory_space<hbm>>
        %dma_start3A_146 = arith.constant 0 : i32
        %dma_start3A_147 = tpu.memref_slice %arg4[%mul3A_138, %dma_start3A_139, %shift_right_logical3A_3, %dma_start3A_146] : memref<3686x16x4x128xf32, #tpu.memory_space<hbm>> -> memref<16x1x1x128xf32, #tpu.memory_space<hbm>>
        %dma_start3A_148 = tpu.memref_squeeze %dma_start3A_147 : memref<16x1x1x128xf32, #tpu.memory_space<hbm>> -> memref<16x128xf32, #tpu.memory_space<hbm>>
        %dma_start3A_149 = arith.constant 0 : i32
        %dma_start3A_150 = arith.constant 640 : i32
        %dma_start3A_151 = tpu.memref_slice %arg16[%dma_start3A_149, %dma_start3A_150] : memref<16x2048xf32, #tpu.memory_space<vmem>> -> memref<16x128xf32, #tpu.memory_space<vmem>>
        tpu.enqueue_dma source(%dma_start3A_151 : memref<16x128xf32, #tpu.memory_space<vmem>>) target(%dma_start3A_148 : memref<16x128xf32, #tpu.memory_space<hbm>>) target_semaphore(%arg20 : memref<!tpu.dma_semaphore, #tpu.memory_space<semaphore_mem>>)
        %mul3A_152 = arith.constant 16 : i32
        %mul3A_153 = arith.muli %add3A_40, %mul3A_152 : i32
        %dma_start3A_154 = arith.constant 6 : i32
        %dma_start3A_155 = arith.constant 0 : i32
        %dma_start3A_156 = arith.constant 768 : i32
        %dma_start3A_157 = tpu.memref_slice %arg16[%dma_start3A_155, %dma_start3A_156] : memref<16x2048xf32, #tpu.memory_space<vmem>> -> memref<16x128xf32, #tpu.memory_space<vmem>>
        %dma_start3A_158 = arith.constant 0 : i32
        %dma_start3A_159 = tpu.memref_slice %arg4[%mul3A_153, %dma_start3A_154, %shift_right_logical3A_3, %dma_start3A_158] : memref<3686x16x4x128xf32, #tpu.memory_space<hbm>> -> memref<16x1x1x128xf32, #tpu.memory_space<hbm>>
        %dma_start3A_160 = tpu.memref_squeeze %dma_start3A_159 : memref<16x1x1x128xf32, #tpu.memory_space<hbm>> -> memref<16x128xf32, #tpu.memory_space<hbm>>
        %dma_start3A_161 = arith.constant 0 : i32
        %dma_start3A_162 = tpu.memref_slice %arg4[%mul3A_153, %dma_start3A_154, %shift_right_logical3A_3, %dma_start3A_161] : memref<3686x16x4x128xf32, #tpu.memory_space<hbm>> -> memref<16x1x1x128xf32, #tpu.memory_space<hbm>>
        %dma_start3A_163 = tpu.memref_squeeze %dma_start3A_162 : memref<16x1x1x128xf32, #tpu.memory_space<hbm>> -> memref<16x128xf32, #tpu.memory_space<hbm>>
        %dma_start3A_164 = arith.constant 0 : i32
        %dma_start3A_165 = arith.constant 768 : i32
        %dma_start3A_166 = tpu.memref_slice %arg16[%dma_start3A_164, %dma_start3A_165] : memref<16x2048xf32, #tpu.memory_space<vmem>> -> memref<16x128xf32, #tpu.memory_space<vmem>>
        tpu.enqueue_dma source(%dma_start3A_166 : memref<16x128xf32, #tpu.memory_space<vmem>>) target(%dma_start3A_163 : memref<16x128xf32, #tpu.memory_space<hbm>>) target_semaphore(%arg20 : memref<!tpu.dma_semaphore, #tpu.memory_space<semaphore_mem>>)
        %mul3A_167 = arith.constant 16 : i32
        %mul3A_168 = arith.muli %add3A_40, %mul3A_167 : i32
        %dma_start3A_169 = arith.constant 7 : i32
        %dma_start3A_170 = arith.constant 0 : i32
        %dma_start3A_171 = arith.constant 896 : i32
        %dma_start3A_172 = tpu.memref_slice %arg16[%dma_start3A_170, %dma_start3A_171] : memref<16x2048xf32, #tpu.memory_space<vmem>> -> memref<16x128xf32, #tpu.memory_space<vmem>>
        %dma_start3A_173 = arith.constant 0 : i32
        %dma_start3A_174 = tpu.memref_slice %arg4[%mul3A_168, %dma_start3A_169, %shift_right_logical3A_3, %dma_start3A_173] : memref<3686x16x4x128xf32, #tpu.memory_space<hbm>> -> memref<16x1x1x128xf32, #tpu.memory_space<hbm>>
        %dma_start3A_175 = tpu.memref_squeeze %dma_start3A_174 : memref<16x1x1x128xf32, #tpu.memory_space<hbm>> -> memref<16x128xf32, #tpu.memory_space<hbm>>
        %dma_start3A_176 = arith.constant 0 : i32
        %dma_start3A_177 = tpu.memref_slice %arg4[%mul3A_168, %dma_start3A_169, %shift_right_logical3A_3, %dma_start3A_176] : memref<3686x16x4x128xf32, #tpu.memory_space<hbm>> -> memref<16x1x1x128xf32, #tpu.memory_space<hbm>>
        %dma_start3A_178 = tpu.memref_squeeze %dma_start3A_177 : memref<16x1x1x128xf32, #tpu.memory_space<hbm>> -> memref<16x128xf32, #tpu.memory_space<hbm>>
        %dma_start3A_179 = arith.constant 0 : i32
        %dma_start3A_180 = arith.constant 896 : i32
        %dma_start3A_181 = tpu.memref_slice %arg16[%dma_start3A_179, %dma_start3A_180] : memref<16x2048xf32, #tpu.memory_space<vmem>> -> memref<16x128xf32, #tpu.memory_space<vmem>>
        tpu.enqueue_dma source(%dma_start3A_181 : memref<16x128xf32, #tpu.memory_space<vmem>>) target(%dma_start3A_178 : memref<16x128xf32, #tpu.memory_space<hbm>>) target_semaphore(%arg20 : memref<!tpu.dma_semaphore, #tpu.memory_space<semaphore_mem>>)
        %mul3A_182 = arith.constant 16 : i32
        %mul3A_183 = arith.muli %add3A_40, %mul3A_182 : i32
        %dma_start3A_184 = arith.constant 8 : i32
        %dma_start3A_185 = arith.constant 0 : i32
        %dma_start3A_186 = arith.constant 1024 : i32
        %dma_start3A_187 = tpu.memref_slice %arg16[%dma_start3A_185, %dma_start3A_186] : memref<16x2048xf32, #tpu.memory_space<vmem>> -> memref<16x128xf32, #tpu.memory_space<vmem>>
        %dma_start3A_188 = arith.constant 0 : i32
        %dma_start3A_189 = tpu.memref_slice %arg4[%mul3A_183, %dma_start3A_184, %shift_right_logical3A_3, %dma_start3A_188] : memref<3686x16x4x128xf32, #tpu.memory_space<hbm>> -> memref<16x1x1x128xf32, #tpu.memory_space<hbm>>
        %dma_start3A_190 = tpu.memref_squeeze %dma_start3A_189 : memref<16x1x1x128xf32, #tpu.memory_space<hbm>> -> memref<16x128xf32, #tpu.memory_space<hbm>>
        %dma_start3A_191 = arith.constant 0 : i32
        %dma_start3A_192 = tpu.memref_slice %arg4[%mul3A_183, %dma_start3A_184, %shift_right_logical3A_3, %dma_start3A_191] : memref<3686x16x4x128xf32, #tpu.memory_space<hbm>> -> memref<16x1x1x128xf32, #tpu.memory_space<hbm>>
        %dma_start3A_193 = tpu.memref_squeeze %dma_start3A_192 : memref<16x1x1x128xf32, #tpu.memory_space<hbm>> -> memref<16x128xf32, #tpu.memory_space<hbm>>
        %dma_start3A_194 = arith.constant 0 : i32
        %dma_start3A_195 = arith.constant 1024 : i32
        %dma_start3A_196 = tpu.memref_slice %arg16[%dma_start3A_194, %dma_start3A_195] : memref<16x2048xf32, #tpu.memory_space<vmem>> -> memref<16x128xf32, #tpu.memory_space<vmem>>
        tpu.enqueue_dma source(%dma_start3A_196 : memref<16x128xf32, #tpu.memory_space<vmem>>) target(%dma_start3A_193 : memref<16x128xf32, #tpu.memory_space<hbm>>) target_semaphore(%arg20 : memref<!tpu.dma_semaphore, #tpu.memory_space<semaphore_mem>>)
        %mul3A_197 = arith.constant 16 : i32
        %mul3A_198 = arith.muli %add3A_40, %mul3A_197 : i32
        %dma_start3A_199 = arith.constant 9 : i32
        %dma_start3A_200 = arith.constant 0 : i32
        %dma_start3A_201 = arith.constant 1152 : i32
        %dma_start3A_202 = tpu.memref_slice %arg16[%dma_start3A_200, %dma_start3A_201] : memref<16x2048xf32, #tpu.memory_space<vmem>> -> memref<16x128xf32, #tpu.memory_space<vmem>>
        %dma_start3A_203 = arith.constant 0 : i32
        %dma_start3A_204 = tpu.memref_slice %arg4[%mul3A_198, %dma_start3A_199, %shift_right_logical3A_3, %dma_start3A_203] : memref<3686x16x4x128xf32, #tpu.memory_space<hbm>> -> memref<16x1x1x128xf32, #tpu.memory_space<hbm>>
        %dma_start3A_205 = tpu.memref_squeeze %dma_start3A_204 : memref<16x1x1x128xf32, #tpu.memory_space<hbm>> -> memref<16x128xf32, #tpu.memory_space<hbm>>
        %dma_start3A_206 = arith.constant 0 : i32
        %dma_start3A_207 = tpu.memref_slice %arg4[%mul3A_198, %dma_start3A_199, %shift_right_logical3A_3, %dma_start3A_206] : memref<3686x16x4x128xf32, #tpu.memory_space<hbm>> -> memref<16x1x1x128xf32, #tpu.memory_space<hbm>>
        %dma_start3A_208 = tpu.memref_squeeze %dma_start3A_207 : memref<16x1x1x128xf32, #tpu.memory_space<hbm>> -> memref<16x128xf32, #tpu.memory_space<hbm>>
        %dma_start3A_209 = arith.constant 0 : i32
        %dma_start3A_210 = arith.constant 1152 : i32
        %dma_start3A_211 = tpu.memref_slice %arg16[%dma_start3A_209, %dma_start3A_210] : memref<16x2048xf32, #tpu.memory_space<vmem>> -> memref<16x128xf32, #tpu.memory_space<vmem>>
        tpu.enqueue_dma source(%dma_start3A_211 : memref<16x128xf32, #tpu.memory_space<vmem>>) target(%dma_start3A_208 : memref<16x128xf32, #tpu.memory_space<hbm>>) target_semaphore(%arg20 : memref<!tpu.dma_semaphore, #tpu.memory_space<semaphore_mem>>)
        %mul3A_212 = arith.constant 16 : i32
        %mul3A_213 = arith.muli %add3A_40, %mul3A_212 : i32
        %dma_start3A_214 = arith.constant 10 : i32
        %dma_start3A_215 = arith.constant 0 : i32
        %dma_start3A_216 = arith.constant 1280 : i32
        %dma_start3A_217 = tpu.memref_slice %arg16[%dma_start3A_215, %dma_start3A_216] : memref<16x2048xf32, #tpu.memory_space<vmem>> -> memref<16x128xf32, #tpu.memory_space<vmem>>
        %dma_start3A_218 = arith.constant 0 : i32
        %dma_start3A_219 = tpu.memref_slice %arg4[%mul3A_213, %dma_start3A_214, %shift_right_logical3A_3, %dma_start3A_218] : memref<3686x16x4x128xf32, #tpu.memory_space<hbm>> -> memref<16x1x1x128xf32, #tpu.memory_space<hbm>>
        %dma_start3A_220 = tpu.memref_squeeze %dma_start3A_219 : memref<16x1x1x128xf32, #tpu.memory_space<hbm>> -> memref<16x128xf32, #tpu.memory_space<hbm>>
        %dma_start3A_221 = arith.constant 0 : i32
        %dma_start3A_222 = tpu.memref_slice %arg4[%mul3A_213, %dma_start3A_214, %shift_right_logical3A_3, %dma_start3A_221] : memref<3686x16x4x128xf32, #tpu.memory_space<hbm>> -> memref<16x1x1x128xf32, #tpu.memory_space<hbm>>
        %dma_start3A_223 = tpu.memref_squeeze %dma_start3A_222 : memref<16x1x1x128xf32, #tpu.memory_space<hbm>> -> memref<16x128xf32, #tpu.memory_space<hbm>>
        %dma_start3A_224 = arith.constant 0 : i32
        %dma_start3A_225 = arith.constant 1280 : i32
        %dma_start3A_226 = tpu.memref_slice %arg16[%dma_start3A_224, %dma_start3A_225] : memref<16x2048xf32, #tpu.memory_space<vmem>> -> memref<16x128xf32, #tpu.memory_space<vmem>>
        tpu.enqueue_dma source(%dma_start3A_226 : memref<16x128xf32, #tpu.memory_space<vmem>>) target(%dma_start3A_223 : memref<16x128xf32, #tpu.memory_space<hbm>>) target_semaphore(%arg20 : memref<!tpu.dma_semaphore, #tpu.memory_space<semaphore_mem>>)
        %mul3A_227 = arith.constant 16 : i32
        %mul3A_228 = arith.muli %add3A_40, %mul3A_227 : i32
        %dma_start3A_229 = arith.constant 11 : i32
        %dma_start3A_230 = arith.constant 0 : i32
        %dma_start3A_231 = arith.constant 1408 : i32
        %dma_start3A_232 = tpu.memref_slice %arg16[%dma_start3A_230, %dma_start3A_231] : memref<16x2048xf32, #tpu.memory_space<vmem>> -> memref<16x128xf32, #tpu.memory_space<vmem>>
        %dma_start3A_233 = arith.constant 0 : i32
        %dma_start3A_234 = tpu.memref_slice %arg4[%mul3A_228, %dma_start3A_229, %shift_right_logical3A_3, %dma_start3A_233] : memref<3686x16x4x128xf32, #tpu.memory_space<hbm>> -> memref<16x1x1x128xf32, #tpu.memory_space<hbm>>
        %dma_start3A_235 = tpu.memref_squeeze %dma_start3A_234 : memref<16x1x1x128xf32, #tpu.memory_space<hbm>> -> memref<16x128xf32, #tpu.memory_space<hbm>>
        %dma_start3A_236 = arith.constant 0 : i32
        %dma_start3A_237 = tpu.memref_slice %arg4[%mul3A_228, %dma_start3A_229, %shift_right_logical3A_3, %dma_start3A_236] : memref<3686x16x4x128xf32, #tpu.memory_space<hbm>> -> memref<16x1x1x128xf32, #tpu.memory_space<hbm>>
        %dma_start3A_238 = tpu.memref_squeeze %dma_start3A_237 : memref<16x1x1x128xf32, #tpu.memory_space<hbm>> -> memref<16x128xf32, #tpu.memory_space<hbm>>
        %dma_start3A_239 = arith.constant 0 : i32
        %dma_start3A_240 = arith.constant 1408 : i32
        %dma_start3A_241 = tpu.memref_slice %arg16[%dma_start3A_239, %dma_start3A_240] : memref<16x2048xf32, #tpu.memory_space<vmem>> -> memref<16x128xf32, #tpu.memory_space<vmem>>
        tpu.enqueue_dma source(%dma_start3A_241 : memref<16x128xf32, #tpu.memory_space<vmem>>) target(%dma_start3A_238 : memref<16x128xf32, #tpu.memory_space<hbm>>) target_semaphore(%arg20 : memref<!tpu.dma_semaphore, #tpu.memory_space<semaphore_mem>>)
        %mul3A_242 = arith.constant 16 : i32
        %mul3A_243 = arith.muli %add3A_40, %mul3A_242 : i32
        %dma_start3A_244 = arith.constant 12 : i32
        %dma_start3A_245 = arith.constant 0 : i32
        %dma_start3A_246 = arith.constant 1536 : i32
        %dma_start3A_247 = tpu.memref_slice %arg16[%dma_start3A_245, %dma_start3A_246] : memref<16x2048xf32, #tpu.memory_space<vmem>> -> memref<16x128xf32, #tpu.memory_space<vmem>>
        %dma_start3A_248 = arith.constant 0 : i32
        %dma_start3A_249 = tpu.memref_slice %arg4[%mul3A_243, %dma_start3A_244, %shift_right_logical3A_3, %dma_start3A_248] : memref<3686x16x4x128xf32, #tpu.memory_space<hbm>> -> memref<16x1x1x128xf32, #tpu.memory_space<hbm>>
        %dma_start3A_250 = tpu.memref_squeeze %dma_start3A_249 : memref<16x1x1x128xf32, #tpu.memory_space<hbm>> -> memref<16x128xf32, #tpu.memory_space<hbm>>
        %dma_start3A_251 = arith.constant 0 : i32
        %dma_start3A_252 = tpu.memref_slice %arg4[%mul3A_243, %dma_start3A_244, %shift_right_logical3A_3, %dma_start3A_251] : memref<3686x16x4x128xf32, #tpu.memory_space<hbm>> -> memref<16x1x1x128xf32, #tpu.memory_space<hbm>>
        %dma_start3A_253 = tpu.memref_squeeze %dma_start3A_252 : memref<16x1x1x128xf32, #tpu.memory_space<hbm>> -> memref<16x128xf32, #tpu.memory_space<hbm>>
        %dma_start3A_254 = arith.constant 0 : i32
        %dma_start3A_255 = arith.constant 1536 : i32
        %dma_start3A_256 = tpu.memref_slice %arg16[%dma_start3A_254, %dma_start3A_255] : memref<16x2048xf32, #tpu.memory_space<vmem>> -> memref<16x128xf32, #tpu.memory_space<vmem>>
        tpu.enqueue_dma source(%dma_start3A_256 : memref<16x128xf32, #tpu.memory_space<vmem>>) target(%dma_start3A_253 : memref<16x128xf32, #tpu.memory_space<hbm>>) target_semaphore(%arg20 : memref<!tpu.dma_semaphore, #tpu.memory_space<semaphore_mem>>)
        %mul3A_257 = arith.constant 16 : i32
        %mul3A_258 = arith.muli %add3A_40, %mul3A_257 : i32
        %dma_start3A_259 = arith.constant 13 : i32
        %dma_start3A_260 = arith.constant 0 : i32
        %dma_start3A_261 = arith.constant 1664 : i32
        %dma_start3A_262 = tpu.memref_slice %arg16[%dma_start3A_260, %dma_start3A_261] : memref<16x2048xf32, #tpu.memory_space<vmem>> -> memref<16x128xf32, #tpu.memory_space<vmem>>
        %dma_start3A_263 = arith.constant 0 : i32
        %dma_start3A_264 = tpu.memref_slice %arg4[%mul3A_258, %dma_start3A_259, %shift_right_logical3A_3, %dma_start3A_263] : memref<3686x16x4x128xf32, #tpu.memory_space<hbm>> -> memref<16x1x1x128xf32, #tpu.memory_space<hbm>>
        %dma_start3A_265 = tpu.memref_squeeze %dma_start3A_264 : memref<16x1x1x128xf32, #tpu.memory_space<hbm>> -> memref<16x128xf32, #tpu.memory_space<hbm>>
        %dma_start3A_266 = arith.constant 0 : i32
        %dma_start3A_267 = tpu.memref_slice %arg4[%mul3A_258, %dma_start3A_259, %shift_right_logical3A_3, %dma_start3A_266] : memref<3686x16x4x128xf32, #tpu.memory_space<hbm>> -> memref<16x1x1x128xf32, #tpu.memory_space<hbm>>
        %dma_start3A_268 = tpu.memref_squeeze %dma_start3A_267 : memref<16x1x1x128xf32, #tpu.memory_space<hbm>> -> memref<16x128xf32, #tpu.memory_space<hbm>>
        %dma_start3A_269 = arith.constant 0 : i32
        %dma_start3A_270 = arith.constant 1664 : i32
        %dma_start3A_271 = tpu.memref_slice %arg16[%dma_start3A_269, %dma_start3A_270] : memref<16x2048xf32, #tpu.memory_space<vmem>> -> memref<16x128xf32, #tpu.memory_space<vmem>>
        tpu.enqueue_dma source(%dma_start3A_271 : memref<16x128xf32, #tpu.memory_space<vmem>>) target(%dma_start3A_268 : memref<16x128xf32, #tpu.memory_space<hbm>>) target_semaphore(%arg20 : memref<!tpu.dma_semaphore, #tpu.memory_space<semaphore_mem>>)
        %mul3A_272 = arith.constant 16 : i32
        %mul3A_273 = arith.muli %add3A_40, %mul3A_272 : i32
        %dma_start3A_274 = arith.constant 14 : i32
        %dma_start3A_275 = arith.constant 0 : i32
        %dma_start3A_276 = arith.constant 1792 : i32
        %dma_start3A_277 = tpu.memref_slice %arg16[%dma_start3A_275, %dma_start3A_276] : memref<16x2048xf32, #tpu.memory_space<vmem>> -> memref<16x128xf32, #tpu.memory_space<vmem>>
        %dma_start3A_278 = arith.constant 0 : i32
        %dma_start3A_279 = tpu.memref_slice %arg4[%mul3A_273, %dma_start3A_274, %shift_right_logical3A_3, %dma_start3A_278] : memref<3686x16x4x128xf32, #tpu.memory_space<hbm>> -> memref<16x1x1x128xf32, #tpu.memory_space<hbm>>
        %dma_start3A_280 = tpu.memref_squeeze %dma_start3A_279 : memref<16x1x1x128xf32, #tpu.memory_space<hbm>> -> memref<16x128xf32, #tpu.memory_space<hbm>>
        %dma_start3A_281 = arith.constant 0 : i32
        %dma_start3A_282 = tpu.memref_slice %arg4[%mul3A_273, %dma_start3A_274, %shift_right_logical3A_3, %dma_start3A_281] : memref<3686x16x4x128xf32, #tpu.memory_space<hbm>> -> memref<16x1x1x128xf32, #tpu.memory_space<hbm>>
        %dma_start3A_283 = tpu.memref_squeeze %dma_start3A_282 : memref<16x1x1x128xf32, #tpu.memory_space<hbm>> -> memref<16x128xf32, #tpu.memory_space<hbm>>
        %dma_start3A_284 = arith.constant 0 : i32
        %dma_start3A_285 = arith.constant 1792 : i32
        %dma_start3A_286 = tpu.memref_slice %arg16[%dma_start3A_284, %dma_start3A_285] : memref<16x2048xf32, #tpu.memory_space<vmem>> -> memref<16x128xf32, #tpu.memory_space<vmem>>
        tpu.enqueue_dma source(%dma_start3A_286 : memref<16x128xf32, #tpu.memory_space<vmem>>) target(%dma_start3A_283 : memref<16x128xf32, #tpu.memory_space<hbm>>) target_semaphore(%arg20 : memref<!tpu.dma_semaphore, #tpu.memory_space<semaphore_mem>>)
        %mul3A_287 = arith.constant 16 : i32
        %mul3A_288 = arith.muli %add3A_40, %mul3A_287 : i32
        %dma_start3A_289 = arith.constant 15 : i32
        %dma_start3A_290 = arith.constant 0 : i32
        %dma_start3A_291 = arith.constant 1920 : i32
        %dma_start3A_292 = tpu.memref_slice %arg16[%dma_start3A_290, %dma_start3A_291] : memref<16x2048xf32, #tpu.memory_space<vmem>> -> memref<16x128xf32, #tpu.memory_space<vmem>>
        %dma_start3A_293 = arith.constant 0 : i32
        %dma_start3A_294 = tpu.memref_slice %arg4[%mul3A_288, %dma_start3A_289, %shift_right_logical3A_3, %dma_start3A_293] : memref<3686x16x4x128xf32, #tpu.memory_space<hbm>> -> memref<16x1x1x128xf32, #tpu.memory_space<hbm>>
        %dma_start3A_295 = tpu.memref_squeeze %dma_start3A_294 : memref<16x1x1x128xf32, #tpu.memory_space<hbm>> -> memref<16x128xf32, #tpu.memory_space<hbm>>
        %dma_start3A_296 = arith.constant 0 : i32
        %dma_start3A_297 = tpu.memref_slice %arg4[%mul3A_288, %dma_start3A_289, %shift_right_logical3A_3, %dma_start3A_296] : memref<3686x16x4x128xf32, #tpu.memory_space<hbm>> -> memref<16x1x1x128xf32, #tpu.memory_space<hbm>>
        %dma_start3A_298 = tpu.memref_squeeze %dma_start3A_297 : memref<16x1x1x128xf32, #tpu.memory_space<hbm>> -> memref<16x128xf32, #tpu.memory_space<hbm>>
        %dma_start3A_299 = arith.constant 0 : i32
        %dma_start3A_300 = arith.constant 1920 : i32
        %dma_start3A_301 = tpu.memref_slice %arg16[%dma_start3A_299, %dma_start3A_300] : memref<16x2048xf32, #tpu.memory_space<vmem>> -> memref<16x128xf32, #tpu.memory_space<vmem>>
        tpu.enqueue_dma source(%dma_start3A_301 : memref<16x128xf32, #tpu.memory_space<vmem>>) target(%dma_start3A_298 : memref<16x128xf32, #tpu.memory_space<hbm>>) target_semaphore(%arg20 : memref<!tpu.dma_semaphore, #tpu.memory_space<semaphore_mem>>)
      } else {
      }
      %add3A_45 = arith.constant 1 : i32
      %add3A_46 = arith.addi %add3A_38, %add3A_45 : i32
      %lt3A_47 = arith.cmpi slt, %add3A_46, %min3A_11 : i32
      %convert_element_type3A_48 = arith.extui %lt3A_47 : i1 to i32
      %cond3A_49 = arith.constant 0 : i32
      %cond3A_50 = arith.cmpi ne, %convert_element_type3A_48, %cond3A_49 : i32
      scf.if %cond3A_50 {
        %dma_wait3A = arith.constant 0 : i32
        %dma_wait3A_51 = arith.constant 0 : i32
        %dma_wait3A_52 = tpu.memref_slice %arg2[%shift_right_logical3A_3, %dma_wait3A, %dma_wait3A_51] : memref<4x4096x2048xf32, #tpu.memory_space<hbm>> -> memref<1x4096x2048xf32, #tpu.memory_space<hbm>>
        %dma_wait3A_53 = tpu.memref_squeeze %dma_wait3A_52 : memref<1x4096x2048xf32, #tpu.memory_space<hbm>> -> memref<4096x2048xf32, #tpu.memory_space<hbm>>
        %dma_wait3A_54 = arith.constant 0 : i32
        %dma_wait3A_55 = arith.constant 0 : i32
        %dma_wait3A_56 = tpu.memref_slice %dma_wait3A_53[%dma_wait3A_54, %dma_wait3A_55] : memref<4096x2048xf32, #tpu.memory_space<hbm>> -> memref<4096x2048xf32, #tpu.memory_space<hbm>>
        tpu.wait_indirect_dma semaphore(%arg19 : memref<!tpu.dma_semaphore, #tpu.memory_space<semaphore_mem>>) src(%dma_wait3A_56 : memref<4096x2048xf32, #tpu.memory_space<hbm>>) dst(%arg17 : memref<16x2048xf32, #tpu.memory_space<vmem>>)
        %add3A_57 = arith.constant 1 : i32
        %add3A_58 = arith.addi %add3A_46, %add3A_57 : i32
        %lt3A_59 = arith.cmpi slt, %add3A_58, %min3A_11 : i32
        %convert_element_type3A_60 = arith.extui %lt3A_59 : i1 to i32
        %cond3A_61 = arith.constant 0 : i32
        %cond3A_62 = arith.cmpi ne, %convert_element_type3A_60, %cond3A_61 : i32
        scf.if %cond3A_62 {
          %sub3A_302 = arith.subi %add3A_46, %mul3A_8 : i32
          %ge3A_303 = arith.constant 1 : i32
          %ge3A_304 = arith.cmpi sge, %sub3A_302, %ge3A_303 : i32
          %convert_element_type3A_305 = arith.extui %ge3A_304 : i1 to i32
          %cond3A_306 = arith.constant 0 : i32
          %cond3A_307 = arith.cmpi ne, %convert_element_type3A_305, %cond3A_306 : i32
          scf.if %cond3A_307 {
            %dma_wait3A_322 = arith.constant 0 : i32
            %dma_wait3A_323 = arith.constant 0 : i32
            %dma_wait3A_324 = arith.constant 0 : i32
            %dma_wait3A_325 = arith.constant 0 : i32
            %dma_wait3A_326 = tpu.memref_slice %arg16[%dma_wait3A_324, %dma_wait3A_325] : memref<16x2048xf32, #tpu.memory_space<vmem>> -> memref<16x128xf32, #tpu.memory_space<vmem>>
            %dma_wait3A_327 = arith.constant 0 : i32
            %dma_wait3A_328 = arith.constant 0 : i32
            %dma_wait3A_329 = tpu.memref_slice %arg4[%dma_wait3A_327, %dma_wait3A_322, %dma_wait3A_323, %dma_wait3A_328] : memref<3686x16x4x128xf32, #tpu.memory_space<hbm>> -> memref<16x1x1x128xf32, #tpu.memory_space<hbm>>
            %dma_wait3A_330 = tpu.memref_squeeze %dma_wait3A_329 : memref<16x1x1x128xf32, #tpu.memory_space<hbm>> -> memref<16x128xf32, #tpu.memory_space<hbm>>
            %dma_wait3A_331 = arith.constant 0 : i32
            %dma_wait3A_332 = arith.constant 0 : i32
            %dma_wait3A_333 = tpu.memref_slice %arg4[%dma_wait3A_331, %dma_wait3A_322, %dma_wait3A_323, %dma_wait3A_332] : memref<3686x16x4x128xf32, #tpu.memory_space<hbm>> -> memref<16x1x1x128xf32, #tpu.memory_space<hbm>>
            %dma_wait3A_334 = tpu.memref_squeeze %dma_wait3A_333 : memref<16x1x1x128xf32, #tpu.memory_space<hbm>> -> memref<16x128xf32, #tpu.memory_space<hbm>>
            %dma_wait3A_335 = arith.constant 0 : i32
            %dma_wait3A_336 = arith.constant 0 : i32
            %dma_wait3A_337 = tpu.memref_slice %arg16[%dma_wait3A_335, %dma_wait3A_336] : memref<16x2048xf32, #tpu.memory_space<vmem>> -> memref<16x128xf32, #tpu.memory_space<vmem>>
            tpu.wait_dma2 semaphore(%arg20 : memref<!tpu.dma_semaphore, #tpu.memory_space<semaphore_mem>>) src(%dma_wait3A_337 : memref<16x128xf32, #tpu.memory_space<vmem>>) dst(%dma_wait3A_334 : memref<16x128xf32, #tpu.memory_space<hbm>>)
            %dma_wait3A_338 = arith.constant 0 : i32
            %dma_wait3A_339 = arith.constant 0 : i32
            %dma_wait3A_340 = arith.constant 0 : i32
            %dma_wait3A_341 = arith.constant 0 : i32
            %dma_wait3A_342 = tpu.memref_slice %arg16[%dma_wait3A_340, %dma_wait3A_341] : memref<16x2048xf32, #tpu.memory_space<vmem>> -> memref<16x128xf32, #tpu.memory_space<vmem>>
            %dma_wait3A_343 = arith.constant 0 : i32
            %dma_wait3A_344 = arith.constant 0 : i32
            %dma_wait3A_345 = tpu.memref_slice %arg4[%dma_wait3A_343, %dma_wait3A_338, %dma_wait3A_339, %dma_wait3A_344] : memref<3686x16x4x128xf32, #tpu.memory_space<hbm>> -> memref<16x1x1x128xf32, #tpu.memory_space<hbm>>
            %dma_wait3A_346 = tpu.memref_squeeze %dma_wait3A_345 : memref<16x1x1x128xf32, #tpu.memory_space<hbm>> -> memref<16x128xf32, #tpu.memory_space<hbm>>
            %dma_wait3A_347 = arith.constant 0 : i32
            %dma_wait3A_348 = arith.constant 0 : i32
            %dma_wait3A_349 = tpu.memref_slice %arg4[%dma_wait3A_347, %dma_wait3A_338, %dma_wait3A_339, %dma_wait3A_348] : memref<3686x16x4x128xf32, #tpu.memory_space<hbm>> -> memref<16x1x1x128xf32, #tpu.memory_space<hbm>>
            %dma_wait3A_350 = tpu.memref_squeeze %dma_wait3A_349 : memref<16x1x1x128xf32, #tpu.memory_space<hbm>> -> memref<16x128xf32, #tpu.memory_space<hbm>>
            %dma_wait3A_351 = arith.constant 0 : i32
            %dma_wait3A_352 = arith.constant 0 : i32
            %dma_wait3A_353 = tpu.memref_slice %arg16[%dma_wait3A_351, %dma_wait3A_352] : memref<16x2048xf32, #tpu.memory_space<vmem>> -> memref<16x128xf32, #tpu.memory_space<vmem>>
            tpu.wait_dma2 semaphore(%arg20 : memref<!tpu.dma_semaphore, #tpu.memory_space<semaphore_mem>>) src(%dma_wait3A_353 : memref<16x128xf32, #tpu.memory_space<vmem>>) dst(%dma_wait3A_350 : memref<16x128xf32, #tpu.memory_space<hbm>>)
            %dma_wait3A_354 = arith.constant 0 : i32
            %dma_wait3A_355 = arith.constant 0 : i32
            %dma_wait3A_356 = arith.constant 0 : i32
            %dma_wait3A_357 = arith.constant 0 : i32
            %dma_wait3A_358 = tpu.memref_slice %arg16[%dma_wait3A_356, %dma_wait3A_357] : memref<16x2048xf32, #tpu.memory_space<vmem>> -> memref<16x128xf32, #tpu.memory_space<vmem>>
            %dma_wait3A_359 = arith.constant 0 : i32
            %dma_wait3A_360 = arith.constant 0 : i32
            %dma_wait3A_361 = tpu.memref_slice %arg4[%dma_wait3A_359, %dma_wait3A_354, %dma_wait3A_355, %dma_wait3A_360] : memref<3686x16x4x128xf32, #tpu.memory_space<hbm>> -> memref<16x1x1x128xf32, #tpu.memory_space<hbm>>
            %dma_wait3A_362 = tpu.memref_squeeze %dma_wait3A_361 : memref<16x1x1x128xf32, #tpu.memory_space<hbm>> -> memref<16x128xf32, #tpu.memory_space<hbm>>
            %dma_wait3A_363 = arith.constant 0 : i32
            %dma_wait3A_364 = arith.constant 0 : i32
            %dma_wait3A_365 = tpu.memref_slice %arg4[%dma_wait3A_363, %dma_wait3A_354, %dma_wait3A_355, %dma_wait3A_364] : memref<3686x16x4x128xf32, #tpu.memory_space<hbm>> -> memref<16x1x1x128xf32, #tpu.memory_space<hbm>>
            %dma_wait3A_366 = tpu.memref_squeeze %dma_wait3A_365 : memref<16x1x1x128xf32, #tpu.memory_space<hbm>> -> memref<16x128xf32, #tpu.memory_space<hbm>>
            %dma_wait3A_367 = arith.constant 0 : i32
            %dma_wait3A_368 = arith.constant 0 : i32
            %dma_wait3A_369 = tpu.memref_slice %arg16[%dma_wait3A_367, %dma_wait3A_368] : memref<16x2048xf32, #tpu.memory_space<vmem>> -> memref<16x128xf32, #tpu.memory_space<vmem>>
            tpu.wait_dma2 semaphore(%arg20 : memref<!tpu.dma_semaphore, #tpu.memory_space<semaphore_mem>>) src(%dma_wait3A_369 : memref<16x128xf32, #tpu.memory_space<vmem>>) dst(%dma_wait3A_366 : memref<16x128xf32, #tpu.memory_space<hbm>>)
            %dma_wait3A_370 = arith.constant 0 : i32
            %dma_wait3A_371 = arith.constant 0 : i32
            %dma_wait3A_372 = arith.constant 0 : i32
            %dma_wait3A_373 = arith.constant 0 : i32
            %dma_wait3A_374 = tpu.memref_slice %arg16[%dma_wait3A_372, %dma_wait3A_373] : memref<16x2048xf32, #tpu.memory_space<vmem>> -> memref<16x128xf32, #tpu.memory_space<vmem>>
            %dma_wait3A_375 = arith.constant 0 : i32
            %dma_wait3A_376 = arith.constant 0 : i32
            %dma_wait3A_377 = tpu.memref_slice %arg4[%dma_wait3A_375, %dma_wait3A_370, %dma_wait3A_371, %dma_wait3A_376] : memref<3686x16x4x128xf32, #tpu.memory_space<hbm>> -> memref<16x1x1x128xf32, #tpu.memory_space<hbm>>
            %dma_wait3A_378 = tpu.memref_squeeze %dma_wait3A_377 : memref<16x1x1x128xf32, #tpu.memory_space<hbm>> -> memref<16x128xf32, #tpu.memory_space<hbm>>
            %dma_wait3A_379 = arith.constant 0 : i32
            %dma_wait3A_380 = arith.constant 0 : i32
            %dma_wait3A_381 = tpu.memref_slice %arg4[%dma_wait3A_379, %dma_wait3A_370, %dma_wait3A_371, %dma_wait3A_380] : memref<3686x16x4x128xf32, #tpu.memory_space<hbm>> -> memref<16x1x1x128xf32, #tpu.memory_space<hbm>>
            %dma_wait3A_382 = tpu.memref_squeeze %dma_wait3A_381 : memref<16x1x1x128xf32, #tpu.memory_space<hbm>> -> memref<16x128xf32, #tpu.memory_space<hbm>>
            %dma_wait3A_383 = arith.constant 0 : i32
            %dma_wait3A_384 = arith.constant 0 : i32
            %dma_wait3A_385 = tpu.memref_slice %arg16[%dma_wait3A_383, %dma_wait3A_384] : memref<16x2048xf32, #tpu.memory_space<vmem>> -> memref<16x128xf32, #tpu.memory_space<vmem>>
            tpu.wait_dma2 semaphore(%arg20 : memref<!tpu.dma_semaphore, #tpu.memory_space<semaphore_mem>>) src(%dma_wait3A_385 : memref<16x128xf32, #tpu.memory_space<vmem>>) dst(%dma_wait3A_382 : memref<16x128xf32, #tpu.memory_space<hbm>>)
            %dma_wait3A_386 = arith.constant 0 : i32
            %dma_wait3A_387 = arith.constant 0 : i32
            %dma_wait3A_388 = arith.constant 0 : i32
            %dma_wait3A_389 = arith.constant 0 : i32
            %dma_wait3A_390 = tpu.memref_slice %arg16[%dma_wait3A_388, %dma_wait3A_389] : memref<16x2048xf32, #tpu.memory_space<vmem>> -> memref<16x128xf32, #tpu.memory_space<vmem>>
            %dma_wait3A_391 = arith.constant 0 : i32
            %dma_wait3A_392 = arith.constant 0 : i32
            %dma_wait3A_393 = tpu.memref_slice %arg4[%dma_wait3A_391, %dma_wait3A_386, %dma_wait3A_387, %dma_wait3A_392] : memref<3686x16x4x128xf32, #tpu.memory_space<hbm>> -> memref<16x1x1x128xf32, #tpu.memory_space<hbm>>
            %dma_wait3A_394 = tpu.memref_squeeze %dma_wait3A_393 : memref<16x1x1x128xf32, #tpu.memory_space<hbm>> -> memref<16x128xf32, #tpu.memory_space<hbm>>
            %dma_wait3A_395 = arith.constant 0 : i32
            %dma_wait3A_396 = arith.constant 0 : i32
            %dma_wait3A_397 = tpu.memref_slice %arg4[%dma_wait3A_395, %dma_wait3A_386, %dma_wait3A_387, %dma_wait3A_396] : memref<3686x16x4x128xf32, #tpu.memory_space<hbm>> -> memref<16x1x1x128xf32, #tpu.memory_space<hbm>>
            %dma_wait3A_398 = tpu.memref_squeeze %dma_wait3A_397 : memref<16x1x1x128xf32, #tpu.memory_space<hbm>> -> memref<16x128xf32, #tpu.memory_space<hbm>>
            %dma_wait3A_399 = arith.constant 0 : i32
            %dma_wait3A_400 = arith.constant 0 : i32
            %dma_wait3A_401 = tpu.memref_slice %arg16[%dma_wait3A_399, %dma_wait3A_400] : memref<16x2048xf32, #tpu.memory_space<vmem>> -> memref<16x128xf32, #tpu.memory_space<vmem>>
            tpu.wait_dma2 semaphore(%arg20 : memref<!tpu.dma_semaphore, #tpu.memory_space<semaphore_mem>>) src(%dma_wait3A_401 : memref<16x128xf32, #tpu.memory_space<vmem>>) dst(%dma_wait3A_398 : memref<16x128xf32, #tpu.memory_space<hbm>>)
            %dma_wait3A_402 = arith.constant 0 : i32
            %dma_wait3A_403 = arith.constant 0 : i32
            %dma_wait3A_404 = arith.constant 0 : i32
            %dma_wait3A_405 = arith.constant 0 : i32
            %dma_wait3A_406 = tpu.memref_slice %arg16[%dma_wait3A_404, %dma_wait3A_405] : memref<16x2048xf32, #tpu.memory_space<vmem>> -> memref<16x128xf32, #tpu.memory_space<vmem>>
            %dma_wait3A_407 = arith.constant 0 : i32
            %dma_wait3A_408 = arith.constant 0 : i32
            %dma_wait3A_409 = tpu.memref_slice %arg4[%dma_wait3A_407, %dma_wait3A_402, %dma_wait3A_403, %dma_wait3A_408] : memref<3686x16x4x128xf32, #tpu.memory_space<hbm>> -> memref<16x1x1x128xf32, #tpu.memory_space<hbm>>
            %dma_wait3A_410 = tpu.memref_squeeze %dma_wait3A_409 : memref<16x1x1x128xf32, #tpu.memory_space<hbm>> -> memref<16x128xf32, #tpu.memory_space<hbm>>
            %dma_wait3A_411 = arith.constant 0 : i32
            %dma_wait3A_412 = arith.constant 0 : i32
            %dma_wait3A_413 = tpu.memref_slice %arg4[%dma_wait3A_411, %dma_wait3A_402, %dma_wait3A_403, %dma_wait3A_412] : memref<3686x16x4x128xf32, #tpu.memory_space<hbm>> -> memref<16x1x1x128xf32, #tpu.memory_space<hbm>>
            %dma_wait3A_414 = tpu.memref_squeeze %dma_wait3A_413 : memref<16x1x1x128xf32, #tpu.memory_space<hbm>> -> memref<16x128xf32, #tpu.memory_space<hbm>>
            %dma_wait3A_415 = arith.constant 0 : i32
            %dma_wait3A_416 = arith.constant 0 : i32
            %dma_wait3A_417 = tpu.memref_slice %arg16[%dma_wait3A_415, %dma_wait3A_416] : memref<16x2048xf32, #tpu.memory_space<vmem>> -> memref<16x128xf32, #tpu.memory_space<vmem>>
            tpu.wait_dma2 semaphore(%arg20 : memref<!tpu.dma_semaphore, #tpu.memory_space<semaphore_mem>>) src(%dma_wait3A_417 : memref<16x128xf32, #tpu.memory_space<vmem>>) dst(%dma_wait3A_414 : memref<16x128xf32, #tpu.memory_space<hbm>>)
            %dma_wait3A_418 = arith.constant 0 : i32
            %dma_wait3A_419 = arith.constant 0 : i32
            %dma_wait3A_420 = arith.constant 0 : i32
            %dma_wait3A_421 = arith.constant 0 : i32
            %dma_wait3A_422 = tpu.memref_slice %arg16[%dma_wait3A_420, %dma_wait3A_421] : memref<16x2048xf32, #tpu.memory_space<vmem>> -> memref<16x128xf32, #tpu.memory_space<vmem>>
            %dma_wait3A_423 = arith.constant 0 : i32
            %dma_wait3A_424 = arith.constant 0 : i32
            %dma_wait3A_425 = tpu.memref_slice %arg4[%dma_wait3A_423, %dma_wait3A_418, %dma_wait3A_419, %dma_wait3A_424] : memref<3686x16x4x128xf32, #tpu.memory_space<hbm>> -> memref<16x1x1x128xf32, #tpu.memory_space<hbm>>
            %dma_wait3A_426 = tpu.memref_squeeze %dma_wait3A_425 : memref<16x1x1x128xf32, #tpu.memory_space<hbm>> -> memref<16x128xf32, #tpu.memory_space<hbm>>
            %dma_wait3A_427 = arith.constant 0 : i32
            %dma_wait3A_428 = arith.constant 0 : i32
            %dma_wait3A_429 = tpu.memref_slice %arg4[%dma_wait3A_427, %dma_wait3A_418, %dma_wait3A_419, %dma_wait3A_428] : memref<3686x16x4x128xf32, #tpu.memory_space<hbm>> -> memref<16x1x1x128xf32, #tpu.memory_space<hbm>>
            %dma_wait3A_430 = tpu.memref_squeeze %dma_wait3A_429 : memref<16x1x1x128xf32, #tpu.memory_space<hbm>> -> memref<16x128xf32, #tpu.memory_space<hbm>>
            %dma_wait3A_431 = arith.constant 0 : i32
            %dma_wait3A_432 = arith.constant 0 : i32
            %dma_wait3A_433 = tpu.memref_slice %arg16[%dma_wait3A_431, %dma_wait3A_432] : memref<16x2048xf32, #tpu.memory_space<vmem>> -> memref<16x128xf32, #tpu.memory_space<vmem>>
            tpu.wait_dma2 semaphore(%arg20 : memref<!tpu.dma_semaphore, #tpu.memory_space<semaphore_mem>>) src(%dma_wait3A_433 : memref<16x128xf32, #tpu.memory_space<vmem>>) dst(%dma_wait3A_430 : memref<16x128xf32, #tpu.memory_space<hbm>>)
            %dma_wait3A_434 = arith.constant 0 : i32
            %dma_wait3A_435 = arith.constant 0 : i32
            %dma_wait3A_436 = arith.constant 0 : i32
            %dma_wait3A_437 = arith.constant 0 : i32
            %dma_wait3A_438 = tpu.memref_slice %arg16[%dma_wait3A_436, %dma_wait3A_437] : memref<16x2048xf32, #tpu.memory_space<vmem>> -> memref<16x128xf32, #tpu.memory_space<vmem>>
            %dma_wait3A_439 = arith.constant 0 : i32
            %dma_wait3A_440 = arith.constant 0 : i32
            %dma_wait3A_441 = tpu.memref_slice %arg4[%dma_wait3A_439, %dma_wait3A_434, %dma_wait3A_435, %dma_wait3A_440] : memref<3686x16x4x128xf32, #tpu.memory_space<hbm>> -> memref<16x1x1x128xf32, #tpu.memory_space<hbm>>
            %dma_wait3A_442 = tpu.memref_squeeze %dma_wait3A_441 : memref<16x1x1x128xf32, #tpu.memory_space<hbm>> -> memref<16x128xf32, #tpu.memory_space<hbm>>
            %dma_wait3A_443 = arith.constant 0 : i32
            %dma_wait3A_444 = arith.constant 0 : i32
            %dma_wait3A_445 = tpu.memref_slice %arg4[%dma_wait3A_443, %dma_wait3A_434, %dma_wait3A_435, %dma_wait3A_444] : memref<3686x16x4x128xf32, #tpu.memory_space<hbm>> -> memref<16x1x1x128xf32, #tpu.memory_space<hbm>>
            %dma_wait3A_446 = tpu.memref_squeeze %dma_wait3A_445 : memref<16x1x1x128xf32, #tpu.memory_space<hbm>> -> memref<16x128xf32, #tpu.memory_space<hbm>>
            %dma_wait3A_447 = arith.constant 0 : i32
            %dma_wait3A_448 = arith.constant 0 : i32
            %dma_wait3A_449 = tpu.memref_slice %arg16[%dma_wait3A_447, %dma_wait3A_448] : memref<16x2048xf32, #tpu.memory_space<vmem>> -> memref<16x128xf32, #tpu.memory_space<vmem>>
            tpu.wait_dma2 semaphore(%arg20 : memref<!tpu.dma_semaphore, #tpu.memory_space<semaphore_mem>>) src(%dma_wait3A_449 : memref<16x128xf32, #tpu.memory_space<vmem>>) dst(%dma_wait3A_446 : memref<16x128xf32, #tpu.memory_space<hbm>>)
            %dma_wait3A_450 = arith.constant 0 : i32
            %dma_wait3A_451 = arith.constant 0 : i32
            %dma_wait3A_452 = arith.constant 0 : i32
            %dma_wait3A_453 = arith.constant 0 : i32
            %dma_wait3A_454 = tpu.memref_slice %arg16[%dma_wait3A_452, %dma_wait3A_453] : memref<16x2048xf32, #tpu.memory_space<vmem>> -> memref<16x128xf32, #tpu.memory_space<vmem>>
            %dma_wait3A_455 = arith.constant 0 : i32
            %dma_wait3A_456 = arith.constant 0 : i32
            %dma_wait3A_457 = tpu.memref_slice %arg4[%dma_wait3A_455, %dma_wait3A_450, %dma_wait3A_451, %dma_wait3A_456] : memref<3686x16x4x128xf32, #tpu.memory_space<hbm>> -> memref<16x1x1x128xf32, #tpu.memory_space<hbm>>
            %dma_wait3A_458 = tpu.memref_squeeze %dma_wait3A_457 : memref<16x1x1x128xf32, #tpu.memory_space<hbm>> -> memref<16x128xf32, #tpu.memory_space<hbm>>
            %dma_wait3A_459 = arith.constant 0 : i32
            %dma_wait3A_460 = arith.constant 0 : i32
            %dma_wait3A_461 = tpu.memref_slice %arg4[%dma_wait3A_459, %dma_wait3A_450, %dma_wait3A_451, %dma_wait3A_460] : memref<3686x16x4x128xf32, #tpu.memory_space<hbm>> -> memref<16x1x1x128xf32, #tpu.memory_space<hbm>>
            %dma_wait3A_462 = tpu.memref_squeeze %dma_wait3A_461 : memref<16x1x1x128xf32, #tpu.memory_space<hbm>> -> memref<16x128xf32, #tpu.memory_space<hbm>>
            %dma_wait3A_463 = arith.constant 0 : i32
            %dma_wait3A_464 = arith.constant 0 : i32
            %dma_wait3A_465 = tpu.memref_slice %arg16[%dma_wait3A_463, %dma_wait3A_464] : memref<16x2048xf32, #tpu.memory_space<vmem>> -> memref<16x128xf32, #tpu.memory_space<vmem>>
            tpu.wait_dma2 semaphore(%arg20 : memref<!tpu.dma_semaphore, #tpu.memory_space<semaphore_mem>>) src(%dma_wait3A_465 : memref<16x128xf32, #tpu.memory_space<vmem>>) dst(%dma_wait3A_462 : memref<16x128xf32, #tpu.memory_space<hbm>>)
            %dma_wait3A_466 = arith.constant 0 : i32
            %dma_wait3A_467 = arith.constant 0 : i32
            %dma_wait3A_468 = arith.constant 0 : i32
            %dma_wait3A_469 = arith.constant 0 : i32
            %dma_wait3A_470 = tpu.memref_slice %arg16[%dma_wait3A_468, %dma_wait3A_469] : memref<16x2048xf32, #tpu.memory_space<vmem>> -> memref<16x128xf32, #tpu.memory_space<vmem>>
            %dma_wait3A_471 = arith.constant 0 : i32
            %dma_wait3A_472 = arith.constant 0 : i32
            %dma_wait3A_473 = tpu.memref_slice %arg4[%dma_wait3A_471, %dma_wait3A_466, %dma_wait3A_467, %dma_wait3A_472] : memref<3686x16x4x128xf32, #tpu.memory_space<hbm>> -> memref<16x1x1x128xf32, #tpu.memory_space<hbm>>
            %dma_wait3A_474 = tpu.memref_squeeze %dma_wait3A_473 : memref<16x1x1x128xf32, #tpu.memory_space<hbm>> -> memref<16x128xf32, #tpu.memory_space<hbm>>
            %dma_wait3A_475 = arith.constant 0 : i32
            %dma_wait3A_476 = arith.constant 0 : i32
            %dma_wait3A_477 = tpu.memref_slice %arg4[%dma_wait3A_475, %dma_wait3A_466, %dma_wait3A_467, %dma_wait3A_476] : memref<3686x16x4x128xf32, #tpu.memory_space<hbm>> -> memref<16x1x1x128xf32, #tpu.memory_space<hbm>>
            %dma_wait3A_478 = tpu.memref_squeeze %dma_wait3A_477 : memref<16x1x1x128xf32, #tpu.memory_space<hbm>> -> memref<16x128xf32, #tpu.memory_space<hbm>>
            %dma_wait3A_479 = arith.constant 0 : i32
            %dma_wait3A_480 = arith.constant 0 : i32
            %dma_wait3A_481 = tpu.memref_slice %arg16[%dma_wait3A_479, %dma_wait3A_480] : memref<16x2048xf32, #tpu.memory_space<vmem>> -> memref<16x128xf32, #tpu.memory_space<vmem>>
            tpu.wait_dma2 semaphore(%arg20 : memref<!tpu.dma_semaphore, #tpu.memory_space<semaphore_mem>>) src(%dma_wait3A_481 : memref<16x128xf32, #tpu.memory_space<vmem>>) dst(%dma_wait3A_478 : memref<16x128xf32, #tpu.memory_space<hbm>>)
            %dma_wait3A_482 = arith.constant 0 : i32
            %dma_wait3A_483 = arith.constant 0 : i32
            %dma_wait3A_484 = arith.constant 0 : i32
            %dma_wait3A_485 = arith.constant 0 : i32
            %dma_wait3A_486 = tpu.memref_slice %arg16[%dma_wait3A_484, %dma_wait3A_485] : memref<16x2048xf32, #tpu.memory_space<vmem>> -> memref<16x128xf32, #tpu.memory_space<vmem>>
            %dma_wait3A_487 = arith.constant 0 : i32
            %dma_wait3A_488 = arith.constant 0 : i32
            %dma_wait3A_489 = tpu.memref_slice %arg4[%dma_wait3A_487, %dma_wait3A_482, %dma_wait3A_483, %dma_wait3A_488] : memref<3686x16x4x128xf32, #tpu.memory_space<hbm>> -> memref<16x1x1x128xf32, #tpu.memory_space<hbm>>
            %dma_wait3A_490 = tpu.memref_squeeze %dma_wait3A_489 : memref<16x1x1x128xf32, #tpu.memory_space<hbm>> -> memref<16x128xf32, #tpu.memory_space<hbm>>
            %dma_wait3A_491 = arith.constant 0 : i32
            %dma_wait3A_492 = arith.constant 0 : i32
            %dma_wait3A_493 = tpu.memref_slice %arg4[%dma_wait3A_491, %dma_wait3A_482, %dma_wait3A_483, %dma_wait3A_492] : memref<3686x16x4x128xf32, #tpu.memory_space<hbm>> -> memref<16x1x1x128xf32, #tpu.memory_space<hbm>>
            %dma_wait3A_494 = tpu.memref_squeeze %dma_wait3A_493 : memref<16x1x1x128xf32, #tpu.memory_space<hbm>> -> memref<16x128xf32, #tpu.memory_space<hbm>>
            %dma_wait3A_495 = arith.constant 0 : i32
            %dma_wait3A_496 = arith.constant 0 : i32
            %dma_wait3A_497 = tpu.memref_slice %arg16[%dma_wait3A_495, %dma_wait3A_496] : memref<16x2048xf32, #tpu.memory_space<vmem>> -> memref<16x128xf32, #tpu.memory_space<vmem>>
            tpu.wait_dma2 semaphore(%arg20 : memref<!tpu.dma_semaphore, #tpu.memory_space<semaphore_mem>>) src(%dma_wait3A_497 : memref<16x128xf32, #tpu.memory_space<vmem>>) dst(%dma_wait3A_494 : memref<16x128xf32, #tpu.memory_space<hbm>>)
            %dma_wait3A_498 = arith.constant 0 : i32
            %dma_wait3A_499 = arith.constant 0 : i32
            %dma_wait3A_500 = arith.constant 0 : i32
            %dma_wait3A_501 = arith.constant 0 : i32
            %dma_wait3A_502 = tpu.memref_slice %arg16[%dma_wait3A_500, %dma_wait3A_501] : memref<16x2048xf32, #tpu.memory_space<vmem>> -> memref<16x128xf32, #tpu.memory_space<vmem>>
            %dma_wait3A_503 = arith.constant 0 : i32
            %dma_wait3A_504 = arith.constant 0 : i32
            %dma_wait3A_505 = tpu.memref_slice %arg4[%dma_wait3A_503, %dma_wait3A_498, %dma_wait3A_499, %dma_wait3A_504] : memref<3686x16x4x128xf32, #tpu.memory_space<hbm>> -> memref<16x1x1x128xf32, #tpu.memory_space<hbm>>
            %dma_wait3A_506 = tpu.memref_squeeze %dma_wait3A_505 : memref<16x1x1x128xf32, #tpu.memory_space<hbm>> -> memref<16x128xf32, #tpu.memory_space<hbm>>
            %dma_wait3A_507 = arith.constant 0 : i32
            %dma_wait3A_508 = arith.constant 0 : i32
            %dma_wait3A_509 = tpu.memref_slice %arg4[%dma_wait3A_507, %dma_wait3A_498, %dma_wait3A_499, %dma_wait3A_508] : memref<3686x16x4x128xf32, #tpu.memory_space<hbm>> -> memref<16x1x1x128xf32, #tpu.memory_space<hbm>>
            %dma_wait3A_510 = tpu.memref_squeeze %dma_wait3A_509 : memref<16x1x1x128xf32, #tpu.memory_space<hbm>> -> memref<16x128xf32, #tpu.memory_space<hbm>>
            %dma_wait3A_511 = arith.constant 0 : i32
            %dma_wait3A_512 = arith.constant 0 : i32
            %dma_wait3A_513 = tpu.memref_slice %arg16[%dma_wait3A_511, %dma_wait3A_512] : memref<16x2048xf32, #tpu.memory_space<vmem>> -> memref<16x128xf32, #tpu.memory_space<vmem>>
            tpu.wait_dma2 semaphore(%arg20 : memref<!tpu.dma_semaphore, #tpu.memory_space<semaphore_mem>>) src(%dma_wait3A_513 : memref<16x128xf32, #tpu.memory_space<vmem>>) dst(%dma_wait3A_510 : memref<16x128xf32, #tpu.memory_space<hbm>>)
            %dma_wait3A_514 = arith.constant 0 : i32
            %dma_wait3A_515 = arith.constant 0 : i32
            %dma_wait3A_516 = arith.constant 0 : i32
            %dma_wait3A_517 = arith.constant 0 : i32
            %dma_wait3A_518 = tpu.memref_slice %arg16[%dma_wait3A_516, %dma_wait3A_517] : memref<16x2048xf32, #tpu.memory_space<vmem>> -> memref<16x128xf32, #tpu.memory_space<vmem>>
            %dma_wait3A_519 = arith.constant 0 : i32
            %dma_wait3A_520 = arith.constant 0 : i32
            %dma_wait3A_521 = tpu.memref_slice %arg4[%dma_wait3A_519, %dma_wait3A_514, %dma_wait3A_515, %dma_wait3A_520] : memref<3686x16x4x128xf32, #tpu.memory_space<hbm>> -> memref<16x1x1x128xf32, #tpu.memory_space<hbm>>
            %dma_wait3A_522 = tpu.memref_squeeze %dma_wait3A_521 : memref<16x1x1x128xf32, #tpu.memory_space<hbm>> -> memref<16x128xf32, #tpu.memory_space<hbm>>
            %dma_wait3A_523 = arith.constant 0 : i32
            %dma_wait3A_524 = arith.constant 0 : i32
            %dma_wait3A_525 = tpu.memref_slice %arg4[%dma_wait3A_523, %dma_wait3A_514, %dma_wait3A_515, %dma_wait3A_524] : memref<3686x16x4x128xf32, #tpu.memory_space<hbm>> -> memref<16x1x1x128xf32, #tpu.memory_space<hbm>>
            %dma_wait3A_526 = tpu.memref_squeeze %dma_wait3A_525 : memref<16x1x1x128xf32, #tpu.memory_space<hbm>> -> memref<16x128xf32, #tpu.memory_space<hbm>>
            %dma_wait3A_527 = arith.constant 0 : i32
            %dma_wait3A_528 = arith.constant 0 : i32
            %dma_wait3A_529 = tpu.memref_slice %arg16[%dma_wait3A_527, %dma_wait3A_528] : memref<16x2048xf32, #tpu.memory_space<vmem>> -> memref<16x128xf32, #tpu.memory_space<vmem>>
            tpu.wait_dma2 semaphore(%arg20 : memref<!tpu.dma_semaphore, #tpu.memory_space<semaphore_mem>>) src(%dma_wait3A_529 : memref<16x128xf32, #tpu.memory_space<vmem>>) dst(%dma_wait3A_526 : memref<16x128xf32, #tpu.memory_space<hbm>>)
            %dma_wait3A_530 = arith.constant 0 : i32
            %dma_wait3A_531 = arith.constant 0 : i32
            %dma_wait3A_532 = arith.constant 0 : i32
            %dma_wait3A_533 = arith.constant 0 : i32
            %dma_wait3A_534 = tpu.memref_slice %arg16[%dma_wait3A_532, %dma_wait3A_533] : memref<16x2048xf32, #tpu.memory_space<vmem>> -> memref<16x128xf32, #tpu.memory_space<vmem>>
            %dma_wait3A_535 = arith.constant 0 : i32
            %dma_wait3A_536 = arith.constant 0 : i32
            %dma_wait3A_537 = tpu.memref_slice %arg4[%dma_wait3A_535, %dma_wait3A_530, %dma_wait3A_531, %dma_wait3A_536] : memref<3686x16x4x128xf32, #tpu.memory_space<hbm>> -> memref<16x1x1x128xf32, #tpu.memory_space<hbm>>
            %dma_wait3A_538 = tpu.memref_squeeze %dma_wait3A_537 : memref<16x1x1x128xf32, #tpu.memory_space<hbm>> -> memref<16x128xf32, #tpu.memory_space<hbm>>
            %dma_wait3A_539 = arith.constant 0 : i32
            %dma_wait3A_540 = arith.constant 0 : i32
            %dma_wait3A_541 = tpu.memref_slice %arg4[%dma_wait3A_539, %dma_wait3A_530, %dma_wait3A_531, %dma_wait3A_540] : memref<3686x16x4x128xf32, #tpu.memory_space<hbm>> -> memref<16x1x1x128xf32, #tpu.memory_space<hbm>>
            %dma_wait3A_542 = tpu.memref_squeeze %dma_wait3A_541 : memref<16x1x1x128xf32, #tpu.memory_space<hbm>> -> memref<16x128xf32, #tpu.memory_space<hbm>>
            %dma_wait3A_543 = arith.constant 0 : i32
            %dma_wait3A_544 = arith.constant 0 : i32
            %dma_wait3A_545 = tpu.memref_slice %arg16[%dma_wait3A_543, %dma_wait3A_544] : memref<16x2048xf32, #tpu.memory_space<vmem>> -> memref<16x128xf32, #tpu.memory_space<vmem>>
            tpu.wait_dma2 semaphore(%arg20 : memref<!tpu.dma_semaphore, #tpu.memory_space<semaphore_mem>>) src(%dma_wait3A_545 : memref<16x128xf32, #tpu.memory_space<vmem>>) dst(%dma_wait3A_542 : memref<16x128xf32, #tpu.memory_space<hbm>>)
            %dma_wait3A_546 = arith.constant 0 : i32
            %dma_wait3A_547 = arith.constant 0 : i32
            %dma_wait3A_548 = arith.constant 0 : i32
            %dma_wait3A_549 = arith.constant 0 : i32
            %dma_wait3A_550 = tpu.memref_slice %arg16[%dma_wait3A_548, %dma_wait3A_549] : memref<16x2048xf32, #tpu.memory_space<vmem>> -> memref<16x128xf32, #tpu.memory_space<vmem>>
            %dma_wait3A_551 = arith.constant 0 : i32
            %dma_wait3A_552 = arith.constant 0 : i32
            %dma_wait3A_553 = tpu.memref_slice %arg4[%dma_wait3A_551, %dma_wait3A_546, %dma_wait3A_547, %dma_wait3A_552] : memref<3686x16x4x128xf32, #tpu.memory_space<hbm>> -> memref<16x1x1x128xf32, #tpu.memory_space<hbm>>
            %dma_wait3A_554 = tpu.memref_squeeze %dma_wait3A_553 : memref<16x1x1x128xf32, #tpu.memory_space<hbm>> -> memref<16x128xf32, #tpu.memory_space<hbm>>
            %dma_wait3A_555 = arith.constant 0 : i32
            %dma_wait3A_556 = arith.constant 0 : i32
            %dma_wait3A_557 = tpu.memref_slice %arg4[%dma_wait3A_555, %dma_wait3A_546, %dma_wait3A_547, %dma_wait3A_556] : memref<3686x16x4x128xf32, #tpu.memory_space<hbm>> -> memref<16x1x1x128xf32, #tpu.memory_space<hbm>>
            %dma_wait3A_558 = tpu.memref_squeeze %dma_wait3A_557 : memref<16x1x1x128xf32, #tpu.memory_space<hbm>> -> memref<16x128xf32, #tpu.memory_space<hbm>>
            %dma_wait3A_559 = arith.constant 0 : i32
            %dma_wait3A_560 = arith.constant 0 : i32
            %dma_wait3A_561 = tpu.memref_slice %arg16[%dma_wait3A_559, %dma_wait3A_560] : memref<16x2048xf32, #tpu.memory_space<vmem>> -> memref<16x128xf32, #tpu.memory_space<vmem>>
            tpu.wait_dma2 semaphore(%arg20 : memref<!tpu.dma_semaphore, #tpu.memory_space<semaphore_mem>>) src(%dma_wait3A_561 : memref<16x128xf32, #tpu.memory_space<vmem>>) dst(%dma_wait3A_558 : memref<16x128xf32, #tpu.memory_space<hbm>>)
            %dma_wait3A_562 = arith.constant 0 : i32
            %dma_wait3A_563 = arith.constant 0 : i32
            %dma_wait3A_564 = arith.constant 0 : i32
            %dma_wait3A_565 = arith.constant 0 : i32
            %dma_wait3A_566 = tpu.memref_slice %arg16[%dma_wait3A_564, %dma_wait3A_565] : memref<16x2048xf32, #tpu.memory_space<vmem>> -> memref<16x128xf32, #tpu.memory_space<vmem>>
            %dma_wait3A_567 = arith.constant 0 : i32
            %dma_wait3A_568 = arith.constant 0 : i32
            %dma_wait3A_569 = tpu.memref_slice %arg4[%dma_wait3A_567, %dma_wait3A_562, %dma_wait3A_563, %dma_wait3A_568] : memref<3686x16x4x128xf32, #tpu.memory_space<hbm>> -> memref<16x1x1x128xf32, #tpu.memory_space<hbm>>
            %dma_wait3A_570 = tpu.memref_squeeze %dma_wait3A_569 : memref<16x1x1x128xf32, #tpu.memory_space<hbm>> -> memref<16x128xf32, #tpu.memory_space<hbm>>
            %dma_wait3A_571 = arith.constant 0 : i32
            %dma_wait3A_572 = arith.constant 0 : i32
            %dma_wait3A_573 = tpu.memref_slice %arg4[%dma_wait3A_571, %dma_wait3A_562, %dma_wait3A_563, %dma_wait3A_572] : memref<3686x16x4x128xf32, #tpu.memory_space<hbm>> -> memref<16x1x1x128xf32, #tpu.memory_space<hbm>>
            %dma_wait3A_574 = tpu.memref_squeeze %dma_wait3A_573 : memref<16x1x1x128xf32, #tpu.memory_space<hbm>> -> memref<16x128xf32, #tpu.memory_space<hbm>>
            %dma_wait3A_575 = arith.constant 0 : i32
            %dma_wait3A_576 = arith.constant 0 : i32
            %dma_wait3A_577 = tpu.memref_slice %arg16[%dma_wait3A_575, %dma_wait3A_576] : memref<16x2048xf32, #tpu.memory_space<vmem>> -> memref<16x128xf32, #tpu.memory_space<vmem>>
            tpu.wait_dma2 semaphore(%arg20 : memref<!tpu.dma_semaphore, #tpu.memory_space<semaphore_mem>>) src(%dma_wait3A_577 : memref<16x128xf32, #tpu.memory_space<vmem>>) dst(%dma_wait3A_574 : memref<16x128xf32, #tpu.memory_space<hbm>>)
          } else {
          }
          %add3A_308 = arith.constant 1 : i32
          %add3A_309 = arith.addi %add3A_46, %add3A_308 : i32
          %mul3A_310 = arith.constant 16 : i32
          %mul3A_311 = arith.muli %add3A_309, %mul3A_310 : i32
          %add3A_312 = vector.broadcast %mul3A_311 : i32 to vector<16xi32>
          %add3A_313 = arith.addi %add3A_312, %iota3A : vector<16xi32>
          %gather3A = tpu.vector_load_idx %arg13[%add3A_313] : memref<4096xi32, #tpu.memory_space<vmem>>[vector<16xi32>], vector<16xi32>,
          %swap3A = arith.constant 0 : index
          %swap3A_314 = tpu.vector_load %arg14[%swap3A] {strides = array<i32>} : memref<16xi32, #tpu.memory_space<vmem>>, vector<16xi32>,
          tpu.vector_store %arg14[%swap3A], %gather3A {strides = array<i32>} : memref<16xi32, #tpu.memory_space<vmem>>, vector<16xi32>,
          %dma_start3A_315 = arith.constant 0 : i32
          %dma_start3A_316 = arith.constant 0 : i32
          %dma_start3A_317 = tpu.memref_slice %arg2[%shift_right_logical3A_3, %dma_start3A_315, %dma_start3A_316] : memref<4x4096x2048xf32, #tpu.memory_space<hbm>> -> memref<1x4096x2048xf32, #tpu.memory_space<hbm>>
          %dma_start3A_318 = tpu.memref_squeeze %dma_start3A_317 : memref<1x4096x2048xf32, #tpu.memory_space<hbm>> -> memref<4096x2048xf32, #tpu.memory_space<hbm>>
          %dma_start3A_319 = arith.constant 0 : i32
          %dma_start3A_320 = arith.constant 0 : i32
          %dma_start3A_321 = tpu.memref_slice %dma_start3A_318[%dma_start3A_319, %dma_start3A_320] : memref<4096x2048xf32, #tpu.memory_space<hbm>> -> memref<4096x2048xf32, #tpu.memory_space<hbm>>
          tpu.enqueue_indirect_dma source(%dma_start3A_321 : memref<4096x2048xf32, #tpu.memory_space<hbm>>) target(%arg16 : memref<16x2048xf32, #tpu.memory_space<vmem>>) offsets(%arg14 : memref<16xi32, #tpu.memory_space<vmem>>) semaphore(%arg18 : memref<!tpu.dma_semaphore, #tpu.memory_space<semaphore_mem>>)
        } else {
        }
        %mul3A_63 = arith.constant 16 : i32
        %mul3A_64 = arith.muli %add3A_46, %mul3A_63 : i32
        %dma_start3A = arith.constant 0 : i32
        %dma_start3A_65 = arith.constant 0 : i32
        %dma_start3A_66 = arith.constant 0 : i32
        %dma_start3A_67 = tpu.memref_slice %arg17[%dma_start3A_65, %dma_start3A_66] : memref<16x2048xf32, #tpu.memory_space<vmem>> -> memref<16x128xf32, #tpu.memory_space<vmem>>
        %dma_start3A_68 = arith.constant 0 : i32
        %dma_start3A_69 = tpu.memref_slice %arg4[%mul3A_64, %dma_start3A, %shift_right_logical3A_3, %dma_start3A_68] : memref<3686x16x4x128xf32, #tpu.memory_space<hbm>> -> memref<16x1x1x128xf32, #tpu.memory_space<hbm>>
        %dma_start3A_70 = tpu.memref_squeeze %dma_start3A_69 : memref<16x1x1x128xf32, #tpu.memory_space<hbm>> -> memref<16x128xf32, #tpu.memory_space<hbm>>
        %dma_start3A_71 = arith.constant 0 : i32
        %dma_start3A_72 = tpu.memref_slice %arg4[%mul3A_64, %dma_start3A, %shift_right_logical3A_3, %dma_start3A_71] : memref<3686x16x4x128xf32, #tpu.memory_space<hbm>> -> memref<16x1x1x128xf32, #tpu.memory_space<hbm>>
        %dma_start3A_73 = tpu.memref_squeeze %dma_start3A_72 : memref<16x1x1x128xf32, #tpu.memory_space<hbm>> -> memref<16x128xf32, #tpu.memory_space<hbm>>
        %dma_start3A_74 = arith.constant 0 : i32
        %dma_start3A_75 = arith.constant 0 : i32
        %dma_start3A_76 = tpu.memref_slice %arg17[%dma_start3A_74, %dma_start3A_75] : memref<16x2048xf32, #tpu.memory_space<vmem>> -> memref<16x128xf32, #tpu.memory_space<vmem>>
        tpu.enqueue_dma source(%dma_start3A_76 : memref<16x128xf32, #tpu.memory_space<vmem>>) target(%dma_start3A_73 : memref<16x128xf32, #tpu.memory_space<hbm>>) target_semaphore(%arg21 : memref<!tpu.dma_semaphore, #tpu.memory_space<semaphore_mem>>)
        %mul3A_77 = arith.constant 16 : i32
        %mul3A_78 = arith.muli %add3A_46, %mul3A_77 : i32
        %dma_start3A_79 = arith.constant 1 : i32
        %dma_start3A_80 = arith.constant 0 : i32
        %dma_start3A_81 = arith.constant 128 : i32
        %dma_start3A_82 = tpu.memref_slice %arg17[%dma_start3A_80, %dma_start3A_81] : memref<16x2048xf32, #tpu.memory_space<vmem>> -> memref<16x128xf32, #tpu.memory_space<vmem>>
        %dma_start3A_83 = arith.constant 0 : i32
        %dma_start3A_84 = tpu.memref_slice %arg4[%mul3A_78, %dma_start3A_79, %shift_right_logical3A_3, %dma_start3A_83] : memref<3686x16x4x128xf32, #tpu.memory_space<hbm>> -> memref<16x1x1x128xf32, #tpu.memory_space<hbm>>
        %dma_start3A_85 = tpu.memref_squeeze %dma_start3A_84 : memref<16x1x1x128xf32, #tpu.memory_space<hbm>> -> memref<16x128xf32, #tpu.memory_space<hbm>>
        %dma_start3A_86 = arith.constant 0 : i32
        %dma_start3A_87 = tpu.memref_slice %arg4[%mul3A_78, %dma_start3A_79, %shift_right_logical3A_3, %dma_start3A_86] : memref<3686x16x4x128xf32, #tpu.memory_space<hbm>> -> memref<16x1x1x128xf32, #tpu.memory_space<hbm>>
        %dma_start3A_88 = tpu.memref_squeeze %dma_start3A_87 : memref<16x1x1x128xf32, #tpu.memory_space<hbm>> -> memref<16x128xf32, #tpu.memory_space<hbm>>
        %dma_start3A_89 = arith.constant 0 : i32
        %dma_start3A_90 = arith.constant 128 : i32
        %dma_start3A_91 = tpu.memref_slice %arg17[%dma_start3A_89, %dma_start3A_90] : memref<16x2048xf32, #tpu.memory_space<vmem>> -> memref<16x128xf32, #tpu.memory_space<vmem>>
        tpu.enqueue_dma source(%dma_start3A_91 : memref<16x128xf32, #tpu.memory_space<vmem>>) target(%dma_start3A_88 : memref<16x128xf32, #tpu.memory_space<hbm>>) target_semaphore(%arg21 : memref<!tpu.dma_semaphore, #tpu.memory_space<semaphore_mem>>)
        %mul3A_92 = arith.constant 16 : i32
        %mul3A_93 = arith.muli %add3A_46, %mul3A_92 : i32
        %dma_start3A_94 = arith.constant 2 : i32
        %dma_start3A_95 = arith.constant 0 : i32
        %dma_start3A_96 = arith.constant 256 : i32
        %dma_start3A_97 = tpu.memref_slice %arg17[%dma_start3A_95, %dma_start3A_96] : memref<16x2048xf32, #tpu.memory_space<vmem>> -> memref<16x128xf32, #tpu.memory_space<vmem>>
        %dma_start3A_98 = arith.constant 0 : i32
        %dma_start3A_99 = tpu.memref_slice %arg4[%mul3A_93, %dma_start3A_94, %shift_right_logical3A_3, %dma_start3A_98] : memref<3686x16x4x128xf32, #tpu.memory_space<hbm>> -> memref<16x1x1x128xf32, #tpu.memory_space<hbm>>
        %dma_start3A_100 = tpu.memref_squeeze %dma_start3A_99 : memref<16x1x1x128xf32, #tpu.memory_space<hbm>> -> memref<16x128xf32, #tpu.memory_space<hbm>>
        %dma_start3A_101 = arith.constant 0 : i32
        %dma_start3A_102 = tpu.memref_slice %arg4[%mul3A_93, %dma_start3A_94, %shift_right_logical3A_3, %dma_start3A_101] : memref<3686x16x4x128xf32, #tpu.memory_space<hbm>> -> memref<16x1x1x128xf32, #tpu.memory_space<hbm>>
        %dma_start3A_103 = tpu.memref_squeeze %dma_start3A_102 : memref<16x1x1x128xf32, #tpu.memory_space<hbm>> -> memref<16x128xf32, #tpu.memory_space<hbm>>
        %dma_start3A_104 = arith.constant 0 : i32
        %dma_start3A_105 = arith.constant 256 : i32
        %dma_start3A_106 = tpu.memref_slice %arg17[%dma_start3A_104, %dma_start3A_105] : memref<16x2048xf32, #tpu.memory_space<vmem>> -> memref<16x128xf32, #tpu.memory_space<vmem>>
        tpu.enqueue_dma source(%dma_start3A_106 : memref<16x128xf32, #tpu.memory_space<vmem>>) target(%dma_start3A_103 : memref<16x128xf32, #tpu.memory_space<hbm>>) target_semaphore(%arg21 : memref<!tpu.dma_semaphore, #tpu.memory_space<semaphore_mem>>)
        %mul3A_107 = arith.constant 16 : i32
        %mul3A_108 = arith.muli %add3A_46, %mul3A_107 : i32
        %dma_start3A_109 = arith.constant 3 : i32
        %dma_start3A_110 = arith.constant 0 : i32
        %dma_start3A_111 = arith.constant 384 : i32
        %dma_start3A_112 = tpu.memref_slice %arg17[%dma_start3A_110, %dma_start3A_111] : memref<16x2048xf32, #tpu.memory_space<vmem>> -> memref<16x128xf32, #tpu.memory_space<vmem>>
        %dma_start3A_113 = arith.constant 0 : i32
        %dma_start3A_114 = tpu.memref_slice %arg4[%mul3A_108, %dma_start3A_109, %shift_right_logical3A_3, %dma_start3A_113] : memref<3686x16x4x128xf32, #tpu.memory_space<hbm>> -> memref<16x1x1x128xf32, #tpu.memory_space<hbm>>
        %dma_start3A_115 = tpu.memref_squeeze %dma_start3A_114 : memref<16x1x1x128xf32, #tpu.memory_space<hbm>> -> memref<16x128xf32, #tpu.memory_space<hbm>>
        %dma_start3A_116 = arith.constant 0 : i32
        %dma_start3A_117 = tpu.memref_slice %arg4[%mul3A_108, %dma_start3A_109, %shift_right_logical3A_3, %dma_start3A_116] : memref<3686x16x4x128xf32, #tpu.memory_space<hbm>> -> memref<16x1x1x128xf32, #tpu.memory_space<hbm>>
        %dma_start3A_118 = tpu.memref_squeeze %dma_start3A_117 : memref<16x1x1x128xf32, #tpu.memory_space<hbm>> -> memref<16x128xf32, #tpu.memory_space<hbm>>
        %dma_start3A_119 = arith.constant 0 : i32
        %dma_start3A_120 = arith.constant 384 : i32
        %dma_start3A_121 = tpu.memref_slice %arg17[%dma_start3A_119, %dma_start3A_120] : memref<16x2048xf32, #tpu.memory_space<vmem>> -> memref<16x128xf32, #tpu.memory_space<vmem>>
        tpu.enqueue_dma source(%dma_start3A_121 : memref<16x128xf32, #tpu.memory_space<vmem>>) target(%dma_start3A_118 : memref<16x128xf32, #tpu.memory_space<hbm>>) target_semaphore(%arg21 : memref<!tpu.dma_semaphore, #tpu.memory_space<semaphore_mem>>)
        %mul3A_122 = arith.constant 16 : i32
        %mul3A_123 = arith.muli %add3A_46, %mul3A_122 : i32
        %dma_start3A_124 = arith.constant 4 : i32
        %dma_start3A_125 = arith.constant 0 : i32
        %dma_start3A_126 = arith.constant 512 : i32
        %dma_start3A_127 = tpu.memref_slice %arg17[%dma_start3A_125, %dma_start3A_126] : memref<16x2048xf32, #tpu.memory_space<vmem>> -> memref<16x128xf32, #tpu.memory_space<vmem>>
        %dma_start3A_128 = arith.constant 0 : i32
        %dma_start3A_129 = tpu.memref_slice %arg4[%mul3A_123, %dma_start3A_124, %shift_right_logical3A_3, %dma_start3A_128] : memref<3686x16x4x128xf32, #tpu.memory_space<hbm>> -> memref<16x1x1x128xf32, #tpu.memory_space<hbm>>
        %dma_start3A_130 = tpu.memref_squeeze %dma_start3A_129 : memref<16x1x1x128xf32, #tpu.memory_space<hbm>> -> memref<16x128xf32, #tpu.memory_space<hbm>>
        %dma_start3A_131 = arith.constant 0 : i32
        %dma_start3A_132 = tpu.memref_slice %arg4[%mul3A_123, %dma_start3A_124, %shift_right_logical3A_3, %dma_start3A_131] : memref<3686x16x4x128xf32, #tpu.memory_space<hbm>> -> memref<16x1x1x128xf32, #tpu.memory_space<hbm>>
        %dma_start3A_133 = tpu.memref_squeeze %dma_start3A_132 : memref<16x1x1x128xf32, #tpu.memory_space<hbm>> -> memref<16x128xf32, #tpu.memory_space<hbm>>
        %dma_start3A_134 = arith.constant 0 : i32
        %dma_start3A_135 = arith.constant 512 : i32
        %dma_start3A_136 = tpu.memref_slice %arg17[%dma_start3A_134, %dma_start3A_135] : memref<16x2048xf32, #tpu.memory_space<vmem>> -> memref<16x128xf32, #tpu.memory_space<vmem>>
        tpu.enqueue_dma source(%dma_start3A_136 : memref<16x128xf32, #tpu.memory_space<vmem>>) target(%dma_start3A_133 : memref<16x128xf32, #tpu.memory_space<hbm>>) target_semaphore(%arg21 : memref<!tpu.dma_semaphore, #tpu.memory_space<semaphore_mem>>)
        %mul3A_137 = arith.constant 16 : i32
        %mul3A_138 = arith.muli %add3A_46, %mul3A_137 : i32
        %dma_start3A_139 = arith.constant 5 : i32
        %dma_start3A_140 = arith.constant 0 : i32
        %dma_start3A_141 = arith.constant 640 : i32
        %dma_start3A_142 = tpu.memref_slice %arg17[%dma_start3A_140, %dma_start3A_141] : memref<16x2048xf32, #tpu.memory_space<vmem>> -> memref<16x128xf32, #tpu.memory_space<vmem>>
        %dma_start3A_143 = arith.constant 0 : i32
        %dma_start3A_144 = tpu.memref_slice %arg4[%mul3A_138, %dma_start3A_139, %shift_right_logical3A_3, %dma_start3A_143] : memref<3686x16x4x128xf32, #tpu.memory_space<hbm>> -> memref<16x1x1x128xf32, #tpu.memory_space<hbm>>
        %dma_start3A_145 = tpu.memref_squeeze %dma_start3A_144 : memref<16x1x1x128xf32, #tpu.memory_space<hbm>> -> memref<16x128xf32, #tpu.memory_space<hbm>>
        %dma_start3A_146 = arith.constant 0 : i32
        %dma_start3A_147 = tpu.memref_slice %arg4[%mul3A_138, %dma_start3A_139, %shift_right_logical3A_3, %dma_start3A_146] : memref<3686x16x4x128xf32, #tpu.memory_space<hbm>> -> memref<16x1x1x128xf32, #tpu.memory_space<hbm>>
        %dma_start3A_148 = tpu.memref_squeeze %dma_start3A_147 : memref<16x1x1x128xf32, #tpu.memory_space<hbm>> -> memref<16x128xf32, #tpu.memory_space<hbm>>
        %dma_start3A_149 = arith.constant 0 : i32
        %dma_start3A_150 = arith.constant 640 : i32
        %dma_start3A_151 = tpu.memref_slice %arg17[%dma_start3A_149, %dma_start3A_150] : memref<16x2048xf32, #tpu.memory_space<vmem>> -> memref<16x128xf32, #tpu.memory_space<vmem>>
        tpu.enqueue_dma source(%dma_start3A_151 : memref<16x128xf32, #tpu.memory_space<vmem>>) target(%dma_start3A_148 : memref<16x128xf32, #tpu.memory_space<hbm>>) target_semaphore(%arg21 : memref<!tpu.dma_semaphore, #tpu.memory_space<semaphore_mem>>)
        %mul3A_152 = arith.constant 16 : i32
        %mul3A_153 = arith.muli %add3A_46, %mul3A_152 : i32
        %dma_start3A_154 = arith.constant 6 : i32
        %dma_start3A_155 = arith.constant 0 : i32
        %dma_start3A_156 = arith.constant 768 : i32
        %dma_start3A_157 = tpu.memref_slice %arg17[%dma_start3A_155, %dma_start3A_156] : memref<16x2048xf32, #tpu.memory_space<vmem>> -> memref<16x128xf32, #tpu.memory_space<vmem>>
        %dma_start3A_158 = arith.constant 0 : i32
        %dma_start3A_159 = tpu.memref_slice %arg4[%mul3A_153, %dma_start3A_154, %shift_right_logical3A_3, %dma_start3A_158] : memref<3686x16x4x128xf32, #tpu.memory_space<hbm>> -> memref<16x1x1x128xf32, #tpu.memory_space<hbm>>
        %dma_start3A_160 = tpu.memref_squeeze %dma_start3A_159 : memref<16x1x1x128xf32, #tpu.memory_space<hbm>> -> memref<16x128xf32, #tpu.memory_space<hbm>>
        %dma_start3A_161 = arith.constant 0 : i32
        %dma_start3A_162 = tpu.memref_slice %arg4[%mul3A_153, %dma_start3A_154, %shift_right_logical3A_3, %dma_start3A_161] : memref<3686x16x4x128xf32, #tpu.memory_space<hbm>> -> memref<16x1x1x128xf32, #tpu.memory_space<hbm>>
        %dma_start3A_163 = tpu.memref_squeeze %dma_start3A_162 : memref<16x1x1x128xf32, #tpu.memory_space<hbm>> -> memref<16x128xf32, #tpu.memory_space<hbm>>
        %dma_start3A_164 = arith.constant 0 : i32
        %dma_start3A_165 = arith.constant 768 : i32
        %dma_start3A_166 = tpu.memref_slice %arg17[%dma_start3A_164, %dma_start3A_165] : memref<16x2048xf32, #tpu.memory_space<vmem>> -> memref<16x128xf32, #tpu.memory_space<vmem>>
        tpu.enqueue_dma source(%dma_start3A_166 : memref<16x128xf32, #tpu.memory_space<vmem>>) target(%dma_start3A_163 : memref<16x128xf32, #tpu.memory_space<hbm>>) target_semaphore(%arg21 : memref<!tpu.dma_semaphore, #tpu.memory_space<semaphore_mem>>)
        %mul3A_167 = arith.constant 16 : i32
        %mul3A_168 = arith.muli %add3A_46, %mul3A_167 : i32
        %dma_start3A_169 = arith.constant 7 : i32
        %dma_start3A_170 = arith.constant 0 : i32
        %dma_start3A_171 = arith.constant 896 : i32
        %dma_start3A_172 = tpu.memref_slice %arg17[%dma_start3A_170, %dma_start3A_171] : memref<16x2048xf32, #tpu.memory_space<vmem>> -> memref<16x128xf32, #tpu.memory_space<vmem>>
        %dma_start3A_173 = arith.constant 0 : i32
        %dma_start3A_174 = tpu.memref_slice %arg4[%mul3A_168, %dma_start3A_169, %shift_right_logical3A_3, %dma_start3A_173] : memref<3686x16x4x128xf32, #tpu.memory_space<hbm>> -> memref<16x1x1x128xf32, #tpu.memory_space<hbm>>
        %dma_start3A_175 = tpu.memref_squeeze %dma_start3A_174 : memref<16x1x1x128xf32, #tpu.memory_space<hbm>> -> memref<16x128xf32, #tpu.memory_space<hbm>>
        %dma_start3A_176 = arith.constant 0 : i32
        %dma_start3A_177 = tpu.memref_slice %arg4[%mul3A_168, %dma_start3A_169, %shift_right_logical3A_3, %dma_start3A_176] : memref<3686x16x4x128xf32, #tpu.memory_space<hbm>> -> memref<16x1x1x128xf32, #tpu.memory_space<hbm>>
        %dma_start3A_178 = tpu.memref_squeeze %dma_start3A_177 : memref<16x1x1x128xf32, #tpu.memory_space<hbm>> -> memref<16x128xf32, #tpu.memory_space<hbm>>
        %dma_start3A_179 = arith.constant 0 : i32
        %dma_start3A_180 = arith.constant 896 : i32
        %dma_start3A_181 = tpu.memref_slice %arg17[%dma_start3A_179, %dma_start3A_180] : memref<16x2048xf32, #tpu.memory_space<vmem>> -> memref<16x128xf32, #tpu.memory_space<vmem>>
        tpu.enqueue_dma source(%dma_start3A_181 : memref<16x128xf32, #tpu.memory_space<vmem>>) target(%dma_start3A_178 : memref<16x128xf32, #tpu.memory_space<hbm>>) target_semaphore(%arg21 : memref<!tpu.dma_semaphore, #tpu.memory_space<semaphore_mem>>)
        %mul3A_182 = arith.constant 16 : i32
        %mul3A_183 = arith.muli %add3A_46, %mul3A_182 : i32
        %dma_start3A_184 = arith.constant 8 : i32
        %dma_start3A_185 = arith.constant 0 : i32
        %dma_start3A_186 = arith.constant 1024 : i32
        %dma_start3A_187 = tpu.memref_slice %arg17[%dma_start3A_185, %dma_start3A_186] : memref<16x2048xf32, #tpu.memory_space<vmem>> -> memref<16x128xf32, #tpu.memory_space<vmem>>
        %dma_start3A_188 = arith.constant 0 : i32
        %dma_start3A_189 = tpu.memref_slice %arg4[%mul3A_183, %dma_start3A_184, %shift_right_logical3A_3, %dma_start3A_188] : memref<3686x16x4x128xf32, #tpu.memory_space<hbm>> -> memref<16x1x1x128xf32, #tpu.memory_space<hbm>>
        %dma_start3A_190 = tpu.memref_squeeze %dma_start3A_189 : memref<16x1x1x128xf32, #tpu.memory_space<hbm>> -> memref<16x128xf32, #tpu.memory_space<hbm>>
        %dma_start3A_191 = arith.constant 0 : i32
        %dma_start3A_192 = tpu.memref_slice %arg4[%mul3A_183, %dma_start3A_184, %shift_right_logical3A_3, %dma_start3A_191] : memref<3686x16x4x128xf32, #tpu.memory_space<hbm>> -> memref<16x1x1x128xf32, #tpu.memory_space<hbm>>
        %dma_start3A_193 = tpu.memref_squeeze %dma_start3A_192 : memref<16x1x1x128xf32, #tpu.memory_space<hbm>> -> memref<16x128xf32, #tpu.memory_space<hbm>>
        %dma_start3A_194 = arith.constant 0 : i32
        %dma_start3A_195 = arith.constant 1024 : i32
        %dma_start3A_196 = tpu.memref_slice %arg17[%dma_start3A_194, %dma_start3A_195] : memref<16x2048xf32, #tpu.memory_space<vmem>> -> memref<16x128xf32, #tpu.memory_space<vmem>>
        tpu.enqueue_dma source(%dma_start3A_196 : memref<16x128xf32, #tpu.memory_space<vmem>>) target(%dma_start3A_193 : memref<16x128xf32, #tpu.memory_space<hbm>>) target_semaphore(%arg21 : memref<!tpu.dma_semaphore, #tpu.memory_space<semaphore_mem>>)
        %mul3A_197 = arith.constant 16 : i32
        %mul3A_198 = arith.muli %add3A_46, %mul3A_197 : i32
        %dma_start3A_199 = arith.constant 9 : i32
        %dma_start3A_200 = arith.constant 0 : i32
        %dma_start3A_201 = arith.constant 1152 : i32
        %dma_start3A_202 = tpu.memref_slice %arg17[%dma_start3A_200, %dma_start3A_201] : memref<16x2048xf32, #tpu.memory_space<vmem>> -> memref<16x128xf32, #tpu.memory_space<vmem>>
        %dma_start3A_203 = arith.constant 0 : i32
        %dma_start3A_204 = tpu.memref_slice %arg4[%mul3A_198, %dma_start3A_199, %shift_right_logical3A_3, %dma_start3A_203] : memref<3686x16x4x128xf32, #tpu.memory_space<hbm>> -> memref<16x1x1x128xf32, #tpu.memory_space<hbm>>
        %dma_start3A_205 = tpu.memref_squeeze %dma_start3A_204 : memref<16x1x1x128xf32, #tpu.memory_space<hbm>> -> memref<16x128xf32, #tpu.memory_space<hbm>>
        %dma_start3A_206 = arith.constant 0 : i32
        %dma_start3A_207 = tpu.memref_slice %arg4[%mul3A_198, %dma_start3A_199, %shift_right_logical3A_3, %dma_start3A_206] : memref<3686x16x4x128xf32, #tpu.memory_space<hbm>> -> memref<16x1x1x128xf32, #tpu.memory_space<hbm>>
        %dma_start3A_208 = tpu.memref_squeeze %dma_start3A_207 : memref<16x1x1x128xf32, #tpu.memory_space<hbm>> -> memref<16x128xf32, #tpu.memory_space<hbm>>
        %dma_start3A_209 = arith.constant 0 : i32
        %dma_start3A_210 = arith.constant 1152 : i32
        %dma_start3A_211 = tpu.memref_slice %arg17[%dma_start3A_209, %dma_start3A_210] : memref<16x2048xf32, #tpu.memory_space<vmem>> -> memref<16x128xf32, #tpu.memory_space<vmem>>
        tpu.enqueue_dma source(%dma_start3A_211 : memref<16x128xf32, #tpu.memory_space<vmem>>) target(%dma_start3A_208 : memref<16x128xf32, #tpu.memory_space<hbm>>) target_semaphore(%arg21 : memref<!tpu.dma_semaphore, #tpu.memory_space<semaphore_mem>>)
        %mul3A_212 = arith.constant 16 : i32
        %mul3A_213 = arith.muli %add3A_46, %mul3A_212 : i32
        %dma_start3A_214 = arith.constant 10 : i32
        %dma_start3A_215 = arith.constant 0 : i32
        %dma_start3A_216 = arith.constant 1280 : i32
        %dma_start3A_217 = tpu.memref_slice %arg17[%dma_start3A_215, %dma_start3A_216] : memref<16x2048xf32, #tpu.memory_space<vmem>> -> memref<16x128xf32, #tpu.memory_space<vmem>>
        %dma_start3A_218 = arith.constant 0 : i32
        %dma_start3A_219 = tpu.memref_slice %arg4[%mul3A_213, %dma_start3A_214, %shift_right_logical3A_3, %dma_start3A_218] : memref<3686x16x4x128xf32, #tpu.memory_space<hbm>> -> memref<16x1x1x128xf32, #tpu.memory_space<hbm>>
        %dma_start3A_220 = tpu.memref_squeeze %dma_start3A_219 : memref<16x1x1x128xf32, #tpu.memory_space<hbm>> -> memref<16x128xf32, #tpu.memory_space<hbm>>
        %dma_start3A_221 = arith.constant 0 : i32
        %dma_start3A_222 = tpu.memref_slice %arg4[%mul3A_213, %dma_start3A_214, %shift_right_logical3A_3, %dma_start3A_221] : memref<3686x16x4x128xf32, #tpu.memory_space<hbm>> -> memref<16x1x1x128xf32, #tpu.memory_space<hbm>>
        %dma_start3A_223 = tpu.memref_squeeze %dma_start3A_222 : memref<16x1x1x128xf32, #tpu.memory_space<hbm>> -> memref<16x128xf32, #tpu.memory_space<hbm>>
        %dma_start3A_224 = arith.constant 0 : i32
        %dma_start3A_225 = arith.constant 1280 : i32
        %dma_start3A_226 = tpu.memref_slice %arg17[%dma_start3A_224, %dma_start3A_225] : memref<16x2048xf32, #tpu.memory_space<vmem>> -> memref<16x128xf32, #tpu.memory_space<vmem>>
        tpu.enqueue_dma source(%dma_start3A_226 : memref<16x128xf32, #tpu.memory_space<vmem>>) target(%dma_start3A_223 : memref<16x128xf32, #tpu.memory_space<hbm>>) target_semaphore(%arg21 : memref<!tpu.dma_semaphore, #tpu.memory_space<semaphore_mem>>)
        %mul3A_227 = arith.constant 16 : i32
        %mul3A_228 = arith.muli %add3A_46, %mul3A_227 : i32
        %dma_start3A_229 = arith.constant 11 : i32
        %dma_start3A_230 = arith.constant 0 : i32
        %dma_start3A_231 = arith.constant 1408 : i32
        %dma_start3A_232 = tpu.memref_slice %arg17[%dma_start3A_230, %dma_start3A_231] : memref<16x2048xf32, #tpu.memory_space<vmem>> -> memref<16x128xf32, #tpu.memory_space<vmem>>
        %dma_start3A_233 = arith.constant 0 : i32
        %dma_start3A_234 = tpu.memref_slice %arg4[%mul3A_228, %dma_start3A_229, %shift_right_logical3A_3, %dma_start3A_233] : memref<3686x16x4x128xf32, #tpu.memory_space<hbm>> -> memref<16x1x1x128xf32, #tpu.memory_space<hbm>>
        %dma_start3A_235 = tpu.memref_squeeze %dma_start3A_234 : memref<16x1x1x128xf32, #tpu.memory_space<hbm>> -> memref<16x128xf32, #tpu.memory_space<hbm>>
        %dma_start3A_236 = arith.constant 0 : i32
        %dma_start3A_237 = tpu.memref_slice %arg4[%mul3A_228, %dma_start3A_229, %shift_right_logical3A_3, %dma_start3A_236] : memref<3686x16x4x128xf32, #tpu.memory_space<hbm>> -> memref<16x1x1x128xf32, #tpu.memory_space<hbm>>
        %dma_start3A_238 = tpu.memref_squeeze %dma_start3A_237 : memref<16x1x1x128xf32, #tpu.memory_space<hbm>> -> memref<16x128xf32, #tpu.memory_space<hbm>>
        %dma_start3A_239 = arith.constant 0 : i32
        %dma_start3A_240 = arith.constant 1408 : i32
        %dma_start3A_241 = tpu.memref_slice %arg17[%dma_start3A_239, %dma_start3A_240] : memref<16x2048xf32, #tpu.memory_space<vmem>> -> memref<16x128xf32, #tpu.memory_space<vmem>>
        tpu.enqueue_dma source(%dma_start3A_241 : memref<16x128xf32, #tpu.memory_space<vmem>>) target(%dma_start3A_238 : memref<16x128xf32, #tpu.memory_space<hbm>>) target_semaphore(%arg21 : memref<!tpu.dma_semaphore, #tpu.memory_space<semaphore_mem>>)
        %mul3A_242 = arith.constant 16 : i32
        %mul3A_243 = arith.muli %add3A_46, %mul3A_242 : i32
        %dma_start3A_244 = arith.constant 12 : i32
        %dma_start3A_245 = arith.constant 0 : i32
        %dma_start3A_246 = arith.constant 1536 : i32
        %dma_start3A_247 = tpu.memref_slice %arg17[%dma_start3A_245, %dma_start3A_246] : memref<16x2048xf32, #tpu.memory_space<vmem>> -> memref<16x128xf32, #tpu.memory_space<vmem>>
        %dma_start3A_248 = arith.constant 0 : i32
        %dma_start3A_249 = tpu.memref_slice %arg4[%mul3A_243, %dma_start3A_244, %shift_right_logical3A_3, %dma_start3A_248] : memref<3686x16x4x128xf32, #tpu.memory_space<hbm>> -> memref<16x1x1x128xf32, #tpu.memory_space<hbm>>
        %dma_start3A_250 = tpu.memref_squeeze %dma_start3A_249 : memref<16x1x1x128xf32, #tpu.memory_space<hbm>> -> memref<16x128xf32, #tpu.memory_space<hbm>>
        %dma_start3A_251 = arith.constant 0 : i32
        %dma_start3A_252 = tpu.memref_slice %arg4[%mul3A_243, %dma_start3A_244, %shift_right_logical3A_3, %dma_start3A_251] : memref<3686x16x4x128xf32, #tpu.memory_space<hbm>> -> memref<16x1x1x128xf32, #tpu.memory_space<hbm>>
        %dma_start3A_253 = tpu.memref_squeeze %dma_start3A_252 : memref<16x1x1x128xf32, #tpu.memory_space<hbm>> -> memref<16x128xf32, #tpu.memory_space<hbm>>
        %dma_start3A_254 = arith.constant 0 : i32
        %dma_start3A_255 = arith.constant 1536 : i32
        %dma_start3A_256 = tpu.memref_slice %arg17[%dma_start3A_254, %dma_start3A_255] : memref<16x2048xf32, #tpu.memory_space<vmem>> -> memref<16x128xf32, #tpu.memory_space<vmem>>
        tpu.enqueue_dma source(%dma_start3A_256 : memref<16x128xf32, #tpu.memory_space<vmem>>) target(%dma_start3A_253 : memref<16x128xf32, #tpu.memory_space<hbm>>) target_semaphore(%arg21 : memref<!tpu.dma_semaphore, #tpu.memory_space<semaphore_mem>>)
        %mul3A_257 = arith.constant 16 : i32
        %mul3A_258 = arith.muli %add3A_46, %mul3A_257 : i32
        %dma_start3A_259 = arith.constant 13 : i32
        %dma_start3A_260 = arith.constant 0 : i32
        %dma_start3A_261 = arith.constant 1664 : i32
        %dma_start3A_262 = tpu.memref_slice %arg17[%dma_start3A_260, %dma_start3A_261] : memref<16x2048xf32, #tpu.memory_space<vmem>> -> memref<16x128xf32, #tpu.memory_space<vmem>>
        %dma_start3A_263 = arith.constant 0 : i32
        %dma_start3A_264 = tpu.memref_slice %arg4[%mul3A_258, %dma_start3A_259, %shift_right_logical3A_3, %dma_start3A_263] : memref<3686x16x4x128xf32, #tpu.memory_space<hbm>> -> memref<16x1x1x128xf32, #tpu.memory_space<hbm>>
        %dma_start3A_265 = tpu.memref_squeeze %dma_start3A_264 : memref<16x1x1x128xf32, #tpu.memory_space<hbm>> -> memref<16x128xf32, #tpu.memory_space<hbm>>
        %dma_start3A_266 = arith.constant 0 : i32
        %dma_start3A_267 = tpu.memref_slice %arg4[%mul3A_258, %dma_start3A_259, %shift_right_logical3A_3, %dma_start3A_266] : memref<3686x16x4x128xf32, #tpu.memory_space<hbm>> -> memref<16x1x1x128xf32, #tpu.memory_space<hbm>>
        %dma_start3A_268 = tpu.memref_squeeze %dma_start3A_267 : memref<16x1x1x128xf32, #tpu.memory_space<hbm>> -> memref<16x128xf32, #tpu.memory_space<hbm>>
        %dma_start3A_269 = arith.constant 0 : i32
        %dma_start3A_270 = arith.constant 1664 : i32
        %dma_start3A_271 = tpu.memref_slice %arg17[%dma_start3A_269, %dma_start3A_270] : memref<16x2048xf32, #tpu.memory_space<vmem>> -> memref<16x128xf32, #tpu.memory_space<vmem>>
        tpu.enqueue_dma source(%dma_start3A_271 : memref<16x128xf32, #tpu.memory_space<vmem>>) target(%dma_start3A_268 : memref<16x128xf32, #tpu.memory_space<hbm>>) target_semaphore(%arg21 : memref<!tpu.dma_semaphore, #tpu.memory_space<semaphore_mem>>)
        %mul3A_272 = arith.constant 16 : i32
        %mul3A_273 = arith.muli %add3A_46, %mul3A_272 : i32
        %dma_start3A_274 = arith.constant 14 : i32
        %dma_start3A_275 = arith.constant 0 : i32
        %dma_start3A_276 = arith.constant 1792 : i32
        %dma_start3A_277 = tpu.memref_slice %arg17[%dma_start3A_275, %dma_start3A_276] : memref<16x2048xf32, #tpu.memory_space<vmem>> -> memref<16x128xf32, #tpu.memory_space<vmem>>
        %dma_start3A_278 = arith.constant 0 : i32
        %dma_start3A_279 = tpu.memref_slice %arg4[%mul3A_273, %dma_start3A_274, %shift_right_logical3A_3, %dma_start3A_278] : memref<3686x16x4x128xf32, #tpu.memory_space<hbm>> -> memref<16x1x1x128xf32, #tpu.memory_space<hbm>>
        %dma_start3A_280 = tpu.memref_squeeze %dma_start3A_279 : memref<16x1x1x128xf32, #tpu.memory_space<hbm>> -> memref<16x128xf32, #tpu.memory_space<hbm>>
        %dma_start3A_281 = arith.constant 0 : i32
        %dma_start3A_282 = tpu.memref_slice %arg4[%mul3A_273, %dma_start3A_274, %shift_right_logical3A_3, %dma_start3A_281] : memref<3686x16x4x128xf32, #tpu.memory_space<hbm>> -> memref<16x1x1x128xf32, #tpu.memory_space<hbm>>
        %dma_start3A_283 = tpu.memref_squeeze %dma_start3A_282 : memref<16x1x1x128xf32, #tpu.memory_space<hbm>> -> memref<16x128xf32, #tpu.memory_space<hbm>>
        %dma_start3A_284 = arith.constant 0 : i32
        %dma_start3A_285 = arith.constant 1792 : i32
        %dma_start3A_286 = tpu.memref_slice %arg17[%dma_start3A_284, %dma_start3A_285] : memref<16x2048xf32, #tpu.memory_space<vmem>> -> memref<16x128xf32, #tpu.memory_space<vmem>>
        tpu.enqueue_dma source(%dma_start3A_286 : memref<16x128xf32, #tpu.memory_space<vmem>>) target(%dma_start3A_283 : memref<16x128xf32, #tpu.memory_space<hbm>>) target_semaphore(%arg21 : memref<!tpu.dma_semaphore, #tpu.memory_space<semaphore_mem>>)
        %mul3A_287 = arith.constant 16 : i32
        %mul3A_288 = arith.muli %add3A_46, %mul3A_287 : i32
        %dma_start3A_289 = arith.constant 15 : i32
        %dma_start3A_290 = arith.constant 0 : i32
        %dma_start3A_291 = arith.constant 1920 : i32
        %dma_start3A_292 = tpu.memref_slice %arg17[%dma_start3A_290, %dma_start3A_291] : memref<16x2048xf32, #tpu.memory_space<vmem>> -> memref<16x128xf32, #tpu.memory_space<vmem>>
        %dma_start3A_293 = arith.constant 0 : i32
        %dma_start3A_294 = tpu.memref_slice %arg4[%mul3A_288, %dma_start3A_289, %shift_right_logical3A_3, %dma_start3A_293] : memref<3686x16x4x128xf32, #tpu.memory_space<hbm>> -> memref<16x1x1x128xf32, #tpu.memory_space<hbm>>
        %dma_start3A_295 = tpu.memref_squeeze %dma_start3A_294 : memref<16x1x1x128xf32, #tpu.memory_space<hbm>> -> memref<16x128xf32, #tpu.memory_space<hbm>>
        %dma_start3A_296 = arith.constant 0 : i32
        %dma_start3A_297 = tpu.memref_slice %arg4[%mul3A_288, %dma_start3A_289, %shift_right_logical3A_3, %dma_start3A_296] : memref<3686x16x4x128xf32, #tpu.memory_space<hbm>> -> memref<16x1x1x128xf32, #tpu.memory_space<hbm>>
        %dma_start3A_298 = tpu.memref_squeeze %dma_start3A_297 : memref<16x1x1x128xf32, #tpu.memory_space<hbm>> -> memref<16x128xf32, #tpu.memory_space<hbm>>
        %dma_start3A_299 = arith.constant 0 : i32
        %dma_start3A_300 = arith.constant 1920 : i32
        %dma_start3A_301 = tpu.memref_slice %arg17[%dma_start3A_299, %dma_start3A_300] : memref<16x2048xf32, #tpu.memory_space<vmem>> -> memref<16x128xf32, #tpu.memory_space<vmem>>
        tpu.enqueue_dma source(%dma_start3A_301 : memref<16x128xf32, #tpu.memory_space<vmem>>) target(%dma_start3A_298 : memref<16x128xf32, #tpu.memory_space<hbm>>) target_semaphore(%arg21 : memref<!tpu.dma_semaphore, #tpu.memory_space<semaphore_mem>>)
      } else {
      }
    }
    %scan3A_20 = arith.constant 15 : i32
    %ge3A_21 = arith.constant 2 : i32
    %ge3A_22 = arith.cmpi sge, %sub3A, %ge3A_21 : i32
    %convert_element_type3A_23 = arith.extui %ge3A_22 : i1 to i32
    %cond3A_24 = arith.constant 0 : i32
    %cond3A_25 = arith.cmpi ne, %convert_element_type3A_23, %cond3A_24 : i32
    scf.if %cond3A_25 {
      %dma_wait3A = arith.constant 0 : i32
      %dma_wait3A_35 = arith.constant 0 : i32
      %dma_wait3A_36 = arith.constant 0 : i32
      %dma_wait3A_37 = arith.constant 0 : i32
      %dma_wait3A_38 = tpu.memref_slice %arg16[%dma_wait3A_36, %dma_wait3A_37] : memref<16x2048xf32, #tpu.memory_space<vmem>> -> memref<16x128xf32, #tpu.memory_space<vmem>>
      %dma_wait3A_39 = arith.constant 0 : i32
      %dma_wait3A_40 = arith.constant 0 : i32
      %dma_wait3A_41 = tpu.memref_slice %arg4[%dma_wait3A_39, %dma_wait3A, %dma_wait3A_35, %dma_wait3A_40] : memref<3686x16x4x128xf32, #tpu.memory_space<hbm>> -> memref<16x1x1x128xf32, #tpu.memory_space<hbm>>
      %dma_wait3A_42 = tpu.memref_squeeze %dma_wait3A_41 : memref<16x1x1x128xf32, #tpu.memory_space<hbm>> -> memref<16x128xf32, #tpu.memory_space<hbm>>
      %dma_wait3A_43 = arith.constant 0 : i32
      %dma_wait3A_44 = arith.constant 0 : i32
      %dma_wait3A_45 = tpu.memref_slice %arg4[%dma_wait3A_43, %dma_wait3A, %dma_wait3A_35, %dma_wait3A_44] : memref<3686x16x4x128xf32, #tpu.memory_space<hbm>> -> memref<16x1x1x128xf32, #tpu.memory_space<hbm>>
      %dma_wait3A_46 = tpu.memref_squeeze %dma_wait3A_45 : memref<16x1x1x128xf32, #tpu.memory_space<hbm>> -> memref<16x128xf32, #tpu.memory_space<hbm>>
      %dma_wait3A_47 = arith.constant 0 : i32
      %dma_wait3A_48 = arith.constant 0 : i32
      %dma_wait3A_49 = tpu.memref_slice %arg16[%dma_wait3A_47, %dma_wait3A_48] : memref<16x2048xf32, #tpu.memory_space<vmem>> -> memref<16x128xf32, #tpu.memory_space<vmem>>
      tpu.wait_dma2 semaphore(%arg20 : memref<!tpu.dma_semaphore, #tpu.memory_space<semaphore_mem>>) src(%dma_wait3A_49 : memref<16x128xf32, #tpu.memory_space<vmem>>) dst(%dma_wait3A_46 : memref<16x128xf32, #tpu.memory_space<hbm>>)
      %dma_wait3A_50 = arith.constant 0 : i32
      %dma_wait3A_51 = arith.constant 0 : i32
      %dma_wait3A_52 = arith.constant 0 : i32
      %dma_wait3A_53 = arith.constant 0 : i32
      %dma_wait3A_54 = tpu.memref_slice %arg16[%dma_wait3A_52, %dma_wait3A_53] : memref<16x2048xf32, #tpu.memory_space<vmem>> -> memref<16x128xf32, #tpu.memory_space<vmem>>
      %dma_wait3A_55 = arith.constant 0 : i32
      %dma_wait3A_56 = arith.constant 0 : i32
      %dma_wait3A_57 = tpu.memref_slice %arg4[%dma_wait3A_55, %dma_wait3A_50, %dma_wait3A_51, %dma_wait3A_56] : memref<3686x16x4x128xf32, #tpu.memory_space<hbm>> -> memref<16x1x1x128xf32, #tpu.memory_space<hbm>>
      %dma_wait3A_58 = tpu.memref_squeeze %dma_wait3A_57 : memref<16x1x1x128xf32, #tpu.memory_space<hbm>> -> memref<16x128xf32, #tpu.memory_space<hbm>>
      %dma_wait3A_59 = arith.constant 0 : i32
      %dma_wait3A_60 = arith.constant 0 : i32
      %dma_wait3A_61 = tpu.memref_slice %arg4[%dma_wait3A_59, %dma_wait3A_50, %dma_wait3A_51, %dma_wait3A_60] : memref<3686x16x4x128xf32, #tpu.memory_space<hbm>> -> memref<16x1x1x128xf32, #tpu.memory_space<hbm>>
      %dma_wait3A_62 = tpu.memref_squeeze %dma_wait3A_61 : memref<16x1x1x128xf32, #tpu.memory_space<hbm>> -> memref<16x128xf32, #tpu.memory_space<hbm>>
      %dma_wait3A_63 = arith.constant 0 : i32
      %dma_wait3A_64 = arith.constant 0 : i32
      %dma_wait3A_65 = tpu.memref_slice %arg16[%dma_wait3A_63, %dma_wait3A_64] : memref<16x2048xf32, #tpu.memory_space<vmem>> -> memref<16x128xf32, #tpu.memory_space<vmem>>
      tpu.wait_dma2 semaphore(%arg20 : memref<!tpu.dma_semaphore, #tpu.memory_space<semaphore_mem>>) src(%dma_wait3A_65 : memref<16x128xf32, #tpu.memory_space<vmem>>) dst(%dma_wait3A_62 : memref<16x128xf32, #tpu.memory_space<hbm>>)
      %dma_wait3A_66 = arith.constant 0 : i32
      %dma_wait3A_67 = arith.constant 0 : i32
      %dma_wait3A_68 = arith.constant 0 : i32
      %dma_wait3A_69 = arith.constant 0 : i32
      %dma_wait3A_70 = tpu.memref_slice %arg16[%dma_wait3A_68, %dma_wait3A_69] : memref<16x2048xf32, #tpu.memory_space<vmem>> -> memref<16x128xf32, #tpu.memory_space<vmem>>
      %dma_wait3A_71 = arith.constant 0 : i32
      %dma_wait3A_72 = arith.constant 0 : i32
      %dma_wait3A_73 = tpu.memref_slice %arg4[%dma_wait3A_71, %dma_wait3A_66, %dma_wait3A_67, %dma_wait3A_72] : memref<3686x16x4x128xf32, #tpu.memory_space<hbm>> -> memref<16x1x1x128xf32, #tpu.memory_space<hbm>>
      %dma_wait3A_74 = tpu.memref_squeeze %dma_wait3A_73 : memref<16x1x1x128xf32, #tpu.memory_space<hbm>> -> memref<16x128xf32, #tpu.memory_space<hbm>>
      %dma_wait3A_75 = arith.constant 0 : i32
      %dma_wait3A_76 = arith.constant 0 : i32
      %dma_wait3A_77 = tpu.memref_slice %arg4[%dma_wait3A_75, %dma_wait3A_66, %dma_wait3A_67, %dma_wait3A_76] : memref<3686x16x4x128xf32, #tpu.memory_space<hbm>> -> memref<16x1x1x128xf32, #tpu.memory_space<hbm>>
      %dma_wait3A_78 = tpu.memref_squeeze %dma_wait3A_77 : memref<16x1x1x128xf32, #tpu.memory_space<hbm>> -> memref<16x128xf32, #tpu.memory_space<hbm>>
      %dma_wait3A_79 = arith.constant 0 : i32
      %dma_wait3A_80 = arith.constant 0 : i32
      %dma_wait3A_81 = tpu.memref_slice %arg16[%dma_wait3A_79, %dma_wait3A_80] : memref<16x2048xf32, #tpu.memory_space<vmem>> -> memref<16x128xf32, #tpu.memory_space<vmem>>
      tpu.wait_dma2 semaphore(%arg20 : memref<!tpu.dma_semaphore, #tpu.memory_space<semaphore_mem>>) src(%dma_wait3A_81 : memref<16x128xf32, #tpu.memory_space<vmem>>) dst(%dma_wait3A_78 : memref<16x128xf32, #tpu.memory_space<hbm>>)
      %dma_wait3A_82 = arith.constant 0 : i32
      %dma_wait3A_83 = arith.constant 0 : i32
      %dma_wait3A_84 = arith.constant 0 : i32
      %dma_wait3A_85 = arith.constant 0 : i32
      %dma_wait3A_86 = tpu.memref_slice %arg16[%dma_wait3A_84, %dma_wait3A_85] : memref<16x2048xf32, #tpu.memory_space<vmem>> -> memref<16x128xf32, #tpu.memory_space<vmem>>
      %dma_wait3A_87 = arith.constant 0 : i32
      %dma_wait3A_88 = arith.constant 0 : i32
      %dma_wait3A_89 = tpu.memref_slice %arg4[%dma_wait3A_87, %dma_wait3A_82, %dma_wait3A_83, %dma_wait3A_88] : memref<3686x16x4x128xf32, #tpu.memory_space<hbm>> -> memref<16x1x1x128xf32, #tpu.memory_space<hbm>>
      %dma_wait3A_90 = tpu.memref_squeeze %dma_wait3A_89 : memref<16x1x1x128xf32, #tpu.memory_space<hbm>> -> memref<16x128xf32, #tpu.memory_space<hbm>>
      %dma_wait3A_91 = arith.constant 0 : i32
      %dma_wait3A_92 = arith.constant 0 : i32
      %dma_wait3A_93 = tpu.memref_slice %arg4[%dma_wait3A_91, %dma_wait3A_82, %dma_wait3A_83, %dma_wait3A_92] : memref<3686x16x4x128xf32, #tpu.memory_space<hbm>> -> memref<16x1x1x128xf32, #tpu.memory_space<hbm>>
      %dma_wait3A_94 = tpu.memref_squeeze %dma_wait3A_93 : memref<16x1x1x128xf32, #tpu.memory_space<hbm>> -> memref<16x128xf32, #tpu.memory_space<hbm>>
      %dma_wait3A_95 = arith.constant 0 : i32
      %dma_wait3A_96 = arith.constant 0 : i32
      %dma_wait3A_97 = tpu.memref_slice %arg16[%dma_wait3A_95, %dma_wait3A_96] : memref<16x2048xf32, #tpu.memory_space<vmem>> -> memref<16x128xf32, #tpu.memory_space<vmem>>
      tpu.wait_dma2 semaphore(%arg20 : memref<!tpu.dma_semaphore, #tpu.memory_space<semaphore_mem>>) src(%dma_wait3A_97 : memref<16x128xf32, #tpu.memory_space<vmem>>) dst(%dma_wait3A_94 : memref<16x128xf32, #tpu.memory_space<hbm>>)
      %dma_wait3A_98 = arith.constant 0 : i32
      %dma_wait3A_99 = arith.constant 0 : i32
      %dma_wait3A_100 = arith.constant 0 : i32
      %dma_wait3A_101 = arith.constant 0 : i32
      %dma_wait3A_102 = tpu.memref_slice %arg16[%dma_wait3A_100, %dma_wait3A_101] : memref<16x2048xf32, #tpu.memory_space<vmem>> -> memref<16x128xf32, #tpu.memory_space<vmem>>
      %dma_wait3A_103 = arith.constant 0 : i32
      %dma_wait3A_104 = arith.constant 0 : i32
      %dma_wait3A_105 = tpu.memref_slice %arg4[%dma_wait3A_103, %dma_wait3A_98, %dma_wait3A_99, %dma_wait3A_104] : memref<3686x16x4x128xf32, #tpu.memory_space<hbm>> -> memref<16x1x1x128xf32, #tpu.memory_space<hbm>>
      %dma_wait3A_106 = tpu.memref_squeeze %dma_wait3A_105 : memref<16x1x1x128xf32, #tpu.memory_space<hbm>> -> memref<16x128xf32, #tpu.memory_space<hbm>>
      %dma_wait3A_107 = arith.constant 0 : i32
      %dma_wait3A_108 = arith.constant 0 : i32
      %dma_wait3A_109 = tpu.memref_slice %arg4[%dma_wait3A_107, %dma_wait3A_98, %dma_wait3A_99, %dma_wait3A_108] : memref<3686x16x4x128xf32, #tpu.memory_space<hbm>> -> memref<16x1x1x128xf32, #tpu.memory_space<hbm>>
      %dma_wait3A_110 = tpu.memref_squeeze %dma_wait3A_109 : memref<16x1x1x128xf32, #tpu.memory_space<hbm>> -> memref<16x128xf32, #tpu.memory_space<hbm>>
      %dma_wait3A_111 = arith.constant 0 : i32
      %dma_wait3A_112 = arith.constant 0 : i32
      %dma_wait3A_113 = tpu.memref_slice %arg16[%dma_wait3A_111, %dma_wait3A_112] : memref<16x2048xf32, #tpu.memory_space<vmem>> -> memref<16x128xf32, #tpu.memory_space<vmem>>
      tpu.wait_dma2 semaphore(%arg20 : memref<!tpu.dma_semaphore, #tpu.memory_space<semaphore_mem>>) src(%dma_wait3A_113 : memref<16x128xf32, #tpu.memory_space<vmem>>) dst(%dma_wait3A_110 : memref<16x128xf32, #tpu.memory_space<hbm>>)
      %dma_wait3A_114 = arith.constant 0 : i32
      %dma_wait3A_115 = arith.constant 0 : i32
      %dma_wait3A_116 = arith.constant 0 : i32
      %dma_wait3A_117 = arith.constant 0 : i32
      %dma_wait3A_118 = tpu.memref_slice %arg16[%dma_wait3A_116, %dma_wait3A_117] : memref<16x2048xf32, #tpu.memory_space<vmem>> -> memref<16x128xf32, #tpu.memory_space<vmem>>
      %dma_wait3A_119 = arith.constant 0 : i32
      %dma_wait3A_120 = arith.constant 0 : i32
      %dma_wait3A_121 = tpu.memref_slice %arg4[%dma_wait3A_119, %dma_wait3A_114, %dma_wait3A_115, %dma_wait3A_120] : memref<3686x16x4x128xf32, #tpu.memory_space<hbm>> -> memref<16x1x1x128xf32, #tpu.memory_space<hbm>>
      %dma_wait3A_122 = tpu.memref_squeeze %dma_wait3A_121 : memref<16x1x1x128xf32, #tpu.memory_space<hbm>> -> memref<16x128xf32, #tpu.memory_space<hbm>>
      %dma_wait3A_123 = arith.constant 0 : i32
      %dma_wait3A_124 = arith.constant 0 : i32
      %dma_wait3A_125 = tpu.memref_slice %arg4[%dma_wait3A_123, %dma_wait3A_114, %dma_wait3A_115, %dma_wait3A_124] : memref<3686x16x4x128xf32, #tpu.memory_space<hbm>> -> memref<16x1x1x128xf32, #tpu.memory_space<hbm>>
      %dma_wait3A_126 = tpu.memref_squeeze %dma_wait3A_125 : memref<16x1x1x128xf32, #tpu.memory_space<hbm>> -> memref<16x128xf32, #tpu.memory_space<hbm>>
      %dma_wait3A_127 = arith.constant 0 : i32
      %dma_wait3A_128 = arith.constant 0 : i32
      %dma_wait3A_129 = tpu.memref_slice %arg16[%dma_wait3A_127, %dma_wait3A_128] : memref<16x2048xf32, #tpu.memory_space<vmem>> -> memref<16x128xf32, #tpu.memory_space<vmem>>
      tpu.wait_dma2 semaphore(%arg20 : memref<!tpu.dma_semaphore, #tpu.memory_space<semaphore_mem>>) src(%dma_wait3A_129 : memref<16x128xf32, #tpu.memory_space<vmem>>) dst(%dma_wait3A_126 : memref<16x128xf32, #tpu.memory_space<hbm>>)
      %dma_wait3A_130 = arith.constant 0 : i32
      %dma_wait3A_131 = arith.constant 0 : i32
      %dma_wait3A_132 = arith.constant 0 : i32
      %dma_wait3A_133 = arith.constant 0 : i32
      %dma_wait3A_134 = tpu.memref_slice %arg16[%dma_wait3A_132, %dma_wait3A_133] : memref<16x2048xf32, #tpu.memory_space<vmem>> -> memref<16x128xf32, #tpu.memory_space<vmem>>
      %dma_wait3A_135 = arith.constant 0 : i32
      %dma_wait3A_136 = arith.constant 0 : i32
      %dma_wait3A_137 = tpu.memref_slice %arg4[%dma_wait3A_135, %dma_wait3A_130, %dma_wait3A_131, %dma_wait3A_136] : memref<3686x16x4x128xf32, #tpu.memory_space<hbm>> -> memref<16x1x1x128xf32, #tpu.memory_space<hbm>>
      %dma_wait3A_138 = tpu.memref_squeeze %dma_wait3A_137 : memref<16x1x1x128xf32, #tpu.memory_space<hbm>> -> memref<16x128xf32, #tpu.memory_space<hbm>>
      %dma_wait3A_139 = arith.constant 0 : i32
      %dma_wait3A_140 = arith.constant 0 : i32
      %dma_wait3A_141 = tpu.memref_slice %arg4[%dma_wait3A_139, %dma_wait3A_130, %dma_wait3A_131, %dma_wait3A_140] : memref<3686x16x4x128xf32, #tpu.memory_space<hbm>> -> memref<16x1x1x128xf32, #tpu.memory_space<hbm>>
      %dma_wait3A_142 = tpu.memref_squeeze %dma_wait3A_141 : memref<16x1x1x128xf32, #tpu.memory_space<hbm>> -> memref<16x128xf32, #tpu.memory_space<hbm>>
      %dma_wait3A_143 = arith.constant 0 : i32
      %dma_wait3A_144 = arith.constant 0 : i32
      %dma_wait3A_145 = tpu.memref_slice %arg16[%dma_wait3A_143, %dma_wait3A_144] : memref<16x2048xf32, #tpu.memory_space<vmem>> -> memref<16x128xf32, #tpu.memory_space<vmem>>
      tpu.wait_dma2 semaphore(%arg20 : memref<!tpu.dma_semaphore, #tpu.memory_space<semaphore_mem>>) src(%dma_wait3A_145 : memref<16x128xf32, #tpu.memory_space<vmem>>) dst(%dma_wait3A_142 : memref<16x128xf32, #tpu.memory_space<hbm>>)
      %dma_wait3A_146 = arith.constant 0 : i32
      %dma_wait3A_147 = arith.constant 0 : i32
      %dma_wait3A_148 = arith.constant 0 : i32
      %dma_wait3A_149 = arith.constant 0 : i32
      %dma_wait3A_150 = tpu.memref_slice %arg16[%dma_wait3A_148, %dma_wait3A_149] : memref<16x2048xf32, #tpu.memory_space<vmem>> -> memref<16x128xf32, #tpu.memory_space<vmem>>
      %dma_wait3A_151 = arith.constant 0 : i32
      %dma_wait3A_152 = arith.constant 0 : i32
      %dma_wait3A_153 = tpu.memref_slice %arg4[%dma_wait3A_151, %dma_wait3A_146, %dma_wait3A_147, %dma_wait3A_152] : memref<3686x16x4x128xf32, #tpu.memory_space<hbm>> -> memref<16x1x1x128xf32, #tpu.memory_space<hbm>>
      %dma_wait3A_154 = tpu.memref_squeeze %dma_wait3A_153 : memref<16x1x1x128xf32, #tpu.memory_space<hbm>> -> memref<16x128xf32, #tpu.memory_space<hbm>>
      %dma_wait3A_155 = arith.constant 0 : i32
      %dma_wait3A_156 = arith.constant 0 : i32
      %dma_wait3A_157 = tpu.memref_slice %arg4[%dma_wait3A_155, %dma_wait3A_146, %dma_wait3A_147, %dma_wait3A_156] : memref<3686x16x4x128xf32, #tpu.memory_space<hbm>> -> memref<16x1x1x128xf32, #tpu.memory_space<hbm>>
      %dma_wait3A_158 = tpu.memref_squeeze %dma_wait3A_157 : memref<16x1x1x128xf32, #tpu.memory_space<hbm>> -> memref<16x128xf32, #tpu.memory_space<hbm>>
      %dma_wait3A_159 = arith.constant 0 : i32
      %dma_wait3A_160 = arith.constant 0 : i32
      %dma_wait3A_161 = tpu.memref_slice %arg16[%dma_wait3A_159, %dma_wait3A_160] : memref<16x2048xf32, #tpu.memory_space<vmem>> -> memref<16x128xf32, #tpu.memory_space<vmem>>
      tpu.wait_dma2 semaphore(%arg20 : memref<!tpu.dma_semaphore, #tpu.memory_space<semaphore_mem>>) src(%dma_wait3A_161 : memref<16x128xf32, #tpu.memory_space<vmem>>) dst(%dma_wait3A_158 : memref<16x128xf32, #tpu.memory_space<hbm>>)
      %dma_wait3A_162 = arith.constant 0 : i32
      %dma_wait3A_163 = arith.constant 0 : i32
      %dma_wait3A_164 = arith.constant 0 : i32
      %dma_wait3A_165 = arith.constant 0 : i32
      %dma_wait3A_166 = tpu.memref_slice %arg16[%dma_wait3A_164, %dma_wait3A_165] : memref<16x2048xf32, #tpu.memory_space<vmem>> -> memref<16x128xf32, #tpu.memory_space<vmem>>
      %dma_wait3A_167 = arith.constant 0 : i32
      %dma_wait3A_168 = arith.constant 0 : i32
      %dma_wait3A_169 = tpu.memref_slice %arg4[%dma_wait3A_167, %dma_wait3A_162, %dma_wait3A_163, %dma_wait3A_168] : memref<3686x16x4x128xf32, #tpu.memory_space<hbm>> -> memref<16x1x1x128xf32, #tpu.memory_space<hbm>>
      %dma_wait3A_170 = tpu.memref_squeeze %dma_wait3A_169 : memref<16x1x1x128xf32, #tpu.memory_space<hbm>> -> memref<16x128xf32, #tpu.memory_space<hbm>>
      %dma_wait3A_171 = arith.constant 0 : i32
      %dma_wait3A_172 = arith.constant 0 : i32
      %dma_wait3A_173 = tpu.memref_slice %arg4[%dma_wait3A_171, %dma_wait3A_162, %dma_wait3A_163, %dma_wait3A_172] : memref<3686x16x4x128xf32, #tpu.memory_space<hbm>> -> memref<16x1x1x128xf32, #tpu.memory_space<hbm>>
      %dma_wait3A_174 = tpu.memref_squeeze %dma_wait3A_173 : memref<16x1x1x128xf32, #tpu.memory_space<hbm>> -> memref<16x128xf32, #tpu.memory_space<hbm>>
      %dma_wait3A_175 = arith.constant 0 : i32
      %dma_wait3A_176 = arith.constant 0 : i32
      %dma_wait3A_177 = tpu.memref_slice %arg16[%dma_wait3A_175, %dma_wait3A_176] : memref<16x2048xf32, #tpu.memory_space<vmem>> -> memref<16x128xf32, #tpu.memory_space<vmem>>
      tpu.wait_dma2 semaphore(%arg20 : memref<!tpu.dma_semaphore, #tpu.memory_space<semaphore_mem>>) src(%dma_wait3A_177 : memref<16x128xf32, #tpu.memory_space<vmem>>) dst(%dma_wait3A_174 : memref<16x128xf32, #tpu.memory_space<hbm>>)
      %dma_wait3A_178 = arith.constant 0 : i32
      %dma_wait3A_179 = arith.constant 0 : i32
      %dma_wait3A_180 = arith.constant 0 : i32
      %dma_wait3A_181 = arith.constant 0 : i32
      %dma_wait3A_182 = tpu.memref_slice %arg16[%dma_wait3A_180, %dma_wait3A_181] : memref<16x2048xf32, #tpu.memory_space<vmem>> -> memref<16x128xf32, #tpu.memory_space<vmem>>
      %dma_wait3A_183 = arith.constant 0 : i32
      %dma_wait3A_184 = arith.constant 0 : i32
      %dma_wait3A_185 = tpu.memref_slice %arg4[%dma_wait3A_183, %dma_wait3A_178, %dma_wait3A_179, %dma_wait3A_184] : memref<3686x16x4x128xf32, #tpu.memory_space<hbm>> -> memref<16x1x1x128xf32, #tpu.memory_space<hbm>>
      %dma_wait3A_186 = tpu.memref_squeeze %dma_wait3A_185 : memref<16x1x1x128xf32, #tpu.memory_space<hbm>> -> memref<16x128xf32, #tpu.memory_space<hbm>>
      %dma_wait3A_187 = arith.constant 0 : i32
      %dma_wait3A_188 = arith.constant 0 : i32
      %dma_wait3A_189 = tpu.memref_slice %arg4[%dma_wait3A_187, %dma_wait3A_178, %dma_wait3A_179, %dma_wait3A_188] : memref<3686x16x4x128xf32, #tpu.memory_space<hbm>> -> memref<16x1x1x128xf32, #tpu.memory_space<hbm>>
      %dma_wait3A_190 = tpu.memref_squeeze %dma_wait3A_189 : memref<16x1x1x128xf32, #tpu.memory_space<hbm>> -> memref<16x128xf32, #tpu.memory_space<hbm>>
      %dma_wait3A_191 = arith.constant 0 : i32
      %dma_wait3A_192 = arith.constant 0 : i32
      %dma_wait3A_193 = tpu.memref_slice %arg16[%dma_wait3A_191, %dma_wait3A_192] : memref<16x2048xf32, #tpu.memory_space<vmem>> -> memref<16x128xf32, #tpu.memory_space<vmem>>
      tpu.wait_dma2 semaphore(%arg20 : memref<!tpu.dma_semaphore, #tpu.memory_space<semaphore_mem>>) src(%dma_wait3A_193 : memref<16x128xf32, #tpu.memory_space<vmem>>) dst(%dma_wait3A_190 : memref<16x128xf32, #tpu.memory_space<hbm>>)
      %dma_wait3A_194 = arith.constant 0 : i32
      %dma_wait3A_195 = arith.constant 0 : i32
      %dma_wait3A_196 = arith.constant 0 : i32
      %dma_wait3A_197 = arith.constant 0 : i32
      %dma_wait3A_198 = tpu.memref_slice %arg16[%dma_wait3A_196, %dma_wait3A_197] : memref<16x2048xf32, #tpu.memory_space<vmem>> -> memref<16x128xf32, #tpu.memory_space<vmem>>
      %dma_wait3A_199 = arith.constant 0 : i32
      %dma_wait3A_200 = arith.constant 0 : i32
      %dma_wait3A_201 = tpu.memref_slice %arg4[%dma_wait3A_199, %dma_wait3A_194, %dma_wait3A_195, %dma_wait3A_200] : memref<3686x16x4x128xf32, #tpu.memory_space<hbm>> -> memref<16x1x1x128xf32, #tpu.memory_space<hbm>>
      %dma_wait3A_202 = tpu.memref_squeeze %dma_wait3A_201 : memref<16x1x1x128xf32, #tpu.memory_space<hbm>> -> memref<16x128xf32, #tpu.memory_space<hbm>>
      %dma_wait3A_203 = arith.constant 0 : i32
      %dma_wait3A_204 = arith.constant 0 : i32
      %dma_wait3A_205 = tpu.memref_slice %arg4[%dma_wait3A_203, %dma_wait3A_194, %dma_wait3A_195, %dma_wait3A_204] : memref<3686x16x4x128xf32, #tpu.memory_space<hbm>> -> memref<16x1x1x128xf32, #tpu.memory_space<hbm>>
      %dma_wait3A_206 = tpu.memref_squeeze %dma_wait3A_205 : memref<16x1x1x128xf32, #tpu.memory_space<hbm>> -> memref<16x128xf32, #tpu.memory_space<hbm>>
      %dma_wait3A_207 = arith.constant 0 : i32
      %dma_wait3A_208 = arith.constant 0 : i32
      %dma_wait3A_209 = tpu.memref_slice %arg16[%dma_wait3A_207, %dma_wait3A_208] : memref<16x2048xf32, #tpu.memory_space<vmem>> -> memref<16x128xf32, #tpu.memory_space<vmem>>
      tpu.wait_dma2 semaphore(%arg20 : memref<!tpu.dma_semaphore, #tpu.memory_space<semaphore_mem>>) src(%dma_wait3A_209 : memref<16x128xf32, #tpu.memory_space<vmem>>) dst(%dma_wait3A_206 : memref<16x128xf32, #tpu.memory_space<hbm>>)
      %dma_wait3A_210 = arith.constant 0 : i32
      %dma_wait3A_211 = arith.constant 0 : i32
      %dma_wait3A_212 = arith.constant 0 : i32
      %dma_wait3A_213 = arith.constant 0 : i32
      %dma_wait3A_214 = tpu.memref_slice %arg16[%dma_wait3A_212, %dma_wait3A_213] : memref<16x2048xf32, #tpu.memory_space<vmem>> -> memref<16x128xf32, #tpu.memory_space<vmem>>
      %dma_wait3A_215 = arith.constant 0 : i32
      %dma_wait3A_216 = arith.constant 0 : i32
      %dma_wait3A_217 = tpu.memref_slice %arg4[%dma_wait3A_215, %dma_wait3A_210, %dma_wait3A_211, %dma_wait3A_216] : memref<3686x16x4x128xf32, #tpu.memory_space<hbm>> -> memref<16x1x1x128xf32, #tpu.memory_space<hbm>>
      %dma_wait3A_218 = tpu.memref_squeeze %dma_wait3A_217 : memref<16x1x1x128xf32, #tpu.memory_space<hbm>> -> memref<16x128xf32, #tpu.memory_space<hbm>>
      %dma_wait3A_219 = arith.constant 0 : i32
      %dma_wait3A_220 = arith.constant 0 : i32
      %dma_wait3A_221 = tpu.memref_slice %arg4[%dma_wait3A_219, %dma_wait3A_210, %dma_wait3A_211, %dma_wait3A_220] : memref<3686x16x4x128xf32, #tpu.memory_space<hbm>> -> memref<16x1x1x128xf32, #tpu.memory_space<hbm>>
      %dma_wait3A_222 = tpu.memref_squeeze %dma_wait3A_221 : memref<16x1x1x128xf32, #tpu.memory_space<hbm>> -> memref<16x128xf32, #tpu.memory_space<hbm>>
      %dma_wait3A_223 = arith.constant 0 : i32
      %dma_wait3A_224 = arith.constant 0 : i32
      %dma_wait3A_225 = tpu.memref_slice %arg16[%dma_wait3A_223, %dma_wait3A_224] : memref<16x2048xf32, #tpu.memory_space<vmem>> -> memref<16x128xf32, #tpu.memory_space<vmem>>
      tpu.wait_dma2 semaphore(%arg20 : memref<!tpu.dma_semaphore, #tpu.memory_space<semaphore_mem>>) src(%dma_wait3A_225 : memref<16x128xf32, #tpu.memory_space<vmem>>) dst(%dma_wait3A_222 : memref<16x128xf32, #tpu.memory_space<hbm>>)
      %dma_wait3A_226 = arith.constant 0 : i32
      %dma_wait3A_227 = arith.constant 0 : i32
      %dma_wait3A_228 = arith.constant 0 : i32
      %dma_wait3A_229 = arith.constant 0 : i32
      %dma_wait3A_230 = tpu.memref_slice %arg16[%dma_wait3A_228, %dma_wait3A_229] : memref<16x2048xf32, #tpu.memory_space<vmem>> -> memref<16x128xf32, #tpu.memory_space<vmem>>
      %dma_wait3A_231 = arith.constant 0 : i32
      %dma_wait3A_232 = arith.constant 0 : i32
      %dma_wait3A_233 = tpu.memref_slice %arg4[%dma_wait3A_231, %dma_wait3A_226, %dma_wait3A_227, %dma_wait3A_232] : memref<3686x16x4x128xf32, #tpu.memory_space<hbm>> -> memref<16x1x1x128xf32, #tpu.memory_space<hbm>>
      %dma_wait3A_234 = tpu.memref_squeeze %dma_wait3A_233 : memref<16x1x1x128xf32, #tpu.memory_space<hbm>> -> memref<16x128xf32, #tpu.memory_space<hbm>>
      %dma_wait3A_235 = arith.constant 0 : i32
      %dma_wait3A_236 = arith.constant 0 : i32
      %dma_wait3A_237 = tpu.memref_slice %arg4[%dma_wait3A_235, %dma_wait3A_226, %dma_wait3A_227, %dma_wait3A_236] : memref<3686x16x4x128xf32, #tpu.memory_space<hbm>> -> memref<16x1x1x128xf32, #tpu.memory_space<hbm>>
      %dma_wait3A_238 = tpu.memref_squeeze %dma_wait3A_237 : memref<16x1x1x128xf32, #tpu.memory_space<hbm>> -> memref<16x128xf32, #tpu.memory_space<hbm>>
      %dma_wait3A_239 = arith.constant 0 : i32
      %dma_wait3A_240 = arith.constant 0 : i32
      %dma_wait3A_241 = tpu.memref_slice %arg16[%dma_wait3A_239, %dma_wait3A_240] : memref<16x2048xf32, #tpu.memory_space<vmem>> -> memref<16x128xf32, #tpu.memory_space<vmem>>
      tpu.wait_dma2 semaphore(%arg20 : memref<!tpu.dma_semaphore, #tpu.memory_space<semaphore_mem>>) src(%dma_wait3A_241 : memref<16x128xf32, #tpu.memory_space<vmem>>) dst(%dma_wait3A_238 : memref<16x128xf32, #tpu.memory_space<hbm>>)
      %dma_wait3A_242 = arith.constant 0 : i32
      %dma_wait3A_243 = arith.constant 0 : i32
      %dma_wait3A_244 = arith.constant 0 : i32
      %dma_wait3A_245 = arith.constant 0 : i32
      %dma_wait3A_246 = tpu.memref_slice %arg16[%dma_wait3A_244, %dma_wait3A_245] : memref<16x2048xf32, #tpu.memory_space<vmem>> -> memref<16x128xf32, #tpu.memory_space<vmem>>
      %dma_wait3A_247 = arith.constant 0 : i32
      %dma_wait3A_248 = arith.constant 0 : i32
      %dma_wait3A_249 = tpu.memref_slice %arg4[%dma_wait3A_247, %dma_wait3A_242, %dma_wait3A_243, %dma_wait3A_248] : memref<3686x16x4x128xf32, #tpu.memory_space<hbm>> -> memref<16x1x1x128xf32, #tpu.memory_space<hbm>>
      %dma_wait3A_250 = tpu.memref_squeeze %dma_wait3A_249 : memref<16x1x1x128xf32, #tpu.memory_space<hbm>> -> memref<16x128xf32, #tpu.memory_space<hbm>>
      %dma_wait3A_251 = arith.constant 0 : i32
      %dma_wait3A_252 = arith.constant 0 : i32
      %dma_wait3A_253 = tpu.memref_slice %arg4[%dma_wait3A_251, %dma_wait3A_242, %dma_wait3A_243, %dma_wait3A_252] : memref<3686x16x4x128xf32, #tpu.memory_space<hbm>> -> memref<16x1x1x128xf32, #tpu.memory_space<hbm>>
      %dma_wait3A_254 = tpu.memref_squeeze %dma_wait3A_253 : memref<16x1x1x128xf32, #tpu.memory_space<hbm>> -> memref<16x128xf32, #tpu.memory_space<hbm>>
      %dma_wait3A_255 = arith.constant 0 : i32
      %dma_wait3A_256 = arith.constant 0 : i32
      %dma_wait3A_257 = tpu.memref_slice %arg16[%dma_wait3A_255, %dma_wait3A_256] : memref<16x2048xf32, #tpu.memory_space<vmem>> -> memref<16x128xf32, #tpu.memory_space<vmem>>
      tpu.wait_dma2 semaphore(%arg20 : memref<!tpu.dma_semaphore, #tpu.memory_space<semaphore_mem>>) src(%dma_wait3A_257 : memref<16x128xf32, #tpu.memory_space<vmem>>) dst(%dma_wait3A_254 : memref<16x128xf32, #tpu.memory_space<hbm>>)
      %dma_wait3A_258 = arith.constant 0 : i32
      %dma_wait3A_259 = arith.constant 0 : i32
      %dma_wait3A_260 = arith.constant 0 : i32
      %dma_wait3A_261 = arith.constant 0 : i32
      %dma_wait3A_262 = tpu.memref_slice %arg16[%dma_wait3A_260, %dma_wait3A_261] : memref<16x2048xf32, #tpu.memory_space<vmem>> -> memref<16x128xf32, #tpu.memory_space<vmem>>
      %dma_wait3A_263 = arith.constant 0 : i32
      %dma_wait3A_264 = arith.constant 0 : i32
      %dma_wait3A_265 = tpu.memref_slice %arg4[%dma_wait3A_263, %dma_wait3A_258, %dma_wait3A_259, %dma_wait3A_264] : memref<3686x16x4x128xf32, #tpu.memory_space<hbm>> -> memref<16x1x1x128xf32, #tpu.memory_space<hbm>>
      %dma_wait3A_266 = tpu.memref_squeeze %dma_wait3A_265 : memref<16x1x1x128xf32, #tpu.memory_space<hbm>> -> memref<16x128xf32, #tpu.memory_space<hbm>>
      %dma_wait3A_267 = arith.constant 0 : i32
      %dma_wait3A_268 = arith.constant 0 : i32
      %dma_wait3A_269 = tpu.memref_slice %arg4[%dma_wait3A_267, %dma_wait3A_258, %dma_wait3A_259, %dma_wait3A_268] : memref<3686x16x4x128xf32, #tpu.memory_space<hbm>> -> memref<16x1x1x128xf32, #tpu.memory_space<hbm>>
      %dma_wait3A_270 = tpu.memref_squeeze %dma_wait3A_269 : memref<16x1x1x128xf32, #tpu.memory_space<hbm>> -> memref<16x128xf32, #tpu.memory_space<hbm>>
      %dma_wait3A_271 = arith.constant 0 : i32
      %dma_wait3A_272 = arith.constant 0 : i32
      %dma_wait3A_273 = tpu.memref_slice %arg16[%dma_wait3A_271, %dma_wait3A_272] : memref<16x2048xf32, #tpu.memory_space<vmem>> -> memref<16x128xf32, #tpu.memory_space<vmem>>
      tpu.wait_dma2 semaphore(%arg20 : memref<!tpu.dma_semaphore, #tpu.memory_space<semaphore_mem>>) src(%dma_wait3A_273 : memref<16x128xf32, #tpu.memory_space<vmem>>) dst(%dma_wait3A_270 : memref<16x128xf32, #tpu.memory_space<hbm>>)
      %dma_wait3A_274 = arith.constant 0 : i32
      %dma_wait3A_275 = arith.constant 0 : i32
      %dma_wait3A_276 = arith.constant 0 : i32
      %dma_wait3A_277 = arith.constant 0 : i32
      %dma_wait3A_278 = tpu.memref_slice %arg16[%dma_wait3A_276, %dma_wait3A_277] : memref<16x2048xf32, #tpu.memory_space<vmem>> -> memref<16x128xf32, #tpu.memory_space<vmem>>
      %dma_wait3A_279 = arith.constant 0 : i32
      %dma_wait3A_280 = arith.constant 0 : i32
      %dma_wait3A_281 = tpu.memref_slice %arg4[%dma_wait3A_279, %dma_wait3A_274, %dma_wait3A_275, %dma_wait3A_280] : memref<3686x16x4x128xf32, #tpu.memory_space<hbm>> -> memref<16x1x1x128xf32, #tpu.memory_space<hbm>>
      %dma_wait3A_282 = tpu.memref_squeeze %dma_wait3A_281 : memref<16x1x1x128xf32, #tpu.memory_space<hbm>> -> memref<16x128xf32, #tpu.memory_space<hbm>>
      %dma_wait3A_283 = arith.constant 0 : i32
      %dma_wait3A_284 = arith.constant 0 : i32
      %dma_wait3A_285 = tpu.memref_slice %arg4[%dma_wait3A_283, %dma_wait3A_274, %dma_wait3A_275, %dma_wait3A_284] : memref<3686x16x4x128xf32, #tpu.memory_space<hbm>> -> memref<16x1x1x128xf32, #tpu.memory_space<hbm>>
      %dma_wait3A_286 = tpu.memref_squeeze %dma_wait3A_285 : memref<16x1x1x128xf32, #tpu.memory_space<hbm>> -> memref<16x128xf32, #tpu.memory_space<hbm>>
      %dma_wait3A_287 = arith.constant 0 : i32
      %dma_wait3A_288 = arith.constant 0 : i32
      %dma_wait3A_289 = tpu.memref_slice %arg16[%dma_wait3A_287, %dma_wait3A_288] : memref<16x2048xf32, #tpu.memory_space<vmem>> -> memref<16x128xf32, #tpu.memory_space<vmem>>
      tpu.wait_dma2 semaphore(%arg20 : memref<!tpu.dma_semaphore, #tpu.memory_space<semaphore_mem>>) src(%dma_wait3A_289 : memref<16x128xf32, #tpu.memory_space<vmem>>) dst(%dma_wait3A_286 : memref<16x128xf32, #tpu.memory_space<hbm>>)
      %dma_wait3A_290 = arith.constant 0 : i32
      %dma_wait3A_291 = arith.constant 0 : i32
      %dma_wait3A_292 = arith.constant 0 : i32
      %dma_wait3A_293 = arith.constant 0 : i32
      %dma_wait3A_294 = tpu.memref_slice %arg17[%dma_wait3A_292, %dma_wait3A_293] : memref<16x2048xf32, #tpu.memory_space<vmem>> -> memref<16x128xf32, #tpu.memory_space<vmem>>
      %dma_wait3A_295 = arith.constant 0 : i32
      %dma_wait3A_296 = arith.constant 0 : i32
      %dma_wait3A_297 = tpu.memref_slice %arg4[%dma_wait3A_295, %dma_wait3A_290, %dma_wait3A_291, %dma_wait3A_296] : memref<3686x16x4x128xf32, #tpu.memory_space<hbm>> -> memref<16x1x1x128xf32, #tpu.memory_space<hbm>>
      %dma_wait3A_298 = tpu.memref_squeeze %dma_wait3A_297 : memref<16x1x1x128xf32, #tpu.memory_space<hbm>> -> memref<16x128xf32, #tpu.memory_space<hbm>>
      %dma_wait3A_299 = arith.constant 0 : i32
      %dma_wait3A_300 = arith.constant 0 : i32
      %dma_wait3A_301 = tpu.memref_slice %arg4[%dma_wait3A_299, %dma_wait3A_290, %dma_wait3A_291, %dma_wait3A_300] : memref<3686x16x4x128xf32, #tpu.memory_space<hbm>> -> memref<16x1x1x128xf32, #tpu.memory_space<hbm>>
      %dma_wait3A_302 = tpu.memref_squeeze %dma_wait3A_301 : memref<16x1x1x128xf32, #tpu.memory_space<hbm>> -> memref<16x128xf32, #tpu.memory_space<hbm>>
      %dma_wait3A_303 = arith.constant 0 : i32
      %dma_wait3A_304 = arith.constant 0 : i32
      %dma_wait3A_305 = tpu.memref_slice %arg17[%dma_wait3A_303, %dma_wait3A_304] : memref<16x2048xf32, #tpu.memory_space<vmem>> -> memref<16x128xf32, #tpu.memory_space<vmem>>
      tpu.wait_dma2 semaphore(%arg21 : memref<!tpu.dma_semaphore, #tpu.memory_space<semaphore_mem>>) src(%dma_wait3A_305 : memref<16x128xf32, #tpu.memory_space<vmem>>) dst(%dma_wait3A_302 : memref<16x128xf32, #tpu.memory_space<hbm>>)
      %dma_wait3A_306 = arith.constant 0 : i32
      %dma_wait3A_307 = arith.constant 0 : i32
      %dma_wait3A_308 = arith.constant 0 : i32
      %dma_wait3A_309 = arith.constant 0 : i32
      %dma_wait3A_310 = tpu.memref_slice %arg17[%dma_wait3A_308, %dma_wait3A_309] : memref<16x2048xf32, #tpu.memory_space<vmem>> -> memref<16x128xf32, #tpu.memory_space<vmem>>
      %dma_wait3A_311 = arith.constant 0 : i32
      %dma_wait3A_312 = arith.constant 0 : i32
      %dma_wait3A_313 = tpu.memref_slice %arg4[%dma_wait3A_311, %dma_wait3A_306, %dma_wait3A_307, %dma_wait3A_312] : memref<3686x16x4x128xf32, #tpu.memory_space<hbm>> -> memref<16x1x1x128xf32, #tpu.memory_space<hbm>>
      %dma_wait3A_314 = tpu.memref_squeeze %dma_wait3A_313 : memref<16x1x1x128xf32, #tpu.memory_space<hbm>> -> memref<16x128xf32, #tpu.memory_space<hbm>>
      %dma_wait3A_315 = arith.constant 0 : i32
      %dma_wait3A_316 = arith.constant 0 : i32
      %dma_wait3A_317 = tpu.memref_slice %arg4[%dma_wait3A_315, %dma_wait3A_306, %dma_wait3A_307, %dma_wait3A_316] : memref<3686x16x4x128xf32, #tpu.memory_space<hbm>> -> memref<16x1x1x128xf32, #tpu.memory_space<hbm>>
      %dma_wait3A_318 = tpu.memref_squeeze %dma_wait3A_317 : memref<16x1x1x128xf32, #tpu.memory_space<hbm>> -> memref<16x128xf32, #tpu.memory_space<hbm>>
      %dma_wait3A_319 = arith.constant 0 : i32
      %dma_wait3A_320 = arith.constant 0 : i32
      %dma_wait3A_321 = tpu.memref_slice %arg17[%dma_wait3A_319, %dma_wait3A_320] : memref<16x2048xf32, #tpu.memory_space<vmem>> -> memref<16x128xf32, #tpu.memory_space<vmem>>
      tpu.wait_dma2 semaphore(%arg21 : memref<!tpu.dma_semaphore, #tpu.memory_space<semaphore_mem>>) src(%dma_wait3A_321 : memref<16x128xf32, #tpu.memory_space<vmem>>) dst(%dma_wait3A_318 : memref<16x128xf32, #tpu.memory_space<hbm>>)
      %dma_wait3A_322 = arith.constant 0 : i32
      %dma_wait3A_323 = arith.constant 0 : i32
      %dma_wait3A_324 = arith.constant 0 : i32
      %dma_wait3A_325 = arith.constant 0 : i32
      %dma_wait3A_326 = tpu.memref_slice %arg17[%dma_wait3A_324, %dma_wait3A_325] : memref<16x2048xf32, #tpu.memory_space<vmem>> -> memref<16x128xf32, #tpu.memory_space<vmem>>
      %dma_wait3A_327 = arith.constant 0 : i32
      %dma_wait3A_328 = arith.constant 0 : i32
      %dma_wait3A_329 = tpu.memref_slice %arg4[%dma_wait3A_327, %dma_wait3A_322, %dma_wait3A_323, %dma_wait3A_328] : memref<3686x16x4x128xf32, #tpu.memory_space<hbm>> -> memref<16x1x1x128xf32, #tpu.memory_space<hbm>>
      %dma_wait3A_330 = tpu.memref_squeeze %dma_wait3A_329 : memref<16x1x1x128xf32, #tpu.memory_space<hbm>> -> memref<16x128xf32, #tpu.memory_space<hbm>>
      %dma_wait3A_331 = arith.constant 0 : i32
      %dma_wait3A_332 = arith.constant 0 : i32
      %dma_wait3A_333 = tpu.memref_slice %arg4[%dma_wait3A_331, %dma_wait3A_322, %dma_wait3A_323, %dma_wait3A_332] : memref<3686x16x4x128xf32, #tpu.memory_space<hbm>> -> memref<16x1x1x128xf32, #tpu.memory_space<hbm>>
      %dma_wait3A_334 = tpu.memref_squeeze %dma_wait3A_333 : memref<16x1x1x128xf32, #tpu.memory_space<hbm>> -> memref<16x128xf32, #tpu.memory_space<hbm>>
      %dma_wait3A_335 = arith.constant 0 : i32
      %dma_wait3A_336 = arith.constant 0 : i32
      %dma_wait3A_337 = tpu.memref_slice %arg17[%dma_wait3A_335, %dma_wait3A_336] : memref<16x2048xf32, #tpu.memory_space<vmem>> -> memref<16x128xf32, #tpu.memory_space<vmem>>
      tpu.wait_dma2 semaphore(%arg21 : memref<!tpu.dma_semaphore, #tpu.memory_space<semaphore_mem>>) src(%dma_wait3A_337 : memref<16x128xf32, #tpu.memory_space<vmem>>) dst(%dma_wait3A_334 : memref<16x128xf32, #tpu.memory_space<hbm>>)
      %dma_wait3A_338 = arith.constant 0 : i32
      %dma_wait3A_339 = arith.constant 0 : i32
      %dma_wait3A_340 = arith.constant 0 : i32
      %dma_wait3A_341 = arith.constant 0 : i32
      %dma_wait3A_342 = tpu.memref_slice %arg17[%dma_wait3A_340, %dma_wait3A_341] : memref<16x2048xf32, #tpu.memory_space<vmem>> -> memref<16x128xf32, #tpu.memory_space<vmem>>
      %dma_wait3A_343 = arith.constant 0 : i32
      %dma_wait3A_344 = arith.constant 0 : i32
      %dma_wait3A_345 = tpu.memref_slice %arg4[%dma_wait3A_343, %dma_wait3A_338, %dma_wait3A_339, %dma_wait3A_344] : memref<3686x16x4x128xf32, #tpu.memory_space<hbm>> -> memref<16x1x1x128xf32, #tpu.memory_space<hbm>>
      %dma_wait3A_346 = tpu.memref_squeeze %dma_wait3A_345 : memref<16x1x1x128xf32, #tpu.memory_space<hbm>> -> memref<16x128xf32, #tpu.memory_space<hbm>>
      %dma_wait3A_347 = arith.constant 0 : i32
      %dma_wait3A_348 = arith.constant 0 : i32
      %dma_wait3A_349 = tpu.memref_slice %arg4[%dma_wait3A_347, %dma_wait3A_338, %dma_wait3A_339, %dma_wait3A_348] : memref<3686x16x4x128xf32, #tpu.memory_space<hbm>> -> memref<16x1x1x128xf32, #tpu.memory_space<hbm>>
      %dma_wait3A_350 = tpu.memref_squeeze %dma_wait3A_349 : memref<16x1x1x128xf32, #tpu.memory_space<hbm>> -> memref<16x128xf32, #tpu.memory_space<hbm>>
      %dma_wait3A_351 = arith.constant 0 : i32
      %dma_wait3A_352 = arith.constant 0 : i32
      %dma_wait3A_353 = tpu.memref_slice %arg17[%dma_wait3A_351, %dma_wait3A_352] : memref<16x2048xf32, #tpu.memory_space<vmem>> -> memref<16x128xf32, #tpu.memory_space<vmem>>
      tpu.wait_dma2 semaphore(%arg21 : memref<!tpu.dma_semaphore, #tpu.memory_space<semaphore_mem>>) src(%dma_wait3A_353 : memref<16x128xf32, #tpu.memory_space<vmem>>) dst(%dma_wait3A_350 : memref<16x128xf32, #tpu.memory_space<hbm>>)
      %dma_wait3A_354 = arith.constant 0 : i32
      %dma_wait3A_355 = arith.constant 0 : i32
      %dma_wait3A_356 = arith.constant 0 : i32
      %dma_wait3A_357 = arith.constant 0 : i32
      %dma_wait3A_358 = tpu.memref_slice %arg17[%dma_wait3A_356, %dma_wait3A_357] : memref<16x2048xf32, #tpu.memory_space<vmem>> -> memref<16x128xf32, #tpu.memory_space<vmem>>
      %dma_wait3A_359 = arith.constant 0 : i32
      %dma_wait3A_360 = arith.constant 0 : i32
      %dma_wait3A_361 = tpu.memref_slice %arg4[%dma_wait3A_359, %dma_wait3A_354, %dma_wait3A_355, %dma_wait3A_360] : memref<3686x16x4x128xf32, #tpu.memory_space<hbm>> -> memref<16x1x1x128xf32, #tpu.memory_space<hbm>>
      %dma_wait3A_362 = tpu.memref_squeeze %dma_wait3A_361 : memref<16x1x1x128xf32, #tpu.memory_space<hbm>> -> memref<16x128xf32, #tpu.memory_space<hbm>>
      %dma_wait3A_363 = arith.constant 0 : i32
      %dma_wait3A_364 = arith.constant 0 : i32
      %dma_wait3A_365 = tpu.memref_slice %arg4[%dma_wait3A_363, %dma_wait3A_354, %dma_wait3A_355, %dma_wait3A_364] : memref<3686x16x4x128xf32, #tpu.memory_space<hbm>> -> memref<16x1x1x128xf32, #tpu.memory_space<hbm>>
      %dma_wait3A_366 = tpu.memref_squeeze %dma_wait3A_365 : memref<16x1x1x128xf32, #tpu.memory_space<hbm>> -> memref<16x128xf32, #tpu.memory_space<hbm>>
      %dma_wait3A_367 = arith.constant 0 : i32
      %dma_wait3A_368 = arith.constant 0 : i32
      %dma_wait3A_369 = tpu.memref_slice %arg17[%dma_wait3A_367, %dma_wait3A_368] : memref<16x2048xf32, #tpu.memory_space<vmem>> -> memref<16x128xf32, #tpu.memory_space<vmem>>
      tpu.wait_dma2 semaphore(%arg21 : memref<!tpu.dma_semaphore, #tpu.memory_space<semaphore_mem>>) src(%dma_wait3A_369 : memref<16x128xf32, #tpu.memory_space<vmem>>) dst(%dma_wait3A_366 : memref<16x128xf32, #tpu.memory_space<hbm>>)
      %dma_wait3A_370 = arith.constant 0 : i32
      %dma_wait3A_371 = arith.constant 0 : i32
      %dma_wait3A_372 = arith.constant 0 : i32
      %dma_wait3A_373 = arith.constant 0 : i32
      %dma_wait3A_374 = tpu.memref_slice %arg17[%dma_wait3A_372, %dma_wait3A_373] : memref<16x2048xf32, #tpu.memory_space<vmem>> -> memref<16x128xf32, #tpu.memory_space<vmem>>
      %dma_wait3A_375 = arith.constant 0 : i32
      %dma_wait3A_376 = arith.constant 0 : i32
      %dma_wait3A_377 = tpu.memref_slice %arg4[%dma_wait3A_375, %dma_wait3A_370, %dma_wait3A_371, %dma_wait3A_376] : memref<3686x16x4x128xf32, #tpu.memory_space<hbm>> -> memref<16x1x1x128xf32, #tpu.memory_space<hbm>>
      %dma_wait3A_378 = tpu.memref_squeeze %dma_wait3A_377 : memref<16x1x1x128xf32, #tpu.memory_space<hbm>> -> memref<16x128xf32, #tpu.memory_space<hbm>>
      %dma_wait3A_379 = arith.constant 0 : i32
      %dma_wait3A_380 = arith.constant 0 : i32
      %dma_wait3A_381 = tpu.memref_slice %arg4[%dma_wait3A_379, %dma_wait3A_370, %dma_wait3A_371, %dma_wait3A_380] : memref<3686x16x4x128xf32, #tpu.memory_space<hbm>> -> memref<16x1x1x128xf32, #tpu.memory_space<hbm>>
      %dma_wait3A_382 = tpu.memref_squeeze %dma_wait3A_381 : memref<16x1x1x128xf32, #tpu.memory_space<hbm>> -> memref<16x128xf32, #tpu.memory_space<hbm>>
      %dma_wait3A_383 = arith.constant 0 : i32
      %dma_wait3A_384 = arith.constant 0 : i32
      %dma_wait3A_385 = tpu.memref_slice %arg17[%dma_wait3A_383, %dma_wait3A_384] : memref<16x2048xf32, #tpu.memory_space<vmem>> -> memref<16x128xf32, #tpu.memory_space<vmem>>
      tpu.wait_dma2 semaphore(%arg21 : memref<!tpu.dma_semaphore, #tpu.memory_space<semaphore_mem>>) src(%dma_wait3A_385 : memref<16x128xf32, #tpu.memory_space<vmem>>) dst(%dma_wait3A_382 : memref<16x128xf32, #tpu.memory_space<hbm>>)
      %dma_wait3A_386 = arith.constant 0 : i32
      %dma_wait3A_387 = arith.constant 0 : i32
      %dma_wait3A_388 = arith.constant 0 : i32
      %dma_wait3A_389 = arith.constant 0 : i32
      %dma_wait3A_390 = tpu.memref_slice %arg17[%dma_wait3A_388, %dma_wait3A_389] : memref<16x2048xf32, #tpu.memory_space<vmem>> -> memref<16x128xf32, #tpu.memory_space<vmem>>
      %dma_wait3A_391 = arith.constant 0 : i32
      %dma_wait3A_392 = arith.constant 0 : i32
      %dma_wait3A_393 = tpu.memref_slice %arg4[%dma_wait3A_391, %dma_wait3A_386, %dma_wait3A_387, %dma_wait3A_392] : memref<3686x16x4x128xf32, #tpu.memory_space<hbm>> -> memref<16x1x1x128xf32, #tpu.memory_space<hbm>>
      %dma_wait3A_394 = tpu.memref_squeeze %dma_wait3A_393 : memref<16x1x1x128xf32, #tpu.memory_space<hbm>> -> memref<16x128xf32, #tpu.memory_space<hbm>>
      %dma_wait3A_395 = arith.constant 0 : i32
      %dma_wait3A_396 = arith.constant 0 : i32
      %dma_wait3A_397 = tpu.memref_slice %arg4[%dma_wait3A_395, %dma_wait3A_386, %dma_wait3A_387, %dma_wait3A_396] : memref<3686x16x4x128xf32, #tpu.memory_space<hbm>> -> memref<16x1x1x128xf32, #tpu.memory_space<hbm>>
      %dma_wait3A_398 = tpu.memref_squeeze %dma_wait3A_397 : memref<16x1x1x128xf32, #tpu.memory_space<hbm>> -> memref<16x128xf32, #tpu.memory_space<hbm>>
      %dma_wait3A_399 = arith.constant 0 : i32
      %dma_wait3A_400 = arith.constant 0 : i32
      %dma_wait3A_401 = tpu.memref_slice %arg17[%dma_wait3A_399, %dma_wait3A_400] : memref<16x2048xf32, #tpu.memory_space<vmem>> -> memref<16x128xf32, #tpu.memory_space<vmem>>
      tpu.wait_dma2 semaphore(%arg21 : memref<!tpu.dma_semaphore, #tpu.memory_space<semaphore_mem>>) src(%dma_wait3A_401 : memref<16x128xf32, #tpu.memory_space<vmem>>) dst(%dma_wait3A_398 : memref<16x128xf32, #tpu.memory_space<hbm>>)
      %dma_wait3A_402 = arith.constant 0 : i32
      %dma_wait3A_403 = arith.constant 0 : i32
      %dma_wait3A_404 = arith.constant 0 : i32
      %dma_wait3A_405 = arith.constant 0 : i32
      %dma_wait3A_406 = tpu.memref_slice %arg17[%dma_wait3A_404, %dma_wait3A_405] : memref<16x2048xf32, #tpu.memory_space<vmem>> -> memref<16x128xf32, #tpu.memory_space<vmem>>
      %dma_wait3A_407 = arith.constant 0 : i32
      %dma_wait3A_408 = arith.constant 0 : i32
      %dma_wait3A_409 = tpu.memref_slice %arg4[%dma_wait3A_407, %dma_wait3A_402, %dma_wait3A_403, %dma_wait3A_408] : memref<3686x16x4x128xf32, #tpu.memory_space<hbm>> -> memref<16x1x1x128xf32, #tpu.memory_space<hbm>>
      %dma_wait3A_410 = tpu.memref_squeeze %dma_wait3A_409 : memref<16x1x1x128xf32, #tpu.memory_space<hbm>> -> memref<16x128xf32, #tpu.memory_space<hbm>>
      %dma_wait3A_411 = arith.constant 0 : i32
      %dma_wait3A_412 = arith.constant 0 : i32
      %dma_wait3A_413 = tpu.memref_slice %arg4[%dma_wait3A_411, %dma_wait3A_402, %dma_wait3A_403, %dma_wait3A_412] : memref<3686x16x4x128xf32, #tpu.memory_space<hbm>> -> memref<16x1x1x128xf32, #tpu.memory_space<hbm>>
      %dma_wait3A_414 = tpu.memref_squeeze %dma_wait3A_413 : memref<16x1x1x128xf32, #tpu.memory_space<hbm>> -> memref<16x128xf32, #tpu.memory_space<hbm>>
      %dma_wait3A_415 = arith.constant 0 : i32
      %dma_wait3A_416 = arith.constant 0 : i32
      %dma_wait3A_417 = tpu.memref_slice %arg17[%dma_wait3A_415, %dma_wait3A_416] : memref<16x2048xf32, #tpu.memory_space<vmem>> -> memref<16x128xf32, #tpu.memory_space<vmem>>
      tpu.wait_dma2 semaphore(%arg21 : memref<!tpu.dma_semaphore, #tpu.memory_space<semaphore_mem>>) src(%dma_wait3A_417 : memref<16x128xf32, #tpu.memory_space<vmem>>) dst(%dma_wait3A_414 : memref<16x128xf32, #tpu.memory_space<hbm>>)
      %dma_wait3A_418 = arith.constant 0 : i32
      %dma_wait3A_419 = arith.constant 0 : i32
      %dma_wait3A_420 = arith.constant 0 : i32
      %dma_wait3A_421 = arith.constant 0 : i32
      %dma_wait3A_422 = tpu.memref_slice %arg17[%dma_wait3A_420, %dma_wait3A_421] : memref<16x2048xf32, #tpu.memory_space<vmem>> -> memref<16x128xf32, #tpu.memory_space<vmem>>
      %dma_wait3A_423 = arith.constant 0 : i32
      %dma_wait3A_424 = arith.constant 0 : i32
      %dma_wait3A_425 = tpu.memref_slice %arg4[%dma_wait3A_423, %dma_wait3A_418, %dma_wait3A_419, %dma_wait3A_424] : memref<3686x16x4x128xf32, #tpu.memory_space<hbm>> -> memref<16x1x1x128xf32, #tpu.memory_space<hbm>>
      %dma_wait3A_426 = tpu.memref_squeeze %dma_wait3A_425 : memref<16x1x1x128xf32, #tpu.memory_space<hbm>> -> memref<16x128xf32, #tpu.memory_space<hbm>>
      %dma_wait3A_427 = arith.constant 0 : i32
      %dma_wait3A_428 = arith.constant 0 : i32
      %dma_wait3A_429 = tpu.memref_slice %arg4[%dma_wait3A_427, %dma_wait3A_418, %dma_wait3A_419, %dma_wait3A_428] : memref<3686x16x4x128xf32, #tpu.memory_space<hbm>> -> memref<16x1x1x128xf32, #tpu.memory_space<hbm>>
      %dma_wait3A_430 = tpu.memref_squeeze %dma_wait3A_429 : memref<16x1x1x128xf32, #tpu.memory_space<hbm>> -> memref<16x128xf32, #tpu.memory_space<hbm>>
      %dma_wait3A_431 = arith.constant 0 : i32
      %dma_wait3A_432 = arith.constant 0 : i32
      %dma_wait3A_433 = tpu.memref_slice %arg17[%dma_wait3A_431, %dma_wait3A_432] : memref<16x2048xf32, #tpu.memory_space<vmem>> -> memref<16x128xf32, #tpu.memory_space<vmem>>
      tpu.wait_dma2 semaphore(%arg21 : memref<!tpu.dma_semaphore, #tpu.memory_space<semaphore_mem>>) src(%dma_wait3A_433 : memref<16x128xf32, #tpu.memory_space<vmem>>) dst(%dma_wait3A_430 : memref<16x128xf32, #tpu.memory_space<hbm>>)
      %dma_wait3A_434 = arith.constant 0 : i32
      %dma_wait3A_435 = arith.constant 0 : i32
      %dma_wait3A_436 = arith.constant 0 : i32
      %dma_wait3A_437 = arith.constant 0 : i32
      %dma_wait3A_438 = tpu.memref_slice %arg17[%dma_wait3A_436, %dma_wait3A_437] : memref<16x2048xf32, #tpu.memory_space<vmem>> -> memref<16x128xf32, #tpu.memory_space<vmem>>
      %dma_wait3A_439 = arith.constant 0 : i32
      %dma_wait3A_440 = arith.constant 0 : i32
      %dma_wait3A_441 = tpu.memref_slice %arg4[%dma_wait3A_439, %dma_wait3A_434, %dma_wait3A_435, %dma_wait3A_440] : memref<3686x16x4x128xf32, #tpu.memory_space<hbm>> -> memref<16x1x1x128xf32, #tpu.memory_space<hbm>>
      %dma_wait3A_442 = tpu.memref_squeeze %dma_wait3A_441 : memref<16x1x1x128xf32, #tpu.memory_space<hbm>> -> memref<16x128xf32, #tpu.memory_space<hbm>>
      %dma_wait3A_443 = arith.constant 0 : i32
      %dma_wait3A_444 = arith.constant 0 : i32
      %dma_wait3A_445 = tpu.memref_slice %arg4[%dma_wait3A_443, %dma_wait3A_434, %dma_wait3A_435, %dma_wait3A_444] : memref<3686x16x4x128xf32, #tpu.memory_space<hbm>> -> memref<16x1x1x128xf32, #tpu.memory_space<hbm>>
      %dma_wait3A_446 = tpu.memref_squeeze %dma_wait3A_445 : memref<16x1x1x128xf32, #tpu.memory_space<hbm>> -> memref<16x128xf32, #tpu.memory_space<hbm>>
      %dma_wait3A_447 = arith.constant 0 : i32
      %dma_wait3A_448 = arith.constant 0 : i32
      %dma_wait3A_449 = tpu.memref_slice %arg17[%dma_wait3A_447, %dma_wait3A_448] : memref<16x2048xf32, #tpu.memory_space<vmem>> -> memref<16x128xf32, #tpu.memory_space<vmem>>
      tpu.wait_dma2 semaphore(%arg21 : memref<!tpu.dma_semaphore, #tpu.memory_space<semaphore_mem>>) src(%dma_wait3A_449 : memref<16x128xf32, #tpu.memory_space<vmem>>) dst(%dma_wait3A_446 : memref<16x128xf32, #tpu.memory_space<hbm>>)
      %dma_wait3A_450 = arith.constant 0 : i32
      %dma_wait3A_451 = arith.constant 0 : i32
      %dma_wait3A_452 = arith.constant 0 : i32
      %dma_wait3A_453 = arith.constant 0 : i32
      %dma_wait3A_454 = tpu.memref_slice %arg17[%dma_wait3A_452, %dma_wait3A_453] : memref<16x2048xf32, #tpu.memory_space<vmem>> -> memref<16x128xf32, #tpu.memory_space<vmem>>
      %dma_wait3A_455 = arith.constant 0 : i32
      %dma_wait3A_456 = arith.constant 0 : i32
      %dma_wait3A_457 = tpu.memref_slice %arg4[%dma_wait3A_455, %dma_wait3A_450, %dma_wait3A_451, %dma_wait3A_456] : memref<3686x16x4x128xf32, #tpu.memory_space<hbm>> -> memref<16x1x1x128xf32, #tpu.memory_space<hbm>>
      %dma_wait3A_458 = tpu.memref_squeeze %dma_wait3A_457 : memref<16x1x1x128xf32, #tpu.memory_space<hbm>> -> memref<16x128xf32, #tpu.memory_space<hbm>>
      %dma_wait3A_459 = arith.constant 0 : i32
      %dma_wait3A_460 = arith.constant 0 : i32
      %dma_wait3A_461 = tpu.memref_slice %arg4[%dma_wait3A_459, %dma_wait3A_450, %dma_wait3A_451, %dma_wait3A_460] : memref<3686x16x4x128xf32, #tpu.memory_space<hbm>> -> memref<16x1x1x128xf32, #tpu.memory_space<hbm>>
      %dma_wait3A_462 = tpu.memref_squeeze %dma_wait3A_461 : memref<16x1x1x128xf32, #tpu.memory_space<hbm>> -> memref<16x128xf32, #tpu.memory_space<hbm>>
      %dma_wait3A_463 = arith.constant 0 : i32
      %dma_wait3A_464 = arith.constant 0 : i32
      %dma_wait3A_465 = tpu.memref_slice %arg17[%dma_wait3A_463, %dma_wait3A_464] : memref<16x2048xf32, #tpu.memory_space<vmem>> -> memref<16x128xf32, #tpu.memory_space<vmem>>
      tpu.wait_dma2 semaphore(%arg21 : memref<!tpu.dma_semaphore, #tpu.memory_space<semaphore_mem>>) src(%dma_wait3A_465 : memref<16x128xf32, #tpu.memory_space<vmem>>) dst(%dma_wait3A_462 : memref<16x128xf32, #tpu.memory_space<hbm>>)
      %dma_wait3A_466 = arith.constant 0 : i32
      %dma_wait3A_467 = arith.constant 0 : i32
      %dma_wait3A_468 = arith.constant 0 : i32
      %dma_wait3A_469 = arith.constant 0 : i32
      %dma_wait3A_470 = tpu.memref_slice %arg17[%dma_wait3A_468, %dma_wait3A_469] : memref<16x2048xf32, #tpu.memory_space<vmem>> -> memref<16x128xf32, #tpu.memory_space<vmem>>
      %dma_wait3A_471 = arith.constant 0 : i32
      %dma_wait3A_472 = arith.constant 0 : i32
      %dma_wait3A_473 = tpu.memref_slice %arg4[%dma_wait3A_471, %dma_wait3A_466, %dma_wait3A_467, %dma_wait3A_472] : memref<3686x16x4x128xf32, #tpu.memory_space<hbm>> -> memref<16x1x1x128xf32, #tpu.memory_space<hbm>>
      %dma_wait3A_474 = tpu.memref_squeeze %dma_wait3A_473 : memref<16x1x1x128xf32, #tpu.memory_space<hbm>> -> memref<16x128xf32, #tpu.memory_space<hbm>>
      %dma_wait3A_475 = arith.constant 0 : i32
      %dma_wait3A_476 = arith.constant 0 : i32
      %dma_wait3A_477 = tpu.memref_slice %arg4[%dma_wait3A_475, %dma_wait3A_466, %dma_wait3A_467, %dma_wait3A_476] : memref<3686x16x4x128xf32, #tpu.memory_space<hbm>> -> memref<16x1x1x128xf32, #tpu.memory_space<hbm>>
      %dma_wait3A_478 = tpu.memref_squeeze %dma_wait3A_477 : memref<16x1x1x128xf32, #tpu.memory_space<hbm>> -> memref<16x128xf32, #tpu.memory_space<hbm>>
      %dma_wait3A_479 = arith.constant 0 : i32
      %dma_wait3A_480 = arith.constant 0 : i32
      %dma_wait3A_481 = tpu.memref_slice %arg17[%dma_wait3A_479, %dma_wait3A_480] : memref<16x2048xf32, #tpu.memory_space<vmem>> -> memref<16x128xf32, #tpu.memory_space<vmem>>
      tpu.wait_dma2 semaphore(%arg21 : memref<!tpu.dma_semaphore, #tpu.memory_space<semaphore_mem>>) src(%dma_wait3A_481 : memref<16x128xf32, #tpu.memory_space<vmem>>) dst(%dma_wait3A_478 : memref<16x128xf32, #tpu.memory_space<hbm>>)
      %dma_wait3A_482 = arith.constant 0 : i32
      %dma_wait3A_483 = arith.constant 0 : i32
      %dma_wait3A_484 = arith.constant 0 : i32
      %dma_wait3A_485 = arith.constant 0 : i32
      %dma_wait3A_486 = tpu.memref_slice %arg17[%dma_wait3A_484, %dma_wait3A_485] : memref<16x2048xf32, #tpu.memory_space<vmem>> -> memref<16x128xf32, #tpu.memory_space<vmem>>
      %dma_wait3A_487 = arith.constant 0 : i32
      %dma_wait3A_488 = arith.constant 0 : i32
      %dma_wait3A_489 = tpu.memref_slice %arg4[%dma_wait3A_487, %dma_wait3A_482, %dma_wait3A_483, %dma_wait3A_488] : memref<3686x16x4x128xf32, #tpu.memory_space<hbm>> -> memref<16x1x1x128xf32, #tpu.memory_space<hbm>>
      %dma_wait3A_490 = tpu.memref_squeeze %dma_wait3A_489 : memref<16x1x1x128xf32, #tpu.memory_space<hbm>> -> memref<16x128xf32, #tpu.memory_space<hbm>>
      %dma_wait3A_491 = arith.constant 0 : i32
      %dma_wait3A_492 = arith.constant 0 : i32
      %dma_wait3A_493 = tpu.memref_slice %arg4[%dma_wait3A_491, %dma_wait3A_482, %dma_wait3A_483, %dma_wait3A_492] : memref<3686x16x4x128xf32, #tpu.memory_space<hbm>> -> memref<16x1x1x128xf32, #tpu.memory_space<hbm>>
      %dma_wait3A_494 = tpu.memref_squeeze %dma_wait3A_493 : memref<16x1x1x128xf32, #tpu.memory_space<hbm>> -> memref<16x128xf32, #tpu.memory_space<hbm>>
      %dma_wait3A_495 = arith.constant 0 : i32
      %dma_wait3A_496 = arith.constant 0 : i32
      %dma_wait3A_497 = tpu.memref_slice %arg17[%dma_wait3A_495, %dma_wait3A_496] : memref<16x2048xf32, #tpu.memory_space<vmem>> -> memref<16x128xf32, #tpu.memory_space<vmem>>
      tpu.wait_dma2 semaphore(%arg21 : memref<!tpu.dma_semaphore, #tpu.memory_space<semaphore_mem>>) src(%dma_wait3A_497 : memref<16x128xf32, #tpu.memory_space<vmem>>) dst(%dma_wait3A_494 : memref<16x128xf32, #tpu.memory_space<hbm>>)
      %dma_wait3A_498 = arith.constant 0 : i32
      %dma_wait3A_499 = arith.constant 0 : i32
      %dma_wait3A_500 = arith.constant 0 : i32
      %dma_wait3A_501 = arith.constant 0 : i32
      %dma_wait3A_502 = tpu.memref_slice %arg17[%dma_wait3A_500, %dma_wait3A_501] : memref<16x2048xf32, #tpu.memory_space<vmem>> -> memref<16x128xf32, #tpu.memory_space<vmem>>
      %dma_wait3A_503 = arith.constant 0 : i32
      %dma_wait3A_504 = arith.constant 0 : i32
      %dma_wait3A_505 = tpu.memref_slice %arg4[%dma_wait3A_503, %dma_wait3A_498, %dma_wait3A_499, %dma_wait3A_504] : memref<3686x16x4x128xf32, #tpu.memory_space<hbm>> -> memref<16x1x1x128xf32, #tpu.memory_space<hbm>>
      %dma_wait3A_506 = tpu.memref_squeeze %dma_wait3A_505 : memref<16x1x1x128xf32, #tpu.memory_space<hbm>> -> memref<16x128xf32, #tpu.memory_space<hbm>>
      %dma_wait3A_507 = arith.constant 0 : i32
      %dma_wait3A_508 = arith.constant 0 : i32
      %dma_wait3A_509 = tpu.memref_slice %arg4[%dma_wait3A_507, %dma_wait3A_498, %dma_wait3A_499, %dma_wait3A_508] : memref<3686x16x4x128xf32, #tpu.memory_space<hbm>> -> memref<16x1x1x128xf32, #tpu.memory_space<hbm>>
      %dma_wait3A_510 = tpu.memref_squeeze %dma_wait3A_509 : memref<16x1x1x128xf32, #tpu.memory_space<hbm>> -> memref<16x128xf32, #tpu.memory_space<hbm>>
      %dma_wait3A_511 = arith.constant 0 : i32
      %dma_wait3A_512 = arith.constant 0 : i32
      %dma_wait3A_513 = tpu.memref_slice %arg17[%dma_wait3A_511, %dma_wait3A_512] : memref<16x2048xf32, #tpu.memory_space<vmem>> -> memref<16x128xf32, #tpu.memory_space<vmem>>
      tpu.wait_dma2 semaphore(%arg21 : memref<!tpu.dma_semaphore, #tpu.memory_space<semaphore_mem>>) src(%dma_wait3A_513 : memref<16x128xf32, #tpu.memory_space<vmem>>) dst(%dma_wait3A_510 : memref<16x128xf32, #tpu.memory_space<hbm>>)
      %dma_wait3A_514 = arith.constant 0 : i32
      %dma_wait3A_515 = arith.constant 0 : i32
      %dma_wait3A_516 = arith.constant 0 : i32
      %dma_wait3A_517 = arith.constant 0 : i32
      %dma_wait3A_518 = tpu.memref_slice %arg17[%dma_wait3A_516, %dma_wait3A_517] : memref<16x2048xf32, #tpu.memory_space<vmem>> -> memref<16x128xf32, #tpu.memory_space<vmem>>
      %dma_wait3A_519 = arith.constant 0 : i32
      %dma_wait3A_520 = arith.constant 0 : i32
      %dma_wait3A_521 = tpu.memref_slice %arg4[%dma_wait3A_519, %dma_wait3A_514, %dma_wait3A_515, %dma_wait3A_520] : memref<3686x16x4x128xf32, #tpu.memory_space<hbm>> -> memref<16x1x1x128xf32, #tpu.memory_space<hbm>>
      %dma_wait3A_522 = tpu.memref_squeeze %dma_wait3A_521 : memref<16x1x1x128xf32, #tpu.memory_space<hbm>> -> memref<16x128xf32, #tpu.memory_space<hbm>>
      %dma_wait3A_523 = arith.constant 0 : i32
      %dma_wait3A_524 = arith.constant 0 : i32
      %dma_wait3A_525 = tpu.memref_slice %arg4[%dma_wait3A_523, %dma_wait3A_514, %dma_wait3A_515, %dma_wait3A_524] : memref<3686x16x4x128xf32, #tpu.memory_space<hbm>> -> memref<16x1x1x128xf32, #tpu.memory_space<hbm>>
      %dma_wait3A_526 = tpu.memref_squeeze %dma_wait3A_525 : memref<16x1x1x128xf32, #tpu.memory_space<hbm>> -> memref<16x128xf32, #tpu.memory_space<hbm>>
      %dma_wait3A_527 = arith.constant 0 : i32
      %dma_wait3A_528 = arith.constant 0 : i32
      %dma_wait3A_529 = tpu.memref_slice %arg17[%dma_wait3A_527, %dma_wait3A_528] : memref<16x2048xf32, #tpu.memory_space<vmem>> -> memref<16x128xf32, #tpu.memory_space<vmem>>
      tpu.wait_dma2 semaphore(%arg21 : memref<!tpu.dma_semaphore, #tpu.memory_space<semaphore_mem>>) src(%dma_wait3A_529 : memref<16x128xf32, #tpu.memory_space<vmem>>) dst(%dma_wait3A_526 : memref<16x128xf32, #tpu.memory_space<hbm>>)
      %dma_wait3A_530 = arith.constant 0 : i32
      %dma_wait3A_531 = arith.constant 0 : i32
      %dma_wait3A_532 = arith.constant 0 : i32
      %dma_wait3A_533 = arith.constant 0 : i32
      %dma_wait3A_534 = tpu.memref_slice %arg17[%dma_wait3A_532, %dma_wait3A_533] : memref<16x2048xf32, #tpu.memory_space<vmem>> -> memref<16x128xf32, #tpu.memory_space<vmem>>
      %dma_wait3A_535 = arith.constant 0 : i32
      %dma_wait3A_536 = arith.constant 0 : i32
      %dma_wait3A_537 = tpu.memref_slice %arg4[%dma_wait3A_535, %dma_wait3A_530, %dma_wait3A_531, %dma_wait3A_536] : memref<3686x16x4x128xf32, #tpu.memory_space<hbm>> -> memref<16x1x1x128xf32, #tpu.memory_space<hbm>>
      %dma_wait3A_538 = tpu.memref_squeeze %dma_wait3A_537 : memref<16x1x1x128xf32, #tpu.memory_space<hbm>> -> memref<16x128xf32, #tpu.memory_space<hbm>>
      %dma_wait3A_539 = arith.constant 0 : i32
      %dma_wait3A_540 = arith.constant 0 : i32
      %dma_wait3A_541 = tpu.memref_slice %arg4[%dma_wait3A_539, %dma_wait3A_530, %dma_wait3A_531, %dma_wait3A_540] : memref<3686x16x4x128xf32, #tpu.memory_space<hbm>> -> memref<16x1x1x128xf32, #tpu.memory_space<hbm>>
      %dma_wait3A_542 = tpu.memref_squeeze %dma_wait3A_541 : memref<16x1x1x128xf32, #tpu.memory_space<hbm>> -> memref<16x128xf32, #tpu.memory_space<hbm>>
      %dma_wait3A_543 = arith.constant 0 : i32
      %dma_wait3A_544 = arith.constant 0 : i32
      %dma_wait3A_545 = tpu.memref_slice %arg17[%dma_wait3A_543, %dma_wait3A_544] : memref<16x2048xf32, #tpu.memory_space<vmem>> -> memref<16x128xf32, #tpu.memory_space<vmem>>
      tpu.wait_dma2 semaphore(%arg21 : memref<!tpu.dma_semaphore, #tpu.memory_space<semaphore_mem>>) src(%dma_wait3A_545 : memref<16x128xf32, #tpu.memory_space<vmem>>) dst(%dma_wait3A_542 : memref<16x128xf32, #tpu.memory_space<hbm>>)
    } else {
    }
    %eq3A = arith.constant 1 : i32
    %eq3A_26 = arith.cmpi eq, %sub3A, %eq3A : i32
    %convert_element_type3A_27 = arith.extui %eq3A_26 : i1 to i32
    %cond3A_28 = arith.constant 0 : i32
    %cond3A_29 = arith.cmpi ne, %convert_element_type3A_27, %cond3A_28 : i32
    scf.if %cond3A_29 {
      %dma_wait3A = arith.constant 0 : i32
      %dma_wait3A_35 = arith.constant 0 : i32
      %dma_wait3A_36 = arith.constant 0 : i32
      %dma_wait3A_37 = arith.constant 0 : i32
      %dma_wait3A_38 = tpu.memref_slice %arg16[%dma_wait3A_36, %dma_wait3A_37] : memref<16x2048xf32, #tpu.memory_space<vmem>> -> memref<16x128xf32, #tpu.memory_space<vmem>>
      %dma_wait3A_39 = arith.constant 0 : i32
      %dma_wait3A_40 = arith.constant 0 : i32
      %dma_wait3A_41 = tpu.memref_slice %arg4[%dma_wait3A_39, %dma_wait3A, %dma_wait3A_35, %dma_wait3A_40] : memref<3686x16x4x128xf32, #tpu.memory_space<hbm>> -> memref<16x1x1x128xf32, #tpu.memory_space<hbm>>
      %dma_wait3A_42 = tpu.memref_squeeze %dma_wait3A_41 : memref<16x1x1x128xf32, #tpu.memory_space<hbm>> -> memref<16x128xf32, #tpu.memory_space<hbm>>
      %dma_wait3A_43 = arith.constant 0 : i32
      %dma_wait3A_44 = arith.constant 0 : i32
      %dma_wait3A_45 = tpu.memref_slice %arg4[%dma_wait3A_43, %dma_wait3A, %dma_wait3A_35, %dma_wait3A_44] : memref<3686x16x4x128xf32, #tpu.memory_space<hbm>> -> memref<16x1x1x128xf32, #tpu.memory_space<hbm>>
      %dma_wait3A_46 = tpu.memref_squeeze %dma_wait3A_45 : memref<16x1x1x128xf32, #tpu.memory_space<hbm>> -> memref<16x128xf32, #tpu.memory_space<hbm>>
      %dma_wait3A_47 = arith.constant 0 : i32
      %dma_wait3A_48 = arith.constant 0 : i32
      %dma_wait3A_49 = tpu.memref_slice %arg16[%dma_wait3A_47, %dma_wait3A_48] : memref<16x2048xf32, #tpu.memory_space<vmem>> -> memref<16x128xf32, #tpu.memory_space<vmem>>
      tpu.wait_dma2 semaphore(%arg20 : memref<!tpu.dma_semaphore, #tpu.memory_space<semaphore_mem>>) src(%dma_wait3A_49 : memref<16x128xf32, #tpu.memory_space<vmem>>) dst(%dma_wait3A_46 : memref<16x128xf32, #tpu.memory_space<hbm>>)
      %dma_wait3A_50 = arith.constant 0 : i32
      %dma_wait3A_51 = arith.constant 0 : i32
      %dma_wait3A_52 = arith.constant 0 : i32
      %dma_wait3A_53 = arith.constant 0 : i32
      %dma_wait3A_54 = tpu.memref_slice %arg16[%dma_wait3A_52, %dma_wait3A_53] : memref<16x2048xf32, #tpu.memory_space<vmem>> -> memref<16x128xf32, #tpu.memory_space<vmem>>
      %dma_wait3A_55 = arith.constant 0 : i32
      %dma_wait3A_56 = arith.constant 0 : i32
      %dma_wait3A_57 = tpu.memref_slice %arg4[%dma_wait3A_55, %dma_wait3A_50, %dma_wait3A_51, %dma_wait3A_56] : memref<3686x16x4x128xf32, #tpu.memory_space<hbm>> -> memref<16x1x1x128xf32, #tpu.memory_space<hbm>>
      %dma_wait3A_58 = tpu.memref_squeeze %dma_wait3A_57 : memref<16x1x1x128xf32, #tpu.memory_space<hbm>> -> memref<16x128xf32, #tpu.memory_space<hbm>>
      %dma_wait3A_59 = arith.constant 0 : i32
      %dma_wait3A_60 = arith.constant 0 : i32
      %dma_wait3A_61 = tpu.memref_slice %arg4[%dma_wait3A_59, %dma_wait3A_50, %dma_wait3A_51, %dma_wait3A_60] : memref<3686x16x4x128xf32, #tpu.memory_space<hbm>> -> memref<16x1x1x128xf32, #tpu.memory_space<hbm>>
      %dma_wait3A_62 = tpu.memref_squeeze %dma_wait3A_61 : memref<16x1x1x128xf32, #tpu.memory_space<hbm>> -> memref<16x128xf32, #tpu.memory_space<hbm>>
      %dma_wait3A_63 = arith.constant 0 : i32
      %dma_wait3A_64 = arith.constant 0 : i32
      %dma_wait3A_65 = tpu.memref_slice %arg16[%dma_wait3A_63, %dma_wait3A_64] : memref<16x2048xf32, #tpu.memory_space<vmem>> -> memref<16x128xf32, #tpu.memory_space<vmem>>
      tpu.wait_dma2 semaphore(%arg20 : memref<!tpu.dma_semaphore, #tpu.memory_space<semaphore_mem>>) src(%dma_wait3A_65 : memref<16x128xf32, #tpu.memory_space<vmem>>) dst(%dma_wait3A_62 : memref<16x128xf32, #tpu.memory_space<hbm>>)
      %dma_wait3A_66 = arith.constant 0 : i32
      %dma_wait3A_67 = arith.constant 0 : i32
      %dma_wait3A_68 = arith.constant 0 : i32
      %dma_wait3A_69 = arith.constant 0 : i32
      %dma_wait3A_70 = tpu.memref_slice %arg16[%dma_wait3A_68, %dma_wait3A_69] : memref<16x2048xf32, #tpu.memory_space<vmem>> -> memref<16x128xf32, #tpu.memory_space<vmem>>
      %dma_wait3A_71 = arith.constant 0 : i32
      %dma_wait3A_72 = arith.constant 0 : i32
      %dma_wait3A_73 = tpu.memref_slice %arg4[%dma_wait3A_71, %dma_wait3A_66, %dma_wait3A_67, %dma_wait3A_72] : memref<3686x16x4x128xf32, #tpu.memory_space<hbm>> -> memref<16x1x1x128xf32, #tpu.memory_space<hbm>>
      %dma_wait3A_74 = tpu.memref_squeeze %dma_wait3A_73 : memref<16x1x1x128xf32, #tpu.memory_space<hbm>> -> memref<16x128xf32, #tpu.memory_space<hbm>>
      %dma_wait3A_75 = arith.constant 0 : i32
      %dma_wait3A_76 = arith.constant 0 : i32
      %dma_wait3A_77 = tpu.memref_slice %arg4[%dma_wait3A_75, %dma_wait3A_66, %dma_wait3A_67, %dma_wait3A_76] : memref<3686x16x4x128xf32, #tpu.memory_space<hbm>> -> memref<16x1x1x128xf32, #tpu.memory_space<hbm>>
      %dma_wait3A_78 = tpu.memref_squeeze %dma_wait3A_77 : memref<16x1x1x128xf32, #tpu.memory_space<hbm>> -> memref<16x128xf32, #tpu.memory_space<hbm>>
      %dma_wait3A_79 = arith.constant 0 : i32
      %dma_wait3A_80 = arith.constant 0 : i32
      %dma_wait3A_81 = tpu.memref_slice %arg16[%dma_wait3A_79, %dma_wait3A_80] : memref<16x2048xf32, #tpu.memory_space<vmem>> -> memref<16x128xf32, #tpu.memory_space<vmem>>
      tpu.wait_dma2 semaphore(%arg20 : memref<!tpu.dma_semaphore, #tpu.memory_space<semaphore_mem>>) src(%dma_wait3A_81 : memref<16x128xf32, #tpu.memory_space<vmem>>) dst(%dma_wait3A_78 : memref<16x128xf32, #tpu.memory_space<hbm>>)
      %dma_wait3A_82 = arith.constant 0 : i32
      %dma_wait3A_83 = arith.constant 0 : i32
      %dma_wait3A_84 = arith.constant 0 : i32
      %dma_wait3A_85 = arith.constant 0 : i32
      %dma_wait3A_86 = tpu.memref_slice %arg16[%dma_wait3A_84, %dma_wait3A_85] : memref<16x2048xf32, #tpu.memory_space<vmem>> -> memref<16x128xf32, #tpu.memory_space<vmem>>
      %dma_wait3A_87 = arith.constant 0 : i32
      %dma_wait3A_88 = arith.constant 0 : i32
      %dma_wait3A_89 = tpu.memref_slice %arg4[%dma_wait3A_87, %dma_wait3A_82, %dma_wait3A_83, %dma_wait3A_88] : memref<3686x16x4x128xf32, #tpu.memory_space<hbm>> -> memref<16x1x1x128xf32, #tpu.memory_space<hbm>>
      %dma_wait3A_90 = tpu.memref_squeeze %dma_wait3A_89 : memref<16x1x1x128xf32, #tpu.memory_space<hbm>> -> memref<16x128xf32, #tpu.memory_space<hbm>>
      %dma_wait3A_91 = arith.constant 0 : i32
      %dma_wait3A_92 = arith.constant 0 : i32
      %dma_wait3A_93 = tpu.memref_slice %arg4[%dma_wait3A_91, %dma_wait3A_82, %dma_wait3A_83, %dma_wait3A_92] : memref<3686x16x4x128xf32, #tpu.memory_space<hbm>> -> memref<16x1x1x128xf32, #tpu.memory_space<hbm>>
      %dma_wait3A_94 = tpu.memref_squeeze %dma_wait3A_93 : memref<16x1x1x128xf32, #tpu.memory_space<hbm>> -> memref<16x128xf32, #tpu.memory_space<hbm>>
      %dma_wait3A_95 = arith.constant 0 : i32
      %dma_wait3A_96 = arith.constant 0 : i32
      %dma_wait3A_97 = tpu.memref_slice %arg16[%dma_wait3A_95, %dma_wait3A_96] : memref<16x2048xf32, #tpu.memory_space<vmem>> -> memref<16x128xf32, #tpu.memory_space<vmem>>
      tpu.wait_dma2 semaphore(%arg20 : memref<!tpu.dma_semaphore, #tpu.memory_space<semaphore_mem>>) src(%dma_wait3A_97 : memref<16x128xf32, #tpu.memory_space<vmem>>) dst(%dma_wait3A_94 : memref<16x128xf32, #tpu.memory_space<hbm>>)
      %dma_wait3A_98 = arith.constant 0 : i32
      %dma_wait3A_99 = arith.constant 0 : i32
      %dma_wait3A_100 = arith.constant 0 : i32
      %dma_wait3A_101 = arith.constant 0 : i32
      %dma_wait3A_102 = tpu.memref_slice %arg16[%dma_wait3A_100, %dma_wait3A_101] : memref<16x2048xf32, #tpu.memory_space<vmem>> -> memref<16x128xf32, #tpu.memory_space<vmem>>
      %dma_wait3A_103 = arith.constant 0 : i32
      %dma_wait3A_104 = arith.constant 0 : i32
      %dma_wait3A_105 = tpu.memref_slice %arg4[%dma_wait3A_103, %dma_wait3A_98, %dma_wait3A_99, %dma_wait3A_104] : memref<3686x16x4x128xf32, #tpu.memory_space<hbm>> -> memref<16x1x1x128xf32, #tpu.memory_space<hbm>>
      %dma_wait3A_106 = tpu.memref_squeeze %dma_wait3A_105 : memref<16x1x1x128xf32, #tpu.memory_space<hbm>> -> memref<16x128xf32, #tpu.memory_space<hbm>>
      %dma_wait3A_107 = arith.constant 0 : i32
      %dma_wait3A_108 = arith.constant 0 : i32
      %dma_wait3A_109 = tpu.memref_slice %arg4[%dma_wait3A_107, %dma_wait3A_98, %dma_wait3A_99, %dma_wait3A_108] : memref<3686x16x4x128xf32, #tpu.memory_space<hbm>> -> memref<16x1x1x128xf32, #tpu.memory_space<hbm>>
      %dma_wait3A_110 = tpu.memref_squeeze %dma_wait3A_109 : memref<16x1x1x128xf32, #tpu.memory_space<hbm>> -> memref<16x128xf32, #tpu.memory_space<hbm>>
      %dma_wait3A_111 = arith.constant 0 : i32
      %dma_wait3A_112 = arith.constant 0 : i32
      %dma_wait3A_113 = tpu.memref_slice %arg16[%dma_wait3A_111, %dma_wait3A_112] : memref<16x2048xf32, #tpu.memory_space<vmem>> -> memref<16x128xf32, #tpu.memory_space<vmem>>
      tpu.wait_dma2 semaphore(%arg20 : memref<!tpu.dma_semaphore, #tpu.memory_space<semaphore_mem>>) src(%dma_wait3A_113 : memref<16x128xf32, #tpu.memory_space<vmem>>) dst(%dma_wait3A_110 : memref<16x128xf32, #tpu.memory_space<hbm>>)
      %dma_wait3A_114 = arith.constant 0 : i32
      %dma_wait3A_115 = arith.constant 0 : i32
      %dma_wait3A_116 = arith.constant 0 : i32
      %dma_wait3A_117 = arith.constant 0 : i32
      %dma_wait3A_118 = tpu.memref_slice %arg16[%dma_wait3A_116, %dma_wait3A_117] : memref<16x2048xf32, #tpu.memory_space<vmem>> -> memref<16x128xf32, #tpu.memory_space<vmem>>
      %dma_wait3A_119 = arith.constant 0 : i32
      %dma_wait3A_120 = arith.constant 0 : i32
      %dma_wait3A_121 = tpu.memref_slice %arg4[%dma_wait3A_119, %dma_wait3A_114, %dma_wait3A_115, %dma_wait3A_120] : memref<3686x16x4x128xf32, #tpu.memory_space<hbm>> -> memref<16x1x1x128xf32, #tpu.memory_space<hbm>>
      %dma_wait3A_122 = tpu.memref_squeeze %dma_wait3A_121 : memref<16x1x1x128xf32, #tpu.memory_space<hbm>> -> memref<16x128xf32, #tpu.memory_space<hbm>>
      %dma_wait3A_123 = arith.constant 0 : i32
      %dma_wait3A_124 = arith.constant 0 : i32
      %dma_wait3A_125 = tpu.memref_slice %arg4[%dma_wait3A_123, %dma_wait3A_114, %dma_wait3A_115, %dma_wait3A_124] : memref<3686x16x4x128xf32, #tpu.memory_space<hbm>> -> memref<16x1x1x128xf32, #tpu.memory_space<hbm>>
      %dma_wait3A_126 = tpu.memref_squeeze %dma_wait3A_125 : memref<16x1x1x128xf32, #tpu.memory_space<hbm>> -> memref<16x128xf32, #tpu.memory_space<hbm>>
      %dma_wait3A_127 = arith.constant 0 : i32
      %dma_wait3A_128 = arith.constant 0 : i32
      %dma_wait3A_129 = tpu.memref_slice %arg16[%dma_wait3A_127, %dma_wait3A_128] : memref<16x2048xf32, #tpu.memory_space<vmem>> -> memref<16x128xf32, #tpu.memory_space<vmem>>
      tpu.wait_dma2 semaphore(%arg20 : memref<!tpu.dma_semaphore, #tpu.memory_space<semaphore_mem>>) src(%dma_wait3A_129 : memref<16x128xf32, #tpu.memory_space<vmem>>) dst(%dma_wait3A_126 : memref<16x128xf32, #tpu.memory_space<hbm>>)
      %dma_wait3A_130 = arith.constant 0 : i32
      %dma_wait3A_131 = arith.constant 0 : i32
      %dma_wait3A_132 = arith.constant 0 : i32
      %dma_wait3A_133 = arith.constant 0 : i32
      %dma_wait3A_134 = tpu.memref_slice %arg16[%dma_wait3A_132, %dma_wait3A_133] : memref<16x2048xf32, #tpu.memory_space<vmem>> -> memref<16x128xf32, #tpu.memory_space<vmem>>
      %dma_wait3A_135 = arith.constant 0 : i32
      %dma_wait3A_136 = arith.constant 0 : i32
      %dma_wait3A_137 = tpu.memref_slice %arg4[%dma_wait3A_135, %dma_wait3A_130, %dma_wait3A_131, %dma_wait3A_136] : memref<3686x16x4x128xf32, #tpu.memory_space<hbm>> -> memref<16x1x1x128xf32, #tpu.memory_space<hbm>>
      %dma_wait3A_138 = tpu.memref_squeeze %dma_wait3A_137 : memref<16x1x1x128xf32, #tpu.memory_space<hbm>> -> memref<16x128xf32, #tpu.memory_space<hbm>>
      %dma_wait3A_139 = arith.constant 0 : i32
      %dma_wait3A_140 = arith.constant 0 : i32
      %dma_wait3A_141 = tpu.memref_slice %arg4[%dma_wait3A_139, %dma_wait3A_130, %dma_wait3A_131, %dma_wait3A_140] : memref<3686x16x4x128xf32, #tpu.memory_space<hbm>> -> memref<16x1x1x128xf32, #tpu.memory_space<hbm>>
      %dma_wait3A_142 = tpu.memref_squeeze %dma_wait3A_141 : memref<16x1x1x128xf32, #tpu.memory_space<hbm>> -> memref<16x128xf32, #tpu.memory_space<hbm>>
      %dma_wait3A_143 = arith.constant 0 : i32
      %dma_wait3A_144 = arith.constant 0 : i32
      %dma_wait3A_145 = tpu.memref_slice %arg16[%dma_wait3A_143, %dma_wait3A_144] : memref<16x2048xf32, #tpu.memory_space<vmem>> -> memref<16x128xf32, #tpu.memory_space<vmem>>
      tpu.wait_dma2 semaphore(%arg20 : memref<!tpu.dma_semaphore, #tpu.memory_space<semaphore_mem>>) src(%dma_wait3A_145 : memref<16x128xf32, #tpu.memory_space<vmem>>) dst(%dma_wait3A_142 : memref<16x128xf32, #tpu.memory_space<hbm>>)
      %dma_wait3A_146 = arith.constant 0 : i32
      %dma_wait3A_147 = arith.constant 0 : i32
      %dma_wait3A_148 = arith.constant 0 : i32
      %dma_wait3A_149 = arith.constant 0 : i32
      %dma_wait3A_150 = tpu.memref_slice %arg16[%dma_wait3A_148, %dma_wait3A_149] : memref<16x2048xf32, #tpu.memory_space<vmem>> -> memref<16x128xf32, #tpu.memory_space<vmem>>
      %dma_wait3A_151 = arith.constant 0 : i32
      %dma_wait3A_152 = arith.constant 0 : i32
      %dma_wait3A_153 = tpu.memref_slice %arg4[%dma_wait3A_151, %dma_wait3A_146, %dma_wait3A_147, %dma_wait3A_152] : memref<3686x16x4x128xf32, #tpu.memory_space<hbm>> -> memref<16x1x1x128xf32, #tpu.memory_space<hbm>>
      %dma_wait3A_154 = tpu.memref_squeeze %dma_wait3A_153 : memref<16x1x1x128xf32, #tpu.memory_space<hbm>> -> memref<16x128xf32, #tpu.memory_space<hbm>>
      %dma_wait3A_155 = arith.constant 0 : i32
      %dma_wait3A_156 = arith.constant 0 : i32
      %dma_wait3A_157 = tpu.memref_slice %arg4[%dma_wait3A_155, %dma_wait3A_146, %dma_wait3A_147, %dma_wait3A_156] : memref<3686x16x4x128xf32, #tpu.memory_space<hbm>> -> memref<16x1x1x128xf32, #tpu.memory_space<hbm>>
      %dma_wait3A_158 = tpu.memref_squeeze %dma_wait3A_157 : memref<16x1x1x128xf32, #tpu.memory_space<hbm>> -> memref<16x128xf32, #tpu.memory_space<hbm>>
      %dma_wait3A_159 = arith.constant 0 : i32
      %dma_wait3A_160 = arith.constant 0 : i32
      %dma_wait3A_161 = tpu.memref_slice %arg16[%dma_wait3A_159, %dma_wait3A_160] : memref<16x2048xf32, #tpu.memory_space<vmem>> -> memref<16x128xf32, #tpu.memory_space<vmem>>
      tpu.wait_dma2 semaphore(%arg20 : memref<!tpu.dma_semaphore, #tpu.memory_space<semaphore_mem>>) src(%dma_wait3A_161 : memref<16x128xf32, #tpu.memory_space<vmem>>) dst(%dma_wait3A_158 : memref<16x128xf32, #tpu.memory_space<hbm>>)
      %dma_wait3A_162 = arith.constant 0 : i32
      %dma_wait3A_163 = arith.constant 0 : i32
      %dma_wait3A_164 = arith.constant 0 : i32
      %dma_wait3A_165 = arith.constant 0 : i32
      %dma_wait3A_166 = tpu.memref_slice %arg16[%dma_wait3A_164, %dma_wait3A_165] : memref<16x2048xf32, #tpu.memory_space<vmem>> -> memref<16x128xf32, #tpu.memory_space<vmem>>
      %dma_wait3A_167 = arith.constant 0 : i32
      %dma_wait3A_168 = arith.constant 0 : i32
      %dma_wait3A_169 = tpu.memref_slice %arg4[%dma_wait3A_167, %dma_wait3A_162, %dma_wait3A_163, %dma_wait3A_168] : memref<3686x16x4x128xf32, #tpu.memory_space<hbm>> -> memref<16x1x1x128xf32, #tpu.memory_space<hbm>>
      %dma_wait3A_170 = tpu.memref_squeeze %dma_wait3A_169 : memref<16x1x1x128xf32, #tpu.memory_space<hbm>> -> memref<16x128xf32, #tpu.memory_space<hbm>>
      %dma_wait3A_171 = arith.constant 0 : i32
      %dma_wait3A_172 = arith.constant 0 : i32
      %dma_wait3A_173 = tpu.memref_slice %arg4[%dma_wait3A_171, %dma_wait3A_162, %dma_wait3A_163, %dma_wait3A_172] : memref<3686x16x4x128xf32, #tpu.memory_space<hbm>> -> memref<16x1x1x128xf32, #tpu.memory_space<hbm>>
      %dma_wait3A_174 = tpu.memref_squeeze %dma_wait3A_173 : memref<16x1x1x128xf32, #tpu.memory_space<hbm>> -> memref<16x128xf32, #tpu.memory_space<hbm>>
      %dma_wait3A_175 = arith.constant 0 : i32
      %dma_wait3A_176 = arith.constant 0 : i32
      %dma_wait3A_177 = tpu.memref_slice %arg16[%dma_wait3A_175, %dma_wait3A_176] : memref<16x2048xf32, #tpu.memory_space<vmem>> -> memref<16x128xf32, #tpu.memory_space<vmem>>
      tpu.wait_dma2 semaphore(%arg20 : memref<!tpu.dma_semaphore, #tpu.memory_space<semaphore_mem>>) src(%dma_wait3A_177 : memref<16x128xf32, #tpu.memory_space<vmem>>) dst(%dma_wait3A_174 : memref<16x128xf32, #tpu.memory_space<hbm>>)
      %dma_wait3A_178 = arith.constant 0 : i32
      %dma_wait3A_179 = arith.constant 0 : i32
      %dma_wait3A_180 = arith.constant 0 : i32
      %dma_wait3A_181 = arith.constant 0 : i32
      %dma_wait3A_182 = tpu.memref_slice %arg16[%dma_wait3A_180, %dma_wait3A_181] : memref<16x2048xf32, #tpu.memory_space<vmem>> -> memref<16x128xf32, #tpu.memory_space<vmem>>
      %dma_wait3A_183 = arith.constant 0 : i32
      %dma_wait3A_184 = arith.constant 0 : i32
      %dma_wait3A_185 = tpu.memref_slice %arg4[%dma_wait3A_183, %dma_wait3A_178, %dma_wait3A_179, %dma_wait3A_184] : memref<3686x16x4x128xf32, #tpu.memory_space<hbm>> -> memref<16x1x1x128xf32, #tpu.memory_space<hbm>>
      %dma_wait3A_186 = tpu.memref_squeeze %dma_wait3A_185 : memref<16x1x1x128xf32, #tpu.memory_space<hbm>> -> memref<16x128xf32, #tpu.memory_space<hbm>>
      %dma_wait3A_187 = arith.constant 0 : i32
      %dma_wait3A_188 = arith.constant 0 : i32
      %dma_wait3A_189 = tpu.memref_slice %arg4[%dma_wait3A_187, %dma_wait3A_178, %dma_wait3A_179, %dma_wait3A_188] : memref<3686x16x4x128xf32, #tpu.memory_space<hbm>> -> memref<16x1x1x128xf32, #tpu.memory_space<hbm>>
      %dma_wait3A_190 = tpu.memref_squeeze %dma_wait3A_189 : memref<16x1x1x128xf32, #tpu.memory_space<hbm>> -> memref<16x128xf32, #tpu.memory_space<hbm>>
      %dma_wait3A_191 = arith.constant 0 : i32
      %dma_wait3A_192 = arith.constant 0 : i32
      %dma_wait3A_193 = tpu.memref_slice %arg16[%dma_wait3A_191, %dma_wait3A_192] : memref<16x2048xf32, #tpu.memory_space<vmem>> -> memref<16x128xf32, #tpu.memory_space<vmem>>
      tpu.wait_dma2 semaphore(%arg20 : memref<!tpu.dma_semaphore, #tpu.memory_space<semaphore_mem>>) src(%dma_wait3A_193 : memref<16x128xf32, #tpu.memory_space<vmem>>) dst(%dma_wait3A_190 : memref<16x128xf32, #tpu.memory_space<hbm>>)
      %dma_wait3A_194 = arith.constant 0 : i32
      %dma_wait3A_195 = arith.constant 0 : i32
      %dma_wait3A_196 = arith.constant 0 : i32
      %dma_wait3A_197 = arith.constant 0 : i32
      %dma_wait3A_198 = tpu.memref_slice %arg16[%dma_wait3A_196, %dma_wait3A_197] : memref<16x2048xf32, #tpu.memory_space<vmem>> -> memref<16x128xf32, #tpu.memory_space<vmem>>
      %dma_wait3A_199 = arith.constant 0 : i32
      %dma_wait3A_200 = arith.constant 0 : i32
      %dma_wait3A_201 = tpu.memref_slice %arg4[%dma_wait3A_199, %dma_wait3A_194, %dma_wait3A_195, %dma_wait3A_200] : memref<3686x16x4x128xf32, #tpu.memory_space<hbm>> -> memref<16x1x1x128xf32, #tpu.memory_space<hbm>>
      %dma_wait3A_202 = tpu.memref_squeeze %dma_wait3A_201 : memref<16x1x1x128xf32, #tpu.memory_space<hbm>> -> memref<16x128xf32, #tpu.memory_space<hbm>>
      %dma_wait3A_203 = arith.constant 0 : i32
      %dma_wait3A_204 = arith.constant 0 : i32
      %dma_wait3A_205 = tpu.memref_slice %arg4[%dma_wait3A_203, %dma_wait3A_194, %dma_wait3A_195, %dma_wait3A_204] : memref<3686x16x4x128xf32, #tpu.memory_space<hbm>> -> memref<16x1x1x128xf32, #tpu.memory_space<hbm>>
      %dma_wait3A_206 = tpu.memref_squeeze %dma_wait3A_205 : memref<16x1x1x128xf32, #tpu.memory_space<hbm>> -> memref<16x128xf32, #tpu.memory_space<hbm>>
      %dma_wait3A_207 = arith.constant 0 : i32
      %dma_wait3A_208 = arith.constant 0 : i32
      %dma_wait3A_209 = tpu.memref_slice %arg16[%dma_wait3A_207, %dma_wait3A_208] : memref<16x2048xf32, #tpu.memory_space<vmem>> -> memref<16x128xf32, #tpu.memory_space<vmem>>
      tpu.wait_dma2 semaphore(%arg20 : memref<!tpu.dma_semaphore, #tpu.memory_space<semaphore_mem>>) src(%dma_wait3A_209 : memref<16x128xf32, #tpu.memory_space<vmem>>) dst(%dma_wait3A_206 : memref<16x128xf32, #tpu.memory_space<hbm>>)
      %dma_wait3A_210 = arith.constant 0 : i32
      %dma_wait3A_211 = arith.constant 0 : i32
      %dma_wait3A_212 = arith.constant 0 : i32
      %dma_wait3A_213 = arith.constant 0 : i32
      %dma_wait3A_214 = tpu.memref_slice %arg16[%dma_wait3A_212, %dma_wait3A_213] : memref<16x2048xf32, #tpu.memory_space<vmem>> -> memref<16x128xf32, #tpu.memory_space<vmem>>
      %dma_wait3A_215 = arith.constant 0 : i32
      %dma_wait3A_216 = arith.constant 0 : i32
      %dma_wait3A_217 = tpu.memref_slice %arg4[%dma_wait3A_215, %dma_wait3A_210, %dma_wait3A_211, %dma_wait3A_216] : memref<3686x16x4x128xf32, #tpu.memory_space<hbm>> -> memref<16x1x1x128xf32, #tpu.memory_space<hbm>>
      %dma_wait3A_218 = tpu.memref_squeeze %dma_wait3A_217 : memref<16x1x1x128xf32, #tpu.memory_space<hbm>> -> memref<16x128xf32, #tpu.memory_space<hbm>>
      %dma_wait3A_219 = arith.constant 0 : i32
      %dma_wait3A_220 = arith.constant 0 : i32
      %dma_wait3A_221 = tpu.memref_slice %arg4[%dma_wait3A_219, %dma_wait3A_210, %dma_wait3A_211, %dma_wait3A_220] : memref<3686x16x4x128xf32, #tpu.memory_space<hbm>> -> memref<16x1x1x128xf32, #tpu.memory_space<hbm>>
      %dma_wait3A_222 = tpu.memref_squeeze %dma_wait3A_221 : memref<16x1x1x128xf32, #tpu.memory_space<hbm>> -> memref<16x128xf32, #tpu.memory_space<hbm>>
      %dma_wait3A_223 = arith.constant 0 : i32
      %dma_wait3A_224 = arith.constant 0 : i32
      %dma_wait3A_225 = tpu.memref_slice %arg16[%dma_wait3A_223, %dma_wait3A_224] : memref<16x2048xf32, #tpu.memory_space<vmem>> -> memref<16x128xf32, #tpu.memory_space<vmem>>
      tpu.wait_dma2 semaphore(%arg20 : memref<!tpu.dma_semaphore, #tpu.memory_space<semaphore_mem>>) src(%dma_wait3A_225 : memref<16x128xf32, #tpu.memory_space<vmem>>) dst(%dma_wait3A_222 : memref<16x128xf32, #tpu.memory_space<hbm>>)
      %dma_wait3A_226 = arith.constant 0 : i32
      %dma_wait3A_227 = arith.constant 0 : i32
      %dma_wait3A_228 = arith.constant 0 : i32
      %dma_wait3A_229 = arith.constant 0 : i32
      %dma_wait3A_230 = tpu.memref_slice %arg16[%dma_wait3A_228, %dma_wait3A_229] : memref<16x2048xf32, #tpu.memory_space<vmem>> -> memref<16x128xf32, #tpu.memory_space<vmem>>
      %dma_wait3A_231 = arith.constant 0 : i32
      %dma_wait3A_232 = arith.constant 0 : i32
      %dma_wait3A_233 = tpu.memref_slice %arg4[%dma_wait3A_231, %dma_wait3A_226, %dma_wait3A_227, %dma_wait3A_232] : memref<3686x16x4x128xf32, #tpu.memory_space<hbm>> -> memref<16x1x1x128xf32, #tpu.memory_space<hbm>>
      %dma_wait3A_234 = tpu.memref_squeeze %dma_wait3A_233 : memref<16x1x1x128xf32, #tpu.memory_space<hbm>> -> memref<16x128xf32, #tpu.memory_space<hbm>>
      %dma_wait3A_235 = arith.constant 0 : i32
      %dma_wait3A_236 = arith.constant 0 : i32
      %dma_wait3A_237 = tpu.memref_slice %arg4[%dma_wait3A_235, %dma_wait3A_226, %dma_wait3A_227, %dma_wait3A_236] : memref<3686x16x4x128xf32, #tpu.memory_space<hbm>> -> memref<16x1x1x128xf32, #tpu.memory_space<hbm>>
      %dma_wait3A_238 = tpu.memref_squeeze %dma_wait3A_237 : memref<16x1x1x128xf32, #tpu.memory_space<hbm>> -> memref<16x128xf32, #tpu.memory_space<hbm>>
      %dma_wait3A_239 = arith.constant 0 : i32
      %dma_wait3A_240 = arith.constant 0 : i32
      %dma_wait3A_241 = tpu.memref_slice %arg16[%dma_wait3A_239, %dma_wait3A_240] : memref<16x2048xf32, #tpu.memory_space<vmem>> -> memref<16x128xf32, #tpu.memory_space<vmem>>
      tpu.wait_dma2 semaphore(%arg20 : memref<!tpu.dma_semaphore, #tpu.memory_space<semaphore_mem>>) src(%dma_wait3A_241 : memref<16x128xf32, #tpu.memory_space<vmem>>) dst(%dma_wait3A_238 : memref<16x128xf32, #tpu.memory_space<hbm>>)
      %dma_wait3A_242 = arith.constant 0 : i32
      %dma_wait3A_243 = arith.constant 0 : i32
      %dma_wait3A_244 = arith.constant 0 : i32
      %dma_wait3A_245 = arith.constant 0 : i32
      %dma_wait3A_246 = tpu.memref_slice %arg16[%dma_wait3A_244, %dma_wait3A_245] : memref<16x2048xf32, #tpu.memory_space<vmem>> -> memref<16x128xf32, #tpu.memory_space<vmem>>
      %dma_wait3A_247 = arith.constant 0 : i32
      %dma_wait3A_248 = arith.constant 0 : i32
      %dma_wait3A_249 = tpu.memref_slice %arg4[%dma_wait3A_247, %dma_wait3A_242, %dma_wait3A_243, %dma_wait3A_248] : memref<3686x16x4x128xf32, #tpu.memory_space<hbm>> -> memref<16x1x1x128xf32, #tpu.memory_space<hbm>>
      %dma_wait3A_250 = tpu.memref_squeeze %dma_wait3A_249 : memref<16x1x1x128xf32, #tpu.memory_space<hbm>> -> memref<16x128xf32, #tpu.memory_space<hbm>>
      %dma_wait3A_251 = arith.constant 0 : i32
      %dma_wait3A_252 = arith.constant 0 : i32
      %dma_wait3A_253 = tpu.memref_slice %arg4[%dma_wait3A_251, %dma_wait3A_242, %dma_wait3A_243, %dma_wait3A_252] : memref<3686x16x4x128xf32, #tpu.memory_space<hbm>> -> memref<16x1x1x128xf32, #tpu.memory_space<hbm>>
      %dma_wait3A_254 = tpu.memref_squeeze %dma_wait3A_253 : memref<16x1x1x128xf32, #tpu.memory_space<hbm>> -> memref<16x128xf32, #tpu.memory_space<hbm>>
      %dma_wait3A_255 = arith.constant 0 : i32
      %dma_wait3A_256 = arith.constant 0 : i32
      %dma_wait3A_257 = tpu.memref_slice %arg16[%dma_wait3A_255, %dma_wait3A_256] : memref<16x2048xf32, #tpu.memory_space<vmem>> -> memref<16x128xf32, #tpu.memory_space<vmem>>
      tpu.wait_dma2 semaphore(%arg20 : memref<!tpu.dma_semaphore, #tpu.memory_space<semaphore_mem>>) src(%dma_wait3A_257 : memref<16x128xf32, #tpu.memory_space<vmem>>) dst(%dma_wait3A_254 : memref<16x128xf32, #tpu.memory_space<hbm>>)
      %dma_wait3A_258 = arith.constant 0 : i32
      %dma_wait3A_259 = arith.constant 0 : i32
      %dma_wait3A_260 = arith.constant 0 : i32
      %dma_wait3A_261 = arith.constant 0 : i32
      %dma_wait3A_262 = tpu.memref_slice %arg16[%dma_wait3A_260, %dma_wait3A_261] : memref<16x2048xf32, #tpu.memory_space<vmem>> -> memref<16x128xf32, #tpu.memory_space<vmem>>
      %dma_wait3A_263 = arith.constant 0 : i32
      %dma_wait3A_264 = arith.constant 0 : i32
      %dma_wait3A_265 = tpu.memref_slice %arg4[%dma_wait3A_263, %dma_wait3A_258, %dma_wait3A_259, %dma_wait3A_264] : memref<3686x16x4x128xf32, #tpu.memory_space<hbm>> -> memref<16x1x1x128xf32, #tpu.memory_space<hbm>>
      %dma_wait3A_266 = tpu.memref_squeeze %dma_wait3A_265 : memref<16x1x1x128xf32, #tpu.memory_space<hbm>> -> memref<16x128xf32, #tpu.memory_space<hbm>>
      %dma_wait3A_267 = arith.constant 0 : i32
      %dma_wait3A_268 = arith.constant 0 : i32
      %dma_wait3A_269 = tpu.memref_slice %arg4[%dma_wait3A_267, %dma_wait3A_258, %dma_wait3A_259, %dma_wait3A_268] : memref<3686x16x4x128xf32, #tpu.memory_space<hbm>> -> memref<16x1x1x128xf32, #tpu.memory_space<hbm>>
      %dma_wait3A_270 = tpu.memref_squeeze %dma_wait3A_269 : memref<16x1x1x128xf32, #tpu.memory_space<hbm>> -> memref<16x128xf32, #tpu.memory_space<hbm>>
      %dma_wait3A_271 = arith.constant 0 : i32
      %dma_wait3A_272 = arith.constant 0 : i32
      %dma_wait3A_273 = tpu.memref_slice %arg16[%dma_wait3A_271, %dma_wait3A_272] : memref<16x2048xf32, #tpu.memory_space<vmem>> -> memref<16x128xf32, #tpu.memory_space<vmem>>
      tpu.wait_dma2 semaphore(%arg20 : memref<!tpu.dma_semaphore, #tpu.memory_space<semaphore_mem>>) src(%dma_wait3A_273 : memref<16x128xf32, #tpu.memory_space<vmem>>) dst(%dma_wait3A_270 : memref<16x128xf32, #tpu.memory_space<hbm>>)
      %dma_wait3A_274 = arith.constant 0 : i32
      %dma_wait3A_275 = arith.constant 0 : i32
      %dma_wait3A_276 = arith.constant 0 : i32
      %dma_wait3A_277 = arith.constant 0 : i32
      %dma_wait3A_278 = tpu.memref_slice %arg16[%dma_wait3A_276, %dma_wait3A_277] : memref<16x2048xf32, #tpu.memory_space<vmem>> -> memref<16x128xf32, #tpu.memory_space<vmem>>
      %dma_wait3A_279 = arith.constant 0 : i32
      %dma_wait3A_280 = arith.constant 0 : i32
      %dma_wait3A_281 = tpu.memref_slice %arg4[%dma_wait3A_279, %dma_wait3A_274, %dma_wait3A_275, %dma_wait3A_280] : memref<3686x16x4x128xf32, #tpu.memory_space<hbm>> -> memref<16x1x1x128xf32, #tpu.memory_space<hbm>>
      %dma_wait3A_282 = tpu.memref_squeeze %dma_wait3A_281 : memref<16x1x1x128xf32, #tpu.memory_space<hbm>> -> memref<16x128xf32, #tpu.memory_space<hbm>>
      %dma_wait3A_283 = arith.constant 0 : i32
      %dma_wait3A_284 = arith.constant 0 : i32
      %dma_wait3A_285 = tpu.memref_slice %arg4[%dma_wait3A_283, %dma_wait3A_274, %dma_wait3A_275, %dma_wait3A_284] : memref<3686x16x4x128xf32, #tpu.memory_space<hbm>> -> memref<16x1x1x128xf32, #tpu.memory_space<hbm>>
      %dma_wait3A_286 = tpu.memref_squeeze %dma_wait3A_285 : memref<16x1x1x128xf32, #tpu.memory_space<hbm>> -> memref<16x128xf32, #tpu.memory_space<hbm>>
      %dma_wait3A_287 = arith.constant 0 : i32
      %dma_wait3A_288 = arith.constant 0 : i32
      %dma_wait3A_289 = tpu.memref_slice %arg16[%dma_wait3A_287, %dma_wait3A_288] : memref<16x2048xf32, #tpu.memory_space<vmem>> -> memref<16x128xf32, #tpu.memory_space<vmem>>
      tpu.wait_dma2 semaphore(%arg20 : memref<!tpu.dma_semaphore, #tpu.memory_space<semaphore_mem>>) src(%dma_wait3A_289 : memref<16x128xf32, #tpu.memory_space<vmem>>) dst(%dma_wait3A_286 : memref<16x128xf32, #tpu.memory_space<hbm>>)
    } else {
    }
    %eq3A_30 = arith.constant 7 : i32
    %eq3A_31 = arith.cmpi eq, %and3A_4, %eq3A_30 : i32
    %convert_element_type3A_32 = arith.extui %eq3A_31 : i1 to i32
    %cond3A_33 = arith.constant 0 : i32
    %cond3A_34 = arith.cmpi ne, %convert_element_type3A_32, %cond3A_33 : i32
    scf.if %cond3A_34 {
      %add3A_35 = arith.constant 3680 : i32
      %add3A_36 = vector.broadcast %add3A_35 : i32 to vector<16xi32>
      %add3A_37 = arith.addi %add3A_36, %iota3A : vector<16xi32>
      %gather3A = tpu.vector_load_idx %arg13[%add3A_37] : memref<4096xi32, #tpu.memory_space<vmem>>[vector<16xi32>], vector<16xi32>,
      %swap3A = arith.constant 0 : index
      %swap3A_38 = tpu.vector_load %arg14[%swap3A] {strides = array<i32>} : memref<16xi32, #tpu.memory_space<vmem>>, vector<16xi32>,
      tpu.vector_store %arg14[%swap3A], %gather3A {strides = array<i32>} : memref<16xi32, #tpu.memory_space<vmem>>, vector<16xi32>,
      %dma_start3A = arith.constant 0 : i32
      %dma_start3A_39 = arith.constant 0 : i32
      %dma_start3A_40 = tpu.memref_slice %arg2[%shift_right_logical3A_3, %dma_start3A, %dma_start3A_39] : memref<4x4096x2048xf32, #tpu.memory_space<hbm>> -> memref<1x4096x2048xf32, #tpu.memory_space<hbm>>
      %dma_start3A_41 = tpu.memref_squeeze %dma_start3A_40 : memref<1x4096x2048xf32, #tpu.memory_space<hbm>> -> memref<4096x2048xf32, #tpu.memory_space<hbm>>
      %dma_start3A_42 = arith.constant 0 : i32
      %dma_start3A_43 = arith.constant 0 : i32
      %dma_start3A_44 = tpu.memref_slice %dma_start3A_41[%dma_start3A_42, %dma_start3A_43] : memref<4096x2048xf32, #tpu.memory_space<hbm>> -> memref<4096x2048xf32, #tpu.memory_space<hbm>>
      tpu.enqueue_indirect_dma source(%dma_start3A_44 : memref<4096x2048xf32, #tpu.memory_space<hbm>>) target(%arg16 : memref<16x2048xf32, #tpu.memory_space<vmem>>) offsets(%arg14 : memref<16xi32, #tpu.memory_space<vmem>>) semaphore(%arg18 : memref<!tpu.dma_semaphore, #tpu.memory_space<semaphore_mem>>)
      %dma_wait3A = arith.constant 0 : i32
      %dma_wait3A_45 = arith.constant 0 : i32
      %dma_wait3A_46 = tpu.memref_slice %arg2[%shift_right_logical3A_3, %dma_wait3A, %dma_wait3A_45] : memref<4x4096x2048xf32, #tpu.memory_space<hbm>> -> memref<1x4096x2048xf32, #tpu.memory_space<hbm>>
      %dma_wait3A_47 = tpu.memref_squeeze %dma_wait3A_46 : memref<1x4096x2048xf32, #tpu.memory_space<hbm>> -> memref<4096x2048xf32, #tpu.memory_space<hbm>>
      %dma_wait3A_48 = arith.constant 0 : i32
      %dma_wait3A_49 = arith.constant 0 : i32
      %dma_wait3A_50 = tpu.memref_slice %dma_wait3A_47[%dma_wait3A_48, %dma_wait3A_49] : memref<4096x2048xf32, #tpu.memory_space<hbm>> -> memref<4096x2048xf32, #tpu.memory_space<hbm>>
      tpu.wait_indirect_dma semaphore(%arg18 : memref<!tpu.dma_semaphore, #tpu.memory_space<semaphore_mem>>) src(%dma_wait3A_50 : memref<4096x2048xf32, #tpu.memory_space<hbm>>) dst(%arg16 : memref<16x2048xf32, #tpu.memory_space<vmem>>)
      %run_scoped3A = arith.constant 0 : i32
      "tpu.region"() ({
        %run_scoped3A_66 = tpu.sem_alloc : memref<!tpu.dma_semaphore, #tpu.memory_space<semaphore_mem>>
        %dma_start3A_67 = arith.constant 0 : i32
        %dma_start3A_68 = arith.constant 0 : i32
        %dma_start3A_69 = tpu.memref_slice %arg16[%dma_start3A_67, %dma_start3A_68] : memref<16x2048xf32, #tpu.memory_space<vmem>> -> memref<6x128xf32, #tpu.memory_space<vmem>>
        %dma_start3A_70 = arith.constant 3680 : i32
        %dma_start3A_71 = arith.constant 0 : i32
        %dma_start3A_72 = tpu.memref_slice %arg4[%dma_start3A_70, %run_scoped3A, %shift_right_logical3A_3, %dma_start3A_71] : memref<3686x16x4x128xf32, #tpu.memory_space<hbm>> -> memref<6x1x1x128xf32, #tpu.memory_space<hbm>>
        %dma_start3A_73 = tpu.memref_squeeze %dma_start3A_72 : memref<6x1x1x128xf32, #tpu.memory_space<hbm>> -> memref<6x128xf32, #tpu.memory_space<hbm>>
        %dma_start3A_74 = arith.constant 3680 : i32
        %dma_start3A_75 = arith.constant 0 : i32
        %dma_start3A_76 = tpu.memref_slice %arg4[%dma_start3A_74, %run_scoped3A, %shift_right_logical3A_3, %dma_start3A_75] : memref<3686x16x4x128xf32, #tpu.memory_space<hbm>> -> memref<6x1x1x128xf32, #tpu.memory_space<hbm>>
        %dma_start3A_77 = tpu.memref_squeeze %dma_start3A_76 : memref<6x1x1x128xf32, #tpu.memory_space<hbm>> -> memref<6x128xf32, #tpu.memory_space<hbm>>
        %dma_start3A_78 = arith.constant 0 : i32
        %dma_start3A_79 = arith.constant 0 : i32
        %dma_start3A_80 = tpu.memref_slice %arg16[%dma_start3A_78, %dma_start3A_79] : memref<16x2048xf32, #tpu.memory_space<vmem>> -> memref<6x128xf32, #tpu.memory_space<vmem>>
        tpu.enqueue_dma source(%dma_start3A_80 : memref<6x128xf32, #tpu.memory_space<vmem>>) target(%dma_start3A_77 : memref<6x128xf32, #tpu.memory_space<hbm>>) target_semaphore(%run_scoped3A_66 : memref<!tpu.dma_semaphore, #tpu.memory_space<semaphore_mem>>)
        %dma_wait3A_81 = arith.constant 0 : i32
        %dma_wait3A_82 = arith.constant 0 : i32
        %dma_wait3A_83 = tpu.memref_slice %arg16[%dma_wait3A_81, %dma_wait3A_82] : memref<16x2048xf32, #tpu.memory_space<vmem>> -> memref<6x128xf32, #tpu.memory_space<vmem>>
        %dma_wait3A_84 = arith.constant 3680 : i32
        %dma_wait3A_85 = arith.constant 0 : i32
        %dma_wait3A_86 = tpu.memref_slice %arg4[%dma_wait3A_84, %run_scoped3A, %shift_right_logical3A_3, %dma_wait3A_85] : memref<3686x16x4x128xf32, #tpu.memory_space<hbm>> -> memref<6x1x1x128xf32, #tpu.memory_space<hbm>>
        %dma_wait3A_87 = tpu.memref_squeeze %dma_wait3A_86 : memref<6x1x1x128xf32, #tpu.memory_space<hbm>> -> memref<6x128xf32, #tpu.memory_space<hbm>>
        %dma_wait3A_88 = arith.constant 3680 : i32
        %dma_wait3A_89 = arith.constant 0 : i32
        %dma_wait3A_90 = tpu.memref_slice %arg4[%dma_wait3A_88, %run_scoped3A, %shift_right_logical3A_3, %dma_wait3A_89] : memref<3686x16x4x128xf32, #tpu.memory_space<hbm>> -> memref<6x1x1x128xf32, #tpu.memory_space<hbm>>
        %dma_wait3A_91 = tpu.memref_squeeze %dma_wait3A_90 : memref<6x1x1x128xf32, #tpu.memory_space<hbm>> -> memref<6x128xf32, #tpu.memory_space<hbm>>
        %dma_wait3A_92 = arith.constant 0 : i32
        %dma_wait3A_93 = arith.constant 0 : i32
        %dma_wait3A_94 = tpu.memref_slice %arg16[%dma_wait3A_92, %dma_wait3A_93] : memref<16x2048xf32, #tpu.memory_space<vmem>> -> memref<6x128xf32, #tpu.memory_space<vmem>>
        tpu.wait_dma2 semaphore(%run_scoped3A_66 : memref<!tpu.dma_semaphore, #tpu.memory_space<semaphore_mem>>) src(%dma_wait3A_94 : memref<6x128xf32, #tpu.memory_space<vmem>>) dst(%dma_wait3A_91 : memref<6x128xf32, #tpu.memory_space<hbm>>)
        tpu.yield
      }) : () -> ()
      %run_scoped3A_51 = arith.constant 1 : i32
      "tpu.region"() ({
        %run_scoped3A_66 = tpu.sem_alloc : memref<!tpu.dma_semaphore, #tpu.memory_space<semaphore_mem>>
        %dma_start3A_67 = arith.constant 0 : i32
        %dma_start3A_68 = arith.constant 128 : i32
        %dma_start3A_69 = tpu.memref_slice %arg16[%dma_start3A_67, %dma_start3A_68] : memref<16x2048xf32, #tpu.memory_space<vmem>> -> memref<6x128xf32, #tpu.memory_space<vmem>>
        %dma_start3A_70 = arith.constant 3680 : i32
        %dma_start3A_71 = arith.constant 0 : i32
        %dma_start3A_72 = tpu.memref_slice %arg4[%dma_start3A_70, %run_scoped3A_51, %shift_right_logical3A_3, %dma_start3A_71] : memref<3686x16x4x128xf32, #tpu.memory_space<hbm>> -> memref<6x1x1x128xf32, #tpu.memory_space<hbm>>
        %dma_start3A_73 = tpu.memref_squeeze %dma_start3A_72 : memref<6x1x1x128xf32, #tpu.memory_space<hbm>> -> memref<6x128xf32, #tpu.memory_space<hbm>>
        %dma_start3A_74 = arith.constant 3680 : i32
        %dma_start3A_75 = arith.constant 0 : i32
        %dma_start3A_76 = tpu.memref_slice %arg4[%dma_start3A_74, %run_scoped3A_51, %shift_right_logical3A_3, %dma_start3A_75] : memref<3686x16x4x128xf32, #tpu.memory_space<hbm>> -> memref<6x1x1x128xf32, #tpu.memory_space<hbm>>
        %dma_start3A_77 = tpu.memref_squeeze %dma_start3A_76 : memref<6x1x1x128xf32, #tpu.memory_space<hbm>> -> memref<6x128xf32, #tpu.memory_space<hbm>>
        %dma_start3A_78 = arith.constant 0 : i32
        %dma_start3A_79 = arith.constant 128 : i32
        %dma_start3A_80 = tpu.memref_slice %arg16[%dma_start3A_78, %dma_start3A_79] : memref<16x2048xf32, #tpu.memory_space<vmem>> -> memref<6x128xf32, #tpu.memory_space<vmem>>
        tpu.enqueue_dma source(%dma_start3A_80 : memref<6x128xf32, #tpu.memory_space<vmem>>) target(%dma_start3A_77 : memref<6x128xf32, #tpu.memory_space<hbm>>) target_semaphore(%run_scoped3A_66 : memref<!tpu.dma_semaphore, #tpu.memory_space<semaphore_mem>>)
        %dma_wait3A_81 = arith.constant 0 : i32
        %dma_wait3A_82 = arith.constant 128 : i32
        %dma_wait3A_83 = tpu.memref_slice %arg16[%dma_wait3A_81, %dma_wait3A_82] : memref<16x2048xf32, #tpu.memory_space<vmem>> -> memref<6x128xf32, #tpu.memory_space<vmem>>
        %dma_wait3A_84 = arith.constant 3680 : i32
        %dma_wait3A_85 = arith.constant 0 : i32
        %dma_wait3A_86 = tpu.memref_slice %arg4[%dma_wait3A_84, %run_scoped3A_51, %shift_right_logical3A_3, %dma_wait3A_85] : memref<3686x16x4x128xf32, #tpu.memory_space<hbm>> -> memref<6x1x1x128xf32, #tpu.memory_space<hbm>>
        %dma_wait3A_87 = tpu.memref_squeeze %dma_wait3A_86 : memref<6x1x1x128xf32, #tpu.memory_space<hbm>> -> memref<6x128xf32, #tpu.memory_space<hbm>>
        %dma_wait3A_88 = arith.constant 3680 : i32
        %dma_wait3A_89 = arith.constant 0 : i32
        %dma_wait3A_90 = tpu.memref_slice %arg4[%dma_wait3A_88, %run_scoped3A_51, %shift_right_logical3A_3, %dma_wait3A_89] : memref<3686x16x4x128xf32, #tpu.memory_space<hbm>> -> memref<6x1x1x128xf32, #tpu.memory_space<hbm>>
        %dma_wait3A_91 = tpu.memref_squeeze %dma_wait3A_90 : memref<6x1x1x128xf32, #tpu.memory_space<hbm>> -> memref<6x128xf32, #tpu.memory_space<hbm>>
        %dma_wait3A_92 = arith.constant 0 : i32
        %dma_wait3A_93 = arith.constant 128 : i32
        %dma_wait3A_94 = tpu.memref_slice %arg16[%dma_wait3A_92, %dma_wait3A_93] : memref<16x2048xf32, #tpu.memory_space<vmem>> -> memref<6x128xf32, #tpu.memory_space<vmem>>
        tpu.wait_dma2 semaphore(%run_scoped3A_66 : memref<!tpu.dma_semaphore, #tpu.memory_space<semaphore_mem>>) src(%dma_wait3A_94 : memref<6x128xf32, #tpu.memory_space<vmem>>) dst(%dma_wait3A_91 : memref<6x128xf32, #tpu.memory_space<hbm>>)
        tpu.yield
      }) : () -> ()
      %run_scoped3A_52 = arith.constant 2 : i32
      "tpu.region"() ({
        %run_scoped3A_66 = tpu.sem_alloc : memref<!tpu.dma_semaphore, #tpu.memory_space<semaphore_mem>>
        %dma_start3A_67 = arith.constant 0 : i32
        %dma_start3A_68 = arith.constant 256 : i32
        %dma_start3A_69 = tpu.memref_slice %arg16[%dma_start3A_67, %dma_start3A_68] : memref<16x2048xf32, #tpu.memory_space<vmem>> -> memref<6x128xf32, #tpu.memory_space<vmem>>
        %dma_start3A_70 = arith.constant 3680 : i32
        %dma_start3A_71 = arith.constant 0 : i32
        %dma_start3A_72 = tpu.memref_slice %arg4[%dma_start3A_70, %run_scoped3A_52, %shift_right_logical3A_3, %dma_start3A_71] : memref<3686x16x4x128xf32, #tpu.memory_space<hbm>> -> memref<6x1x1x128xf32, #tpu.memory_space<hbm>>
        %dma_start3A_73 = tpu.memref_squeeze %dma_start3A_72 : memref<6x1x1x128xf32, #tpu.memory_space<hbm>> -> memref<6x128xf32, #tpu.memory_space<hbm>>
        %dma_start3A_74 = arith.constant 3680 : i32
        %dma_start3A_75 = arith.constant 0 : i32
        %dma_start3A_76 = tpu.memref_slice %arg4[%dma_start3A_74, %run_scoped3A_52, %shift_right_logical3A_3, %dma_start3A_75] : memref<3686x16x4x128xf32, #tpu.memory_space<hbm>> -> memref<6x1x1x128xf32, #tpu.memory_space<hbm>>
        %dma_start3A_77 = tpu.memref_squeeze %dma_start3A_76 : memref<6x1x1x128xf32, #tpu.memory_space<hbm>> -> memref<6x128xf32, #tpu.memory_space<hbm>>
        %dma_start3A_78 = arith.constant 0 : i32
        %dma_start3A_79 = arith.constant 256 : i32
        %dma_start3A_80 = tpu.memref_slice %arg16[%dma_start3A_78, %dma_start3A_79] : memref<16x2048xf32, #tpu.memory_space<vmem>> -> memref<6x128xf32, #tpu.memory_space<vmem>>
        tpu.enqueue_dma source(%dma_start3A_80 : memref<6x128xf32, #tpu.memory_space<vmem>>) target(%dma_start3A_77 : memref<6x128xf32, #tpu.memory_space<hbm>>) target_semaphore(%run_scoped3A_66 : memref<!tpu.dma_semaphore, #tpu.memory_space<semaphore_mem>>)
        %dma_wait3A_81 = arith.constant 0 : i32
        %dma_wait3A_82 = arith.constant 256 : i32
        %dma_wait3A_83 = tpu.memref_slice %arg16[%dma_wait3A_81, %dma_wait3A_82] : memref<16x2048xf32, #tpu.memory_space<vmem>> -> memref<6x128xf32, #tpu.memory_space<vmem>>
        %dma_wait3A_84 = arith.constant 3680 : i32
        %dma_wait3A_85 = arith.constant 0 : i32
        %dma_wait3A_86 = tpu.memref_slice %arg4[%dma_wait3A_84, %run_scoped3A_52, %shift_right_logical3A_3, %dma_wait3A_85] : memref<3686x16x4x128xf32, #tpu.memory_space<hbm>> -> memref<6x1x1x128xf32, #tpu.memory_space<hbm>>
        %dma_wait3A_87 = tpu.memref_squeeze %dma_wait3A_86 : memref<6x1x1x128xf32, #tpu.memory_space<hbm>> -> memref<6x128xf32, #tpu.memory_space<hbm>>
        %dma_wait3A_88 = arith.constant 3680 : i32
        %dma_wait3A_89 = arith.constant 0 : i32
        %dma_wait3A_90 = tpu.memref_slice %arg4[%dma_wait3A_88, %run_scoped3A_52, %shift_right_logical3A_3, %dma_wait3A_89] : memref<3686x16x4x128xf32, #tpu.memory_space<hbm>> -> memref<6x1x1x128xf32, #tpu.memory_space<hbm>>
        %dma_wait3A_91 = tpu.memref_squeeze %dma_wait3A_90 : memref<6x1x1x128xf32, #tpu.memory_space<hbm>> -> memref<6x128xf32, #tpu.memory_space<hbm>>
        %dma_wait3A_92 = arith.constant 0 : i32
        %dma_wait3A_93 = arith.constant 256 : i32
        %dma_wait3A_94 = tpu.memref_slice %arg16[%dma_wait3A_92, %dma_wait3A_93] : memref<16x2048xf32, #tpu.memory_space<vmem>> -> memref<6x128xf32, #tpu.memory_space<vmem>>
        tpu.wait_dma2 semaphore(%run_scoped3A_66 : memref<!tpu.dma_semaphore, #tpu.memory_space<semaphore_mem>>) src(%dma_wait3A_94 : memref<6x128xf32, #tpu.memory_space<vmem>>) dst(%dma_wait3A_91 : memref<6x128xf32, #tpu.memory_space<hbm>>)
        tpu.yield
      }) : () -> ()
      %run_scoped3A_53 = arith.constant 3 : i32
      "tpu.region"() ({
        %run_scoped3A_66 = tpu.sem_alloc : memref<!tpu.dma_semaphore, #tpu.memory_space<semaphore_mem>>
        %dma_start3A_67 = arith.constant 0 : i32
        %dma_start3A_68 = arith.constant 384 : i32
        %dma_start3A_69 = tpu.memref_slice %arg16[%dma_start3A_67, %dma_start3A_68] : memref<16x2048xf32, #tpu.memory_space<vmem>> -> memref<6x128xf32, #tpu.memory_space<vmem>>
        %dma_start3A_70 = arith.constant 3680 : i32
        %dma_start3A_71 = arith.constant 0 : i32
        %dma_start3A_72 = tpu.memref_slice %arg4[%dma_start3A_70, %run_scoped3A_53, %shift_right_logical3A_3, %dma_start3A_71] : memref<3686x16x4x128xf32, #tpu.memory_space<hbm>> -> memref<6x1x1x128xf32, #tpu.memory_space<hbm>>
        %dma_start3A_73 = tpu.memref_squeeze %dma_start3A_72 : memref<6x1x1x128xf32, #tpu.memory_space<hbm>> -> memref<6x128xf32, #tpu.memory_space<hbm>>
        %dma_start3A_74 = arith.constant 3680 : i32
        %dma_start3A_75 = arith.constant 0 : i32
        %dma_start3A_76 = tpu.memref_slice %arg4[%dma_start3A_74, %run_scoped3A_53, %shift_right_logical3A_3, %dma_start3A_75] : memref<3686x16x4x128xf32, #tpu.memory_space<hbm>> -> memref<6x1x1x128xf32, #tpu.memory_space<hbm>>
        %dma_start3A_77 = tpu.memref_squeeze %dma_start3A_76 : memref<6x1x1x128xf32, #tpu.memory_space<hbm>> -> memref<6x128xf32, #tpu.memory_space<hbm>>
        %dma_start3A_78 = arith.constant 0 : i32
        %dma_start3A_79 = arith.constant 384 : i32
        %dma_start3A_80 = tpu.memref_slice %arg16[%dma_start3A_78, %dma_start3A_79] : memref<16x2048xf32, #tpu.memory_space<vmem>> -> memref<6x128xf32, #tpu.memory_space<vmem>>
        tpu.enqueue_dma source(%dma_start3A_80 : memref<6x128xf32, #tpu.memory_space<vmem>>) target(%dma_start3A_77 : memref<6x128xf32, #tpu.memory_space<hbm>>) target_semaphore(%run_scoped3A_66 : memref<!tpu.dma_semaphore, #tpu.memory_space<semaphore_mem>>)
        %dma_wait3A_81 = arith.constant 0 : i32
        %dma_wait3A_82 = arith.constant 384 : i32
        %dma_wait3A_83 = tpu.memref_slice %arg16[%dma_wait3A_81, %dma_wait3A_82] : memref<16x2048xf32, #tpu.memory_space<vmem>> -> memref<6x128xf32, #tpu.memory_space<vmem>>
        %dma_wait3A_84 = arith.constant 3680 : i32
        %dma_wait3A_85 = arith.constant 0 : i32
        %dma_wait3A_86 = tpu.memref_slice %arg4[%dma_wait3A_84, %run_scoped3A_53, %shift_right_logical3A_3, %dma_wait3A_85] : memref<3686x16x4x128xf32, #tpu.memory_space<hbm>> -> memref<6x1x1x128xf32, #tpu.memory_space<hbm>>
        %dma_wait3A_87 = tpu.memref_squeeze %dma_wait3A_86 : memref<6x1x1x128xf32, #tpu.memory_space<hbm>> -> memref<6x128xf32, #tpu.memory_space<hbm>>
        %dma_wait3A_88 = arith.constant 3680 : i32
        %dma_wait3A_89 = arith.constant 0 : i32
        %dma_wait3A_90 = tpu.memref_slice %arg4[%dma_wait3A_88, %run_scoped3A_53, %shift_right_logical3A_3, %dma_wait3A_89] : memref<3686x16x4x128xf32, #tpu.memory_space<hbm>> -> memref<6x1x1x128xf32, #tpu.memory_space<hbm>>
        %dma_wait3A_91 = tpu.memref_squeeze %dma_wait3A_90 : memref<6x1x1x128xf32, #tpu.memory_space<hbm>> -> memref<6x128xf32, #tpu.memory_space<hbm>>
        %dma_wait3A_92 = arith.constant 0 : i32
        %dma_wait3A_93 = arith.constant 384 : i32
        %dma_wait3A_94 = tpu.memref_slice %arg16[%dma_wait3A_92, %dma_wait3A_93] : memref<16x2048xf32, #tpu.memory_space<vmem>> -> memref<6x128xf32, #tpu.memory_space<vmem>>
        tpu.wait_dma2 semaphore(%run_scoped3A_66 : memref<!tpu.dma_semaphore, #tpu.memory_space<semaphore_mem>>) src(%dma_wait3A_94 : memref<6x128xf32, #tpu.memory_space<vmem>>) dst(%dma_wait3A_91 : memref<6x128xf32, #tpu.memory_space<hbm>>)
        tpu.yield
      }) : () -> ()
      %run_scoped3A_54 = arith.constant 4 : i32
      "tpu.region"() ({
        %run_scoped3A_66 = tpu.sem_alloc : memref<!tpu.dma_semaphore, #tpu.memory_space<semaphore_mem>>
        %dma_start3A_67 = arith.constant 0 : i32
        %dma_start3A_68 = arith.constant 512 : i32
        %dma_start3A_69 = tpu.memref_slice %arg16[%dma_start3A_67, %dma_start3A_68] : memref<16x2048xf32, #tpu.memory_space<vmem>> -> memref<6x128xf32, #tpu.memory_space<vmem>>
        %dma_start3A_70 = arith.constant 3680 : i32
        %dma_start3A_71 = arith.constant 0 : i32
        %dma_start3A_72 = tpu.memref_slice %arg4[%dma_start3A_70, %run_scoped3A_54, %shift_right_logical3A_3, %dma_start3A_71] : memref<3686x16x4x128xf32, #tpu.memory_space<hbm>> -> memref<6x1x1x128xf32, #tpu.memory_space<hbm>>
        %dma_start3A_73 = tpu.memref_squeeze %dma_start3A_72 : memref<6x1x1x128xf32, #tpu.memory_space<hbm>> -> memref<6x128xf32, #tpu.memory_space<hbm>>
        %dma_start3A_74 = arith.constant 3680 : i32
        %dma_start3A_75 = arith.constant 0 : i32
        %dma_start3A_76 = tpu.memref_slice %arg4[%dma_start3A_74, %run_scoped3A_54, %shift_right_logical3A_3, %dma_start3A_75] : memref<3686x16x4x128xf32, #tpu.memory_space<hbm>> -> memref<6x1x1x128xf32, #tpu.memory_space<hbm>>
        %dma_start3A_77 = tpu.memref_squeeze %dma_start3A_76 : memref<6x1x1x128xf32, #tpu.memory_space<hbm>> -> memref<6x128xf32, #tpu.memory_space<hbm>>
        %dma_start3A_78 = arith.constant 0 : i32
        %dma_start3A_79 = arith.constant 512 : i32
        %dma_start3A_80 = tpu.memref_slice %arg16[%dma_start3A_78, %dma_start3A_79] : memref<16x2048xf32, #tpu.memory_space<vmem>> -> memref<6x128xf32, #tpu.memory_space<vmem>>
        tpu.enqueue_dma source(%dma_start3A_80 : memref<6x128xf32, #tpu.memory_space<vmem>>) target(%dma_start3A_77 : memref<6x128xf32, #tpu.memory_space<hbm>>) target_semaphore(%run_scoped3A_66 : memref<!tpu.dma_semaphore, #tpu.memory_space<semaphore_mem>>)
        %dma_wait3A_81 = arith.constant 0 : i32
        %dma_wait3A_82 = arith.constant 512 : i32
        %dma_wait3A_83 = tpu.memref_slice %arg16[%dma_wait3A_81, %dma_wait3A_82] : memref<16x2048xf32, #tpu.memory_space<vmem>> -> memref<6x128xf32, #tpu.memory_space<vmem>>
        %dma_wait3A_84 = arith.constant 3680 : i32
        %dma_wait3A_85 = arith.constant 0 : i32
        %dma_wait3A_86 = tpu.memref_slice %arg4[%dma_wait3A_84, %run_scoped3A_54, %shift_right_logical3A_3, %dma_wait3A_85] : memref<3686x16x4x128xf32, #tpu.memory_space<hbm>> -> memref<6x1x1x128xf32, #tpu.memory_space<hbm>>
        %dma_wait3A_87 = tpu.memref_squeeze %dma_wait3A_86 : memref<6x1x1x128xf32, #tpu.memory_space<hbm>> -> memref<6x128xf32, #tpu.memory_space<hbm>>
        %dma_wait3A_88 = arith.constant 3680 : i32
        %dma_wait3A_89 = arith.constant 0 : i32
        %dma_wait3A_90 = tpu.memref_slice %arg4[%dma_wait3A_88, %run_scoped3A_54, %shift_right_logical3A_3, %dma_wait3A_89] : memref<3686x16x4x128xf32, #tpu.memory_space<hbm>> -> memref<6x1x1x128xf32, #tpu.memory_space<hbm>>
        %dma_wait3A_91 = tpu.memref_squeeze %dma_wait3A_90 : memref<6x1x1x128xf32, #tpu.memory_space<hbm>> -> memref<6x128xf32, #tpu.memory_space<hbm>>
        %dma_wait3A_92 = arith.constant 0 : i32
        %dma_wait3A_93 = arith.constant 512 : i32
        %dma_wait3A_94 = tpu.memref_slice %arg16[%dma_wait3A_92, %dma_wait3A_93] : memref<16x2048xf32, #tpu.memory_space<vmem>> -> memref<6x128xf32, #tpu.memory_space<vmem>>
        tpu.wait_dma2 semaphore(%run_scoped3A_66 : memref<!tpu.dma_semaphore, #tpu.memory_space<semaphore_mem>>) src(%dma_wait3A_94 : memref<6x128xf32, #tpu.memory_space<vmem>>) dst(%dma_wait3A_91 : memref<6x128xf32, #tpu.memory_space<hbm>>)
        tpu.yield
      }) : () -> ()
      %run_scoped3A_55 = arith.constant 5 : i32
      "tpu.region"() ({
        %run_scoped3A_66 = tpu.sem_alloc : memref<!tpu.dma_semaphore, #tpu.memory_space<semaphore_mem>>
        %dma_start3A_67 = arith.constant 0 : i32
        %dma_start3A_68 = arith.constant 640 : i32
        %dma_start3A_69 = tpu.memref_slice %arg16[%dma_start3A_67, %dma_start3A_68] : memref<16x2048xf32, #tpu.memory_space<vmem>> -> memref<6x128xf32, #tpu.memory_space<vmem>>
        %dma_start3A_70 = arith.constant 3680 : i32
        %dma_start3A_71 = arith.constant 0 : i32
        %dma_start3A_72 = tpu.memref_slice %arg4[%dma_start3A_70, %run_scoped3A_55, %shift_right_logical3A_3, %dma_start3A_71] : memref<3686x16x4x128xf32, #tpu.memory_space<hbm>> -> memref<6x1x1x128xf32, #tpu.memory_space<hbm>>
        %dma_start3A_73 = tpu.memref_squeeze %dma_start3A_72 : memref<6x1x1x128xf32, #tpu.memory_space<hbm>> -> memref<6x128xf32, #tpu.memory_space<hbm>>
        %dma_start3A_74 = arith.constant 3680 : i32
        %dma_start3A_75 = arith.constant 0 : i32
        %dma_start3A_76 = tpu.memref_slice %arg4[%dma_start3A_74, %run_scoped3A_55, %shift_right_logical3A_3, %dma_start3A_75] : memref<3686x16x4x128xf32, #tpu.memory_space<hbm>> -> memref<6x1x1x128xf32, #tpu.memory_space<hbm>>
        %dma_start3A_77 = tpu.memref_squeeze %dma_start3A_76 : memref<6x1x1x128xf32, #tpu.memory_space<hbm>> -> memref<6x128xf32, #tpu.memory_space<hbm>>
        %dma_start3A_78 = arith.constant 0 : i32
        %dma_start3A_79 = arith.constant 640 : i32
        %dma_start3A_80 = tpu.memref_slice %arg16[%dma_start3A_78, %dma_start3A_79] : memref<16x2048xf32, #tpu.memory_space<vmem>> -> memref<6x128xf32, #tpu.memory_space<vmem>>
        tpu.enqueue_dma source(%dma_start3A_80 : memref<6x128xf32, #tpu.memory_space<vmem>>) target(%dma_start3A_77 : memref<6x128xf32, #tpu.memory_space<hbm>>) target_semaphore(%run_scoped3A_66 : memref<!tpu.dma_semaphore, #tpu.memory_space<semaphore_mem>>)
        %dma_wait3A_81 = arith.constant 0 : i32
        %dma_wait3A_82 = arith.constant 640 : i32
        %dma_wait3A_83 = tpu.memref_slice %arg16[%dma_wait3A_81, %dma_wait3A_82] : memref<16x2048xf32, #tpu.memory_space<vmem>> -> memref<6x128xf32, #tpu.memory_space<vmem>>
        %dma_wait3A_84 = arith.constant 3680 : i32
        %dma_wait3A_85 = arith.constant 0 : i32
        %dma_wait3A_86 = tpu.memref_slice %arg4[%dma_wait3A_84, %run_scoped3A_55, %shift_right_logical3A_3, %dma_wait3A_85] : memref<3686x16x4x128xf32, #tpu.memory_space<hbm>> -> memref<6x1x1x128xf32, #tpu.memory_space<hbm>>
        %dma_wait3A_87 = tpu.memref_squeeze %dma_wait3A_86 : memref<6x1x1x128xf32, #tpu.memory_space<hbm>> -> memref<6x128xf32, #tpu.memory_space<hbm>>
        %dma_wait3A_88 = arith.constant 3680 : i32
        %dma_wait3A_89 = arith.constant 0 : i32
        %dma_wait3A_90 = tpu.memref_slice %arg4[%dma_wait3A_88, %run_scoped3A_55, %shift_right_logical3A_3, %dma_wait3A_89] : memref<3686x16x4x128xf32, #tpu.memory_space<hbm>> -> memref<6x1x1x128xf32, #tpu.memory_space<hbm>>
        %dma_wait3A_91 = tpu.memref_squeeze %dma_wait3A_90 : memref<6x1x1x128xf32, #tpu.memory_space<hbm>> -> memref<6x128xf32, #tpu.memory_space<hbm>>
        %dma_wait3A_92 = arith.constant 0 : i32
        %dma_wait3A_93 = arith.constant 640 : i32
        %dma_wait3A_94 = tpu.memref_slice %arg16[%dma_wait3A_92, %dma_wait3A_93] : memref<16x2048xf32, #tpu.memory_space<vmem>> -> memref<6x128xf32, #tpu.memory_space<vmem>>
        tpu.wait_dma2 semaphore(%run_scoped3A_66 : memref<!tpu.dma_semaphore, #tpu.memory_space<semaphore_mem>>) src(%dma_wait3A_94 : memref<6x128xf32, #tpu.memory_space<vmem>>) dst(%dma_wait3A_91 : memref<6x128xf32, #tpu.memory_space<hbm>>)
        tpu.yield
      }) : () -> ()
      %run_scoped3A_56 = arith.constant 6 : i32
      "tpu.region"() ({
        %run_scoped3A_66 = tpu.sem_alloc : memref<!tpu.dma_semaphore, #tpu.memory_space<semaphore_mem>>
        %dma_start3A_67 = arith.constant 0 : i32
        %dma_start3A_68 = arith.constant 768 : i32
        %dma_start3A_69 = tpu.memref_slice %arg16[%dma_start3A_67, %dma_start3A_68] : memref<16x2048xf32, #tpu.memory_space<vmem>> -> memref<6x128xf32, #tpu.memory_space<vmem>>
        %dma_start3A_70 = arith.constant 3680 : i32
        %dma_start3A_71 = arith.constant 0 : i32
        %dma_start3A_72 = tpu.memref_slice %arg4[%dma_start3A_70, %run_scoped3A_56, %shift_right_logical3A_3, %dma_start3A_71] : memref<3686x16x4x128xf32, #tpu.memory_space<hbm>> -> memref<6x1x1x128xf32, #tpu.memory_space<hbm>>
        %dma_start3A_73 = tpu.memref_squeeze %dma_start3A_72 : memref<6x1x1x128xf32, #tpu.memory_space<hbm>> -> memref<6x128xf32, #tpu.memory_space<hbm>>
        %dma_start3A_74 = arith.constant 3680 : i32
        %dma_start3A_75 = arith.constant 0 : i32
        %dma_start3A_76 = tpu.memref_slice %arg4[%dma_start3A_74, %run_scoped3A_56, %shift_right_logical3A_3, %dma_start3A_75] : memref<3686x16x4x128xf32, #tpu.memory_space<hbm>> -> memref<6x1x1x128xf32, #tpu.memory_space<hbm>>
        %dma_start3A_77 = tpu.memref_squeeze %dma_start3A_76 : memref<6x1x1x128xf32, #tpu.memory_space<hbm>> -> memref<6x128xf32, #tpu.memory_space<hbm>>
        %dma_start3A_78 = arith.constant 0 : i32
        %dma_start3A_79 = arith.constant 768 : i32
        %dma_start3A_80 = tpu.memref_slice %arg16[%dma_start3A_78, %dma_start3A_79] : memref<16x2048xf32, #tpu.memory_space<vmem>> -> memref<6x128xf32, #tpu.memory_space<vmem>>
        tpu.enqueue_dma source(%dma_start3A_80 : memref<6x128xf32, #tpu.memory_space<vmem>>) target(%dma_start3A_77 : memref<6x128xf32, #tpu.memory_space<hbm>>) target_semaphore(%run_scoped3A_66 : memref<!tpu.dma_semaphore, #tpu.memory_space<semaphore_mem>>)
        %dma_wait3A_81 = arith.constant 0 : i32
        %dma_wait3A_82 = arith.constant 768 : i32
        %dma_wait3A_83 = tpu.memref_slice %arg16[%dma_wait3A_81, %dma_wait3A_82] : memref<16x2048xf32, #tpu.memory_space<vmem>> -> memref<6x128xf32, #tpu.memory_space<vmem>>
        %dma_wait3A_84 = arith.constant 3680 : i32
        %dma_wait3A_85 = arith.constant 0 : i32
        %dma_wait3A_86 = tpu.memref_slice %arg4[%dma_wait3A_84, %run_scoped3A_56, %shift_right_logical3A_3, %dma_wait3A_85] : memref<3686x16x4x128xf32, #tpu.memory_space<hbm>> -> memref<6x1x1x128xf32, #tpu.memory_space<hbm>>
        %dma_wait3A_87 = tpu.memref_squeeze %dma_wait3A_86 : memref<6x1x1x128xf32, #tpu.memory_space<hbm>> -> memref<6x128xf32, #tpu.memory_space<hbm>>
        %dma_wait3A_88 = arith.constant 3680 : i32
        %dma_wait3A_89 = arith.constant 0 : i32
        %dma_wait3A_90 = tpu.memref_slice %arg4[%dma_wait3A_88, %run_scoped3A_56, %shift_right_logical3A_3, %dma_wait3A_89] : memref<3686x16x4x128xf32, #tpu.memory_space<hbm>> -> memref<6x1x1x128xf32, #tpu.memory_space<hbm>>
        %dma_wait3A_91 = tpu.memref_squeeze %dma_wait3A_90 : memref<6x1x1x128xf32, #tpu.memory_space<hbm>> -> memref<6x128xf32, #tpu.memory_space<hbm>>
        %dma_wait3A_92 = arith.constant 0 : i32
        %dma_wait3A_93 = arith.constant 768 : i32
        %dma_wait3A_94 = tpu.memref_slice %arg16[%dma_wait3A_92, %dma_wait3A_93] : memref<16x2048xf32, #tpu.memory_space<vmem>> -> memref<6x128xf32, #tpu.memory_space<vmem>>
        tpu.wait_dma2 semaphore(%run_scoped3A_66 : memref<!tpu.dma_semaphore, #tpu.memory_space<semaphore_mem>>) src(%dma_wait3A_94 : memref<6x128xf32, #tpu.memory_space<vmem>>) dst(%dma_wait3A_91 : memref<6x128xf32, #tpu.memory_space<hbm>>)
        tpu.yield
      }) : () -> ()
      %run_scoped3A_57 = arith.constant 7 : i32
      "tpu.region"() ({
        %run_scoped3A_66 = tpu.sem_alloc : memref<!tpu.dma_semaphore, #tpu.memory_space<semaphore_mem>>
        %dma_start3A_67 = arith.constant 0 : i32
        %dma_start3A_68 = arith.constant 896 : i32
        %dma_start3A_69 = tpu.memref_slice %arg16[%dma_start3A_67, %dma_start3A_68] : memref<16x2048xf32, #tpu.memory_space<vmem>> -> memref<6x128xf32, #tpu.memory_space<vmem>>
        %dma_start3A_70 = arith.constant 3680 : i32
        %dma_start3A_71 = arith.constant 0 : i32
        %dma_start3A_72 = tpu.memref_slice %arg4[%dma_start3A_70, %run_scoped3A_57, %shift_right_logical3A_3, %dma_start3A_71] : memref<3686x16x4x128xf32, #tpu.memory_space<hbm>> -> memref<6x1x1x128xf32, #tpu.memory_space<hbm>>
        %dma_start3A_73 = tpu.memref_squeeze %dma_start3A_72 : memref<6x1x1x128xf32, #tpu.memory_space<hbm>> -> memref<6x128xf32, #tpu.memory_space<hbm>>
        %dma_start3A_74 = arith.constant 3680 : i32
        %dma_start3A_75 = arith.constant 0 : i32
        %dma_start3A_76 = tpu.memref_slice %arg4[%dma_start3A_74, %run_scoped3A_57, %shift_right_logical3A_3, %dma_start3A_75] : memref<3686x16x4x128xf32, #tpu.memory_space<hbm>> -> memref<6x1x1x128xf32, #tpu.memory_space<hbm>>
        %dma_start3A_77 = tpu.memref_squeeze %dma_start3A_76 : memref<6x1x1x128xf32, #tpu.memory_space<hbm>> -> memref<6x128xf32, #tpu.memory_space<hbm>>
        %dma_start3A_78 = arith.constant 0 : i32
        %dma_start3A_79 = arith.constant 896 : i32
        %dma_start3A_80 = tpu.memref_slice %arg16[%dma_start3A_78, %dma_start3A_79] : memref<16x2048xf32, #tpu.memory_space<vmem>> -> memref<6x128xf32, #tpu.memory_space<vmem>>
        tpu.enqueue_dma source(%dma_start3A_80 : memref<6x128xf32, #tpu.memory_space<vmem>>) target(%dma_start3A_77 : memref<6x128xf32, #tpu.memory_space<hbm>>) target_semaphore(%run_scoped3A_66 : memref<!tpu.dma_semaphore, #tpu.memory_space<semaphore_mem>>)
        %dma_wait3A_81 = arith.constant 0 : i32
        %dma_wait3A_82 = arith.constant 896 : i32
        %dma_wait3A_83 = tpu.memref_slice %arg16[%dma_wait3A_81, %dma_wait3A_82] : memref<16x2048xf32, #tpu.memory_space<vmem>> -> memref<6x128xf32, #tpu.memory_space<vmem>>
        %dma_wait3A_84 = arith.constant 3680 : i32
        %dma_wait3A_85 = arith.constant 0 : i32
        %dma_wait3A_86 = tpu.memref_slice %arg4[%dma_wait3A_84, %run_scoped3A_57, %shift_right_logical3A_3, %dma_wait3A_85] : memref<3686x16x4x128xf32, #tpu.memory_space<hbm>> -> memref<6x1x1x128xf32, #tpu.memory_space<hbm>>
        %dma_wait3A_87 = tpu.memref_squeeze %dma_wait3A_86 : memref<6x1x1x128xf32, #tpu.memory_space<hbm>> -> memref<6x128xf32, #tpu.memory_space<hbm>>
        %dma_wait3A_88 = arith.constant 3680 : i32
        %dma_wait3A_89 = arith.constant 0 : i32
        %dma_wait3A_90 = tpu.memref_slice %arg4[%dma_wait3A_88, %run_scoped3A_57, %shift_right_logical3A_3, %dma_wait3A_89] : memref<3686x16x4x128xf32, #tpu.memory_space<hbm>> -> memref<6x1x1x128xf32, #tpu.memory_space<hbm>>
        %dma_wait3A_91 = tpu.memref_squeeze %dma_wait3A_90 : memref<6x1x1x128xf32, #tpu.memory_space<hbm>> -> memref<6x128xf32, #tpu.memory_space<hbm>>
        %dma_wait3A_92 = arith.constant 0 : i32
        %dma_wait3A_93 = arith.constant 896 : i32
        %dma_wait3A_94 = tpu.memref_slice %arg16[%dma_wait3A_92, %dma_wait3A_93] : memref<16x2048xf32, #tpu.memory_space<vmem>> -> memref<6x128xf32, #tpu.memory_space<vmem>>
        tpu.wait_dma2 semaphore(%run_scoped3A_66 : memref<!tpu.dma_semaphore, #tpu.memory_space<semaphore_mem>>) src(%dma_wait3A_94 : memref<6x128xf32, #tpu.memory_space<vmem>>) dst(%dma_wait3A_91 : memref<6x128xf32, #tpu.memory_space<hbm>>)
        tpu.yield
      }) : () -> ()
      %run_scoped3A_58 = arith.constant 8 : i32
      "tpu.region"() ({
        %run_scoped3A_66 = tpu.sem_alloc : memref<!tpu.dma_semaphore, #tpu.memory_space<semaphore_mem>>
        %dma_start3A_67 = arith.constant 0 : i32
        %dma_start3A_68 = arith.constant 1024 : i32
        %dma_start3A_69 = tpu.memref_slice %arg16[%dma_start3A_67, %dma_start3A_68] : memref<16x2048xf32, #tpu.memory_space<vmem>> -> memref<6x128xf32, #tpu.memory_space<vmem>>
        %dma_start3A_70 = arith.constant 3680 : i32
        %dma_start3A_71 = arith.constant 0 : i32
        %dma_start3A_72 = tpu.memref_slice %arg4[%dma_start3A_70, %run_scoped3A_58, %shift_right_logical3A_3, %dma_start3A_71] : memref<3686x16x4x128xf32, #tpu.memory_space<hbm>> -> memref<6x1x1x128xf32, #tpu.memory_space<hbm>>
        %dma_start3A_73 = tpu.memref_squeeze %dma_start3A_72 : memref<6x1x1x128xf32, #tpu.memory_space<hbm>> -> memref<6x128xf32, #tpu.memory_space<hbm>>
        %dma_start3A_74 = arith.constant 3680 : i32
        %dma_start3A_75 = arith.constant 0 : i32
        %dma_start3A_76 = tpu.memref_slice %arg4[%dma_start3A_74, %run_scoped3A_58, %shift_right_logical3A_3, %dma_start3A_75] : memref<3686x16x4x128xf32, #tpu.memory_space<hbm>> -> memref<6x1x1x128xf32, #tpu.memory_space<hbm>>
        %dma_start3A_77 = tpu.memref_squeeze %dma_start3A_76 : memref<6x1x1x128xf32, #tpu.memory_space<hbm>> -> memref<6x128xf32, #tpu.memory_space<hbm>>
        %dma_start3A_78 = arith.constant 0 : i32
        %dma_start3A_79 = arith.constant 1024 : i32
        %dma_start3A_80 = tpu.memref_slice %arg16[%dma_start3A_78, %dma_start3A_79] : memref<16x2048xf32, #tpu.memory_space<vmem>> -> memref<6x128xf32, #tpu.memory_space<vmem>>
        tpu.enqueue_dma source(%dma_start3A_80 : memref<6x128xf32, #tpu.memory_space<vmem>>) target(%dma_start3A_77 : memref<6x128xf32, #tpu.memory_space<hbm>>) target_semaphore(%run_scoped3A_66 : memref<!tpu.dma_semaphore, #tpu.memory_space<semaphore_mem>>)
        %dma_wait3A_81 = arith.constant 0 : i32
        %dma_wait3A_82 = arith.constant 1024 : i32
        %dma_wait3A_83 = tpu.memref_slice %arg16[%dma_wait3A_81, %dma_wait3A_82] : memref<16x2048xf32, #tpu.memory_space<vmem>> -> memref<6x128xf32, #tpu.memory_space<vmem>>
        %dma_wait3A_84 = arith.constant 3680 : i32
        %dma_wait3A_85 = arith.constant 0 : i32
        %dma_wait3A_86 = tpu.memref_slice %arg4[%dma_wait3A_84, %run_scoped3A_58, %shift_right_logical3A_3, %dma_wait3A_85] : memref<3686x16x4x128xf32, #tpu.memory_space<hbm>> -> memref<6x1x1x128xf32, #tpu.memory_space<hbm>>
        %dma_wait3A_87 = tpu.memref_squeeze %dma_wait3A_86 : memref<6x1x1x128xf32, #tpu.memory_space<hbm>> -> memref<6x128xf32, #tpu.memory_space<hbm>>
        %dma_wait3A_88 = arith.constant 3680 : i32
        %dma_wait3A_89 = arith.constant 0 : i32
        %dma_wait3A_90 = tpu.memref_slice %arg4[%dma_wait3A_88, %run_scoped3A_58, %shift_right_logical3A_3, %dma_wait3A_89] : memref<3686x16x4x128xf32, #tpu.memory_space<hbm>> -> memref<6x1x1x128xf32, #tpu.memory_space<hbm>>
        %dma_wait3A_91 = tpu.memref_squeeze %dma_wait3A_90 : memref<6x1x1x128xf32, #tpu.memory_space<hbm>> -> memref<6x128xf32, #tpu.memory_space<hbm>>
        %dma_wait3A_92 = arith.constant 0 : i32
        %dma_wait3A_93 = arith.constant 1024 : i32
        %dma_wait3A_94 = tpu.memref_slice %arg16[%dma_wait3A_92, %dma_wait3A_93] : memref<16x2048xf32, #tpu.memory_space<vmem>> -> memref<6x128xf32, #tpu.memory_space<vmem>>
        tpu.wait_dma2 semaphore(%run_scoped3A_66 : memref<!tpu.dma_semaphore, #tpu.memory_space<semaphore_mem>>) src(%dma_wait3A_94 : memref<6x128xf32, #tpu.memory_space<vmem>>) dst(%dma_wait3A_91 : memref<6x128xf32, #tpu.memory_space<hbm>>)
        tpu.yield
      }) : () -> ()
      %run_scoped3A_59 = arith.constant 9 : i32
      "tpu.region"() ({
        %run_scoped3A_66 = tpu.sem_alloc : memref<!tpu.dma_semaphore, #tpu.memory_space<semaphore_mem>>
        %dma_start3A_67 = arith.constant 0 : i32
        %dma_start3A_68 = arith.constant 1152 : i32
        %dma_start3A_69 = tpu.memref_slice %arg16[%dma_start3A_67, %dma_start3A_68] : memref<16x2048xf32, #tpu.memory_space<vmem>> -> memref<6x128xf32, #tpu.memory_space<vmem>>
        %dma_start3A_70 = arith.constant 3680 : i32
        %dma_start3A_71 = arith.constant 0 : i32
        %dma_start3A_72 = tpu.memref_slice %arg4[%dma_start3A_70, %run_scoped3A_59, %shift_right_logical3A_3, %dma_start3A_71] : memref<3686x16x4x128xf32, #tpu.memory_space<hbm>> -> memref<6x1x1x128xf32, #tpu.memory_space<hbm>>
        %dma_start3A_73 = tpu.memref_squeeze %dma_start3A_72 : memref<6x1x1x128xf32, #tpu.memory_space<hbm>> -> memref<6x128xf32, #tpu.memory_space<hbm>>
        %dma_start3A_74 = arith.constant 3680 : i32
        %dma_start3A_75 = arith.constant 0 : i32
        %dma_start3A_76 = tpu.memref_slice %arg4[%dma_start3A_74, %run_scoped3A_59, %shift_right_logical3A_3, %dma_start3A_75] : memref<3686x16x4x128xf32, #tpu.memory_space<hbm>> -> memref<6x1x1x128xf32, #tpu.memory_space<hbm>>
        %dma_start3A_77 = tpu.memref_squeeze %dma_start3A_76 : memref<6x1x1x128xf32, #tpu.memory_space<hbm>> -> memref<6x128xf32, #tpu.memory_space<hbm>>
        %dma_start3A_78 = arith.constant 0 : i32
        %dma_start3A_79 = arith.constant 1152 : i32
        %dma_start3A_80 = tpu.memref_slice %arg16[%dma_start3A_78, %dma_start3A_79] : memref<16x2048xf32, #tpu.memory_space<vmem>> -> memref<6x128xf32, #tpu.memory_space<vmem>>
        tpu.enqueue_dma source(%dma_start3A_80 : memref<6x128xf32, #tpu.memory_space<vmem>>) target(%dma_start3A_77 : memref<6x128xf32, #tpu.memory_space<hbm>>) target_semaphore(%run_scoped3A_66 : memref<!tpu.dma_semaphore, #tpu.memory_space<semaphore_mem>>)
        %dma_wait3A_81 = arith.constant 0 : i32
        %dma_wait3A_82 = arith.constant 1152 : i32
        %dma_wait3A_83 = tpu.memref_slice %arg16[%dma_wait3A_81, %dma_wait3A_82] : memref<16x2048xf32, #tpu.memory_space<vmem>> -> memref<6x128xf32, #tpu.memory_space<vmem>>
        %dma_wait3A_84 = arith.constant 3680 : i32
        %dma_wait3A_85 = arith.constant 0 : i32
        %dma_wait3A_86 = tpu.memref_slice %arg4[%dma_wait3A_84, %run_scoped3A_59, %shift_right_logical3A_3, %dma_wait3A_85] : memref<3686x16x4x128xf32, #tpu.memory_space<hbm>> -> memref<6x1x1x128xf32, #tpu.memory_space<hbm>>
        %dma_wait3A_87 = tpu.memref_squeeze %dma_wait3A_86 : memref<6x1x1x128xf32, #tpu.memory_space<hbm>> -> memref<6x128xf32, #tpu.memory_space<hbm>>
        %dma_wait3A_88 = arith.constant 3680 : i32
        %dma_wait3A_89 = arith.constant 0 : i32
        %dma_wait3A_90 = tpu.memref_slice %arg4[%dma_wait3A_88, %run_scoped3A_59, %shift_right_logical3A_3, %dma_wait3A_89] : memref<3686x16x4x128xf32, #tpu.memory_space<hbm>> -> memref<6x1x1x128xf32, #tpu.memory_space<hbm>>
        %dma_wait3A_91 = tpu.memref_squeeze %dma_wait3A_90 : memref<6x1x1x128xf32, #tpu.memory_space<hbm>> -> memref<6x128xf32, #tpu.memory_space<hbm>>
        %dma_wait3A_92 = arith.constant 0 : i32
        %dma_wait3A_93 = arith.constant 1152 : i32
        %dma_wait3A_94 = tpu.memref_slice %arg16[%dma_wait3A_92, %dma_wait3A_93] : memref<16x2048xf32, #tpu.memory_space<vmem>> -> memref<6x128xf32, #tpu.memory_space<vmem>>
        tpu.wait_dma2 semaphore(%run_scoped3A_66 : memref<!tpu.dma_semaphore, #tpu.memory_space<semaphore_mem>>) src(%dma_wait3A_94 : memref<6x128xf32, #tpu.memory_space<vmem>>) dst(%dma_wait3A_91 : memref<6x128xf32, #tpu.memory_space<hbm>>)
        tpu.yield
      }) : () -> ()
      %run_scoped3A_60 = arith.constant 10 : i32
      "tpu.region"() ({
        %run_scoped3A_66 = tpu.sem_alloc : memref<!tpu.dma_semaphore, #tpu.memory_space<semaphore_mem>>
        %dma_start3A_67 = arith.constant 0 : i32
        %dma_start3A_68 = arith.constant 1280 : i32
        %dma_start3A_69 = tpu.memref_slice %arg16[%dma_start3A_67, %dma_start3A_68] : memref<16x2048xf32, #tpu.memory_space<vmem>> -> memref<6x128xf32, #tpu.memory_space<vmem>>
        %dma_start3A_70 = arith.constant 3680 : i32
        %dma_start3A_71 = arith.constant 0 : i32
        %dma_start3A_72 = tpu.memref_slice %arg4[%dma_start3A_70, %run_scoped3A_60, %shift_right_logical3A_3, %dma_start3A_71] : memref<3686x16x4x128xf32, #tpu.memory_space<hbm>> -> memref<6x1x1x128xf32, #tpu.memory_space<hbm>>
        %dma_start3A_73 = tpu.memref_squeeze %dma_start3A_72 : memref<6x1x1x128xf32, #tpu.memory_space<hbm>> -> memref<6x128xf32, #tpu.memory_space<hbm>>
        %dma_start3A_74 = arith.constant 3680 : i32
        %dma_start3A_75 = arith.constant 0 : i32
        %dma_start3A_76 = tpu.memref_slice %arg4[%dma_start3A_74, %run_scoped3A_60, %shift_right_logical3A_3, %dma_start3A_75] : memref<3686x16x4x128xf32, #tpu.memory_space<hbm>> -> memref<6x1x1x128xf32, #tpu.memory_space<hbm>>
        %dma_start3A_77 = tpu.memref_squeeze %dma_start3A_76 : memref<6x1x1x128xf32, #tpu.memory_space<hbm>> -> memref<6x128xf32, #tpu.memory_space<hbm>>
        %dma_start3A_78 = arith.constant 0 : i32
        %dma_start3A_79 = arith.constant 1280 : i32
        %dma_start3A_80 = tpu.memref_slice %arg16[%dma_start3A_78, %dma_start3A_79] : memref<16x2048xf32, #tpu.memory_space<vmem>> -> memref<6x128xf32, #tpu.memory_space<vmem>>
        tpu.enqueue_dma source(%dma_start3A_80 : memref<6x128xf32, #tpu.memory_space<vmem>>) target(%dma_start3A_77 : memref<6x128xf32, #tpu.memory_space<hbm>>) target_semaphore(%run_scoped3A_66 : memref<!tpu.dma_semaphore, #tpu.memory_space<semaphore_mem>>)
        %dma_wait3A_81 = arith.constant 0 : i32
        %dma_wait3A_82 = arith.constant 1280 : i32
        %dma_wait3A_83 = tpu.memref_slice %arg16[%dma_wait3A_81, %dma_wait3A_82] : memref<16x2048xf32, #tpu.memory_space<vmem>> -> memref<6x128xf32, #tpu.memory_space<vmem>>
        %dma_wait3A_84 = arith.constant 3680 : i32
        %dma_wait3A_85 = arith.constant 0 : i32
        %dma_wait3A_86 = tpu.memref_slice %arg4[%dma_wait3A_84, %run_scoped3A_60, %shift_right_logical3A_3, %dma_wait3A_85] : memref<3686x16x4x128xf32, #tpu.memory_space<hbm>> -> memref<6x1x1x128xf32, #tpu.memory_space<hbm>>
        %dma_wait3A_87 = tpu.memref_squeeze %dma_wait3A_86 : memref<6x1x1x128xf32, #tpu.memory_space<hbm>> -> memref<6x128xf32, #tpu.memory_space<hbm>>
        %dma_wait3A_88 = arith.constant 3680 : i32
        %dma_wait3A_89 = arith.constant 0 : i32
        %dma_wait3A_90 = tpu.memref_slice %arg4[%dma_wait3A_88, %run_scoped3A_60, %shift_right_logical3A_3, %dma_wait3A_89] : memref<3686x16x4x128xf32, #tpu.memory_space<hbm>> -> memref<6x1x1x128xf32, #tpu.memory_space<hbm>>
        %dma_wait3A_91 = tpu.memref_squeeze %dma_wait3A_90 : memref<6x1x1x128xf32, #tpu.memory_space<hbm>> -> memref<6x128xf32, #tpu.memory_space<hbm>>
        %dma_wait3A_92 = arith.constant 0 : i32
        %dma_wait3A_93 = arith.constant 1280 : i32
        %dma_wait3A_94 = tpu.memref_slice %arg16[%dma_wait3A_92, %dma_wait3A_93] : memref<16x2048xf32, #tpu.memory_space<vmem>> -> memref<6x128xf32, #tpu.memory_space<vmem>>
        tpu.wait_dma2 semaphore(%run_scoped3A_66 : memref<!tpu.dma_semaphore, #tpu.memory_space<semaphore_mem>>) src(%dma_wait3A_94 : memref<6x128xf32, #tpu.memory_space<vmem>>) dst(%dma_wait3A_91 : memref<6x128xf32, #tpu.memory_space<hbm>>)
        tpu.yield
      }) : () -> ()
      %run_scoped3A_61 = arith.constant 11 : i32
      "tpu.region"() ({
        %run_scoped3A_66 = tpu.sem_alloc : memref<!tpu.dma_semaphore, #tpu.memory_space<semaphore_mem>>
        %dma_start3A_67 = arith.constant 0 : i32
        %dma_start3A_68 = arith.constant 1408 : i32
        %dma_start3A_69 = tpu.memref_slice %arg16[%dma_start3A_67, %dma_start3A_68] : memref<16x2048xf32, #tpu.memory_space<vmem>> -> memref<6x128xf32, #tpu.memory_space<vmem>>
        %dma_start3A_70 = arith.constant 3680 : i32
        %dma_start3A_71 = arith.constant 0 : i32
        %dma_start3A_72 = tpu.memref_slice %arg4[%dma_start3A_70, %run_scoped3A_61, %shift_right_logical3A_3, %dma_start3A_71] : memref<3686x16x4x128xf32, #tpu.memory_space<hbm>> -> memref<6x1x1x128xf32, #tpu.memory_space<hbm>>
        %dma_start3A_73 = tpu.memref_squeeze %dma_start3A_72 : memref<6x1x1x128xf32, #tpu.memory_space<hbm>> -> memref<6x128xf32, #tpu.memory_space<hbm>>
        %dma_start3A_74 = arith.constant 3680 : i32
        %dma_start3A_75 = arith.constant 0 : i32
        %dma_start3A_76 = tpu.memref_slice %arg4[%dma_start3A_74, %run_scoped3A_61, %shift_right_logical3A_3, %dma_start3A_75] : memref<3686x16x4x128xf32, #tpu.memory_space<hbm>> -> memref<6x1x1x128xf32, #tpu.memory_space<hbm>>
        %dma_start3A_77 = tpu.memref_squeeze %dma_start3A_76 : memref<6x1x1x128xf32, #tpu.memory_space<hbm>> -> memref<6x128xf32, #tpu.memory_space<hbm>>
        %dma_start3A_78 = arith.constant 0 : i32
        %dma_start3A_79 = arith.constant 1408 : i32
        %dma_start3A_80 = tpu.memref_slice %arg16[%dma_start3A_78, %dma_start3A_79] : memref<16x2048xf32, #tpu.memory_space<vmem>> -> memref<6x128xf32, #tpu.memory_space<vmem>>
        tpu.enqueue_dma source(%dma_start3A_80 : memref<6x128xf32, #tpu.memory_space<vmem>>) target(%dma_start3A_77 : memref<6x128xf32, #tpu.memory_space<hbm>>) target_semaphore(%run_scoped3A_66 : memref<!tpu.dma_semaphore, #tpu.memory_space<semaphore_mem>>)
        %dma_wait3A_81 = arith.constant 0 : i32
        %dma_wait3A_82 = arith.constant 1408 : i32
        %dma_wait3A_83 = tpu.memref_slice %arg16[%dma_wait3A_81, %dma_wait3A_82] : memref<16x2048xf32, #tpu.memory_space<vmem>> -> memref<6x128xf32, #tpu.memory_space<vmem>>
        %dma_wait3A_84 = arith.constant 3680 : i32
        %dma_wait3A_85 = arith.constant 0 : i32
        %dma_wait3A_86 = tpu.memref_slice %arg4[%dma_wait3A_84, %run_scoped3A_61, %shift_right_logical3A_3, %dma_wait3A_85] : memref<3686x16x4x128xf32, #tpu.memory_space<hbm>> -> memref<6x1x1x128xf32, #tpu.memory_space<hbm>>
        %dma_wait3A_87 = tpu.memref_squeeze %dma_wait3A_86 : memref<6x1x1x128xf32, #tpu.memory_space<hbm>> -> memref<6x128xf32, #tpu.memory_space<hbm>>
        %dma_wait3A_88 = arith.constant 3680 : i32
        %dma_wait3A_89 = arith.constant 0 : i32
        %dma_wait3A_90 = tpu.memref_slice %arg4[%dma_wait3A_88, %run_scoped3A_61, %shift_right_logical3A_3, %dma_wait3A_89] : memref<3686x16x4x128xf32, #tpu.memory_space<hbm>> -> memref<6x1x1x128xf32, #tpu.memory_space<hbm>>
        %dma_wait3A_91 = tpu.memref_squeeze %dma_wait3A_90 : memref<6x1x1x128xf32, #tpu.memory_space<hbm>> -> memref<6x128xf32, #tpu.memory_space<hbm>>
        %dma_wait3A_92 = arith.constant 0 : i32
        %dma_wait3A_93 = arith.constant 1408 : i32
        %dma_wait3A_94 = tpu.memref_slice %arg16[%dma_wait3A_92, %dma_wait3A_93] : memref<16x2048xf32, #tpu.memory_space<vmem>> -> memref<6x128xf32, #tpu.memory_space<vmem>>
        tpu.wait_dma2 semaphore(%run_scoped3A_66 : memref<!tpu.dma_semaphore, #tpu.memory_space<semaphore_mem>>) src(%dma_wait3A_94 : memref<6x128xf32, #tpu.memory_space<vmem>>) dst(%dma_wait3A_91 : memref<6x128xf32, #tpu.memory_space<hbm>>)
        tpu.yield
      }) : () -> ()
      %run_scoped3A_62 = arith.constant 12 : i32
      "tpu.region"() ({
        %run_scoped3A_66 = tpu.sem_alloc : memref<!tpu.dma_semaphore, #tpu.memory_space<semaphore_mem>>
        %dma_start3A_67 = arith.constant 0 : i32
        %dma_start3A_68 = arith.constant 1536 : i32
        %dma_start3A_69 = tpu.memref_slice %arg16[%dma_start3A_67, %dma_start3A_68] : memref<16x2048xf32, #tpu.memory_space<vmem>> -> memref<6x128xf32, #tpu.memory_space<vmem>>
        %dma_start3A_70 = arith.constant 3680 : i32
        %dma_start3A_71 = arith.constant 0 : i32
        %dma_start3A_72 = tpu.memref_slice %arg4[%dma_start3A_70, %run_scoped3A_62, %shift_right_logical3A_3, %dma_start3A_71] : memref<3686x16x4x128xf32, #tpu.memory_space<hbm>> -> memref<6x1x1x128xf32, #tpu.memory_space<hbm>>
        %dma_start3A_73 = tpu.memref_squeeze %dma_start3A_72 : memref<6x1x1x128xf32, #tpu.memory_space<hbm>> -> memref<6x128xf32, #tpu.memory_space<hbm>>
        %dma_start3A_74 = arith.constant 3680 : i32
        %dma_start3A_75 = arith.constant 0 : i32
        %dma_start3A_76 = tpu.memref_slice %arg4[%dma_start3A_74, %run_scoped3A_62, %shift_right_logical3A_3, %dma_start3A_75] : memref<3686x16x4x128xf32, #tpu.memory_space<hbm>> -> memref<6x1x1x128xf32, #tpu.memory_space<hbm>>
        %dma_start3A_77 = tpu.memref_squeeze %dma_start3A_76 : memref<6x1x1x128xf32, #tpu.memory_space<hbm>> -> memref<6x128xf32, #tpu.memory_space<hbm>>
        %dma_start3A_78 = arith.constant 0 : i32
        %dma_start3A_79 = arith.constant 1536 : i32
        %dma_start3A_80 = tpu.memref_slice %arg16[%dma_start3A_78, %dma_start3A_79] : memref<16x2048xf32, #tpu.memory_space<vmem>> -> memref<6x128xf32, #tpu.memory_space<vmem>>
        tpu.enqueue_dma source(%dma_start3A_80 : memref<6x128xf32, #tpu.memory_space<vmem>>) target(%dma_start3A_77 : memref<6x128xf32, #tpu.memory_space<hbm>>) target_semaphore(%run_scoped3A_66 : memref<!tpu.dma_semaphore, #tpu.memory_space<semaphore_mem>>)
        %dma_wait3A_81 = arith.constant 0 : i32
        %dma_wait3A_82 = arith.constant 1536 : i32
        %dma_wait3A_83 = tpu.memref_slice %arg16[%dma_wait3A_81, %dma_wait3A_82] : memref<16x2048xf32, #tpu.memory_space<vmem>> -> memref<6x128xf32, #tpu.memory_space<vmem>>
        %dma_wait3A_84 = arith.constant 3680 : i32
        %dma_wait3A_85 = arith.constant 0 : i32
        %dma_wait3A_86 = tpu.memref_slice %arg4[%dma_wait3A_84, %run_scoped3A_62, %shift_right_logical3A_3, %dma_wait3A_85] : memref<3686x16x4x128xf32, #tpu.memory_space<hbm>> -> memref<6x1x1x128xf32, #tpu.memory_space<hbm>>
        %dma_wait3A_87 = tpu.memref_squeeze %dma_wait3A_86 : memref<6x1x1x128xf32, #tpu.memory_space<hbm>> -> memref<6x128xf32, #tpu.memory_space<hbm>>
        %dma_wait3A_88 = arith.constant 3680 : i32
        %dma_wait3A_89 = arith.constant 0 : i32
        %dma_wait3A_90 = tpu.memref_slice %arg4[%dma_wait3A_88, %run_scoped3A_62, %shift_right_logical3A_3, %dma_wait3A_89] : memref<3686x16x4x128xf32, #tpu.memory_space<hbm>> -> memref<6x1x1x128xf32, #tpu.memory_space<hbm>>
        %dma_wait3A_91 = tpu.memref_squeeze %dma_wait3A_90 : memref<6x1x1x128xf32, #tpu.memory_space<hbm>> -> memref<6x128xf32, #tpu.memory_space<hbm>>
        %dma_wait3A_92 = arith.constant 0 : i32
        %dma_wait3A_93 = arith.constant 1536 : i32
        %dma_wait3A_94 = tpu.memref_slice %arg16[%dma_wait3A_92, %dma_wait3A_93] : memref<16x2048xf32, #tpu.memory_space<vmem>> -> memref<6x128xf32, #tpu.memory_space<vmem>>
        tpu.wait_dma2 semaphore(%run_scoped3A_66 : memref<!tpu.dma_semaphore, #tpu.memory_space<semaphore_mem>>) src(%dma_wait3A_94 : memref<6x128xf32, #tpu.memory_space<vmem>>) dst(%dma_wait3A_91 : memref<6x128xf32, #tpu.memory_space<hbm>>)
        tpu.yield
      }) : () -> ()
      %run_scoped3A_63 = arith.constant 13 : i32
      "tpu.region"() ({
        %run_scoped3A_66 = tpu.sem_alloc : memref<!tpu.dma_semaphore, #tpu.memory_space<semaphore_mem>>
        %dma_start3A_67 = arith.constant 0 : i32
        %dma_start3A_68 = arith.constant 1664 : i32
        %dma_start3A_69 = tpu.memref_slice %arg16[%dma_start3A_67, %dma_start3A_68] : memref<16x2048xf32, #tpu.memory_space<vmem>> -> memref<6x128xf32, #tpu.memory_space<vmem>>
        %dma_start3A_70 = arith.constant 3680 : i32
        %dma_start3A_71 = arith.constant 0 : i32
        %dma_start3A_72 = tpu.memref_slice %arg4[%dma_start3A_70, %run_scoped3A_63, %shift_right_logical3A_3, %dma_start3A_71] : memref<3686x16x4x128xf32, #tpu.memory_space<hbm>> -> memref<6x1x1x128xf32, #tpu.memory_space<hbm>>
        %dma_start3A_73 = tpu.memref_squeeze %dma_start3A_72 : memref<6x1x1x128xf32, #tpu.memory_space<hbm>> -> memref<6x128xf32, #tpu.memory_space<hbm>>
        %dma_start3A_74 = arith.constant 3680 : i32
        %dma_start3A_75 = arith.constant 0 : i32
        %dma_start3A_76 = tpu.memref_slice %arg4[%dma_start3A_74, %run_scoped3A_63, %shift_right_logical3A_3, %dma_start3A_75] : memref<3686x16x4x128xf32, #tpu.memory_space<hbm>> -> memref<6x1x1x128xf32, #tpu.memory_space<hbm>>
        %dma_start3A_77 = tpu.memref_squeeze %dma_start3A_76 : memref<6x1x1x128xf32, #tpu.memory_space<hbm>> -> memref<6x128xf32, #tpu.memory_space<hbm>>
        %dma_start3A_78 = arith.constant 0 : i32
        %dma_start3A_79 = arith.constant 1664 : i32
        %dma_start3A_80 = tpu.memref_slice %arg16[%dma_start3A_78, %dma_start3A_79] : memref<16x2048xf32, #tpu.memory_space<vmem>> -> memref<6x128xf32, #tpu.memory_space<vmem>>
        tpu.enqueue_dma source(%dma_start3A_80 : memref<6x128xf32, #tpu.memory_space<vmem>>) target(%dma_start3A_77 : memref<6x128xf32, #tpu.memory_space<hbm>>) target_semaphore(%run_scoped3A_66 : memref<!tpu.dma_semaphore, #tpu.memory_space<semaphore_mem>>)
        %dma_wait3A_81 = arith.constant 0 : i32
        %dma_wait3A_82 = arith.constant 1664 : i32
        %dma_wait3A_83 = tpu.memref_slice %arg16[%dma_wait3A_81, %dma_wait3A_82] : memref<16x2048xf32, #tpu.memory_space<vmem>> -> memref<6x128xf32, #tpu.memory_space<vmem>>
        %dma_wait3A_84 = arith.constant 3680 : i32
        %dma_wait3A_85 = arith.constant 0 : i32
        %dma_wait3A_86 = tpu.memref_slice %arg4[%dma_wait3A_84, %run_scoped3A_63, %shift_right_logical3A_3, %dma_wait3A_85] : memref<3686x16x4x128xf32, #tpu.memory_space<hbm>> -> memref<6x1x1x128xf32, #tpu.memory_space<hbm>>
        %dma_wait3A_87 = tpu.memref_squeeze %dma_wait3A_86 : memref<6x1x1x128xf32, #tpu.memory_space<hbm>> -> memref<6x128xf32, #tpu.memory_space<hbm>>
        %dma_wait3A_88 = arith.constant 3680 : i32
        %dma_wait3A_89 = arith.constant 0 : i32
        %dma_wait3A_90 = tpu.memref_slice %arg4[%dma_wait3A_88, %run_scoped3A_63, %shift_right_logical3A_3, %dma_wait3A_89] : memref<3686x16x4x128xf32, #tpu.memory_space<hbm>> -> memref<6x1x1x128xf32, #tpu.memory_space<hbm>>
        %dma_wait3A_91 = tpu.memref_squeeze %dma_wait3A_90 : memref<6x1x1x128xf32, #tpu.memory_space<hbm>> -> memref<6x128xf32, #tpu.memory_space<hbm>>
        %dma_wait3A_92 = arith.constant 0 : i32
        %dma_wait3A_93 = arith.constant 1664 : i32
        %dma_wait3A_94 = tpu.memref_slice %arg16[%dma_wait3A_92, %dma_wait3A_93] : memref<16x2048xf32, #tpu.memory_space<vmem>> -> memref<6x128xf32, #tpu.memory_space<vmem>>
        tpu.wait_dma2 semaphore(%run_scoped3A_66 : memref<!tpu.dma_semaphore, #tpu.memory_space<semaphore_mem>>) src(%dma_wait3A_94 : memref<6x128xf32, #tpu.memory_space<vmem>>) dst(%dma_wait3A_91 : memref<6x128xf32, #tpu.memory_space<hbm>>)
        tpu.yield
      }) : () -> ()
      %run_scoped3A_64 = arith.constant 14 : i32
      "tpu.region"() ({
        %run_scoped3A_66 = tpu.sem_alloc : memref<!tpu.dma_semaphore, #tpu.memory_space<semaphore_mem>>
        %dma_start3A_67 = arith.constant 0 : i32
        %dma_start3A_68 = arith.constant 1792 : i32
        %dma_start3A_69 = tpu.memref_slice %arg16[%dma_start3A_67, %dma_start3A_68] : memref<16x2048xf32, #tpu.memory_space<vmem>> -> memref<6x128xf32, #tpu.memory_space<vmem>>
        %dma_start3A_70 = arith.constant 3680 : i32
        %dma_start3A_71 = arith.constant 0 : i32
        %dma_start3A_72 = tpu.memref_slice %arg4[%dma_start3A_70, %run_scoped3A_64, %shift_right_logical3A_3, %dma_start3A_71] : memref<3686x16x4x128xf32, #tpu.memory_space<hbm>> -> memref<6x1x1x128xf32, #tpu.memory_space<hbm>>
        %dma_start3A_73 = tpu.memref_squeeze %dma_start3A_72 : memref<6x1x1x128xf32, #tpu.memory_space<hbm>> -> memref<6x128xf32, #tpu.memory_space<hbm>>
        %dma_start3A_74 = arith.constant 3680 : i32
        %dma_start3A_75 = arith.constant 0 : i32
        %dma_start3A_76 = tpu.memref_slice %arg4[%dma_start3A_74, %run_scoped3A_64, %shift_right_logical3A_3, %dma_start3A_75] : memref<3686x16x4x128xf32, #tpu.memory_space<hbm>> -> memref<6x1x1x128xf32, #tpu.memory_space<hbm>>
        %dma_start3A_77 = tpu.memref_squeeze %dma_start3A_76 : memref<6x1x1x128xf32, #tpu.memory_space<hbm>> -> memref<6x128xf32, #tpu.memory_space<hbm>>
        %dma_start3A_78 = arith.constant 0 : i32
        %dma_start3A_79 = arith.constant 1792 : i32
        %dma_start3A_80 = tpu.memref_slice %arg16[%dma_start3A_78, %dma_start3A_79] : memref<16x2048xf32, #tpu.memory_space<vmem>> -> memref<6x128xf32, #tpu.memory_space<vmem>>
        tpu.enqueue_dma source(%dma_start3A_80 : memref<6x128xf32, #tpu.memory_space<vmem>>) target(%dma_start3A_77 : memref<6x128xf32, #tpu.memory_space<hbm>>) target_semaphore(%run_scoped3A_66 : memref<!tpu.dma_semaphore, #tpu.memory_space<semaphore_mem>>)
        %dma_wait3A_81 = arith.constant 0 : i32
        %dma_wait3A_82 = arith.constant 1792 : i32
        %dma_wait3A_83 = tpu.memref_slice %arg16[%dma_wait3A_81, %dma_wait3A_82] : memref<16x2048xf32, #tpu.memory_space<vmem>> -> memref<6x128xf32, #tpu.memory_space<vmem>>
        %dma_wait3A_84 = arith.constant 3680 : i32
        %dma_wait3A_85 = arith.constant 0 : i32
        %dma_wait3A_86 = tpu.memref_slice %arg4[%dma_wait3A_84, %run_scoped3A_64, %shift_right_logical3A_3, %dma_wait3A_85] : memref<3686x16x4x128xf32, #tpu.memory_space<hbm>> -> memref<6x1x1x128xf32, #tpu.memory_space<hbm>>
        %dma_wait3A_87 = tpu.memref_squeeze %dma_wait3A_86 : memref<6x1x1x128xf32, #tpu.memory_space<hbm>> -> memref<6x128xf32, #tpu.memory_space<hbm>>
        %dma_wait3A_88 = arith.constant 3680 : i32
        %dma_wait3A_89 = arith.constant 0 : i32
        %dma_wait3A_90 = tpu.memref_slice %arg4[%dma_wait3A_88, %run_scoped3A_64, %shift_right_logical3A_3, %dma_wait3A_89] : memref<3686x16x4x128xf32, #tpu.memory_space<hbm>> -> memref<6x1x1x128xf32, #tpu.memory_space<hbm>>
        %dma_wait3A_91 = tpu.memref_squeeze %dma_wait3A_90 : memref<6x1x1x128xf32, #tpu.memory_space<hbm>> -> memref<6x128xf32, #tpu.memory_space<hbm>>
        %dma_wait3A_92 = arith.constant 0 : i32
        %dma_wait3A_93 = arith.constant 1792 : i32
        %dma_wait3A_94 = tpu.memref_slice %arg16[%dma_wait3A_92, %dma_wait3A_93] : memref<16x2048xf32, #tpu.memory_space<vmem>> -> memref<6x128xf32, #tpu.memory_space<vmem>>
        tpu.wait_dma2 semaphore(%run_scoped3A_66 : memref<!tpu.dma_semaphore, #tpu.memory_space<semaphore_mem>>) src(%dma_wait3A_94 : memref<6x128xf32, #tpu.memory_space<vmem>>) dst(%dma_wait3A_91 : memref<6x128xf32, #tpu.memory_space<hbm>>)
        tpu.yield
      }) : () -> ()
      %run_scoped3A_65 = arith.constant 15 : i32
      "tpu.region"() ({
        %run_scoped3A_66 = tpu.sem_alloc : memref<!tpu.dma_semaphore, #tpu.memory_space<semaphore_mem>>
        %dma_start3A_67 = arith.constant 0 : i32
        %dma_start3A_68 = arith.constant 1920 : i32
        %dma_start3A_69 = tpu.memref_slice %arg16[%dma_start3A_67, %dma_start3A_68] : memref<16x2048xf32, #tpu.memory_space<vmem>> -> memref<6x128xf32, #tpu.memory_space<vmem>>
        %dma_start3A_70 = arith.constant 3680 : i32
        %dma_start3A_71 = arith.constant 0 : i32
        %dma_start3A_72 = tpu.memref_slice %arg4[%dma_start3A_70, %run_scoped3A_65, %shift_right_logical3A_3, %dma_start3A_71] : memref<3686x16x4x128xf32, #tpu.memory_space<hbm>> -> memref<6x1x1x128xf32, #tpu.memory_space<hbm>>
        %dma_start3A_73 = tpu.memref_squeeze %dma_start3A_72 : memref<6x1x1x128xf32, #tpu.memory_space<hbm>> -> memref<6x128xf32, #tpu.memory_space<hbm>>
        %dma_start3A_74 = arith.constant 3680 : i32
        %dma_start3A_75 = arith.constant 0 : i32
        %dma_start3A_76 = tpu.memref_slice %arg4[%dma_start3A_74, %run_scoped3A_65, %shift_right_logical3A_3, %dma_start3A_75] : memref<3686x16x4x128xf32, #tpu.memory_space<hbm>> -> memref<6x1x1x128xf32, #tpu.memory_space<hbm>>
        %dma_start3A_77 = tpu.memref_squeeze %dma_start3A_76 : memref<6x1x1x128xf32, #tpu.memory_space<hbm>> -> memref<6x128xf32, #tpu.memory_space<hbm>>
        %dma_start3A_78 = arith.constant 0 : i32
        %dma_start3A_79 = arith.constant 1920 : i32
        %dma_start3A_80 = tpu.memref_slice %arg16[%dma_start3A_78, %dma_start3A_79] : memref<16x2048xf32, #tpu.memory_space<vmem>> -> memref<6x128xf32, #tpu.memory_space<vmem>>
        tpu.enqueue_dma source(%dma_start3A_80 : memref<6x128xf32, #tpu.memory_space<vmem>>) target(%dma_start3A_77 : memref<6x128xf32, #tpu.memory_space<hbm>>) target_semaphore(%run_scoped3A_66 : memref<!tpu.dma_semaphore, #tpu.memory_space<semaphore_mem>>)
        %dma_wait3A_81 = arith.constant 0 : i32
        %dma_wait3A_82 = arith.constant 1920 : i32
        %dma_wait3A_83 = tpu.memref_slice %arg16[%dma_wait3A_81, %dma_wait3A_82] : memref<16x2048xf32, #tpu.memory_space<vmem>> -> memref<6x128xf32, #tpu.memory_space<vmem>>
        %dma_wait3A_84 = arith.constant 3680 : i32
        %dma_wait3A_85 = arith.constant 0 : i32
        %dma_wait3A_86 = tpu.memref_slice %arg4[%dma_wait3A_84, %run_scoped3A_65, %shift_right_logical3A_3, %dma_wait3A_85] : memref<3686x16x4x128xf32, #tpu.memory_space<hbm>> -> memref<6x1x1x128xf32, #tpu.memory_space<hbm>>
        %dma_wait3A_87 = tpu.memref_squeeze %dma_wait3A_86 : memref<6x1x1x128xf32, #tpu.memory_space<hbm>> -> memref<6x128xf32, #tpu.memory_space<hbm>>
        %dma_wait3A_88 = arith.constant 3680 : i32
        %dma_wait3A_89 = arith.constant 0 : i32
        %dma_wait3A_90 = tpu.memref_slice %arg4[%dma_wait3A_88, %run_scoped3A_65, %shift_right_logical3A_3, %dma_wait3A_89] : memref<3686x16x4x128xf32, #tpu.memory_space<hbm>> -> memref<6x1x1x128xf32, #tpu.memory_space<hbm>>
        %dma_wait3A_91 = tpu.memref_squeeze %dma_wait3A_90 : memref<6x1x1x128xf32, #tpu.memory_space<hbm>> -> memref<6x128xf32, #tpu.memory_space<hbm>>
        %dma_wait3A_92 = arith.constant 0 : i32
        %dma_wait3A_93 = arith.constant 1920 : i32
        %dma_wait3A_94 = tpu.memref_slice %arg16[%dma_wait3A_92, %dma_wait3A_93] : memref<16x2048xf32, #tpu.memory_space<vmem>> -> memref<6x128xf32, #tpu.memory_space<vmem>>
        tpu.wait_dma2 semaphore(%run_scoped3A_66 : memref<!tpu.dma_semaphore, #tpu.memory_space<semaphore_mem>>) src(%dma_wait3A_94 : memref<6x128xf32, #tpu.memory_space<vmem>>) dst(%dma_wait3A_91 : memref<6x128xf32, #tpu.memory_space<hbm>>)
        tpu.yield
      }) : () -> ()
    } else {
    }
    return
  }
}

</mosaic_0001>

<sc_bundles>
// kernel: kernel.3.cloned.1.call-start
scs
__scs_entry_jumppad:
0x0: {  	(pc) =	sbr.rel $0x88, $3  }
0x1: {  	(tag) =	ssettag $0x0;
	lr =	simm.s32 $0x1  }
0x2: {  	[smem:$0x3F9F] =	sst lr;
	_ =	strace $0xD0000000  }
0x3: {  	_ = 	snop  }
0x4: {  	_ = 	snop  }
0x5: {  	_ = 	snop  }
0x6: {  	_ = 	snop  }
0x7: {  	_ = 	snop  }
__scs_overlays_trampoline_lowered:
0x8: {  	[smem:$0x3FAE] =	sst s0  }
0x9: {  	[smem:$0x3FAF] =	sst s1  }
0xa: {  	[smem:$0x3FB0] =	sst s2  }
0xb: {  	[smem:$0x3FB1] =	sst s3  }
0xc: {  	[smem:$0x3FB2] =	sst s4  }
0xd: {  	[smem:$0x3FB3] =	sst s5  }
0xe: {  	[smem:$0x3FB4] =	sst s6  }
0xf: {  	[smem:$0x3FB5] =	sst s7  }
0x10: {  	[smem:$0x3FB6] =	sst s8  }
0x11: {  	[smem:$0x3FB7] =	sst s9;
	s0 =	simm.s32 @!p0 $0x0  }
0x12: {  	s1 =	sld [smem:$0x3F9D];
	s0 =	simm.s32 @p0 $0x1  }
0x13: {  	[smem:$0x3FB8] =	sst s0;
	s0 =	simm.s32 @!p1 $0x0  }
0x14: {  	s2 =	sld [smem:$0x3F9C];
	s0 =	simm.s32 @p1 $0x1  }
0x15: {  	[smem:$0x3FB9] =	sst s0;
	s0 =	simm.s32 @!p2 $0x0  }
0x16: {  	s3 =	sld [smem:$0x3FDB];
	s0 =	simm.s32 @p2 $0x1  }
0x17: {  	s4 =	simm.s32 $0x1BF5;
	[smem:$0x3FBB] =	sst s0  }
0x18: {  	s0 =	sld [smem:$0x3F9E];
	_ =	swait.ge [sflag:s4], $0x0  }
0x19: {  	s7 =	sld [smem:$0x3F9F]  }
0x1a: {  	s8 =	sadd.s32 $0xFFFFE003, lr  }
0x1b: {  	s9 =	sadd.s32 $0xFFFFFEF7, lr;
	s5 =	simm.s32 $0xFFFFFFFF;
	p2 =	slt.u32 s8, $0xFFFFF086  }
0x1c: {  	p1 =	slt.u32 s9, $0xF7A;
	s5 =	simm.s32 @!p2 $0x0  }
0x1d: {  	s5 =	simm.s32 @p1 $0x1;
	p0 =	seq.s32 s7, s2  }
0x1e: {  	s7 =	smul.u32 @!p0 $0xF7A, s2;
	p2 =	seq.s32 @!p0 s5, $0x0  }
0x1f: {  	s9 =	smul.u32 $0xF7A, s1;
	s8 =	simm.s32 @!p0 $0x1BF5;
	p2 =	por !p2, p0  }
0x20: {  	[sflag:s8] =	ssyncset.s32 @!p0 $0xFFFFF086;
	s6 =	sadd.s32 @!p0 s3, s7;
	s7 =	simm.s32 @!p0 $0x108  }
0x21: {  	s3 =	sadd.s32 s3, s9;
	s6 =	sadd.s32 @!p0 $0x88, s6;
	s7 =	simm.s32 @p2 $0x1082  }
0x22: {  	[simem:s7], [sflag:s8] =	dma.local @!p0 [hbm:s6], $0xF7A  }
0x23: {  	s9 =	sor.u32 $0xD0000000, s2;
	s6 =	simm.s32 $0x108;
	_ =	swait.ge @!p0 [sflag:s8], $0x0  }
0x24: {  	s3 =	sadd.s32 $0x88, s3;
	s6 =	simm.s32 @!p1 $0x1082;
	[sflag:s4] =	ssyncset.s32 $0xFFFFF086  }
0x25: {  	[simem:s6], [sflag:s4] =	dma.local [hbm:s3], $0xF7A  }
0x26: {  	[smem:$0x3F9F] =	sst s1;
	(tag) =	ssettag s2;
	_ =	strace s9  }
0x27: {  	s1 =	sld [smem:$0x3FAF]  }
0x28: {  	s2 =	sld [smem:$0x3FB0]  }
0x29: {  	s4 =	sld [smem:$0x3FB2]  }
0x2a: {  	p0 =	seq.s32 s5, $0x0;
	s5 =	sld [smem:$0x3FB3]  }
0x2b: {  	s6 =	sld [smem:$0x3FB4]  }
0x2c: {  	s7 =	sld [smem:$0x3FB5]  }
0x2d: {  	s3 =	simm.s32 $0x108;
	s8 =	sld [smem:$0x3FB6]  }
0x2e: {  	s3 =	simm.s32 @!p0 $0x1082;
	s9 =	sld [smem:$0x3FB7]  }
0x2f: {  	lr =	sadd.s32 s0, s3;
	s0 =	sld [smem:$0x3FAE]  }
0x30: {  	s3 =	sld [smem:$0x3FB1]  }
0x31: {  	[smem:$0x3FBA] =	sst s10  }
0x32: {  	s10 =	sld [smem:$0x3FB8];
	_ =	sdelay $0x3  }
0x33: {  	p0 =	seq.s32 s10, $0x1;
	s10 =	sld [smem:$0x3FBA];
	_ =	sdelay $0x3  }
0x34: {  	[smem:$0x3FBA] =	sst s10  }
0x35: {  	s10 =	sld [smem:$0x3FB9];
	_ =	sdelay $0x3  }
0x36: {  	p1 =	seq.s32 s10, $0x1;
	s10 =	sld [smem:$0x3FBA];
	_ =	sdelay $0x3  }
0x37: {  	[smem:$0x3FBA] =	sst s10  }
0x38: {  	s10 =	sld [smem:$0x3FBB]  }
0x39: {  	_ = 	snop;
	(pc) =	sbr.ind lr, $3  }
0x3a: {  	_ = 	snop  }
0x3b: {  	_ = 	snop  }
0x3c: {  	p2 =	seq.s32 s10, $0x1;
	s10 =	sld [smem:$0x3FBA]  }
0x3d: {  	_ =	shalt  }
0x3e: {  	_ =	shalt  }
0x3f: {  	_ =	shalt  }
0x40: {  	_ =	shalt  }
0x41: {  	_ =	shalt  }
0x42: {  	_ =	shalt  }
0x43: {  	_ =	shalt  }
0x44: {  	_ =	shalt  }
0x45: {  	_ =	shalt  }
0x46: {  	_ =	shalt  }
0x47: {  	_ =	shalt  }
0x48: {  	_ =	shalt  }
0x49: {  	_ =	shalt  }
0x4a: {  	_ =	shalt  }
0x4b: {  	_ =	shalt  }
0x4c: {  	_ =	shalt  }
0x4d: {  	_ =	shalt  }
0x4e: {  	_ =	shalt  }
0x4f: {  	_ =	shalt  }
0x50: {  	_ =	shalt  }
0x51: {  	_ =	shalt  }
0x52: {  	_ =	shalt  }
0x53: {  	_ =	shalt  }
0x54: {  	_ =	shalt  }
0x55: {  	_ =	shalt  }
0x56: {  	_ =	shalt  }
0x57: {  	_ =	shalt  }
0x58: {  	_ =	shalt  }
0x59: {  	_ =	shalt  }
0x5a: {  	_ =	shalt  }
0x5b: {  	_ =	shalt  }
0x5c: {  	_ =	shalt  }
0x5d: {  	_ =	shalt  }
0x5e: {  	_ =	shalt  }
0x5f: {  	_ =	shalt  }
0x60: {  	_ =	shalt  }
0x61: {  	_ =	shalt  }
0x62: {  	_ =	shalt  }
0x63: {  	_ =	shalt  }
0x64: {  	_ =	shalt  }
0x65: {  	_ =	shalt  }
0x66: {  	_ =	shalt  }
0x67: {  	_ =	shalt  }
0x68: {  	_ =	shalt  }
0x69: {  	_ =	shalt  }
0x6a: {  	_ =	shalt  }
0x6b: {  	_ =	shalt  }
0x6c: {  	_ =	shalt  }
0x6d: {  	_ =	shalt  }
0x6e: {  	_ =	shalt  }
0x6f: {  	_ =	shalt  }
0x70: {  	_ =	shalt  }
0x71: {  	_ =	shalt  }
0x72: {  	_ =	shalt  }
0x73: {  	_ =	shalt  }
0x74: {  	_ =	shalt  }
0x75: {  	_ =	shalt  }
0x76: {  	_ =	shalt  }
0x77: {  	_ =	shalt  }
0x78: {  	_ =	shalt  }
0x79: {  	_ =	shalt  }
0x7a: {  	_ =	shalt  }
0x7b: {  	_ =	shalt  }
0x7c: {  	_ =	shalt  }
0x7d: {  	_ =	shalt  }
0x7e: {  	_ =	shalt  }
0x7f: {  	_ =	shalt  }
0x80: {  	_ =	shalt  }
0x81: {  	_ =	shalt  }
0x82: {  	_ =	shalt  }
0x83: {  	_ =	shalt  }
0x84: {  	_ =	shalt  }
0x85: {  	_ =	shalt  }
0x86: {  	_ =	shalt  }
0x87: {  	_ =	shalt  }
.Lfunc_end0:
.L_simem_size_0:
called_computation_lowered:
.L_overlay_start_0:
0x88: {  	s2 =	sld [smem:$0x3FD9]  }
0x89: {  	s3 =	sld [smem:$0x3FFE];
	_ =	sdelay $0x1  }
0x8a: {  	s1 =	srdreg.scid  }
0x8b: {  	s0 =	sand.u32 $0x1, s1  }
0x8c: {  	s17 =	sshll.u32 s0, $0xA;
	s2 =	sadd.s32 s3, s2  }
0x8d: {  	s2 =	sadd.s32 s2, s17  }
0x8e: {  	[smem:$0x3FC6] =	sst s2  }
0x8f: {  	_ = 	snop  }
0x90: {  	s2 =	sld [smem:$0x3FC9]  }
0x91: {  	s18 =	sld [smem:$0x3FD0];
	(tm) =	ssettm $0x1  }
0x92: {  	s4 =	sld [smem:$0x3FFB];
	_ =	sdelay $0x3  }
0x93: {  	_ =	strace s4  }
0x94: {  	s4 =	sld [smem:$0x3FFC];
	_ =	sdelay $0x3  }
0x95: {  	_ =	strace s4  }
0x96: {  	s4 =	sld [smem:$0x3FFD];
	_ =	sdelay $0x3  }
0x97: {  	_ =	strace s4  }
0x98: {  	_ =	strace $0x8FFFFFFF  }
0x99: {  	s19 =	sld [smem:$0x3FDB];
	_ =	sdelay $0x1  }
0x9a: {  	s5 =	simm.s32 $_scs_section_size  }
0x9b: {  	s6 =	simm.s32 $_size__tile_overlayer_lowered;
	s7 =	simm.s32 $_tile_overlayer_lowered  }
0x9c: {  	s22 =	simm.s32 $0x1BFF;
	s21 =	sshll.u32 s7, $0x1;
	s4 =	sadd.s32 s5, s19  }
0x9d: {  	s8 =	simm.s32 $0x0;
	s20 =	sshll.u32 s6, $0x1;
	s6 =	sadd.s32 s21, s4  }
0x9e: {  	[timem:s8], [sflag:s22] =	dma.local [hbm:s6], s20  }
0x9f: {  	_ =	swait.ge [sflag:s22], s20  }
0xa0: {  	s5 =	ssub.s32 $0x0, s20;
	[sflag:s22] =	ssyncset.done $0x0  }
0xa1: {  	[sflag:s22] =	ssyncadd.s32 s5;
	_ =	sdelay $0x1  }
0xa2: {  	s23 =	simm.s32 $0x1B8B  }
0xa3: {  	_ =	swait.ge [sflag:s23], $0x1  }
0xa4: {  	[sflag:s23] =	ssyncset.done $0x0  }
0xa5: {  	s25 =	simm.s32 $0x1B8E;
	s24 =	sld [smem:$0x3FFE];
	[sflag:s23] =	ssyncadd.s32 $0xFFFFFFFF  }
0xa6: {  	s26 =	simm.s32 $execute0_lowered;
	[smem:$0x3FD2] =	sst s25  }
0xa7: {  	s6 =	sshll.u32 s26, $0x1;
	_ =	strace $0x80000046;
	[dreg:$0x1] =	wrdreg $0xFFFFFFFF  }
0xa8: {  	s28 =	simm.s32 $_size_execute0_lowered;
	s4 =	sadd.s32 s4, s6;
	[dreg:$0x0] =	wrdreg $0x0  }
0xa9: {  	s6 =	sshll.u32 s28, $0x1;
	[dreg:$0x2] =	wrdreg s4  }
0xaa: {  	[dreg:$0x3] =	wrdreg s6  }
0xab: {  	[dreg:$0x4] =	wrdreg $0xC0  }
0xac: {  	_ =	task [dreg:s8], $0x5FFFF  }
0xad: {  	[dreg:$0x1] =	wrdreg $0xFFFFFFFF  }
0xae: {  	[dreg:$0x0] =	wrdreg $0x60  }
0xaf: {  	[dreg:$0x2] =	wrdreg s2  }
0xb0: {  	[dreg:$0x3] =	wrdreg s24  }
0xb1: {  	[dreg:$0x4] =	wrdreg s18  }
0xb2: {  	[dreg:$0x5] =	wrdreg $0x70800  }
0xb3: {  	[dreg:$0x6] =	wrdreg $0x9  }
0xb4: {  	_ =	task.clear_ibuf [dreg:s8], $0x7FFFF;
	_ =	strace $0x90000046  }
0xb5: {  	s29 =	simm.s32 $0x9;
	_ =	strace $0x80000048  }
0xb6: {  	_ =	swait.ge [sflag:s29], $0x1  }
0xb7: {  	[sflag:s29] =	ssyncadd.s32 $0xFFFFFFFF  }
0xb8: {  	_ =	strace $0x90000048  }
0xb9: {  	_ =	sfence  }
0xba: {  	s30 =	sld [smem:$0x0];
	_ =	sdelay $0x2  }
0xbb: {  	s31 =	sshll.u32 s1, $0xD;
	s1 =	sshrl.u32 s1, $0x2  }
0xbc: {  	s3 =	sand.u32 $0x4000, s31;
	s1 =	sadd.s32 s1, s30  }
0xbd: {  	s0 =	sor.u32 s3, s0;
	s1 =	sshll.u32 s1, $0x11  }
0xbe: {  	s0 =	sor.u32 s1, s0  }
0xbf: {  	s0 =	sadd.s32 $0x8F2B, s0  }
0xc0: {  	[sflag:s0] =	ssyncadd.remote.s32 $0x1  }
0xc1: {  	_ =	sfence.sel $0xFFFF  }
0xc2: {  	[dreg:$0x0] =	wrdreg $0xFFFFFFFF;
	(pc) =	sbr.abs _section_cstart, $3  }
0xc3: {  	[dreg:$0x1] =	wrdreg $0xFFFFFFFF  }
0xc4: {  	_ =	task.clear_ibuf [dreg:s8], $0x2FFFF;
	_ =	strace $0x9FFFFFFF  }
0xc5: {  	(tm) =	ssettm $0x7FFFFFFF  }
tec
execute0_lowered:
.L_overlay_start_1:
0x0: {  	(tag) =	ssettag $0x1  }
0x1: {  	s0 =	rddreg [dreg:$0x0]  }
0x2: {  	s1 =	rddreg [dreg:$0x1]  }
0x3: {  	s3 =	rddreg [dreg:$0x2]  }
0x4: {  	s4 =	rddreg [dreg:$0x3]  }
0x5: {  	s16 =	stileid.u32;
	s2 =	simm.s32 $0x0;
	s5 =	srdreg.scid  }
0x6: {  	s30 =	simm.s32 $0x1000;
	s31 =	simm.s32 $0x6080;
	s28 =	simm.s32 $0x2000  }
0x7: {  	s29 =	simm.s32 $0x9180;
	s6 =	sshll.u32 s16, $0x1;
	[smem:$0x7FF] =	sst s2  }
0x8: {  	s7 =	sand.u32 $0x1, s5;
	s19 =	sshll.u32 s16, $0x9;
	s22 =	sshll.u32 s16, $0xC  }
0x9: {  	s23 =	sshrl.u32 s16, $0x2;
	s11 =	sand.u32 $0x3, s16;
	p4 =	sgt.u32 s16, $0x3  }
0xa: {  	s16 =	simm.s32 $0x14580;
	s18 =	sand.u32 $0x6, s6;
	s8 =	ssub.s32 $0x2, s7  }
0xb: {  	s1 =	sadd.s32 s19, s1;
	_ =	strace $0x80000047;
	s17 =	smul.u32 $0xE8000, s11  }
0xc: {  	s25 =	sshll.u32 s23, $0xC;
	s26 =	sshll.u32 s23, $0x4;
	s19 =	smul.u32 $0x74000, s7  }
0xd: {  	s9 =	sor.u32 s7, s18;
	s20 =	sshrl.u32 s8, $0x1;
	s1 =	sadd.s32 $0x400, s1  }
0xe: {  	s6 =	sadd.s32 s26, s3;
	[dreg:$0x5] =	wrdreg s1;
	s1 =	sadd.s32 s22, s4  }
0xf: {  	s21 =	smul.u32 $0x1D, s9;
	s13 =	sadd.s32 $0x398040, s6;
	[dreg:$0x6] =	wrdreg s1  }
0x10: {  	s10 =	ssub.s32 s8, s20;
	s18 =	sadd.s32 $0x398080, s6;
	[dreg:$0x8] =	wrdreg s13  }
0x11: {  	s12 =	smul.u32 $0x1D0, s9;
	s14 =	sadd.s32 $0x398000, s6;
	[dreg:$0x9] =	wrdreg s18  }
0x12: {  	s8 =	sshll.u32 s23, $0x14;
	s20 =	sadd.s32 $0x3980C0, s6;
	[dreg:$0xa] =	wrdreg s14  }
0x13: {  	s15 =	sadd.s32 $0x398100, s6;
	s3 =	sadd.s32 s17, s3;
	[dreg:$0xb] =	wrdreg s20  }
0x14: {  	s22 =	smul.u32 $0x1D, s7;
	s23 =	sadd.s32 $0x398140, s6;
	[dreg:$0xc] =	wrdreg s15  }
0x15: {  	s17 =	sadd.s32 $0x398200, s6;
	p0 =	sne.s32 s9, $0x7;
	[dreg:$0xd] =	wrdreg s23  }
0x16: {  	s9 =	simm.s32 $0xBD80;
	s1 =	sadd.s32 s25, s4;
	[dreg:$0x10] =	wrdreg s17  }
0x17: {  	s8 =	sadd.s32 s0, s8;
	s25 =	sadd.s32 $0x398180, s6;
	[dreg:$0x7] =	wrdreg s1  }
0x18: {  	s0 =	sadd.s32 s19, s3;
	s18 =	sadd.s32 $0x398240, s6;
	[dreg:$0xe] =	wrdreg s25  }
0x19: {  	s19 =	sadd.s32 $0x398280, s6;
	s20 =	sadd.s32 $0x3982C0, s6;
	[dreg:$0x12] =	wrdreg s18  }
0x1a: {  	s23 =	sadd.s32 $0x398380, s6;
	s3 =	simm.s32 $0x2080;
	[dreg:$0x13] =	wrdreg s19  }
0x1b: {  	s4 =	simm.s32 $0x4080;
	s24 =	smin.u32 s21, $0xC9;
	[dreg:$0x14] =	wrdreg s20  }
0x1c: {  	s15 =	sadd.s32 s26, s0;
	s26 =	smul.u32 $0x1D0, s7;
	[dreg:$0x17] =	wrdreg s23  }
0x1d: {  	s25 =	smax.u32 s10, $0x1;
	s19 =	simm.s32 $0x15580;
	s18 =	simm.s32 $0x80  }
0x1e: {  	s23 =	simm.s32 $0x8980;
	s10 =	simm.s32 $0x3;
	s5 =	sadd.s32 $0x1D, s24  }
0x1f: {  	s24 =	smul.u32 $0x3A0, s11;
	[dreg:$0x19] =	wrdreg s25;
	s25 =	simm.s32 $0xAD80  }
0x20: {  	s1 =	ssub.s32 s5, s21;
	s21 =	smul.u32 $0x3A, s11;
	s11 =	sadd.s32 $0x3981C0, s6  }
0x21: {  	[dreg:$0xf] =	wrdreg s11;
	s0 =	sadd.s32 s26, s24;
	p1 =	slt.s32 s1, $0x1  }
0x22: {  	p2 =	slt.s32 s1, $0x2;
	p3 =	sne.s32 s1, $0x1;
	s24 =	sadd.s32 $0x3983C0, s6  }
.Ltmp0:
0x23: {  	s1 =	simm.s32 $0x5080;
	[dreg:$0x11] =	wrdreg s0;
	(pc) =	sbr.rel .LBB2_1-.Ltmp0, $4  }
0x24: {  	s14 =	sadd.s32 s22, s21;
	s21 =	sadd.s32 $0x398300, s6;
	[dreg:$0x18] =	wrdreg s24  }
0x25: {  	v0 =	vlaneseq.u32;
	v2 =	vimm.s32 $0x7FFFFFFF;
	v5 =	vimm.s32 $0x0;
	s22 =	sadd.s32 $0x398340, s6;
	s0 =	simm.s32 $0x3080;
	[dreg:$0x15] =	wrdreg s21  }
0x26: {  	v6 =	vimm.s32 $0x1;
	vm1 =	vmmov $0xffff;
	v3 =	vmul.u32 $0x101, v0;
	s24 =	simm.s32 $0x0;
	[dreg:$0x16] =	wrdreg s22;
	s26 =	sadd.s32 $0x1, s14  }
0x27: {  	v4 =	vmul.u32 $0x100, v0;
	v1 =	vor.u32 s12, v0;
	vm0 =	vmmov @!p1 $0xffff;
	s21 =	simm.s32 $0xA580;
	[dreg:$0x1a] =	wrdreg s26;
	s26 =	simm.s32 $0xB580  }
.LBB2_55:
0x28: {  	s24 =	sadd.s32 $0x1, s24;
	s6 =	rddreg [dreg:$0x19]  }
0x29: {  	p5 =	sne.s32 s24, s6  }
.Ltmp1:
0x2a: {  	_ = 	snop;
	(pc) =	sbr.rel @!p5 .LBB2_56-.Ltmp1, $1  }
0x2b: {  	_ =	sdelay $0x3  }
.LBB2_1:
.Ltmp2:
0x2c: {  	(pc) =	sbr.rel @p4 .LBB2_39-.Ltmp2, $2  }
0x2d: {  	_ =	sdelay $0x2  }
0x2e: {  	[dreg:$0x1b] =	wrdreg s24  }
0x2f: {  	s17 =	simm.s32 $0x0;
	s6 =	rddreg [dreg:$0x5];
	s12 =	simm.s32 $0x5  }
0x30: {  	[tilespmem:s17], [sflag:$0x5] =	stream.linear.gather [hbm4b:s6+s17], $0x1000, $0x38;
	[tilespmem:$0x18580] =	vst v63  }
0x31: {  	_ =	swait.ge [sflag:s12], $0x1000  }
0x32: {  	[sflag:s12] =	ssyncset.done $0x0  }
0x33: {  	s14 =	simm.s32 $0x0;
	[sflag:s12] =	ssyncadd.s32 $0xFFFFF000;
	s12 =	simm.s32 $0x20  }
0x34: {  	s14 =	smul.u32 $0x404, s14;
	v7 =	vld [tilespmem:s12+$0xFFFFFFE0];
	_ =	sdelay $0x1  }
0x35: {  	s14 =	sshra.s32 s14, $0x2  }
0x36: {  	s20 =	sand.u32 $0xC0, s17;
	s14 =	sadd.s32 $0x1000, s14  }
0x37: {  	s20 =	sadd.s32 s20, s14  }
0x38: {  	[tilespmem:s20+$0x0] =	vst v7  }
0x39: {  	v7 =	vld [tilespmem:s12+$0xFFFFFFF0];
	_ =	sdelay $0x1  }
0x3a: {  	s13 =	simm.s32 $0x10  }
0x3b: {  	s20 =	sand.u32 $0xD0, s13  }
0x3c: {  	s20 =	sadd.s32 s20, s14  }
0x3d: {  	[tilespmem:s20+$0x0] =	vst v7  }
0x3e: {  	v7 =	vld [tilespmem:s12+$0x0];
	_ =	sdelay $0x1  }
0x3f: {  	s22 =	simm.s32 $0x20  }
0x40: {  	s20 =	sand.u32 $0xE0, s22  }
0x41: {  	s20 =	sadd.s32 s20, s14  }
0x42: {  	[tilespmem:s20+$0x0] =	vst v7  }
0x43: {  	v7 =	vld [tilespmem:s12+$0x10];
	_ =	sdelay $0x1  }
0x44: {  	s24 =	simm.s32 $0x30  }
0x45: {  	s12 =	sand.u32 $0xF0, s24  }
0x46: {  	s22 =	simm.s32 $0x0;
	s12 =	sadd.s32 s12, s14  }
0x47: {  	s20 =	simm.s32 $0x2;
	s14 =	simm.s32 $0x0;
	[tilespmem:s12+$0x0] =	vst v7;
	s12 =	simm.s32 $0x60  }
.LBB2_3:
0x48: {  	p5 =	sne.s32 s20, $0x3F;
	v7 =	vld [tilespmem:s12+$0xFFFFFFE0];
	s22 =	smul.u32 $0x404, s22;
	_ =	sdelay $0x1  }
0x49: {  	s14 =	sadd.s32 $0x40, s14;
	s22 =	sshra.s32 s22, $0x2  }
0x4a: {  	s24 =	sand.u32 $0xC0, s14;
	s22 =	sadd.s32 $0x1000, s22  }
0x4b: {  	s24 =	sadd.s32 s24, s22  }
0x4c: {  	[tilespmem:s24+$0x0] =	vst v7  }
0x4d: {  	v7 =	vld [tilespmem:s12+$0xFFFFFFF0];
	_ =	sdelay $0x1  }
0x4e: {  	s24 =	sadd.s32 $0x10, s14  }
0x4f: {  	s24 =	sand.u32 $0xD0, s24  }
0x50: {  	s24 =	sadd.s32 s24, s22  }
0x51: {  	[tilespmem:s24+$0x0] =	vst v7  }
0x52: {  	v7 =	vld [tilespmem:s12+$0x0];
	_ =	sdelay $0x1  }
0x53: {  	s24 =	sadd.s32 $0x20, s14  }
0x54: {  	s24 =	sand.u32 $0xE0, s24  }
0x55: {  	s24 =	sadd.s32 s24, s22  }
0x56: {  	[tilespmem:s24+$0x0] =	vst v7  }
0x57: {  	v7 =	vld [tilespmem:s12+$0x10]  }
.Ltmp3:
0x58: {  	(pc) =	sbr.rel @p5 .LBB2_3-.Ltmp3, $4  }
0x59: {  	s24 =	sadd.s32 $0x30, s14  }
0x5a: {  	s24 =	sand.u32 $0xF0, s24  }
0x5b: {  	s24 =	sadd.s32 s24, s22  }
0x5c: {  	s12 =	sadd.s32 $0x40, s12;
	s22 =	sshrl.u32 s20, $0x2;
	s20 =	sadd.s32 $0x1, s20;
	[tilespmem:s24+$0x0] =	vst v7  }
0x5d: {  	v7 =	vld [tilespmem:s12+$0xFFFFFFE0];
	s20 =	smul.u32 $0x404, s22;
	_ =	sdelay $0x1  }
0x5e: {  	s14 =	sadd.s32 $0x40, s14;
	s20 =	sshra.s32 s20, $0x2  }
0x5f: {  	s24 =	sand.u32 $0xC0, s14;
	s20 =	sadd.s32 $0x1000, s20  }
0x60: {  	s22 =	sadd.s32 s24, s20  }
0x61: {  	[tilespmem:s22+$0x0] =	vst v7  }
0x62: {  	v7 =	vld [tilespmem:s12+$0xFFFFFFF0];
	_ =	sdelay $0x1  }
0x63: {  	s6 =	sadd.s32 $0x10, s14  }
0x64: {  	s22 =	sand.u32 $0xD0, s6  }
0x65: {  	s22 =	sadd.s32 s22, s20  }
0x66: {  	[tilespmem:s22+$0x0] =	vst v7  }
0x67: {  	v7 =	vld [tilespmem:s12+$0x0];
	_ =	sdelay $0x1  }
0x68: {  	s7 =	sadd.s32 $0x20, s14  }
0x69: {  	s22 =	sand.u32 $0xE0, s7  }
0x6a: {  	s22 =	sadd.s32 s22, s20  }
0x6b: {  	[tilespmem:s22+$0x0] =	vst v7  }
0x6c: {  	v7 =	vld [tilespmem:s12+$0x10]  }
0x6d: {  	v8 =	vadd.s32 s17, v3  }
0x6e: {  	s11 =	sadd.s32 $0x30, s14  }
0x6f: {  	s12 =	sand.u32 $0xF0, s11  }
0x70: {  	s12 =	sadd.s32 s12, s20  }
0x71: {  	[tilespmem:s12+$0x0] =	vst v7  }
0x72: {  	v7 =	vld.idx.msk [tilespmem:v8+s30+$0x0], $0xffff;
	_ =	sdelay $0x4  }
0x73: {  	vm2 =	veq.s32 v7, $0x80000000  }
0x74: {  	s13 =	simm.s32 $0x1;
	v7 =	vsel vm2, $0x0, v7  }
0x75: {  	v8 =	vadd.s32 s13, v3;
	vm2 =	vlt.s32 v7, $0x0  }
0x76: {  	v9 =	vsel vm2, $0x0, v2  }
0x77: {  	s14 =	simm.s32 $0x20A0;
	v7 =	vxor.u32 v7, v9  }
0x78: {  	s12 =	simm.s32 $0x40A0;
	[tilespmem:s14+$0xFFFFFFE0] =	vst v7;
	v7 =	vor.u32 s17, v4  }
0x79: {  	[tilespmem:s12+$0xFFFFFFE0] =	vst v7  }
0x7a: {  	v7 =	vld.idx.msk [tilespmem:v8+s30+$0x0], $0xffff;
	_ =	sdelay $0x4  }
0x7b: {  	vm2 =	veq.s32 v7, $0x80000000  }
0x7c: {  	s22 =	simm.s32 $0x2;
	v7 =	vsel vm2, $0x0, v7  }
0x7d: {  	v8 =	vadd.s32 s22, v3;
	vm2 =	vlt.s32 v7, $0x0  }
0x7e: {  	v9 =	vsel vm2, $0x0, v2  }
0x7f: {  	v7 =	vxor.u32 v7, v9  }
0x80: {  	[tilespmem:s14+$0xFFFFFFF0] =	vst v7;
	v7 =	vor.u32 s13, v4  }
0x81: {  	[tilespmem:s12+$0xFFFFFFF0] =	vst v7  }
0x82: {  	v7 =	vld.idx.msk [tilespmem:v8+s30+$0x0], $0xffff;
	_ =	sdelay $0x4  }
0x83: {  	vm2 =	veq.s32 v7, $0x80000000  }
0x84: {  	s24 =	simm.s32 $0x3;
	v7 =	vsel vm2, $0x0, v7  }
0x85: {  	v8 =	vadd.s32 s24, v3;
	vm2 =	vlt.s32 v7, $0x0  }
0x86: {  	v9 =	vsel vm2, $0x0, v2  }
0x87: {  	v7 =	vxor.u32 v7, v9  }
0x88: {  	[tilespmem:s14+$0x0] =	vst v7;
	v7 =	vor.u32 s22, v4  }
0x89: {  	[tilespmem:s12+$0x0] =	vst v7  }
0x8a: {  	v7 =	vld.idx.msk [tilespmem:v8+s30+$0x0], $0xffff;
	_ =	sdelay $0x4  }
0x8b: {  	vm2 =	veq.s32 v7, $0x80000000  }
0x8c: {  	v7 =	vsel vm2, $0x0, v7  }
0x8d: {  	vm2 =	vlt.s32 v7, $0x0  }
0x8e: {  	s17 =	simm.s32 $0x4;
	v8 =	vsel vm2, $0x0, v2  }
0x8f: {  	v8 =	vxor.u32 v7, v8;
	v7 =	vadd.s32 s17, v3;
	_ =	sdelay $0x1  }
0x90: {  	s20 =	simm.s32 $0x8;
	[tilespmem:s14+$0x10] =	vst v8;
	v8 =	vor.u32 s24, v4  }
.LBB2_5:
0x91: {  	[tilespmem:s12+$0x10] =	vst v8;
	s12 =	sadd.s32 $0x40, s12  }
0x92: {  	s14 =	sadd.s32 $0x40, s14;
	s22 =	smov.u32 s20;
	s24 =	sadd.s32 $0x4, s20  }
0x93: {  	p5 =	sne.s32 s20, $0xFC;
	v7 =	vld.idx.msk [tilespmem:v7+s30+$0x0], $0xffff;
	_ =	sdelay $0x5  }
0x94: {  	vm2 =	veq.s32 v7, $0x80000000  }
0x95: {  	s20 =	sadd.s32 $0x1, s17;
	v7 =	vsel vm2, $0x0, v7  }
0x96: {  	v8 =	vadd.s32 s20, v3;
	vm2 =	vlt.s32 v7, $0x0  }
0x97: {  	v9 =	vsel vm2, $0x0, v2  }
0x98: {  	v7 =	vxor.u32 v7, v9  }
0x99: {  	[tilespmem:s14+$0xFFFFFFE0] =	vst v7;
	v7 =	vor.u32 s17, v4  }
0x9a: {  	[tilespmem:s12+$0xFFFFFFE0] =	vst v7  }
0x9b: {  	v7 =	vld.idx.msk [tilespmem:v8+s30+$0x0], $0xffff;
	_ =	sdelay $0x5  }
0x9c: {  	vm2 =	veq.s32 v7, $0x80000000  }
0x9d: {  	s6 =	sadd.s32 $0x2, s17;
	v7 =	vsel vm2, $0x0, v7  }
0x9e: {  	v8 =	vadd.s32 s6, v3;
	vm2 =	vlt.s32 v7, $0x0  }
0x9f: {  	v9 =	vsel vm2, $0x0, v2  }
0xa0: {  	v7 =	vxor.u32 v7, v9  }
0xa1: {  	[tilespmem:s14+$0xFFFFFFF0] =	vst v7;
	v7 =	vor.u32 s20, v4  }
0xa2: {  	[tilespmem:s12+$0xFFFFFFF0] =	vst v7  }
0xa3: {  	v7 =	vld.idx.msk [tilespmem:v8+s30+$0x0], $0xffff;
	_ =	sdelay $0x5  }
0xa4: {  	vm2 =	veq.s32 v7, $0x80000000  }
0xa5: {  	s20 =	sadd.s32 $0x3, s17;
	s17 =	smov.u32 s22;
	v7 =	vsel vm2, $0x0, v7  }
0xa6: {  	v8 =	vadd.s32 s20, v3;
	vm2 =	vlt.s32 v7, $0x0  }
0xa7: {  	v9 =	vsel vm2, $0x0, v2  }
0xa8: {  	v7 =	vxor.u32 v7, v9  }
0xa9: {  	[tilespmem:s14+$0x0] =	vst v7;
	v7 =	vor.u32 s6, v4  }
0xaa: {  	[tilespmem:s12+$0x0] =	vst v7  }
0xab: {  	v7 =	vld.idx.msk [tilespmem:v8+s30+$0x0], $0xffff;
	_ =	sdelay $0x5  }
0xac: {  	vm2 =	veq.s32 v7, $0x80000000  }
.Ltmp4:
0xad: {  	v8 =	vsel vm2, $0x0, v7;
	(pc) =	sbr.rel @p5 .LBB2_5-.Ltmp4, $4  }
0xae: {  	v7 =	vadd.s32 s17, v3;
	vm2 =	vlt.s32 v8, $0x0  }
0xaf: {  	v9 =	vsel vm2, $0x0, v2  }
0xb0: {  	v8 =	vxor.u32 v8, v9  }
0xb1: {  	[tilespmem:s14+$0x10] =	vst v8;
	v8 =	vor.u32 s20, v4;
	s20 =	smov.u32 s24  }
0xb2: {  	_ =	sdelay $0x2  }
0xb3: {  	[tilespmem:s12+$0x10] =	vst v8  }
0xb4: {  	v7 =	vld.idx.msk [tilespmem:v7+s30+$0x0], $0xffff;
	_ =	sdelay $0x4  }
0xb5: {  	vm2 =	veq.s32 v7, $0x80000000  }
0xb6: {  	s6 =	sadd.s32 $0x1, s17;
	v7 =	vsel vm2, $0x0, v7  }
0xb7: {  	v8 =	vadd.s32 s6, v3;
	vm2 =	vlt.s32 v7, $0x0  }
0xb8: {  	v9 =	vsel vm2, $0x0, v2  }
0xb9: {  	s14 =	sadd.s32 $0x40, s14;
	v7 =	vxor.u32 v7, v9  }
0xba: {  	s22 =	sadd.s32 $0x40, s12;
	[tilespmem:s14+$0xFFFFFFE0] =	vst v7;
	v7 =	vor.u32 s17, v4  }
0xbb: {  	[tilespmem:s22+$0xFFFFFFE0] =	vst v7  }
0xbc: {  	v7 =	vld.idx.msk [tilespmem:v8+s30+$0x0], $0xffff;
	_ =	sdelay $0x4  }
0xbd: {  	vm2 =	veq.s32 v7, $0x80000000  }
0xbe: {  	s20 =	sadd.s32 $0x2, s17;
	v7 =	vsel vm2, $0x0, v7  }
0xbf: {  	v8 =	vadd.s32 s20, v3;
	vm2 =	vlt.s32 v7, $0x0  }
0xc0: {  	v62 =	vsel vm2, $0x0, v2  }
0xc1: {  	v7 =	vxor.u32 v7, v62  }
0xc2: {  	[tilespmem:s14+$0xFFFFFFF0] =	vst v7;
	v7 =	vor.u32 s6, v4  }
0xc3: {  	[tilespmem:s22+$0xFFFFFFF0] =	vst v7  }
0xc4: {  	v7 =	vld.idx.msk [tilespmem:v8+s30+$0x0], $0xffff;
	_ =	sdelay $0x4  }
0xc5: {  	vm2 =	veq.s32 v7, $0x80000000  }
0xc6: {  	s24 =	sadd.s32 $0x3, s17;
	v7 =	vsel vm2, $0x0, v7  }
0xc7: {  	v8 =	vadd.s32 s24, v3;
	vm2 =	vlt.s32 v7, $0x0  }
0xc8: {  	v63 =	vsel vm2, $0x0, v2  }
0xc9: {  	v7 =	vxor.u32 v7, v63  }
0xca: {  	[tilespmem:s14+$0x0] =	vst v7;
	v7 =	vor.u32 s20, v4  }
0xcb: {  	[tilespmem:s22+$0x0] =	vst v7  }
0xcc: {  	v7 =	vld.idx.msk [tilespmem:v8+s30+$0x0], $0xffff;
	_ =	sdelay $0x4  }
0xcd: {  	vm2 =	veq.s32 v7, $0x80000000  }
0xce: {  	p5 =	por $0x1, $0x1;
	v7 =	vsel vm2, $0x0, v7  }
.Ltmp5:
0xcf: {  	vm2 =	vlt.s32 v7, $0x0;
	(pc) =	sbr.rel @!p5 .LBB2_8-.Ltmp5, $4  }
0xd0: {  	v8 =	vsel vm2, $0x0, v2  }
0xd1: {  	v7 =	vxor.u32 v7, v8  }
0xd2: {  	[tilespmem:s14+$0x10] =	vst v7;
	v7 =	vor.u32 s24, v4  }
0xd3: {  	s12 =	simm.s32 $0x0;
	s17 =	simm.s32 $0x100;
	s14 =	simm.s32 $0x0;
	[tilespmem:s22+$0x10] =	vst v7  }
.LBB2_7:
0xd4: {  	p5 =	sne.s32 s17, $0x3F00;
	[tilespmem:s12+$0x60B0] =	vst v5;
	s6 =	smov.u32 s17;
	s17 =	sadd.s32 $0x100, s17  }
.Ltmp6:
0xd5: {  	[tilespmem:s12+$0x60A0] =	vst v5;
	(pc) =	sbr.rel @p5 .LBB2_7-.Ltmp6, $3  }
0xd6: {  	[tilespmem:s12+$0x6080] =	vst v5  }
0xd7: {  	[tilespmem:s12+$0x6090] =	vst v5;
	_ =	sdelay $0x1  }
0xd8: {  	s12 =	sshra.s32 s6, $0x2  }
.LBB2_8:
0xd9: {  	[tilespmem:s12+$0x60B0] =	vst v5  }
0xda: {  	[tilespmem:s12+$0x60A0] =	vst v5  }
0xdb: {  	[tilespmem:s12+$0x6080] =	vst v5  }
0xdc: {  	[tilespmem:s12+$0x6090] =	vst v5  }
.LBB2_9:
0xdd: {  	s6 =	sshra.s32 s14, $0x2  }
0xde: {  	v7 =	vld [tilespmem:s6+$0x2080];
	_ =	sdelay $0x4  }
0xdf: {  	v7 =	vshll.u32 v7, $0x4  }
0xe0: {  	v7 =	vor.u32 v0, v7  }
0xe1: {  	v7 =	vand.u32 $0xFFF, v7;
	_ =	sdelay $0x4  }
0xe2: {  	[tilespmem:v7+s31+$0x0] =	vst.idx.add.s32.msk $0xffff, v6  }
0xe3: {  	v7 =	vld [tilespmem:s6+$0x2090];
	_ =	sdelay $0x4  }
0xe4: {  	v7 =	vshll.u32 v7, $0x4  }
0xe5: {  	v7 =	vor.u32 v0, v7  }
0xe6: {  	v7 =	vand.u32 $0xFFF, v7;
	_ =	sdelay $0x4  }
0xe7: {  	[tilespmem:v7+s31+$0x0] =	vst.idx.add.s32.msk $0xffff, v6  }
0xe8: {  	v7 =	vld [tilespmem:s6+$0x20A0];
	_ =	sdelay $0x4  }
0xe9: {  	v7 =	vshll.u32 v7, $0x4  }
0xea: {  	v7 =	vor.u32 v0, v7  }
0xeb: {  	v7 =	vand.u32 $0xFFF, v7;
	_ =	sdelay $0x4  }
0xec: {  	[tilespmem:v7+s31+$0x0] =	vst.idx.add.s32.msk $0xffff, v6  }
0xed: {  	v7 =	vld [tilespmem:s6+$0x20B0];
	_ =	sdelay $0x4  }
0xee: {  	v7 =	vshll.u32 v7, $0x4  }
0xef: {  	v7 =	vor.u32 v0, v7  }
0xf0: {  	p5 =	sne.s32 s14, $0x3F00;
	v7 =	vand.u32 $0xFFF, v7  }
.Ltmp7:
0xf1: {  	_ = 	snop;
	(pc) =	sbr.rel @p5 .LBB2_9-.Ltmp7, $2  }
0xf2: {  	_ =	sdelay $0x2  }
0xf3: {  	s14 =	sadd.s32 $0x100, s14;
	s12 =	simm.s32 $0x0;
	[tilespmem:v7+s31+$0x0] =	vst.idx.add.s32.msk $0xffff, v6  }
0xf4: {  	s6 =	sshra.s32 s12, $0x2  }
0xf5: {  	v7 =	vld [tilespmem:s6+$0x6080];
	_ =	sdelay $0x4  }
0xf6: {  	(xrf0) =	vadd.scan.msk.s32 $0xffff, v7;
	_ =	sdelay $0x5  }
0xf7: {  	v8, _, _ =	vpop (xrf0)  }
0xf8: {  	(v2sf) =	vpush v8, $0xF  }
0xf9: {  	v7 =	vsub.s32 s12, v7  }
0xfa: {  	s17 =	sadd.s32 $0x40, s12;
	v7 =	vadd.s32 v8, v7  }
0xfb: {  	s14 =	sshra.s32 s17, $0x2;
	s20 =	sadd.s32 $0x40, s17;
	s17 =	simm.s32 $0x0;
	[tilespmem:s6+$0x6080] =	vst v7  }
.LBB2_11:
0xfc: {  	p5 =	sne.s32 s20, $0x3FC0;
	v7 =	vld [tilespmem:s14+$0x6080];
	_ =	sdelay $0x4  }
0xfd: {  	(xrf0) =	vadd.scan.msk.s32 $0xffff, v7;
	_ =	sdelay $0x5  }
.Ltmp8:
0xfe: {  	v8, _, _ =	vpop (xrf0);
	s6 =	spop (v2sf);
	(pc) =	sbr.rel @p5 .LBB2_11-.Ltmp8, $4  }
0xff: {  	(v2sf) =	vpush v8, $0xF;
	s17 =	sadd.s32 s17, s6  }
0x100: {  	v7 =	vsub.s32 s17, v7  }
0x101: {  	v7 =	vadd.s32 v8, v7  }
0x102: {  	[tilespmem:s14+$0x6080] =	vst v7;
	s14 =	sshra.s32 s20, $0x2;
	s20 =	sadd.s32 $0x40, s20  }
0x103: {  	v7 =	vld [tilespmem:s14+$0x6080];
	_ =	sdelay $0x4  }
0x104: {  	(xrf0) =	vadd.scan.msk.s32 $0xffff, v7;
	_ =	sdelay $0x5  }
0x105: {  	v8, _, _ =	vpop (xrf0)  }
0x106: {  	(v2sf) =	vpush v8, $0xF;
	_ =	sdelay $0xa  }
0x107: {  	s6 =	spop (v2sf)  }
0x108: {  	s6 =	sadd.s32 s17, s6  }
0x109: {  	v7 =	vsub.s32 s6, v7  }
0x10a: {  	v7 =	vadd.s32 v8, v7  }
0x10b: {  	[tilespmem:s14+$0x6080] =	vst v7;
	s24 =	spop (v2sf)  }
.LBB2_13:
0x10c: {  	s6 =	sshra.s32 s12, $0x2  }
0x10d: {  	v7 =	vld [tilespmem:s6+$0x2080];
	_ =	sdelay $0x4  }
0x10e: {  	v8 =	vshll.u32 v7, $0x4  }
0x10f: {  	v8 =	vor.u32 v0, v8  }
0x110: {  	v8 =	vand.u32 $0xFFF, v8;
	_ =	sdelay $0x4  }
0x111: {  	v9 =	vld.idx.msk [tilespmem:v8+s31+$0x0], $0xffff;
	_ =	sdelay $0x4  }
0x112: {  	v10 =	vshll.u32 v9, $0x4  }
0x113: {  	v11 =	vshrl.u32 v9, $0x8;
	v10 =	vand.u32 $0xFF0, v10  }
0x114: {  	v10 =	vor.u32 v11, v10  }
0x115: {  	v54 =	vld [tilespmem:s6+$0x4080];
	_ =	sdelay $0x1  }
0x116: {  	v9 =	vadd.s32 $0x1, v9  }
0x117: {  	[tilespmem:v8+s31+$0x0] =	vst.idx.msk $0xffff, v9  }
0x118: {  	[tilespmem:v10+s0+$0x0] =	vst.idx.msk $0xffff, v7  }
0x119: {  	[tilespmem:v10+s1+$0x0] =	vst.idx.msk $0xffff, v54  }
0x11a: {  	v7 =	vld [tilespmem:s6+$0x2090];
	_ =	sdelay $0x4  }
0x11b: {  	v8 =	vshll.u32 v7, $0x4  }
0x11c: {  	v8 =	vor.u32 v0, v8  }
0x11d: {  	v8 =	vand.u32 $0xFFF, v8;
	_ =	sdelay $0x4  }
0x11e: {  	v9 =	vld.idx.msk [tilespmem:v8+s31+$0x0], $0xffff;
	_ =	sdelay $0x4  }
0x11f: {  	v55 =	vshll.u32 v9, $0x4  }
0x120: {  	v56 =	vshrl.u32 v9, $0x8;
	v10 =	vand.u32 $0xFF0, v55  }
0x121: {  	v10 =	vor.u32 v56, v10  }
0x122: {  	v57 =	vld [tilespmem:s6+$0x4090];
	_ =	sdelay $0x1  }
0x123: {  	v9 =	vadd.s32 $0x1, v9  }
0x124: {  	[tilespmem:v8+s31+$0x0] =	vst.idx.msk $0xffff, v9  }
0x125: {  	[tilespmem:v10+s0+$0x0] =	vst.idx.msk $0xffff, v7  }
0x126: {  	[tilespmem:v10+s1+$0x0] =	vst.idx.msk $0xffff, v57  }
0x127: {  	v7 =	vld [tilespmem:s6+$0x20A0];
	_ =	sdelay $0x4  }
0x128: {  	v8 =	vshll.u32 v7, $0x4  }
0x129: {  	v8 =	vor.u32 v0, v8  }
0x12a: {  	v8 =	vand.u32 $0xFFF, v8;
	_ =	sdelay $0x4  }
0x12b: {  	v9 =	vld.idx.msk [tilespmem:v8+s31+$0x0], $0xffff;
	_ =	sdelay $0x4  }
0x12c: {  	v58 =	vshll.u32 v9, $0x4  }
0x12d: {  	v59 =	vshrl.u32 v9, $0x8;
	v10 =	vand.u32 $0xFF0, v58  }
0x12e: {  	v10 =	vor.u32 v59, v10  }
0x12f: {  	v60 =	vld [tilespmem:s6+$0x40A0];
	_ =	sdelay $0x1  }
0x130: {  	v9 =	vadd.s32 $0x1, v9  }
0x131: {  	[tilespmem:v8+s31+$0x0] =	vst.idx.msk $0xffff, v9  }
0x132: {  	[tilespmem:v10+s0+$0x0] =	vst.idx.msk $0xffff, v7  }
0x133: {  	[tilespmem:v10+s1+$0x0] =	vst.idx.msk $0xffff, v60  }
0x134: {  	v7 =	vld [tilespmem:s6+$0x20B0];
	_ =	sdelay $0x4  }
0x135: {  	v8 =	vshll.u32 v7, $0x4  }
0x136: {  	v8 =	vor.u32 v0, v8  }
0x137: {  	v8 =	vand.u32 $0xFFF, v8;
	_ =	sdelay $0x4  }
0x138: {  	v9 =	vld.idx.msk [tilespmem:v8+s31+$0x0], $0xffff;
	_ =	sdelay $0x4  }
0x139: {  	v61 =	vshll.u32 v9, $0x4  }
0x13a: {  	v62 =	vshrl.u32 v9, $0x8;
	v10 =	vand.u32 $0xFF0, v61  }
0x13b: {  	v10 =	vor.u32 v62, v10  }
0x13c: {  	p5 =	sne.s32 s12, $0x3F00;
	v63 =	vld [tilespmem:s6+$0x40B0]  }
.Ltmp9:
0x13d: {  	_ = 	snop;
	(pc) =	sbr.rel @p5 .LBB2_13-.Ltmp9, $4  }
0x13e: {  	v9 =	vadd.s32 $0x1, v9  }
0x13f: {  	[tilespmem:v8+s31+$0x0] =	vst.idx.msk $0xffff, v9  }
0x140: {  	[tilespmem:v10+s0+$0x0] =	vst.idx.msk $0xffff, v7  }
0x141: {  	s12 =	sadd.s32 $0x100, s12;
	s14 =	simm.s32 $0x0;
	[tilespmem:v10+s1+$0x0] =	vst.idx.msk $0xffff, v63  }
0x142: {  	s17 =	simm.s32 $0x100;
	s12 =	simm.s32 $0x0  }
.LBB2_15:
0x143: {  	p5 =	sne.s32 s17, $0x3F00;
	[tilespmem:s12+$0x60B0] =	vst v5;
	s6 =	smov.u32 s17;
	s17 =	sadd.s32 $0x100, s17  }
.Ltmp10:
0x144: {  	[tilespmem:s12+$0x60A0] =	vst v5;
	(pc) =	sbr.rel @p5 .LBB2_15-.Ltmp10, $3  }
0x145: {  	[tilespmem:s12+$0x6080] =	vst v5  }
0x146: {  	[tilespmem:s12+$0x6090] =	vst v5;
	_ =	sdelay $0x1  }
0x147: {  	s12 =	sshra.s32 s6, $0x2  }
0x148: {  	[tilespmem:s12+$0x60B0] =	vst v5  }
0x149: {  	[tilespmem:s12+$0x60A0] =	vst v5  }
0x14a: {  	[tilespmem:s12+$0x6080] =	vst v5  }
0x14b: {  	[tilespmem:s12+$0x6090] =	vst v5  }
.LBB2_17:
0x14c: {  	s6 =	sshra.s32 s14, $0x2  }
0x14d: {  	v7 =	vld [tilespmem:s6+$0x3080];
	_ =	sdelay $0x4  }
0x14e: {  	v7 =	vshrl.u32 v7, $0x4  }
0x14f: {  	v7 =	vand.u32 $0xFF0, v7  }
0x150: {  	v7 =	vor.u32 v0, v7;
	_ =	sdelay $0x4  }
0x151: {  	[tilespmem:v7+s31+$0x0] =	vst.idx.add.s32.msk $0xffff, v6  }
0x152: {  	v7 =	vld [tilespmem:s6+$0x3090];
	_ =	sdelay $0x4  }
0x153: {  	v7 =	vshrl.u32 v7, $0x4  }
0x154: {  	v7 =	vand.u32 $0xFF0, v7  }
0x155: {  	v7 =	vor.u32 v0, v7;
	_ =	sdelay $0x4  }
0x156: {  	[tilespmem:v7+s31+$0x0] =	vst.idx.add.s32.msk $0xffff, v6  }
0x157: {  	v7 =	vld [tilespmem:s6+$0x30A0];
	_ =	sdelay $0x4  }
0x158: {  	v7 =	vshrl.u32 v7, $0x4  }
0x159: {  	v7 =	vand.u32 $0xFF0, v7  }
0x15a: {  	v7 =	vor.u32 v0, v7;
	_ =	sdelay $0x4  }
0x15b: {  	[tilespmem:v7+s31+$0x0] =	vst.idx.add.s32.msk $0xffff, v6  }
0x15c: {  	v7 =	vld [tilespmem:s6+$0x30B0];
	_ =	sdelay $0x4  }
0x15d: {  	v7 =	vshrl.u32 v7, $0x4  }
0x15e: {  	v7 =	vand.u32 $0xFF0, v7  }
0x15f: {  	p5 =	sne.s32 s14, $0x3F00;
	v7 =	vor.u32 v0, v7  }
.Ltmp11:
0x160: {  	_ = 	snop;
	(pc) =	sbr.rel @p5 .LBB2_17-.Ltmp11, $2  }
0x161: {  	_ =	sdelay $0x2  }
0x162: {  	s14 =	sadd.s32 $0x100, s14;
	s12 =	simm.s32 $0x0;
	[tilespmem:v7+s31+$0x0] =	vst.idx.add.s32.msk $0xffff, v6  }
0x163: {  	s6 =	sshra.s32 s12, $0x2  }
0x164: {  	v7 =	vld [tilespmem:s6+$0x6080];
	_ =	sdelay $0x4  }
0x165: {  	(xrf0) =	vadd.scan.msk.s32 $0xffff, v7;
	_ =	sdelay $0x5  }
0x166: {  	v8, _, _ =	vpop (xrf0)  }
0x167: {  	(v2sf) =	vpush v8, $0xF  }
0x168: {  	v7 =	vsub.s32 s12, v7  }
0x169: {  	s17 =	sadd.s32 $0x40, s12;
	v7 =	vadd.s32 v8, v7  }
0x16a: {  	s14 =	sshra.s32 s17, $0x2;
	s20 =	sadd.s32 $0x40, s17;
	s17 =	simm.s32 $0x0;
	[tilespmem:s6+$0x6080] =	vst v7  }
.LBB2_19:
0x16b: {  	p5 =	sne.s32 s20, $0x3FC0;
	v7 =	vld [tilespmem:s14+$0x6080];
	_ =	sdelay $0x4  }
0x16c: {  	(xrf0) =	vadd.scan.msk.s32 $0xffff, v7;
	_ =	sdelay $0x5  }
.Ltmp12:
0x16d: {  	v8, _, _ =	vpop (xrf0);
	s6 =	spop (v2sf);
	(pc) =	sbr.rel @p5 .LBB2_19-.Ltmp12, $4  }
0x16e: {  	(v2sf) =	vpush v8, $0xF;
	s17 =	sadd.s32 s17, s6  }
0x16f: {  	v7 =	vsub.s32 s17, v7  }
0x170: {  	v7 =	vadd.s32 v8, v7  }
0x171: {  	[tilespmem:s14+$0x6080] =	vst v7;
	s14 =	sshra.s32 s20, $0x2;
	s20 =	sadd.s32 $0x40, s20  }
0x172: {  	v7 =	vld [tilespmem:s14+$0x6080];
	_ =	sdelay $0x4  }
0x173: {  	(xrf0) =	vadd.scan.msk.s32 $0xffff, v7;
	_ =	sdelay $0x5  }
0x174: {  	v8, _, _ =	vpop (xrf0)  }
0x175: {  	(v2sf) =	vpush v8, $0xF;
	_ =	sdelay $0xa  }
0x176: {  	s6 =	spop (v2sf)  }
0x177: {  	s6 =	sadd.s32 s17, s6  }
0x178: {  	v7 =	vsub.s32 s6, v7  }
0x179: {  	v7 =	vadd.s32 v8, v7  }
0x17a: {  	[tilespmem:s14+$0x6080] =	vst v7;
	s24 =	spop (v2sf)  }
.LBB2_21:
0x17b: {  	s6 =	sshra.s32 s12, $0x2  }
0x17c: {  	v7 =	vld [tilespmem:s6+$0x3080];
	_ =	sdelay $0x4  }
0x17d: {  	v8 =	vshrl.u32 v7, $0x4  }
0x17e: {  	v8 =	vand.u32 $0xFF0, v8  }
0x17f: {  	v8 =	vor.u32 v0, v8;
	_ =	sdelay $0x4  }
0x180: {  	v9 =	vld.idx.msk [tilespmem:v8+s31+$0x0], $0xffff;
	_ =	sdelay $0x4  }
0x181: {  	v10 =	vshll.u32 v9, $0x4  }
0x182: {  	v11 =	vshrl.u32 v9, $0x8;
	v10 =	vand.u32 $0xFF0, v10  }
0x183: {  	v10 =	vor.u32 v11, v10  }
0x184: {  	v54 =	vld [tilespmem:s6+$0x5080];
	_ =	sdelay $0x1  }
0x185: {  	v9 =	vadd.s32 $0x1, v9  }
0x186: {  	[tilespmem:v8+s31+$0x0] =	vst.idx.msk $0xffff, v9  }
0x187: {  	[tilespmem:v10+s3+$0x0] =	vst.idx.msk $0xffff, v7  }
0x188: {  	[tilespmem:v10+s4+$0x0] =	vst.idx.msk $0xffff, v54  }
0x189: {  	v7 =	vld [tilespmem:s6+$0x3090];
	_ =	sdelay $0x4  }
0x18a: {  	v8 =	vshrl.u32 v7, $0x4  }
0x18b: {  	v8 =	vand.u32 $0xFF0, v8  }
0x18c: {  	v8 =	vor.u32 v0, v8;
	_ =	sdelay $0x4  }
0x18d: {  	v9 =	vld.idx.msk [tilespmem:v8+s31+$0x0], $0xffff;
	_ =	sdelay $0x4  }
0x18e: {  	v55 =	vshll.u32 v9, $0x4  }
0x18f: {  	v56 =	vshrl.u32 v9, $0x8;
	v10 =	vand.u32 $0xFF0, v55  }
0x190: {  	v10 =	vor.u32 v56, v10  }
0x191: {  	v57 =	vld [tilespmem:s6+$0x5090];
	_ =	sdelay $0x1  }
0x192: {  	v9 =	vadd.s32 $0x1, v9  }
0x193: {  	[tilespmem:v8+s31+$0x0] =	vst.idx.msk $0xffff, v9  }
0x194: {  	[tilespmem:v10+s3+$0x0] =	vst.idx.msk $0xffff, v7  }
0x195: {  	[tilespmem:v10+s4+$0x0] =	vst.idx.msk $0xffff, v57  }
0x196: {  	v7 =	vld [tilespmem:s6+$0x30A0];
	_ =	sdelay $0x4  }
0x197: {  	v8 =	vshrl.u32 v7, $0x4  }
0x198: {  	v8 =	vand.u32 $0xFF0, v8  }
0x199: {  	v8 =	vor.u32 v0, v8;
	_ =	sdelay $0x4  }
0x19a: {  	v9 =	vld.idx.msk [tilespmem:v8+s31+$0x0], $0xffff;
	_ =	sdelay $0x4  }
0x19b: {  	v58 =	vshll.u32 v9, $0x4  }
0x19c: {  	v59 =	vshrl.u32 v9, $0x8;
	v10 =	vand.u32 $0xFF0, v58  }
0x19d: {  	v10 =	vor.u32 v59, v10  }
0x19e: {  	v60 =	vld [tilespmem:s6+$0x50A0];
	_ =	sdelay $0x1  }
0x19f: {  	v9 =	vadd.s32 $0x1, v9  }
0x1a0: {  	[tilespmem:v8+s31+$0x0] =	vst.idx.msk $0xffff, v9  }
0x1a1: {  	[tilespmem:v10+s3+$0x0] =	vst.idx.msk $0xffff, v7  }
0x1a2: {  	[tilespmem:v10+s4+$0x0] =	vst.idx.msk $0xffff, v60  }
0x1a3: {  	v7 =	vld [tilespmem:s6+$0x30B0];
	_ =	sdelay $0x4  }
0x1a4: {  	v8 =	vshrl.u32 v7, $0x4  }
0x1a5: {  	v8 =	vand.u32 $0xFF0, v8  }
0x1a6: {  	v8 =	vor.u32 v0, v8;
	_ =	sdelay $0x4  }
0x1a7: {  	v9 =	vld.idx.msk [tilespmem:v8+s31+$0x0], $0xffff;
	_ =	sdelay $0x4  }
0x1a8: {  	v61 =	vshll.u32 v9, $0x4  }
0x1a9: {  	v62 =	vshrl.u32 v9, $0x8;
	v10 =	vand.u32 $0xFF0, v61  }
0x1aa: {  	v10 =	vor.u32 v62, v10  }
0x1ab: {  	p5 =	sne.s32 s12, $0x3F00;
	v63 =	vld [tilespmem:s6+$0x50B0]  }
.Ltmp13:
0x1ac: {  	_ = 	snop;
	(pc) =	sbr.rel @p5 .LBB2_21-.Ltmp13, $4  }
0x1ad: {  	v9 =	vadd.s32 $0x1, v9  }
0x1ae: {  	[tilespmem:v8+s31+$0x0] =	vst.idx.msk $0xffff, v9  }
0x1af: {  	[tilespmem:v10+s3+$0x0] =	vst.idx.msk $0xffff, v7  }
0x1b0: {  	s12 =	sadd.s32 $0x100, s12;
	s14 =	simm.s32 $0x0;
	[tilespmem:v10+s4+$0x0] =	vst.idx.msk $0xffff, v63  }
0x1b1: {  	s17 =	simm.s32 $0x100;
	s12 =	simm.s32 $0x0  }
.LBB2_23:
0x1b2: {  	p5 =	sne.s32 s17, $0x3F00;
	[tilespmem:s12+$0x60B0] =	vst v5;
	s6 =	smov.u32 s17;
	s17 =	sadd.s32 $0x100, s17  }
.Ltmp14:
0x1b3: {  	[tilespmem:s12+$0x60A0] =	vst v5;
	(pc) =	sbr.rel @p5 .LBB2_23-.Ltmp14, $3  }
0x1b4: {  	[tilespmem:s12+$0x6080] =	vst v5  }
0x1b5: {  	[tilespmem:s12+$0x6090] =	vst v5;
	_ =	sdelay $0x1  }
0x1b6: {  	s12 =	sshra.s32 s6, $0x2  }
0x1b7: {  	[tilespmem:s12+$0x60B0] =	vst v5  }
0x1b8: {  	[tilespmem:s12+$0x60A0] =	vst v5  }
0x1b9: {  	[tilespmem:s12+$0x6080] =	vst v5  }
0x1ba: {  	[tilespmem:s12+$0x6090] =	vst v5  }
.LBB2_25:
0x1bb: {  	s6 =	sshra.s32 s14, $0x2  }
0x1bc: {  	v7 =	vld [tilespmem:s6+$0x2080];
	_ =	sdelay $0x4  }
0x1bd: {  	v7 =	vshrl.u32 v7, $0xC  }
0x1be: {  	v7 =	vand.u32 $0xFF0, v7  }
0x1bf: {  	v7 =	vor.u32 v0, v7;
	_ =	sdelay $0x4  }
0x1c0: {  	[tilespmem:v7+s31+$0x0] =	vst.idx.add.s32.msk $0xffff, v6  }
0x1c1: {  	v7 =	vld [tilespmem:s6+$0x2090];
	_ =	sdelay $0x4  }
0x1c2: {  	v7 =	vshrl.u32 v7, $0xC  }
0x1c3: {  	v7 =	vand.u32 $0xFF0, v7  }
0x1c4: {  	v7 =	vor.u32 v0, v7;
	_ =	sdelay $0x4  }
0x1c5: {  	[tilespmem:v7+s31+$0x0] =	vst.idx.add.s32.msk $0xffff, v6  }
0x1c6: {  	v7 =	vld [tilespmem:s6+$0x20A0];
	_ =	sdelay $0x4  }
0x1c7: {  	v7 =	vshrl.u32 v7, $0xC  }
0x1c8: {  	v7 =	vand.u32 $0xFF0, v7  }
0x1c9: {  	v7 =	vor.u32 v0, v7;
	_ =	sdelay $0x4  }
0x1ca: {  	[tilespmem:v7+s31+$0x0] =	vst.idx.add.s32.msk $0xffff, v6  }
0x1cb: {  	v7 =	vld [tilespmem:s6+$0x20B0];
	_ =	sdelay $0x4  }
0x1cc: {  	v7 =	vshrl.u32 v7, $0xC  }
0x1cd: {  	v7 =	vand.u32 $0xFF0, v7  }
0x1ce: {  	p5 =	sne.s32 s14, $0x3F00;
	v7 =	vor.u32 v0, v7  }
.Ltmp15:
0x1cf: {  	_ = 	snop;
	(pc) =	sbr.rel @p5 .LBB2_25-.Ltmp15, $2  }
0x1d0: {  	_ =	sdelay $0x2  }
0x1d1: {  	s14 =	sadd.s32 $0x100, s14;
	s12 =	simm.s32 $0x0;
	[tilespmem:v7+s31+$0x0] =	vst.idx.add.s32.msk $0xffff, v6  }
0x1d2: {  	s6 =	sshra.s32 s12, $0x2  }
0x1d3: {  	v7 =	vld [tilespmem:s6+$0x6080];
	_ =	sdelay $0x4  }
0x1d4: {  	(xrf0) =	vadd.scan.msk.s32 $0xffff, v7;
	_ =	sdelay $0x5  }
0x1d5: {  	v8, _, _ =	vpop (xrf0)  }
0x1d6: {  	(v2sf) =	vpush v8, $0xF  }
0x1d7: {  	v7 =	vsub.s32 s12, v7  }
0x1d8: {  	s17 =	sadd.s32 $0x40, s12;
	v7 =	vadd.s32 v8, v7  }
0x1d9: {  	s14 =	sshra.s32 s17, $0x2;
	s20 =	sadd.s32 $0x40, s17;
	s17 =	simm.s32 $0x0;
	[tilespmem:s6+$0x6080] =	vst v7  }
.LBB2_27:
0x1da: {  	p5 =	sne.s32 s20, $0x3FC0;
	v7 =	vld [tilespmem:s14+$0x6080];
	_ =	sdelay $0x4  }
0x1db: {  	(xrf0) =	vadd.scan.msk.s32 $0xffff, v7;
	_ =	sdelay $0x5  }
.Ltmp16:
0x1dc: {  	v8, _, _ =	vpop (xrf0);
	s6 =	spop (v2sf);
	(pc) =	sbr.rel @p5 .LBB2_27-.Ltmp16, $4  }
0x1dd: {  	(v2sf) =	vpush v8, $0xF;
	s17 =	sadd.s32 s17, s6  }
0x1de: {  	v7 =	vsub.s32 s17, v7  }
0x1df: {  	v7 =	vadd.s32 v8, v7  }
0x1e0: {  	[tilespmem:s14+$0x6080] =	vst v7;
	s14 =	sshra.s32 s20, $0x2;
	s20 =	sadd.s32 $0x40, s20  }
0x1e1: {  	v7 =	vld [tilespmem:s14+$0x6080];
	_ =	sdelay $0x4  }
0x1e2: {  	(xrf0) =	vadd.scan.msk.s32 $0xffff, v7;
	_ =	sdelay $0x5  }
0x1e3: {  	v8, _, _ =	vpop (xrf0)  }
0x1e4: {  	(v2sf) =	vpush v8, $0xF;
	_ =	sdelay $0xa  }
0x1e5: {  	s6 =	spop (v2sf)  }
0x1e6: {  	s6 =	sadd.s32 s17, s6  }
0x1e7: {  	v7 =	vsub.s32 s6, v7  }
0x1e8: {  	v7 =	vadd.s32 v8, v7  }
0x1e9: {  	[tilespmem:s14+$0x6080] =	vst v7;
	s24 =	spop (v2sf)  }
.LBB2_29:
0x1ea: {  	s6 =	sshra.s32 s12, $0x2  }
0x1eb: {  	v7 =	vld [tilespmem:s6+$0x2080];
	_ =	sdelay $0x4  }
0x1ec: {  	v8 =	vshrl.u32 v7, $0xC  }
0x1ed: {  	v8 =	vand.u32 $0xFF0, v8  }
0x1ee: {  	v8 =	vor.u32 v0, v8;
	_ =	sdelay $0x4  }
0x1ef: {  	v9 =	vld.idx.msk [tilespmem:v8+s31+$0x0], $0xffff;
	_ =	sdelay $0x4  }
0x1f0: {  	v10 =	vshll.u32 v9, $0x4  }
0x1f1: {  	v11 =	vshrl.u32 v9, $0x8;
	v10 =	vand.u32 $0xFF0, v10  }
0x1f2: {  	v10 =	vor.u32 v11, v10  }
0x1f3: {  	v54 =	vld [tilespmem:s6+$0x4080];
	_ =	sdelay $0x1  }
0x1f4: {  	v9 =	vadd.s32 $0x1, v9  }
0x1f5: {  	[tilespmem:v8+s31+$0x0] =	vst.idx.msk $0xffff, v9  }
0x1f6: {  	[tilespmem:v10+s0+$0x0] =	vst.idx.msk $0xffff, v7  }
0x1f7: {  	[tilespmem:v10+s1+$0x0] =	vst.idx.msk $0xffff, v54  }
0x1f8: {  	v7 =	vld [tilespmem:s6+$0x2090];
	_ =	sdelay $0x4  }
0x1f9: {  	v8 =	vshrl.u32 v7, $0xC  }
0x1fa: {  	v8 =	vand.u32 $0xFF0, v8  }
0x1fb: {  	v8 =	vor.u32 v0, v8;
	_ =	sdelay $0x4  }
0x1fc: {  	v9 =	vld.idx.msk [tilespmem:v8+s31+$0x0], $0xffff;
	_ =	sdelay $0x4  }
0x1fd: {  	v55 =	vshll.u32 v9, $0x4  }
0x1fe: {  	v56 =	vshrl.u32 v9, $0x8;
	v10 =	vand.u32 $0xFF0, v55  }
0x1ff: {  	v10 =	vor.u32 v56, v10  }
0x200: {  	v57 =	vld [tilespmem:s6+$0x4090];
	_ =	sdelay $0x1  }
0x201: {  	v9 =	vadd.s32 $0x1, v9  }
0x202: {  	[tilespmem:v8+s31+$0x0] =	vst.idx.msk $0xffff, v9  }
0x203: {  	[tilespmem:v10+s0+$0x0] =	vst.idx.msk $0xffff, v7  }
0x204: {  	[tilespmem:v10+s1+$0x0] =	vst.idx.msk $0xffff, v57  }
0x205: {  	v7 =	vld [tilespmem:s6+$0x20A0];
	_ =	sdelay $0x4  }
0x206: {  	v8 =	vshrl.u32 v7, $0xC  }
0x207: {  	v8 =	vand.u32 $0xFF0, v8  }
0x208: {  	v8 =	vor.u32 v0, v8;
	_ =	sdelay $0x4  }
0x209: {  	v9 =	vld.idx.msk [tilespmem:v8+s31+$0x0], $0xffff;
	_ =	sdelay $0x4  }
0x20a: {  	v58 =	vshll.u32 v9, $0x4  }
0x20b: {  	v59 =	vshrl.u32 v9, $0x8;
	v10 =	vand.u32 $0xFF0, v58  }
0x20c: {  	v10 =	vor.u32 v59, v10  }
0x20d: {  	v60 =	vld [tilespmem:s6+$0x40A0];
	_ =	sdelay $0x1  }
0x20e: {  	v9 =	vadd.s32 $0x1, v9  }
0x20f: {  	[tilespmem:v8+s31+$0x0] =	vst.idx.msk $0xffff, v9  }
0x210: {  	[tilespmem:v10+s0+$0x0] =	vst.idx.msk $0xffff, v7  }
0x211: {  	[tilespmem:v10+s1+$0x0] =	vst.idx.msk $0xffff, v60  }
0x212: {  	v7 =	vld [tilespmem:s6+$0x20B0];
	_ =	sdelay $0x4  }
0x213: {  	v8 =	vshrl.u32 v7, $0xC  }
0x214: {  	v8 =	vand.u32 $0xFF0, v8  }
0x215: {  	v8 =	vor.u32 v0, v8;
	_ =	sdelay $0x4  }
0x216: {  	v9 =	vld.idx.msk [tilespmem:v8+s31+$0x0], $0xffff;
	_ =	sdelay $0x4  }
0x217: {  	v61 =	vshll.u32 v9, $0x4  }
0x218: {  	v62 =	vshrl.u32 v9, $0x8;
	v10 =	vand.u32 $0xFF0, v61  }
0x219: {  	v10 =	vor.u32 v62, v10  }
0x21a: {  	p5 =	sne.s32 s12, $0x3F00;
	v63 =	vld [tilespmem:s6+$0x40B0]  }
.Ltmp17:
0x21b: {  	_ = 	snop;
	(pc) =	sbr.rel @p5 .LBB2_29-.Ltmp17, $4  }
0x21c: {  	v9 =	vadd.s32 $0x1, v9  }
0x21d: {  	[tilespmem:v8+s31+$0x0] =	vst.idx.msk $0xffff, v9  }
0x21e: {  	[tilespmem:v10+s0+$0x0] =	vst.idx.msk $0xffff, v7  }
0x21f: {  	s12 =	sadd.s32 $0x100, s12;
	s14 =	simm.s32 $0x0;
	[tilespmem:v10+s1+$0x0] =	vst.idx.msk $0xffff, v63  }
0x220: {  	s17 =	simm.s32 $0x100;
	s12 =	simm.s32 $0x0  }
.LBB2_31:
0x221: {  	p5 =	sne.s32 s17, $0x3F00;
	[tilespmem:s12+$0x60B0] =	vst v5;
	s6 =	smov.u32 s17;
	s17 =	sadd.s32 $0x100, s17  }
.Ltmp18:
0x222: {  	[tilespmem:s12+$0x60A0] =	vst v5;
	(pc) =	sbr.rel @p5 .LBB2_31-.Ltmp18, $3  }
0x223: {  	[tilespmem:s12+$0x6080] =	vst v5  }
0x224: {  	[tilespmem:s12+$0x6090] =	vst v5;
	_ =	sdelay $0x1  }
0x225: {  	s12 =	sshra.s32 s6, $0x2  }
0x226: {  	[tilespmem:s12+$0x60B0] =	vst v5  }
0x227: {  	[tilespmem:s12+$0x60A0] =	vst v5  }
0x228: {  	[tilespmem:s12+$0x6080] =	vst v5  }
0x229: {  	[tilespmem:s12+$0x6090] =	vst v5  }
.LBB2_33:
0x22a: {  	s6 =	sshra.s32 s14, $0x2  }
0x22b: {  	v7 =	vld [tilespmem:s6+$0x3080];
	_ =	sdelay $0x4  }
0x22c: {  	v7 =	vshrl.u32 v7, $0x14  }
0x22d: {  	v7 =	vand.u32 $0xFF0, v7  }
0x22e: {  	v7 =	vor.u32 v0, v7;
	_ =	sdelay $0x4  }
0x22f: {  	[tilespmem:v7+s31+$0x0] =	vst.idx.add.s32.msk $0xffff, v6  }
0x230: {  	v7 =	vld [tilespmem:s6+$0x3090];
	_ =	sdelay $0x4  }
0x231: {  	v7 =	vshrl.u32 v7, $0x14  }
0x232: {  	v7 =	vand.u32 $0xFF0, v7  }
0x233: {  	v7 =	vor.u32 v0, v7;
	_ =	sdelay $0x4  }
0x234: {  	[tilespmem:v7+s31+$0x0] =	vst.idx.add.s32.msk $0xffff, v6  }
0x235: {  	v7 =	vld [tilespmem:s6+$0x30A0];
	_ =	sdelay $0x4  }
0x236: {  	v7 =	vshrl.u32 v7, $0x14  }
0x237: {  	v7 =	vand.u32 $0xFF0, v7  }
0x238: {  	v7 =	vor.u32 v0, v7;
	_ =	sdelay $0x4  }
0x239: {  	[tilespmem:v7+s31+$0x0] =	vst.idx.add.s32.msk $0xffff, v6  }
0x23a: {  	v7 =	vld [tilespmem:s6+$0x30B0];
	_ =	sdelay $0x4  }
0x23b: {  	v7 =	vshrl.u32 v7, $0x14  }
0x23c: {  	v7 =	vand.u32 $0xFF0, v7  }
0x23d: {  	p5 =	sne.s32 s14, $0x3F00;
	v7 =	vor.u32 v0, v7  }
.Ltmp19:
0x23e: {  	_ = 	snop;
	(pc) =	sbr.rel @p5 .LBB2_33-.Ltmp19, $2  }
0x23f: {  	_ =	sdelay $0x2  }
0x240: {  	s14 =	sadd.s32 $0x100, s14;
	s12 =	simm.s32 $0x0;
	[tilespmem:v7+s31+$0x0] =	vst.idx.add.s32.msk $0xffff, v6  }
0x241: {  	s6 =	sshra.s32 s12, $0x2  }
0x242: {  	v7 =	vld [tilespmem:s6+$0x6080];
	_ =	sdelay $0x4  }
0x243: {  	(xrf0) =	vadd.scan.msk.s32 $0xffff, v7;
	_ =	sdelay $0x5  }
0x244: {  	v8, _, _ =	vpop (xrf0)  }
0x245: {  	(v2sf) =	vpush v8, $0xF  }
0x246: {  	v7 =	vsub.s32 s12, v7  }
0x247: {  	s17 =	sadd.s32 $0x40, s12;
	v7 =	vadd.s32 v8, v7  }
0x248: {  	s14 =	sshra.s32 s17, $0x2;
	s20 =	sadd.s32 $0x40, s17;
	s17 =	simm.s32 $0x0;
	[tilespmem:s6+$0x6080] =	vst v7  }
.LBB2_35:
0x249: {  	p5 =	sne.s32 s20, $0x3FC0;
	v7 =	vld [tilespmem:s14+$0x6080];
	_ =	sdelay $0x4  }
0x24a: {  	(xrf0) =	vadd.scan.msk.s32 $0xffff, v7;
	_ =	sdelay $0x5  }
.Ltmp20:
0x24b: {  	v8, _, _ =	vpop (xrf0);
	s6 =	spop (v2sf);
	(pc) =	sbr.rel @p5 .LBB2_35-.Ltmp20, $4  }
0x24c: {  	(v2sf) =	vpush v8, $0xF;
	s17 =	sadd.s32 s17, s6  }
0x24d: {  	v7 =	vsub.s32 s17, v7  }
0x24e: {  	v7 =	vadd.s32 v8, v7  }
0x24f: {  	[tilespmem:s14+$0x6080] =	vst v7;
	s14 =	sshra.s32 s20, $0x2;
	s20 =	sadd.s32 $0x40, s20  }
0x250: {  	v7 =	vld [tilespmem:s14+$0x6080];
	_ =	sdelay $0x4  }
0x251: {  	(xrf0) =	vadd.scan.msk.s32 $0xffff, v7;
	_ =	sdelay $0x5  }
0x252: {  	v8, _, _ =	vpop (xrf0)  }
0x253: {  	(v2sf) =	vpush v8, $0xF;
	_ =	sdelay $0xa  }
0x254: {  	s6 =	spop (v2sf)  }
0x255: {  	s6 =	sadd.s32 s17, s6  }
0x256: {  	v7 =	vsub.s32 s6, v7  }
0x257: {  	v7 =	vadd.s32 v8, v7  }
0x258: {  	[tilespmem:s14+$0x6080] =	vst v7;
	s24 =	spop (v2sf)  }
.LBB2_37:
0x259: {  	s6 =	sshra.s32 s12, $0x2  }
0x25a: {  	v7 =	vld [tilespmem:s6+$0x3080];
	_ =	sdelay $0x4  }
0x25b: {  	v7 =	vshrl.u32 v7, $0x14  }
0x25c: {  	v7 =	vand.u32 $0xFF0, v7  }
0x25d: {  	v7 =	vor.u32 v0, v7;
	_ =	sdelay $0x4  }
0x25e: {  	v8 =	vld.idx.msk [tilespmem:v7+s31+$0x0], $0xffff;
	_ =	sdelay $0x2  }
0x25f: {  	v9 =	vld [tilespmem:s6+$0x5080];
	_ =	sdelay $0x2  }
0x260: {  	v10 =	vadd.s32 $0x1, v8  }
0x261: {  	[tilespmem:v7+s31+$0x0] =	vst.idx.msk $0xffff, v10  }
0x262: {  	[tilespmem:v8+s4+$0x0] =	vst.idx.msk $0xffff, v9  }
0x263: {  	v7 =	vld [tilespmem:s6+$0x3090];
	_ =	sdelay $0x4  }
0x264: {  	v7 =	vshrl.u32 v7, $0x14  }
0x265: {  	v7 =	vand.u32 $0xFF0, v7  }
0x266: {  	v7 =	vor.u32 v0, v7;
	_ =	sdelay $0x4  }
0x267: {  	v8 =	vld.idx.msk [tilespmem:v7+s31+$0x0], $0xffff;
	_ =	sdelay $0x2  }
0x268: {  	v9 =	vld [tilespmem:s6+$0x5090];
	_ =	sdelay $0x2  }
0x269: {  	v61 =	vadd.s32 $0x1, v8  }
0x26a: {  	[tilespmem:v7+s31+$0x0] =	vst.idx.msk $0xffff, v61  }
0x26b: {  	[tilespmem:v8+s4+$0x0] =	vst.idx.msk $0xffff, v9  }
0x26c: {  	v7 =	vld [tilespmem:s6+$0x30A0];
	_ =	sdelay $0x4  }
0x26d: {  	v7 =	vshrl.u32 v7, $0x14  }
0x26e: {  	v7 =	vand.u32 $0xFF0, v7  }
0x26f: {  	v7 =	vor.u32 v0, v7;
	_ =	sdelay $0x4  }
0x270: {  	v8 =	vld.idx.msk [tilespmem:v7+s31+$0x0], $0xffff;
	_ =	sdelay $0x2  }
0x271: {  	v9 =	vld [tilespmem:s6+$0x50A0];
	_ =	sdelay $0x2  }
0x272: {  	v62 =	vadd.s32 $0x1, v8  }
0x273: {  	[tilespmem:v7+s31+$0x0] =	vst.idx.msk $0xffff, v62  }
0x274: {  	[tilespmem:v8+s4+$0x0] =	vst.idx.msk $0xffff, v9  }
0x275: {  	v7 =	vld [tilespmem:s6+$0x30B0];
	_ =	sdelay $0x4  }
0x276: {  	v7 =	vshrl.u32 v7, $0x14  }
0x277: {  	v7 =	vand.u32 $0xFF0, v7  }
0x278: {  	v7 =	vor.u32 v0, v7;
	_ =	sdelay $0x4  }
0x279: {  	v8 =	vld.idx.msk [tilespmem:v7+s31+$0x0], $0xffff;
	_ =	sdelay $0x2  }
0x27a: {  	p5 =	sne.s32 s12, $0x3F00;
	v9 =	vld [tilespmem:s6+$0x50B0]  }
.Ltmp21:
0x27b: {  	_ = 	snop;
	(pc) =	sbr.rel @p5 .LBB2_37-.Ltmp21, $4  }
0x27c: {  	_ = 	snop  }
0x27d: {  	v63 =	vadd.s32 $0x1, v8  }
0x27e: {  	[tilespmem:v7+s31+$0x0] =	vst.idx.msk $0xffff, v63  }
0x27f: {  	s12 =	sadd.s32 $0x100, s12;
	[tilespmem:v8+s4+$0x0] =	vst.idx.msk $0xffff, v9  }
0x280: {  	s6 =	rddreg [dreg:$0x6];
	s24 =	simm.s32 $0x5  }
0x281: {  	[spmem:s6] =	stream.linear.scatter [tilespmem:s4], [sflag:$0x5], $0x1000, $0x38;
	[tilespmem:$0x18580] =	vst v63  }
0x282: {  	_ =	swait.ge [sflag:s24], $0x1000  }
0x283: {  	[sflag:s24] =	ssyncset.done $0x0  }
0x284: {  	[sflag:s24] =	ssyncadd.s32 $0xFFFFF000  }
.LBB2_39:
0x285: {  	[bflag:$0x0] =	sbarrier.arrive $0xFFFF  }
0x286: {  	s7 =	simm.s32 $0x7480;
	s24 =	simm.s32 $0x5;
	s6 =	rddreg [dreg:$0x7]  }
0x287: {  	[tilespmem:s7], [sflag:$0x5] =	stream.linear.gather [spmem:s6], $0x1000, $0x38;
	[tilespmem:$0x18580] =	vst v63  }
0x288: {  	_ =	swait.ge [sflag:s24], $0x1000  }
0x289: {  	[sflag:s24] =	ssyncset.done $0x0  }
0x28a: {  	s6 =	simm.s32 @!p1 $0x7480;
	[sflag:s24] =	ssyncadd.s32 $0xFFFFF000  }
0x28b: {  	v7 =	vld.idx.msk @!p1 [tilespmem:v1+s6+$0x0], $0xffff;
	_ =	sdelay $0x4  }
0x28c: {  	v8 =	vshll.u32 @!p1 v7, $0x4  }
0x28d: {  	v10 =	vlaneseq.u32 @!p1;
	v9 =	vand.u32 @!p1 $0x7, v7;
	v8 =	vand.u32 @!p1 $0xFFFFFF80, v8  }
0x28e: {  	v11 =	vshrl.u32 @!p1 v10, $0x3;
	v8 =	vor.u32 @!p1 v9, v8;
	v9 =	vand.u32 @!p1 $0x7, v10  }
0x28f: {  	v11 =	vmul.u32 @!p1 $0x8, v11;
	v9 =	vperm.xlane @!p1 v8, v9;
	_ =	sdelay $0x1  }
0x290: {  	v9 =	vadd.s32 @!p1 v11, v9;
	_ =	sdelay $0x3  }
0x291: {  	s12 =	simm.s32 @!p1 $0x8580;
	s6 =	simm.s32 @!p1 $0x0;
	[tilespmem:$0x8480] =	vst @!p1 v7  }
0x292: {  	[tilespmem:s12], [sflag:$0x1] =	stream.indirect_vreg.gather @!p1 [hbm4b:s8+s6], $0x80, v9, vm0, $0xb8;
	[tilespmem:$0x18580] =	vst v63  }
0x293: {  	s14 =	simm.s32 @!p1 $0x8D80;
	s12 =	sadd.s32 @!p1 $0x100, s8  }
0x294: {  	[tilespmem:s14], [sflag:$0x1] =	stream.indirect_vreg.gather @!p1 [hbm4b:s12+s6], $0x80, v9, vm0, $0xb8;
	[tilespmem:$0x18580] =	vst v63  }
0x295: {  	s17 =	simm.s32 @!p1 $0x9580;
	s14 =	sadd.s32 @!p1 $0x200, s8  }
0x296: {  	[tilespmem:s17], [sflag:$0x1] =	stream.indirect_vreg.gather @!p1 [hbm4b:s14+s6], $0x80, v9, vm0, $0xb8;
	[tilespmem:$0x18580] =	vst v63  }
0x297: {  	s20 =	simm.s32 @!p1 $0x9D80;
	s17 =	sadd.s32 @!p1 $0x300, s8  }
0x298: {  	[tilespmem:s20], [sflag:$0x1] =	stream.indirect_vreg.gather @!p1 [hbm4b:s17+s6], $0x80, v9, vm0, $0xb8;
	[tilespmem:$0x18580] =	vst v63  }
0x299: {  	s22 =	simm.s32 @!p1 $0xA580;
	s20 =	sadd.s32 @!p1 $0x400, s8  }
0x29a: {  	v7 =	vor.u32 @!p1 $0x8, v10;
	[tilespmem:s22], [sflag:$0x1] =	stream.indirect_vreg.gather @!p1 [hbm4b:s20+s6], $0x80, v9, vm0, $0xb8;
	[tilespmem:$0x18580] =	vst v63  }
0x29b: {  	s24 =	simm.s32 @!p1 $0xAD80;
	v7 =	vperm.xlane @!p1 v8, v7;
	s22 =	sadd.s32 @!p1 $0x500, s8  }
0x29c: {  	[tilespmem:s24], [sflag:$0x1] =	stream.indirect_vreg.gather @!p1 [hbm4b:s22+s6], $0x80, v9, vm0, $0xb8;
	[tilespmem:$0x18580] =	vst v63  }
0x29d: {  	s7 =	simm.s32 @!p1 $0xB580;
	v7 =	vadd.s32 @!p1 v11, v7;
	s24 =	sadd.s32 @!p1 $0x600, s8  }
0x29e: {  	[tilespmem:s7], [sflag:$0x1] =	stream.indirect_vreg.gather @!p1 [hbm4b:s24+s6], $0x80, v9, vm0, $0xb8;
	[tilespmem:$0x18580] =	vst v63  }
0x29f: {  	s11 =	simm.s32 @!p1 $0xBD80;
	s7 =	sadd.s32 @!p1 $0x700, s8  }
0x2a0: {  	[tilespmem:s11], [sflag:$0x1] =	stream.indirect_vreg.gather @!p1 [hbm4b:s7+s6], $0x80, v9, vm0, $0xb8;
	[tilespmem:$0x18580] =	vst v63  }
0x2a1: {  	s11 =	simm.s32 @!p1 $0xC580  }
0x2a2: {  	[tilespmem:s11], [sflag:$0x1] =	stream.indirect_vreg.gather @!p1 [hbm4b:s8+s6], $0x80, v7, vm0, $0xb8;
	[tilespmem:$0x18580] =	vst v63  }
0x2a3: {  	s11 =	simm.s32 @!p1 $0xCD80  }
0x2a4: {  	[tilespmem:s11], [sflag:$0x1] =	stream.indirect_vreg.gather @!p1 [hbm4b:s12+s6], $0x80, v7, vm0, $0xb8;
	[tilespmem:$0x18580] =	vst v63  }
0x2a5: {  	s11 =	simm.s32 @!p1 $0xD580  }
0x2a6: {  	[tilespmem:s11], [sflag:$0x1] =	stream.indirect_vreg.gather @!p1 [hbm4b:s14+s6], $0x80, v7, vm0, $0xb8;
	[tilespmem:$0x18580] =	vst v63  }
0x2a7: {  	s11 =	simm.s32 @!p1 $0xDD80  }
0x2a8: {  	[tilespmem:s11], [sflag:$0x1] =	stream.indirect_vreg.gather @!p1 [hbm4b:s17+s6], $0x80, v7, vm0, $0xb8;
	[tilespmem:$0x18580] =	vst v63  }
0x2a9: {  	s11 =	simm.s32 @!p1 $0xE580  }
0x2aa: {  	[tilespmem:s11], [sflag:$0x1] =	stream.indirect_vreg.gather @!p1 [hbm4b:s20+s6], $0x80, v7, vm0, $0xb8;
	[tilespmem:$0x18580] =	vst v63  }
0x2ab: {  	s11 =	simm.s32 @!p1 $0xED80  }
0x2ac: {  	[tilespmem:s11], [sflag:$0x1] =	stream.indirect_vreg.gather @!p1 [hbm4b:s22+s6], $0x80, v7, vm0, $0xb8;
	[tilespmem:$0x18580] =	vst v63  }
.Ltmp22:
0x2ad: {  	_ = 	snop;
	(pc) =	sbr.rel .LBB2_40-.Ltmp22, $4  }
0x2ae: {  	s14 =	rddreg [dreg:$0x11];
	s11 =	simm.s32 @!p1 $0xF580  }
0x2af: {  	[tilespmem:s11], [sflag:$0x1] =	stream.indirect_vreg.gather @!p1 [hbm4b:s24+s6], $0x80, v7, vm0, $0xb8;
	[tilespmem:$0x18580] =	vst v63  }
0x2b0: {  	s12 =	simm.s32 $0x0;
	s17 =	rddreg [dreg:$0x1a];
	s11 =	simm.s32 @!p1 $0xFD80  }
0x2b1: {  	[tilespmem:s11], [sflag:$0x1] =	stream.indirect_vreg.gather @!p1 [hbm4b:s7+s6], $0x80, v7, vm0, $0xb8;
	[tilespmem:$0x18580] =	vst v63  }
.LBB2_47:
0x2b2: {  	s20 =	sadd.s32 s12, s15  }
0x2b3: {  	s7 =	simm.s32 $0x10580;
	s6 =	sadd.s32 $0x4000, s20  }
0x2b4: {  	[hbm4b:s6+s18] =	stream.strided.scatter [tilespmem:s7], [sflag:$0x4], $0x400, s28, s18, $0x38;
	[tilespmem:$0x18580] =	vst v63  }
0x2b5: {  	s13 =	sadd.s32 $0x6000, s20  }
0x2b6: {  	[hbm4b:s13+s18] =	stream.strided.scatter [tilespmem:s16], [sflag:$0x4], $0x400, s28, s18, $0x38;
	[tilespmem:$0x18580] =	vst v63  }
0x2b7: {  	s24 =	simm.s32 $0x10980;
	s22 =	sadd.s32 $0x4040, s20  }
0x2b8: {  	[hbm4b:s22+s18] =	stream.strided.scatter [tilespmem:s24], [sflag:$0x4], $0x400, s28, s18, $0x38;
	[tilespmem:$0x18580] =	vst v63  }
0x2b9: {  	s11 =	sadd.s32 $0x6040, s20;
	s13 =	simm.s32 $0x14980  }
0x2ba: {  	[hbm4b:s11+s18] =	stream.strided.scatter [tilespmem:s13], [sflag:$0x4], $0x400, s28, s18, $0x38;
	[tilespmem:$0x18580] =	vst v63  }
0x2bb: {  	s22 =	sadd.s32 $0x4080, s20;
	s24 =	simm.s32 $0x10D80  }
0x2bc: {  	[hbm4b:s22+s18] =	stream.strided.scatter [tilespmem:s24], [sflag:$0x4], $0x400, s28, s18, $0x38;
	[tilespmem:$0x18580] =	vst v63  }
0x2bd: {  	s11 =	sadd.s32 $0x6080, s20;
	s13 =	simm.s32 $0x14D80  }
0x2be: {  	[hbm4b:s11+s18] =	stream.strided.scatter [tilespmem:s13], [sflag:$0x4], $0x400, s28, s18, $0x38;
	[tilespmem:$0x18580] =	vst v63  }
0x2bf: {  	s22 =	sadd.s32 $0x40C0, s20;
	s24 =	simm.s32 $0x11180  }
0x2c0: {  	[hbm4b:s22+s18] =	stream.strided.scatter [tilespmem:s24], [sflag:$0x4], $0x400, s28, s18, $0x38;
	[tilespmem:$0x18580] =	vst v63  }
0x2c1: {  	s11 =	sadd.s32 $0x60C0, s20;
	s13 =	simm.s32 $0x15180  }
0x2c2: {  	[hbm4b:s11+s18] =	stream.strided.scatter [tilespmem:s13], [sflag:$0x4], $0x400, s28, s18, $0x38;
	[tilespmem:$0x18580] =	vst v63  }
0x2c3: {  	s22 =	sadd.s32 $0x4100, s20;
	s24 =	simm.s32 $0x11580  }
0x2c4: {  	[hbm4b:s22+s18] =	stream.strided.scatter [tilespmem:s24], [sflag:$0x4], $0x400, s28, s18, $0x38;
	[tilespmem:$0x18580] =	vst v63  }
0x2c5: {  	s7 =	sadd.s32 $0x6100, s20  }
0x2c6: {  	[hbm4b:s7+s18] =	stream.strided.scatter [tilespmem:s19], [sflag:$0x4], $0x400, s28, s18, $0x38;
	[tilespmem:$0x18580] =	vst v63  }
0x2c7: {  	s11 =	sadd.s32 $0x4140, s20;
	s13 =	simm.s32 $0x11980  }
0x2c8: {  	[hbm4b:s11+s18] =	stream.strided.scatter [tilespmem:s13], [sflag:$0x4], $0x400, s28, s18, $0x38;
	[tilespmem:$0x18580] =	vst v63  }
0x2c9: {  	s22 =	sadd.s32 $0x6140, s20;
	s24 =	simm.s32 $0x15980  }
0x2ca: {  	[hbm4b:s22+s18] =	stream.strided.scatter [tilespmem:s24], [sflag:$0x4], $0x400, s28, s18, $0x38;
	[tilespmem:$0x18580] =	vst v63  }
0x2cb: {  	s11 =	sadd.s32 $0x4180, s20;
	s13 =	simm.s32 $0x11D80  }
0x2cc: {  	[hbm4b:s11+s18] =	stream.strided.scatter [tilespmem:s13], [sflag:$0x4], $0x400, s28, s18, $0x38;
	[tilespmem:$0x18580] =	vst v63  }
0x2cd: {  	s22 =	sadd.s32 $0x6180, s20;
	s24 =	simm.s32 $0x15D80  }
0x2ce: {  	[hbm4b:s22+s18] =	stream.strided.scatter [tilespmem:s24], [sflag:$0x4], $0x400, s28, s18, $0x38;
	[tilespmem:$0x18580] =	vst v63  }
0x2cf: {  	s11 =	sadd.s32 $0x41C0, s20;
	s13 =	simm.s32 $0x12180  }
0x2d0: {  	[hbm4b:s11+s18] =	stream.strided.scatter [tilespmem:s13], [sflag:$0x4], $0x400, s28, s18, $0x38;
	[tilespmem:$0x18580] =	vst v63  }
0x2d1: {  	s22 =	sadd.s32 $0x61C0, s20;
	s24 =	simm.s32 $0x16180  }
0x2d2: {  	[hbm4b:s22+s18] =	stream.strided.scatter [tilespmem:s24], [sflag:$0x4], $0x400, s28, s18, $0x38;
	[tilespmem:$0x18580] =	vst v63  }
0x2d3: {  	s11 =	sadd.s32 $0x4200, s20;
	s13 =	simm.s32 $0x12580  }
0x2d4: {  	[hbm4b:s11+s18] =	stream.strided.scatter [tilespmem:s13], [sflag:$0x4], $0x400, s28, s18, $0x38;
	[tilespmem:$0x18580] =	vst v63  }
0x2d5: {  	s22 =	sadd.s32 $0x6200, s20;
	s24 =	simm.s32 $0x16580  }
0x2d6: {  	[hbm4b:s22+s18] =	stream.strided.scatter [tilespmem:s24], [sflag:$0x4], $0x400, s28, s18, $0x38;
	[tilespmem:$0x18580] =	vst v63  }
0x2d7: {  	s11 =	sadd.s32 $0x4240, s20;
	s13 =	simm.s32 $0x12980  }
0x2d8: {  	[hbm4b:s11+s18] =	stream.strided.scatter [tilespmem:s13], [sflag:$0x4], $0x400, s28, s18, $0x38;
	[tilespmem:$0x18580] =	vst v63  }
0x2d9: {  	s22 =	sadd.s32 $0x6240, s20;
	s24 =	simm.s32 $0x16980  }
0x2da: {  	[hbm4b:s22+s18] =	stream.strided.scatter [tilespmem:s24], [sflag:$0x4], $0x400, s28, s18, $0x38;
	[tilespmem:$0x18580] =	vst v63  }
0x2db: {  	s11 =	sadd.s32 $0x4280, s20;
	s13 =	simm.s32 $0x12D80  }
0x2dc: {  	[hbm4b:s11+s18] =	stream.strided.scatter [tilespmem:s13], [sflag:$0x4], $0x400, s28, s18, $0x38;
	[tilespmem:$0x18580] =	vst v63  }
0x2dd: {  	s22 =	sadd.s32 $0x6280, s20;
	s24 =	simm.s32 $0x16D80  }
0x2de: {  	[hbm4b:s22+s18] =	stream.strided.scatter [tilespmem:s24], [sflag:$0x4], $0x400, s28, s18, $0x38;
	[tilespmem:$0x18580] =	vst v63  }
0x2df: {  	s11 =	sadd.s32 $0x42C0, s20;
	s13 =	simm.s32 $0x13180  }
0x2e0: {  	[hbm4b:s11+s18] =	stream.strided.scatter [tilespmem:s13], [sflag:$0x4], $0x400, s28, s18, $0x38;
	[tilespmem:$0x18580] =	vst v63  }
0x2e1: {  	s22 =	sadd.s32 $0x62C0, s20;
	s24 =	simm.s32 $0x17180  }
0x2e2: {  	[hbm4b:s22+s18] =	stream.strided.scatter [tilespmem:s24], [sflag:$0x4], $0x400, s28, s18, $0x38;
	[tilespmem:$0x18580] =	vst v63  }
0x2e3: {  	s11 =	sadd.s32 $0x4300, s20;
	s13 =	simm.s32 $0x13580  }
0x2e4: {  	[hbm4b:s11+s18] =	stream.strided.scatter [tilespmem:s13], [sflag:$0x4], $0x400, s28, s18, $0x38;
	[tilespmem:$0x18580] =	vst v63  }
0x2e5: {  	s22 =	sadd.s32 $0x6300, s20;
	s24 =	simm.s32 $0x17580  }
0x2e6: {  	[hbm4b:s22+s18] =	stream.strided.scatter [tilespmem:s24], [sflag:$0x4], $0x400, s28, s18, $0x38;
	[tilespmem:$0x18580] =	vst v63  }
0x2e7: {  	s11 =	sadd.s32 $0x4340, s20;
	s13 =	simm.s32 $0x13980  }
0x2e8: {  	[hbm4b:s11+s18] =	stream.strided.scatter [tilespmem:s13], [sflag:$0x4], $0x400, s28, s18, $0x38;
	[tilespmem:$0x18580] =	vst v63  }
0x2e9: {  	s22 =	sadd.s32 $0x6340, s20;
	s24 =	simm.s32 $0x17980  }
0x2ea: {  	[hbm4b:s22+s18] =	stream.strided.scatter [tilespmem:s24], [sflag:$0x4], $0x400, s28, s18, $0x38;
	[tilespmem:$0x18580] =	vst v63  }
0x2eb: {  	s11 =	sadd.s32 $0x4380, s20;
	s13 =	simm.s32 $0x13D80  }
0x2ec: {  	[hbm4b:s11+s18] =	stream.strided.scatter [tilespmem:s13], [sflag:$0x4], $0x400, s28, s18, $0x38;
	[tilespmem:$0x18580] =	vst v63  }
0x2ed: {  	s22 =	sadd.s32 $0x6380, s20;
	s24 =	simm.s32 $0x17D80  }
0x2ee: {  	[hbm4b:s22+s18] =	stream.strided.scatter [tilespmem:s24], [sflag:$0x4], $0x400, s28, s18, $0x38;
	[tilespmem:$0x18580] =	vst v63  }
0x2ef: {  	s11 =	sadd.s32 $0x43C0, s20;
	s13 =	simm.s32 $0x14180  }
0x2f0: {  	[hbm4b:s11+s18] =	stream.strided.scatter [tilespmem:s13], [sflag:$0x4], $0x400, s28, s18, $0x38;
	[tilespmem:$0x18580] =	vst v63  }
0x2f1: {  	s22 =	sadd.s32 $0x63C0, s20;
	s24 =	simm.s32 $0x18180  }
0x2f2: {  	[hbm4b:s22+s18] =	stream.strided.scatter [tilespmem:s24], [sflag:$0x4], $0x400, s28, s18, $0x38;
	[tilespmem:$0x18580] =	vst v63  }
.LBB2_48:
0x2f3: {  	s12 =	sadd.s32 $0x8000, s12  }
0x2f4: {  	p5 =	sne.s32 s12, $0x78000  }
.Ltmp23:
0x2f5: {  	_ = 	snop;
	(pc) =	sbr.rel @!p5 .LBB2_49-.Ltmp23, $2  }
0x2f6: {  	_ =	sdelay $0x2  }
0x2f7: {  	s17 =	sadd.s32 $0x2, s17;
	s14 =	sadd.s32 $0x20, s14  }
.LBB2_40:
0x2f8: {  	s6 =	sadd.s32 $0xFFFFFFFF, s17  }
0x2f9: {  	p6 =	sge.u32 s6, s5  }
.Ltmp24:
0x2fa: {  	_ = 	snop;
	(pc) =	sbr.rel @p6 .LBB2_44-.Ltmp24, $2  }
0x2fb: {  	_ =	sdelay $0x2  }
0x2fc: {  	p5 =	sge.u32 s17, s5  }
.Ltmp25:
0x2fd: {  	(pc) =	sbr.rel @p5 .LBB2_43-.Ltmp25, $4  }
0x2fe: {  	s6 =	simm.s32 $0x1  }
0x2ff: {  	_ =	swait.ge [sflag:s6], $0x8000  }
0x300: {  	[sflag:s6] =	ssyncset.done $0x0  }
0x301: {  	[sflag:s6] =	ssyncadd.s32 $0xFFFF8000  }
0x302: {  	p6 =	seq.s32 s12, $0x0  }
0x303: {  	s6 =	simm.s32 @!p6 $0x4  }
0x304: {  	_ =	swait.ge @!p6 [sflag:s6], $0x800  }
0x305: {  	[sflag:s6] =	ssyncset.done @!p6 $0x0  }
0x306: {  	[sflag:s6] =	ssyncadd.s32 @!p6 $0xFFFFF800  }
0x307: {  	_ =	swait.ge @!p6 [sflag:s6], $0x800  }
0x308: {  	[sflag:s6] =	ssyncset.done @!p6 $0x0  }
0x309: {  	[sflag:s6] =	ssyncadd.s32 @!p6 $0xFFFFF800  }
0x30a: {  	_ =	swait.ge @!p6 [sflag:s6], $0x800  }
0x30b: {  	[sflag:s6] =	ssyncset.done @!p6 $0x0  }
0x30c: {  	[sflag:s6] =	ssyncadd.s32 @!p6 $0xFFFFF800  }
0x30d: {  	_ =	swait.ge @!p6 [sflag:s6], $0x800  }
0x30e: {  	[sflag:s6] =	ssyncset.done @!p6 $0x0  }
0x30f: {  	[sflag:s6] =	ssyncadd.s32 @!p6 $0xFFFFF800  }
0x310: {  	_ =	swait.ge @!p6 [sflag:s6], $0x800  }
0x311: {  	[sflag:s6] =	ssyncset.done @!p6 $0x0  }
0x312: {  	[sflag:s6] =	ssyncadd.s32 @!p6 $0xFFFFF800  }
0x313: {  	_ =	swait.ge @!p6 [sflag:s6], $0x800  }
0x314: {  	[sflag:s6] =	ssyncset.done @!p6 $0x0  }
0x315: {  	[sflag:s6] =	ssyncadd.s32 @!p6 $0xFFFFF800  }
0x316: {  	_ =	swait.ge @!p6 [sflag:s6], $0x800  }
0x317: {  	[sflag:s6] =	ssyncset.done @!p6 $0x0  }
0x318: {  	[sflag:s6] =	ssyncadd.s32 @!p6 $0xFFFFF800  }
0x319: {  	_ =	swait.ge @!p6 [sflag:s6], $0x800  }
0x31a: {  	[sflag:s6] =	ssyncset.done @!p6 $0x0  }
0x31b: {  	[sflag:s6] =	ssyncadd.s32 @!p6 $0xFFFFF800  }
0x31c: {  	_ =	swait.ge @!p6 [sflag:s6], $0x800  }
0x31d: {  	[sflag:s6] =	ssyncset.done @!p6 $0x0  }
0x31e: {  	[sflag:s6] =	ssyncadd.s32 @!p6 $0xFFFFF800  }
0x31f: {  	_ =	swait.ge @!p6 [sflag:s6], $0x800  }
0x320: {  	[sflag:s6] =	ssyncset.done @!p6 $0x0  }
0x321: {  	[sflag:s6] =	ssyncadd.s32 @!p6 $0xFFFFF800  }
0x322: {  	_ =	swait.ge @!p6 [sflag:s6], $0x800  }
0x323: {  	[sflag:s6] =	ssyncset.done @!p6 $0x0  }
0x324: {  	[sflag:s6] =	ssyncadd.s32 @!p6 $0xFFFFF800  }
0x325: {  	_ =	swait.ge @!p6 [sflag:s6], $0x800  }
0x326: {  	[sflag:s6] =	ssyncset.done @!p6 $0x0  }
0x327: {  	[sflag:s6] =	ssyncadd.s32 @!p6 $0xFFFFF800  }
0x328: {  	_ =	swait.ge @!p6 [sflag:s6], $0x800  }
0x329: {  	[sflag:s6] =	ssyncset.done @!p6 $0x0  }
0x32a: {  	[sflag:s6] =	ssyncadd.s32 @!p6 $0xFFFFF800  }
0x32b: {  	_ =	swait.ge @!p6 [sflag:s6], $0x800  }
0x32c: {  	[sflag:s6] =	ssyncset.done @!p6 $0x0  }
0x32d: {  	[sflag:s6] =	ssyncadd.s32 @!p6 $0xFFFFF800  }
0x32e: {  	s7 =	sadd.s32 $0x10, s14;
	_ =	swait.ge @!p6 [sflag:s6], $0x800  }
0x32f: {  	v7 =	vor.u32 s7, v0;
	[sflag:s6] =	ssyncset.done @!p6 $0x0  }
0x330: {  	[sflag:s6] =	ssyncadd.s32 @!p6 $0xFFFFF800  }
0x331: {  	_ =	swait.ge @!p6 [sflag:s6], $0x800  }
0x332: {  	[sflag:s6] =	ssyncset.done @!p6 $0x0  }
0x333: {  	s19 =	simm.s32 $0x7480;
	[sflag:s6] =	ssyncadd.s32 @!p6 $0xFFFFF800  }
0x334: {  	v7 =	vld.idx.msk [tilespmem:v7+s19+$0x0], $0xffff;
	_ =	sdelay $0x4  }
0x335: {  	v8 =	vshll.u32 v7, $0x4  }
0x336: {  	v9 =	vand.u32 $0x7, v7;
	v8 =	vand.u32 $0xFFFFFF80, v8  }
0x337: {  	v63 =	vand.u32 $0x7, v0;
	v10 =	vshrl.u32 v0, $0x3;
	v8 =	vor.u32 v9, v8  }
0x338: {  	v10 =	vmul.u32 $0x8, v10;
	v9 =	vperm.xlane v8, v63;
	_ =	sdelay $0x1  }
0x339: {  	v9 =	vadd.s32 v10, v9;
	_ =	sdelay $0x3  }
0x33a: {  	s20 =	simm.s32 $0x10580;
	[tilespmem:$0x8500] =	vst v7  }
0x33b: {  	[tilespmem:s20], [sflag:$0x2] =	stream.indirect_vreg.gather [hbm4b:s8+s2], $0x80, v9, vm1, $0xb8;
	[tilespmem:$0x18580] =	vst v63  }
0x33c: {  	s22 =	simm.s32 $0x10D80;
	s6 =	sadd.s32 $0x100, s8  }
0x33d: {  	[tilespmem:s22], [sflag:$0x2] =	stream.indirect_vreg.gather [hbm4b:s6+s2], $0x80, v9, vm1, $0xb8;
	[tilespmem:$0x18580] =	vst v63  }
0x33e: {  	s11 =	simm.s32 $0x11580;
	s7 =	sadd.s32 $0x200, s8  }
0x33f: {  	[tilespmem:s11], [sflag:$0x2] =	stream.indirect_vreg.gather [hbm4b:s7+s2], $0x80, v9, vm1, $0xb8;
	[tilespmem:$0x18580] =	vst v63  }
0x340: {  	s13 =	simm.s32 $0x11D80;
	s11 =	sadd.s32 $0x300, s8  }
0x341: {  	[tilespmem:s13], [sflag:$0x2] =	stream.indirect_vreg.gather [hbm4b:s11+s2], $0x80, v9, vm1, $0xb8;
	[tilespmem:$0x18580] =	vst v63  }
0x342: {  	s24 =	simm.s32 $0x12580;
	s20 =	sadd.s32 $0x400, s8  }
0x343: {  	v7 =	vor.u32 $0x8, v0;
	[tilespmem:s24], [sflag:$0x2] =	stream.indirect_vreg.gather [hbm4b:s20+s2], $0x80, v9, vm1, $0xb8;
	[tilespmem:$0x18580] =	vst v63  }
0x344: {  	s16 =	simm.s32 $0x12D80;
	v7 =	vperm.xlane v8, v7;
	s22 =	sadd.s32 $0x500, s8  }
0x345: {  	[tilespmem:s16], [sflag:$0x2] =	stream.indirect_vreg.gather [hbm4b:s22+s2], $0x80, v9, vm1, $0xb8;
	[tilespmem:$0x18580] =	vst v63  }
0x346: {  	s19 =	simm.s32 $0x13580;
	v7 =	vadd.s32 v10, v7;
	s24 =	sadd.s32 $0x600, s8  }
0x347: {  	[tilespmem:s19], [sflag:$0x2] =	stream.indirect_vreg.gather [hbm4b:s24+s2], $0x80, v9, vm1, $0xb8;
	[tilespmem:$0x18580] =	vst v63  }
0x348: {  	s13 =	sadd.s32 $0x700, s8;
	s16 =	simm.s32 $0x13D80  }
0x349: {  	[tilespmem:s16], [sflag:$0x2] =	stream.indirect_vreg.gather [hbm4b:s13+s2], $0x80, v9, vm1, $0xb8;
	[tilespmem:$0x18580] =	vst v63  }
0x34a: {  	s16 =	simm.s32 $0x14580  }
0x34b: {  	[tilespmem:s16], [sflag:$0x2] =	stream.indirect_vreg.gather [hbm4b:s8+s2], $0x80, v7, vm1, $0xb8;
	[tilespmem:$0x18580] =	vst v63  }
0x34c: {  	s19 =	simm.s32 $0x14D80  }
0x34d: {  	[tilespmem:s19], [sflag:$0x2] =	stream.indirect_vreg.gather [hbm4b:s6+s2], $0x80, v7, vm1, $0xb8;
	[tilespmem:$0x18580] =	vst v63  }
0x34e: {  	s19 =	simm.s32 $0x15580  }
0x34f: {  	[tilespmem:s19], [sflag:$0x2] =	stream.indirect_vreg.gather [hbm4b:s7+s2], $0x80, v7, vm1, $0xb8;
	[tilespmem:$0x18580] =	vst v63  }
0x350: {  	s7 =	simm.s32 $0x15D80  }
0x351: {  	[tilespmem:s7], [sflag:$0x2] =	stream.indirect_vreg.gather [hbm4b:s11+s2], $0x80, v7, vm1, $0xb8;
	[tilespmem:$0x18580] =	vst v63  }
0x352: {  	s11 =	simm.s32 $0x16580  }
0x353: {  	[tilespmem:s11], [sflag:$0x2] =	stream.indirect_vreg.gather [hbm4b:s20+s2], $0x80, v7, vm1, $0xb8;
	[tilespmem:$0x18580] =	vst v63  }
0x354: {  	s20 =	simm.s32 $0x16D80  }
0x355: {  	[tilespmem:s20], [sflag:$0x2] =	stream.indirect_vreg.gather [hbm4b:s22+s2], $0x80, v7, vm1, $0xb8;
	[tilespmem:$0x18580] =	vst v63  }
0x356: {  	s22 =	simm.s32 $0x17580  }
0x357: {  	[tilespmem:s22], [sflag:$0x2] =	stream.indirect_vreg.gather [hbm4b:s24+s2], $0x80, v7, vm1, $0xb8;
	[tilespmem:$0x18580] =	vst v63  }
0x358: {  	s24 =	simm.s32 $0x17D80  }
0x359: {  	[tilespmem:s24], [sflag:$0x2] =	stream.indirect_vreg.gather [hbm4b:s13+s2], $0x80, v7, vm1, $0xb8;
	[tilespmem:$0x18580] =	vst v63  }
.LBB2_43:
0x35a: {  	s6 =	sadd.s32 s12, s15;
	s7 =	simm.s32 $0x8580  }
0x35b: {  	[hbm4b:s6+s18] =	stream.strided.scatter [tilespmem:s7], [sflag:$0x3], $0x400, s28, s18, $0x38;
	[tilespmem:$0x18580] =	vst v63  }
0x35c: {  	s11 =	simm.s32 $0xC580;
	s13 =	sadd.s32 $0x2000, s6  }
0x35d: {  	[hbm4b:s13+s18] =	stream.strided.scatter [tilespmem:s11], [sflag:$0x3], $0x400, s28, s18, $0x38;
	[tilespmem:$0x18580] =	vst v63  }
0x35e: {  	s20 =	sadd.s32 $0x40, s6  }
0x35f: {  	[hbm4b:s20+s18] =	stream.strided.scatter [tilespmem:s23], [sflag:$0x3], $0x400, s28, s18, $0x38;
	[tilespmem:$0x18580] =	vst v63  }
0x360: {  	s24 =	simm.s32 $0xC980;
	s22 =	sadd.s32 $0x2040, s6  }
0x361: {  	[hbm4b:s22+s18] =	stream.strided.scatter [tilespmem:s24], [sflag:$0x3], $0x400, s28, s18, $0x38;
	[tilespmem:$0x18580] =	vst v63  }
0x362: {  	s13 =	sadd.s32 $0x80, s6;
	s20 =	simm.s32 $0x8D80  }
0x363: {  	[hbm4b:s13+s18] =	stream.strided.scatter [tilespmem:s20], [sflag:$0x3], $0x400, s28, s18, $0x38;
	[tilespmem:$0x18580] =	vst v63  }
0x364: {  	s22 =	sadd.s32 $0x2080, s6;
	s24 =	simm.s32 $0xCD80  }
0x365: {  	[hbm4b:s22+s18] =	stream.strided.scatter [tilespmem:s24], [sflag:$0x3], $0x400, s28, s18, $0x38;
	[tilespmem:$0x18580] =	vst v63  }
0x366: {  	s11 =	sadd.s32 $0xC0, s6  }
0x367: {  	[hbm4b:s11+s18] =	stream.strided.scatter [tilespmem:s29], [sflag:$0x3], $0x400, s28, s18, $0x38;
	[tilespmem:$0x18580] =	vst v63  }
0x368: {  	s13 =	sadd.s32 $0x20C0, s6;
	s20 =	simm.s32 $0xD180  }
0x369: {  	[hbm4b:s13+s18] =	stream.strided.scatter [tilespmem:s20], [sflag:$0x3], $0x400, s28, s18, $0x38;
	[tilespmem:$0x18580] =	vst v63  }
0x36a: {  	s22 =	sadd.s32 $0x100, s6;
	s24 =	simm.s32 $0x9580  }
0x36b: {  	[hbm4b:s22+s18] =	stream.strided.scatter [tilespmem:s24], [sflag:$0x3], $0x400, s28, s18, $0x38;
	[tilespmem:$0x18580] =	vst v63  }
0x36c: {  	s13 =	sadd.s32 $0x2100, s6;
	s20 =	simm.s32 $0xD580  }
0x36d: {  	[hbm4b:s13+s18] =	stream.strided.scatter [tilespmem:s20], [sflag:$0x3], $0x400, s28, s18, $0x38;
	[tilespmem:$0x18580] =	vst v63  }
0x36e: {  	s22 =	sadd.s32 $0x140, s6;
	s24 =	simm.s32 $0x9980  }
0x36f: {  	[hbm4b:s22+s18] =	stream.strided.scatter [tilespmem:s24], [sflag:$0x3], $0x400, s28, s18, $0x38;
	[tilespmem:$0x18580] =	vst v63  }
0x370: {  	s13 =	sadd.s32 $0x2140, s6;
	s20 =	simm.s32 $0xD980  }
0x371: {  	[hbm4b:s13+s18] =	stream.strided.scatter [tilespmem:s20], [sflag:$0x3], $0x400, s28, s18, $0x38;
	[tilespmem:$0x18580] =	vst v63  }
0x372: {  	s22 =	sadd.s32 $0x180, s6;
	s24 =	simm.s32 $0x9D80  }
0x373: {  	[hbm4b:s22+s18] =	stream.strided.scatter [tilespmem:s24], [sflag:$0x3], $0x400, s28, s18, $0x38;
	[tilespmem:$0x18580] =	vst v63  }
0x374: {  	s13 =	sadd.s32 $0x2180, s6;
	s20 =	simm.s32 $0xDD80  }
0x375: {  	[hbm4b:s13+s18] =	stream.strided.scatter [tilespmem:s20], [sflag:$0x3], $0x400, s28, s18, $0x38;
	[tilespmem:$0x18580] =	vst v63  }
0x376: {  	s22 =	sadd.s32 $0x1C0, s6;
	s24 =	simm.s32 $0xA180  }
0x377: {  	[hbm4b:s22+s18] =	stream.strided.scatter [tilespmem:s24], [sflag:$0x3], $0x400, s28, s18, $0x38;
	[tilespmem:$0x18580] =	vst v63  }
0x378: {  	s11 =	sadd.s32 $0x21C0, s6;
	s13 =	simm.s32 $0xE180  }
0x379: {  	[hbm4b:s11+s18] =	stream.strided.scatter [tilespmem:s13], [sflag:$0x3], $0x400, s28, s18, $0x38;
	[tilespmem:$0x18580] =	vst v63  }
0x37a: {  	s20 =	sadd.s32 $0x200, s6  }
0x37b: {  	[hbm4b:s20+s18] =	stream.strided.scatter [tilespmem:s21], [sflag:$0x3], $0x400, s28, s18, $0x38;
	[tilespmem:$0x18580] =	vst v63  }
0x37c: {  	s22 =	sadd.s32 $0x2200, s6;
	s24 =	simm.s32 $0xE580  }
0x37d: {  	[hbm4b:s22+s18] =	stream.strided.scatter [tilespmem:s24], [sflag:$0x3], $0x400, s28, s18, $0x38;
	[tilespmem:$0x18580] =	vst v63  }
0x37e: {  	s13 =	sadd.s32 $0x240, s6;
	s20 =	simm.s32 $0xA980  }
0x37f: {  	[hbm4b:s13+s18] =	stream.strided.scatter [tilespmem:s20], [sflag:$0x3], $0x400, s28, s18, $0x38;
	[tilespmem:$0x18580] =	vst v63  }
0x380: {  	s22 =	sadd.s32 $0x2240, s6;
	s24 =	simm.s32 $0xE980  }
0x381: {  	[hbm4b:s22+s18] =	stream.strided.scatter [tilespmem:s24], [sflag:$0x3], $0x400, s28, s18, $0x38;
	[tilespmem:$0x18580] =	vst v63  }
0x382: {  	s11 =	sadd.s32 $0x280, s6  }
0x383: {  	[hbm4b:s11+s18] =	stream.strided.scatter [tilespmem:s25], [sflag:$0x3], $0x400, s28, s18, $0x38;
	[tilespmem:$0x18580] =	vst v63  }
0x384: {  	s13 =	sadd.s32 $0x2280, s6;
	s20 =	simm.s32 $0xED80  }
0x385: {  	[hbm4b:s13+s18] =	stream.strided.scatter [tilespmem:s20], [sflag:$0x3], $0x400, s28, s18, $0x38;
	[tilespmem:$0x18580] =	vst v63  }
0x386: {  	s22 =	sadd.s32 $0x2C0, s6;
	s24 =	simm.s32 $0xB180  }
0x387: {  	[hbm4b:s22+s18] =	stream.strided.scatter [tilespmem:s24], [sflag:$0x3], $0x400, s28, s18, $0x38;
	[tilespmem:$0x18580] =	vst v63  }
0x388: {  	s11 =	sadd.s32 $0x22C0, s6;
	s13 =	simm.s32 $0xF180  }
0x389: {  	[hbm4b:s11+s18] =	stream.strided.scatter [tilespmem:s13], [sflag:$0x3], $0x400, s28, s18, $0x38;
	[tilespmem:$0x18580] =	vst v63  }
0x38a: {  	s20 =	sadd.s32 $0x300, s6  }
0x38b: {  	[hbm4b:s20+s18] =	stream.strided.scatter [tilespmem:s26], [sflag:$0x3], $0x400, s28, s18, $0x38;
	[tilespmem:$0x18580] =	vst v63  }
0x38c: {  	s22 =	sadd.s32 $0x2300, s6;
	s24 =	simm.s32 $0xF580  }
0x38d: {  	[hbm4b:s22+s18] =	stream.strided.scatter [tilespmem:s24], [sflag:$0x3], $0x400, s28, s18, $0x38;
	[tilespmem:$0x18580] =	vst v63  }
0x38e: {  	s11 =	sadd.s32 $0x340, s6;
	s13 =	simm.s32 $0xB980  }
0x38f: {  	[hbm4b:s11+s18] =	stream.strided.scatter [tilespmem:s13], [sflag:$0x3], $0x400, s28, s18, $0x38;
	[tilespmem:$0x18580] =	vst v63  }
0x390: {  	s20 =	sadd.s32 $0x2340, s6;
	s22 =	simm.s32 $0xF980  }
0x391: {  	[hbm4b:s20+s18] =	stream.strided.scatter [tilespmem:s22], [sflag:$0x3], $0x400, s28, s18, $0x38;
	[tilespmem:$0x18580] =	vst v63  }
0x392: {  	s24 =	sadd.s32 $0x380, s6  }
0x393: {  	[hbm4b:s24+s18] =	stream.strided.scatter [tilespmem:s9], [sflag:$0x3], $0x400, s28, s18, $0x38;
	[tilespmem:$0x18580] =	vst v63  }
0x394: {  	s11 =	sadd.s32 $0x2380, s6;
	s13 =	simm.s32 $0xFD80  }
0x395: {  	[hbm4b:s11+s18] =	stream.strided.scatter [tilespmem:s13], [sflag:$0x3], $0x400, s28, s18, $0x38;
	[tilespmem:$0x18580] =	vst v63  }
0x396: {  	s20 =	sadd.s32 $0x3C0, s6;
	s22 =	simm.s32 $0xC180  }
0x397: {  	[hbm4b:s20+s18] =	stream.strided.scatter [tilespmem:s22], [sflag:$0x3], $0x400, s28, s18, $0x38;
	[tilespmem:$0x18580] =	vst v63  }
0x398: {  	s6 =	sadd.s32 $0x23C0, s6;
	s24 =	simm.s32 $0x10180  }
0x399: {  	[hbm4b:s6+s18] =	stream.strided.scatter [tilespmem:s24], [sflag:$0x3], $0x400, s28, s18, $0x38;
	[tilespmem:$0x18580] =	vst v63  }
.LBB2_44:
.Ltmp26:
0x39a: {  	(pc) =	sbr.rel @p5 .LBB2_48-.Ltmp26, $1  }
0x39b: {  	_ =	sdelay $0x3  }
0x39c: {  	s6 =	sadd.s32 $0x1, s17  }
0x39d: {  	p5 =	sge.u32 s6, s5  }
.Ltmp27:
0x39e: {  	_ = 	snop;
	(pc) =	sbr.rel @p5 .LBB2_47-.Ltmp27, $4  }
0x39f: {  	s7 =	simm.s32 $0x2  }
0x3a0: {  	_ =	swait.ge [sflag:s7], $0x8000  }
0x3a1: {  	[sflag:s7] =	ssyncset.done $0x0  }
0x3a2: {  	[sflag:s7] =	ssyncadd.s32 $0xFFFF8000  }
0x3a3: {  	_ =	swait.ge [sflag:s10], $0x800  }
0x3a4: {  	[sflag:s10] =	ssyncset.done $0x0  }
0x3a5: {  	[sflag:s10] =	ssyncadd.s32 $0xFFFFF800  }
0x3a6: {  	_ =	swait.ge [sflag:s10], $0x800  }
0x3a7: {  	[sflag:s10] =	ssyncset.done $0x0  }
0x3a8: {  	[sflag:s10] =	ssyncadd.s32 $0xFFFFF800  }
0x3a9: {  	_ =	swait.ge [sflag:s10], $0x800  }
0x3aa: {  	[sflag:s10] =	ssyncset.done $0x0  }
0x3ab: {  	[sflag:s10] =	ssyncadd.s32 $0xFFFFF800  }
0x3ac: {  	_ =	swait.ge [sflag:s10], $0x800  }
0x3ad: {  	[sflag:s10] =	ssyncset.done $0x0  }
0x3ae: {  	[sflag:s10] =	ssyncadd.s32 $0xFFFFF800  }
0x3af: {  	_ =	swait.ge [sflag:s10], $0x800  }
0x3b0: {  	[sflag:s10] =	ssyncset.done $0x0  }
0x3b1: {  	[sflag:s10] =	ssyncadd.s32 $0xFFFFF800  }
0x3b2: {  	_ =	swait.ge [sflag:s10], $0x800  }
0x3b3: {  	[sflag:s10] =	ssyncset.done $0x0  }
0x3b4: {  	[sflag:s10] =	ssyncadd.s32 $0xFFFFF800  }
0x3b5: {  	_ =	swait.ge [sflag:s10], $0x800  }
0x3b6: {  	[sflag:s10] =	ssyncset.done $0x0  }
0x3b7: {  	[sflag:s10] =	ssyncadd.s32 $0xFFFFF800  }
0x3b8: {  	_ =	swait.ge [sflag:s10], $0x800  }
0x3b9: {  	[sflag:s10] =	ssyncset.done $0x0  }
0x3ba: {  	[sflag:s10] =	ssyncadd.s32 $0xFFFFF800  }
0x3bb: {  	_ =	swait.ge [sflag:s10], $0x800  }
0x3bc: {  	[sflag:s10] =	ssyncset.done $0x0  }
0x3bd: {  	[sflag:s10] =	ssyncadd.s32 $0xFFFFF800  }
0x3be: {  	_ =	swait.ge [sflag:s10], $0x800  }
0x3bf: {  	[sflag:s10] =	ssyncset.done $0x0  }
0x3c0: {  	[sflag:s10] =	ssyncadd.s32 $0xFFFFF800  }
0x3c1: {  	_ =	swait.ge [sflag:s10], $0x800  }
0x3c2: {  	[sflag:s10] =	ssyncset.done $0x0  }
0x3c3: {  	[sflag:s10] =	ssyncadd.s32 $0xFFFFF800  }
0x3c4: {  	_ =	swait.ge [sflag:s10], $0x800  }
0x3c5: {  	[sflag:s10] =	ssyncset.done $0x0  }
0x3c6: {  	[sflag:s10] =	ssyncadd.s32 $0xFFFFF800  }
0x3c7: {  	_ =	swait.ge [sflag:s10], $0x800  }
0x3c8: {  	[sflag:s10] =	ssyncset.done $0x0  }
0x3c9: {  	[sflag:s10] =	ssyncadd.s32 $0xFFFFF800  }
0x3ca: {  	_ =	swait.ge [sflag:s10], $0x800  }
0x3cb: {  	[sflag:s10] =	ssyncset.done $0x0  }
0x3cc: {  	[sflag:s10] =	ssyncadd.s32 $0xFFFFF800  }
0x3cd: {  	s6 =	sadd.s32 $0x20, s14;
	_ =	swait.ge [sflag:s10], $0x800  }
0x3ce: {  	v7 =	vor.u32 s6, v0;
	[sflag:s10] =	ssyncset.done $0x0  }
0x3cf: {  	[sflag:s10] =	ssyncadd.s32 $0xFFFFF800  }
0x3d0: {  	_ =	swait.ge [sflag:s10], $0x800  }
0x3d1: {  	[sflag:s10] =	ssyncset.done $0x0  }
0x3d2: {  	s23 =	simm.s32 $0x7480;
	[sflag:s10] =	ssyncadd.s32 $0xFFFFF800  }
0x3d3: {  	v7 =	vld.idx.msk [tilespmem:v7+s23+$0x0], $0xffff;
	_ =	sdelay $0x4  }
0x3d4: {  	v8 =	vshll.u32 v7, $0x4  }
0x3d5: {  	v9 =	vand.u32 $0x7, v7;
	v8 =	vand.u32 $0xFFFFFF80, v8  }
0x3d6: {  	v63 =	vand.u32 $0x7, v0;
	v10 =	vshrl.u32 v0, $0x3;
	v8 =	vor.u32 v9, v8  }
0x3d7: {  	v10 =	vmul.u32 $0x8, v10;
	v9 =	vperm.xlane v8, v63;
	_ =	sdelay $0x1  }
0x3d8: {  	v9 =	vadd.s32 v10, v9;
	_ =	sdelay $0x3  }
0x3d9: {  	s24 =	simm.s32 $0x8580;
	[tilespmem:$0x8480] =	vst v7  }
0x3da: {  	[tilespmem:s24], [sflag:$0x1] =	stream.indirect_vreg.gather [hbm4b:s8+s2], $0x80, v9, vm1, $0xb8;
	[tilespmem:$0x18580] =	vst v63  }
0x3db: {  	s7 =	simm.s32 $0x8D80;
	s6 =	sadd.s32 $0x100, s8  }
0x3dc: {  	[tilespmem:s7], [sflag:$0x1] =	stream.indirect_vreg.gather [hbm4b:s6+s2], $0x80, v9, vm1, $0xb8;
	[tilespmem:$0x18580] =	vst v63  }
0x3dd: {  	s11 =	simm.s32 $0x9580;
	s7 =	sadd.s32 $0x200, s8  }
0x3de: {  	[tilespmem:s11], [sflag:$0x1] =	stream.indirect_vreg.gather [hbm4b:s7+s2], $0x80, v9, vm1, $0xb8;
	[tilespmem:$0x18580] =	vst v63  }
0x3df: {  	s13 =	simm.s32 $0x9D80;
	s11 =	sadd.s32 $0x300, s8  }
0x3e0: {  	[tilespmem:s13], [sflag:$0x1] =	stream.indirect_vreg.gather [hbm4b:s11+s2], $0x80, v9, vm1, $0xb8;
	[tilespmem:$0x18580] =	vst v63  }
0x3e1: {  	s13 =	sadd.s32 $0x400, s8  }
0x3e2: {  	v7 =	vor.u32 $0x8, v0;
	[tilespmem:s21], [sflag:$0x1] =	stream.indirect_vreg.gather [hbm4b:s13+s2], $0x80, v9, vm1, $0xb8;
	[tilespmem:$0x18580] =	vst v63  }
0x3e3: {  	s20 =	sadd.s32 $0x500, s8;
	v7 =	vperm.xlane v8, v7  }
0x3e4: {  	[tilespmem:s25], [sflag:$0x1] =	stream.indirect_vreg.gather [hbm4b:s20+s2], $0x80, v9, vm1, $0xb8;
	[tilespmem:$0x18580] =	vst v63  }
0x3e5: {  	s22 =	sadd.s32 $0x600, s8;
	v7 =	vadd.s32 v10, v7  }
0x3e6: {  	[tilespmem:s26], [sflag:$0x1] =	stream.indirect_vreg.gather [hbm4b:s22+s2], $0x80, v9, vm1, $0xb8;
	[tilespmem:$0x18580] =	vst v63  }
0x3e7: {  	s24 =	sadd.s32 $0x700, s8  }
0x3e8: {  	[tilespmem:s9], [sflag:$0x1] =	stream.indirect_vreg.gather [hbm4b:s24+s2], $0x80, v9, vm1, $0xb8;
	[tilespmem:$0x18580] =	vst v63  }
0x3e9: {  	s23 =	simm.s32 $0xC580  }
0x3ea: {  	[tilespmem:s23], [sflag:$0x1] =	stream.indirect_vreg.gather [hbm4b:s8+s2], $0x80, v7, vm1, $0xb8;
	[tilespmem:$0x18580] =	vst v63  }
0x3eb: {  	s29 =	simm.s32 $0xCD80  }
0x3ec: {  	[tilespmem:s29], [sflag:$0x1] =	stream.indirect_vreg.gather [hbm4b:s6+s2], $0x80, v7, vm1, $0xb8;
	[tilespmem:$0x18580] =	vst v63  }
0x3ed: {  	s6 =	simm.s32 $0xD580  }
0x3ee: {  	[tilespmem:s6], [sflag:$0x1] =	stream.indirect_vreg.gather [hbm4b:s7+s2], $0x80, v7, vm1, $0xb8;
	[tilespmem:$0x18580] =	vst v63  }
0x3ef: {  	s7 =	simm.s32 $0xDD80  }
0x3f0: {  	[tilespmem:s7], [sflag:$0x1] =	stream.indirect_vreg.gather [hbm4b:s11+s2], $0x80, v7, vm1, $0xb8;
	[tilespmem:$0x18580] =	vst v63  }
0x3f1: {  	s11 =	simm.s32 $0xE580  }
0x3f2: {  	[tilespmem:s11], [sflag:$0x1] =	stream.indirect_vreg.gather [hbm4b:s13+s2], $0x80, v7, vm1, $0xb8;
	[tilespmem:$0x18580] =	vst v63  }
0x3f3: {  	s13 =	simm.s32 $0xED80  }
0x3f4: {  	[tilespmem:s13], [sflag:$0x1] =	stream.indirect_vreg.gather [hbm4b:s20+s2], $0x80, v7, vm1, $0xb8;
	[tilespmem:$0x18580] =	vst v63  }
.Ltmp28:
0x3f5: {  	_ = 	snop;
	(pc) =	sbr.rel .LBB2_47-.Ltmp28, $4  }
0x3f6: {  	s20 =	simm.s32 $0xF580  }
0x3f7: {  	[tilespmem:s20], [sflag:$0x1] =	stream.indirect_vreg.gather [hbm4b:s22+s2], $0x80, v7, vm1, $0xb8;
	[tilespmem:$0x18580] =	vst v63  }
0x3f8: {  	s23 =	simm.s32 $0x8980;
	s29 =	simm.s32 $0x9180;
	s22 =	simm.s32 $0xFD80  }
0x3f9: {  	[tilespmem:s22], [sflag:$0x1] =	stream.indirect_vreg.gather [hbm4b:s24+s2], $0x80, v7, vm1, $0xb8;
	[tilespmem:$0x18580] =	vst v63  }
.LBB2_49:
.Ltmp29:
0x3fa: {  	(pc) =	sbr.rel @p2 .LBB2_51-.Ltmp29, $1  }
0x3fb: {  	_ =	sdelay $0x3  }
0x3fc: {  	_ =	swait.ge [sflag:s10], $0x800  }
0x3fd: {  	[sflag:s10] =	ssyncset.done $0x0  }
0x3fe: {  	[sflag:s10] =	ssyncadd.s32 $0xFFFFF800  }
0x3ff: {  	_ =	swait.ge [sflag:s10], $0x800  }
0x400: {  	[sflag:s10] =	ssyncset.done $0x0  }
0x401: {  	[sflag:s10] =	ssyncadd.s32 $0xFFFFF800  }
0x402: {  	_ =	swait.ge [sflag:s10], $0x800  }
0x403: {  	[sflag:s10] =	ssyncset.done $0x0  }
0x404: {  	[sflag:s10] =	ssyncadd.s32 $0xFFFFF800  }
0x405: {  	_ =	swait.ge [sflag:s10], $0x800  }
0x406: {  	[sflag:s10] =	ssyncset.done $0x0  }
0x407: {  	[sflag:s10] =	ssyncadd.s32 $0xFFFFF800  }
0x408: {  	_ =	swait.ge [sflag:s10], $0x800  }
0x409: {  	[sflag:s10] =	ssyncset.done $0x0  }
0x40a: {  	[sflag:s10] =	ssyncadd.s32 $0xFFFFF800  }
0x40b: {  	_ =	swait.ge [sflag:s10], $0x800  }
0x40c: {  	[sflag:s10] =	ssyncset.done $0x0  }
0x40d: {  	[sflag:s10] =	ssyncadd.s32 $0xFFFFF800  }
0x40e: {  	_ =	swait.ge [sflag:s10], $0x800  }
0x40f: {  	[sflag:s10] =	ssyncset.done $0x0  }
0x410: {  	[sflag:s10] =	ssyncadd.s32 $0xFFFFF800  }
0x411: {  	_ =	swait.ge [sflag:s10], $0x800  }
0x412: {  	[sflag:s10] =	ssyncset.done $0x0  }
0x413: {  	[sflag:s10] =	ssyncadd.s32 $0xFFFFF800  }
0x414: {  	_ =	swait.ge [sflag:s10], $0x800  }
0x415: {  	[sflag:s10] =	ssyncset.done $0x0  }
0x416: {  	[sflag:s10] =	ssyncadd.s32 $0xFFFFF800  }
0x417: {  	_ =	swait.ge [sflag:s10], $0x800  }
0x418: {  	[sflag:s10] =	ssyncset.done $0x0  }
0x419: {  	[sflag:s10] =	ssyncadd.s32 $0xFFFFF800  }
0x41a: {  	_ =	swait.ge [sflag:s10], $0x800  }
0x41b: {  	[sflag:s10] =	ssyncset.done $0x0  }
0x41c: {  	[sflag:s10] =	ssyncadd.s32 $0xFFFFF800  }
0x41d: {  	_ =	swait.ge [sflag:s10], $0x800  }
0x41e: {  	[sflag:s10] =	ssyncset.done $0x0  }
0x41f: {  	[sflag:s10] =	ssyncadd.s32 $0xFFFFF800  }
0x420: {  	_ =	swait.ge [sflag:s10], $0x800  }
0x421: {  	[sflag:s10] =	ssyncset.done $0x0  }
0x422: {  	[sflag:s10] =	ssyncadd.s32 $0xFFFFF800  }
0x423: {  	_ =	swait.ge [sflag:s10], $0x800  }
0x424: {  	[sflag:s10] =	ssyncset.done $0x0  }
0x425: {  	[sflag:s10] =	ssyncadd.s32 $0xFFFFF800  }
0x426: {  	_ =	swait.ge [sflag:s10], $0x800  }
.Ltmp30:
0x427: {  	[sflag:s10] =	ssyncset.done $0x0;
	(pc) =	sbr.rel .LBB2_52-.Ltmp30, $4  }
0x428: {  	[sflag:s10] =	ssyncadd.s32 $0xFFFFF800  }
0x429: {  	_ =	swait.ge [sflag:s10], $0x800  }
0x42a: {  	[sflag:s10] =	ssyncset.done $0x0  }
0x42b: {  	s12 =	simm.s32 $0x4;
	[sflag:s10] =	ssyncadd.s32 $0xFFFFF800  }
.LBB2_51:
.Ltmp31:
0x42c: {  	(pc) =	sbr.rel @p3 .LBB2_53-.Ltmp31, $2  }
0x42d: {  	_ =	sdelay $0x2  }
0x42e: {  	s12 =	simm.s32 $0x3  }
.LBB2_52:
0x42f: {  	_ =	swait.ge [sflag:s12], $0x800  }
0x430: {  	[sflag:s12] =	ssyncset.done $0x0  }
0x431: {  	[sflag:s12] =	ssyncadd.s32 $0xFFFFF800  }
0x432: {  	_ =	swait.ge [sflag:s12], $0x800  }
0x433: {  	[sflag:s12] =	ssyncset.done $0x0  }
0x434: {  	[sflag:s12] =	ssyncadd.s32 $0xFFFFF800  }
0x435: {  	_ =	swait.ge [sflag:s12], $0x800  }
0x436: {  	[sflag:s12] =	ssyncset.done $0x0  }
0x437: {  	[sflag:s12] =	ssyncadd.s32 $0xFFFFF800  }
0x438: {  	_ =	swait.ge [sflag:s12], $0x800  }
0x439: {  	[sflag:s12] =	ssyncset.done $0x0  }
0x43a: {  	[sflag:s12] =	ssyncadd.s32 $0xFFFFF800  }
0x43b: {  	_ =	swait.ge [sflag:s12], $0x800  }
0x43c: {  	[sflag:s12] =	ssyncset.done $0x0  }
0x43d: {  	[sflag:s12] =	ssyncadd.s32 $0xFFFFF800  }
0x43e: {  	_ =	swait.ge [sflag:s12], $0x800  }
0x43f: {  	[sflag:s12] =	ssyncset.done $0x0  }
0x440: {  	[sflag:s12] =	ssyncadd.s32 $0xFFFFF800  }
0x441: {  	_ =	swait.ge [sflag:s12], $0x800  }
0x442: {  	[sflag:s12] =	ssyncset.done $0x0  }
0x443: {  	[sflag:s12] =	ssyncadd.s32 $0xFFFFF800  }
0x444: {  	_ =	swait.ge [sflag:s12], $0x800  }
0x445: {  	[sflag:s12] =	ssyncset.done $0x0  }
0x446: {  	[sflag:s12] =	ssyncadd.s32 $0xFFFFF800  }
0x447: {  	_ =	swait.ge [sflag:s12], $0x800  }
0x448: {  	[sflag:s12] =	ssyncset.done $0x0  }
0x449: {  	[sflag:s12] =	ssyncadd.s32 $0xFFFFF800  }
0x44a: {  	_ =	swait.ge [sflag:s12], $0x800  }
0x44b: {  	[sflag:s12] =	ssyncset.done $0x0  }
0x44c: {  	[sflag:s12] =	ssyncadd.s32 $0xFFFFF800  }
0x44d: {  	_ =	swait.ge [sflag:s12], $0x800  }
0x44e: {  	[sflag:s12] =	ssyncset.done $0x0  }
0x44f: {  	[sflag:s12] =	ssyncadd.s32 $0xFFFFF800  }
0x450: {  	_ =	swait.ge [sflag:s12], $0x800  }
0x451: {  	[sflag:s12] =	ssyncset.done $0x0  }
0x452: {  	[sflag:s12] =	ssyncadd.s32 $0xFFFFF800  }
0x453: {  	_ =	swait.ge [sflag:s12], $0x800  }
0x454: {  	[sflag:s12] =	ssyncset.done $0x0  }
0x455: {  	[sflag:s12] =	ssyncadd.s32 $0xFFFFF800  }
0x456: {  	_ =	swait.ge [sflag:s12], $0x800  }
0x457: {  	[sflag:s12] =	ssyncset.done $0x0  }
0x458: {  	[sflag:s12] =	ssyncadd.s32 $0xFFFFF800  }
0x459: {  	_ =	swait.ge [sflag:s12], $0x800  }
0x45a: {  	[sflag:s12] =	ssyncset.done $0x0  }
0x45b: {  	[sflag:s12] =	ssyncadd.s32 $0xFFFFF800  }
0x45c: {  	_ =	swait.ge [sflag:s12], $0x800  }
0x45d: {  	[sflag:s12] =	ssyncset.done $0x0  }
0x45e: {  	[sflag:s12] =	ssyncadd.s32 $0xFFFFF800  }
.LBB2_53:
.Ltmp32:
0x45f: {  	(pc) =	sbr.rel @p0 .LBB2_55-.Ltmp32, $2  }
0x460: {  	_ =	sdelay $0x2  }
0x461: {  	s24 =	rddreg [dreg:$0x1b]  }
0x462: {  	v7 =	vor.u32 $0xE60, v0;
	_ =	sdelay $0x3  }
0x463: {  	s6 =	simm.s32 $0x7480  }
0x464: {  	v7 =	vld.idx.msk [tilespmem:v7+s6+$0x0], $0xffff;
	_ =	sdelay $0x4  }
0x465: {  	v8 =	vshll.u32 v7, $0x4  }
0x466: {  	v9 =	vand.u32 $0x7, v7;
	v8 =	vand.u32 $0xFFFFFF80, v8  }
0x467: {  	v63 =	vand.u32 $0x7, v0;
	v10 =	vshrl.u32 v0, $0x3;
	v8 =	vor.u32 v9, v8  }
0x468: {  	v10 =	vmul.u32 $0x8, v10;
	v9 =	vperm.xlane v8, v63;
	_ =	sdelay $0x1  }
0x469: {  	v9 =	vadd.s32 v10, v9;
	_ =	sdelay $0x3  }
0x46a: {  	s20 =	simm.s32 $0x8580;
	[tilespmem:$0x8480] =	vst v7  }
0x46b: {  	[tilespmem:s20], [sflag:$0x1] =	stream.indirect_vreg.gather [hbm4b:s8+s2], $0x80, v9, vm1, $0xb8;
	[tilespmem:$0x18580] =	vst v63  }
0x46c: {  	s22 =	simm.s32 $0x8D80;
	s6 =	sadd.s32 $0x100, s8  }
0x46d: {  	[tilespmem:s22], [sflag:$0x1] =	stream.indirect_vreg.gather [hbm4b:s6+s2], $0x80, v9, vm1, $0xb8;
	[tilespmem:$0x18580] =	vst v63  }
0x46e: {  	s7 =	sadd.s32 $0x200, s8;
	s9 =	simm.s32 $0x9580  }
0x46f: {  	[tilespmem:s9], [sflag:$0x1] =	stream.indirect_vreg.gather [hbm4b:s7+s2], $0x80, v9, vm1, $0xb8;
	[tilespmem:$0x18580] =	vst v63  }
0x470: {  	s11 =	sadd.s32 $0x300, s8;
	s12 =	simm.s32 $0x9D80  }
0x471: {  	[tilespmem:s12], [sflag:$0x1] =	stream.indirect_vreg.gather [hbm4b:s11+s2], $0x80, v9, vm1, $0xb8;
	[tilespmem:$0x18580] =	vst v63  }
0x472: {  	s25 =	simm.s32 $0xA580;
	s12 =	sadd.s32 $0x400, s8  }
0x473: {  	v7 =	vor.u32 $0x8, v0;
	[tilespmem:s25], [sflag:$0x1] =	stream.indirect_vreg.gather [hbm4b:s12+s2], $0x80, v9, vm1, $0xb8;
	[tilespmem:$0x18580] =	vst v63  }
0x474: {  	s13 =	sadd.s32 $0x500, s8;
	s26 =	simm.s32 $0xAD80;
	v7 =	vperm.xlane v8, v7  }
0x475: {  	[tilespmem:s26], [sflag:$0x1] =	stream.indirect_vreg.gather [hbm4b:s13+s2], $0x80, v9, vm1, $0xb8;
	[tilespmem:$0x18580] =	vst v63  }
0x476: {  	s14 =	sadd.s32 $0x600, s8;
	s17 =	simm.s32 $0xB580;
	v7 =	vadd.s32 v10, v7  }
0x477: {  	[tilespmem:s17], [sflag:$0x1] =	stream.indirect_vreg.gather [hbm4b:s14+s2], $0x80, v9, vm1, $0xb8;
	[tilespmem:$0x18580] =	vst v63  }
0x478: {  	s21 =	simm.s32 $0xBD80;
	s17 =	sadd.s32 $0x700, s8  }
0x479: {  	[tilespmem:s21], [sflag:$0x1] =	stream.indirect_vreg.gather [hbm4b:s17+s2], $0x80, v9, vm1, $0xb8;
	[tilespmem:$0x18580] =	vst v63  }
0x47a: {  	s21 =	simm.s32 $0xC580  }
0x47b: {  	[tilespmem:s21], [sflag:$0x1] =	stream.indirect_vreg.gather [hbm4b:s8+s2], $0x80, v7, vm1, $0xb8;
	[tilespmem:$0x18580] =	vst v63  }
0x47c: {  	s21 =	simm.s32 $0xCD80  }
0x47d: {  	[tilespmem:s21], [sflag:$0x1] =	stream.indirect_vreg.gather [hbm4b:s6+s2], $0x80, v7, vm1, $0xb8;
	[tilespmem:$0x18580] =	vst v63  }
0x47e: {  	s21 =	simm.s32 $0xD580  }
0x47f: {  	[tilespmem:s21], [sflag:$0x1] =	stream.indirect_vreg.gather [hbm4b:s7+s2], $0x80, v7, vm1, $0xb8;
	[tilespmem:$0x18580] =	vst v63  }
0x480: {  	s7 =	simm.s32 $0xDD80  }
0x481: {  	[tilespmem:s7], [sflag:$0x1] =	stream.indirect_vreg.gather [hbm4b:s11+s2], $0x80, v7, vm1, $0xb8;
	[tilespmem:$0x18580] =	vst v63  }
0x482: {  	s11 =	simm.s32 $0xE580  }
0x483: {  	[tilespmem:s11], [sflag:$0x1] =	stream.indirect_vreg.gather [hbm4b:s12+s2], $0x80, v7, vm1, $0xb8;
	[tilespmem:$0x18580] =	vst v63  }
0x484: {  	s12 =	simm.s32 $0xED80  }
0x485: {  	[tilespmem:s12], [sflag:$0x1] =	stream.indirect_vreg.gather [hbm4b:s13+s2], $0x80, v7, vm1, $0xb8;
	[tilespmem:$0x18580] =	vst v63  }
0x486: {  	s13 =	simm.s32 $0xF580  }
0x487: {  	[tilespmem:s13], [sflag:$0x1] =	stream.indirect_vreg.gather [hbm4b:s14+s2], $0x80, v7, vm1, $0xb8;
	[tilespmem:$0x18580] =	vst v63  }
0x488: {  	s21 =	simm.s32 $0x1;
	s14 =	simm.s32 $0xFD80  }
0x489: {  	[tilespmem:s14], [sflag:$0x1] =	stream.indirect_vreg.gather [hbm4b:s17+s2], $0x80, v7, vm1, $0xb8;
	[tilespmem:$0x18580] =	vst v63  }
0x48a: {  	_ =	swait.ge [sflag:s21], $0x8000  }
0x48b: {  	[sflag:s21] =	ssyncset.done $0x0  }
0x48c: {  	s7 =	rddreg [dreg:$0xa];
	[sflag:s21] =	ssyncadd.s32 $0xFFFF8000  }
0x48d: {  	[hbm4b:s7+s18] =	stream.strided.scatter [tilespmem:s20], [sflag:$0x5], $0x300, s28, s18, $0x38;
	[tilespmem:$0x18580] =	vst v63  }
0x48e: {  	s7 =	simm.s32 $0x5  }
0x48f: {  	_ =	swait.ge [sflag:s7], $0x300  }
0x490: {  	[sflag:s7] =	ssyncset.done $0x0  }
0x491: {  	s11 =	rddreg [dreg:$0x8];
	[sflag:s7] =	ssyncadd.s32 $0xFFFFFD00  }
0x492: {  	[hbm4b:s11+s18] =	stream.strided.scatter [tilespmem:s23], [sflag:$0x5], $0x300, s28, s18, $0x38;
	[tilespmem:$0x18580] =	vst v63  }
0x493: {  	_ =	swait.ge [sflag:s7], $0x300  }
0x494: {  	[sflag:s7] =	ssyncset.done $0x0  }
0x495: {  	s12 =	rddreg [dreg:$0x9];
	[sflag:s7] =	ssyncadd.s32 $0xFFFFFD00  }
0x496: {  	[hbm4b:s12+s18] =	stream.strided.scatter [tilespmem:s22], [sflag:$0x5], $0x300, s28, s18, $0x38;
	[tilespmem:$0x18580] =	vst v63  }
0x497: {  	_ =	swait.ge [sflag:s7], $0x300  }
0x498: {  	[sflag:s7] =	ssyncset.done $0x0  }
0x499: {  	s13 =	rddreg [dreg:$0xb];
	[sflag:s7] =	ssyncadd.s32 $0xFFFFFD00  }
0x49a: {  	[hbm4b:s13+s18] =	stream.strided.scatter [tilespmem:s29], [sflag:$0x5], $0x300, s28, s18, $0x38;
	[tilespmem:$0x18580] =	vst v63  }
0x49b: {  	_ =	swait.ge [sflag:s7], $0x300  }
0x49c: {  	[sflag:s7] =	ssyncset.done $0x0  }
0x49d: {  	s14 =	rddreg [dreg:$0xc];
	[sflag:s7] =	ssyncadd.s32 $0xFFFFFD00  }
0x49e: {  	[hbm4b:s14+s18] =	stream.strided.scatter [tilespmem:s9], [sflag:$0x5], $0x300, s28, s18, $0x38;
	[tilespmem:$0x18580] =	vst v63  }
0x49f: {  	_ =	swait.ge [sflag:s7], $0x300  }
0x4a0: {  	[sflag:s7] =	ssyncset.done $0x0  }
0x4a1: {  	s20 =	simm.s32 $0x9980;
	s17 =	rddreg [dreg:$0xd];
	[sflag:s7] =	ssyncadd.s32 $0xFFFFFD00  }
0x4a2: {  	[hbm4b:s17+s18] =	stream.strided.scatter [tilespmem:s20], [sflag:$0x5], $0x300, s28, s18, $0x38;
	[tilespmem:$0x18580] =	vst v63  }
0x4a3: {  	_ =	swait.ge [sflag:s7], $0x300  }
0x4a4: {  	[sflag:s7] =	ssyncset.done $0x0  }
0x4a5: {  	s22 =	simm.s32 $0x9D80;
	s21 =	rddreg [dreg:$0xe];
	[sflag:s7] =	ssyncadd.s32 $0xFFFFFD00  }
0x4a6: {  	[hbm4b:s21+s18] =	stream.strided.scatter [tilespmem:s22], [sflag:$0x5], $0x300, s28, s18, $0x38;
	[tilespmem:$0x18580] =	vst v63  }
0x4a7: {  	_ =	swait.ge [sflag:s7], $0x300  }
0x4a8: {  	[sflag:s7] =	ssyncset.done $0x0  }
0x4a9: {  	s12 =	simm.s32 $0xA180;
	s11 =	rddreg [dreg:$0xf];
	[sflag:s7] =	ssyncadd.s32 $0xFFFFFD00  }
0x4aa: {  	[hbm4b:s11+s18] =	stream.strided.scatter [tilespmem:s12], [sflag:$0x5], $0x300, s28, s18, $0x38;
	[tilespmem:$0x18580] =	vst v63  }
0x4ab: {  	_ =	swait.ge [sflag:s7], $0x300  }
0x4ac: {  	[sflag:s7] =	ssyncset.done $0x0  }
0x4ad: {  	s13 =	rddreg [dreg:$0x10];
	[sflag:s7] =	ssyncadd.s32 $0xFFFFFD00  }
0x4ae: {  	[hbm4b:s13+s18] =	stream.strided.scatter [tilespmem:s25], [sflag:$0x5], $0x300, s28, s18, $0x38;
	[tilespmem:$0x18580] =	vst v63  }
0x4af: {  	_ =	swait.ge [sflag:s7], $0x300  }
0x4b0: {  	[sflag:s7] =	ssyncset.done $0x0  }
0x4b1: {  	s17 =	simm.s32 $0xA980;
	s14 =	rddreg [dreg:$0x12];
	[sflag:s7] =	ssyncadd.s32 $0xFFFFFD00  }
0x4b2: {  	[hbm4b:s14+s18] =	stream.strided.scatter [tilespmem:s17], [sflag:$0x5], $0x300, s28, s18, $0x38;
	[tilespmem:$0x18580] =	vst v63  }
0x4b3: {  	_ =	swait.ge [sflag:s7], $0x300  }
0x4b4: {  	[sflag:s7] =	ssyncset.done $0x0  }
0x4b5: {  	s20 =	rddreg [dreg:$0x13];
	[sflag:s7] =	ssyncadd.s32 $0xFFFFFD00  }
0x4b6: {  	[hbm4b:s20+s18] =	stream.strided.scatter [tilespmem:s26], [sflag:$0x5], $0x300, s28, s18, $0x38;
	[tilespmem:$0x18580] =	vst v63  }
0x4b7: {  	_ =	swait.ge [sflag:s7], $0x300  }
0x4b8: {  	[sflag:s7] =	ssyncset.done $0x0  }
0x4b9: {  	s26 =	simm.s32 $0xB180;
	s22 =	rddreg [dreg:$0x14];
	[sflag:s7] =	ssyncadd.s32 $0xFFFFFD00  }
0x4ba: {  	[hbm4b:s22+s18] =	stream.strided.scatter [tilespmem:s26], [sflag:$0x5], $0x300, s28, s18, $0x38;
	[tilespmem:$0x18580] =	vst v63  }
0x4bb: {  	_ =	swait.ge [sflag:s7], $0x300  }
0x4bc: {  	[sflag:s7] =	ssyncset.done $0x0  }
0x4bd: {  	s11 =	simm.s32 $0xB580;
	s9 =	rddreg [dreg:$0x15];
	[sflag:s7] =	ssyncadd.s32 $0xFFFFFD00  }
0x4be: {  	[hbm4b:s9+s18] =	stream.strided.scatter [tilespmem:s11], [sflag:$0x5], $0x300, s28, s18, $0x38;
	[tilespmem:$0x18580] =	vst v63  }
0x4bf: {  	_ =	swait.ge [sflag:s7], $0x300  }
0x4c0: {  	[sflag:s7] =	ssyncset.done $0x0  }
0x4c1: {  	s13 =	simm.s32 $0xB980;
	s12 =	rddreg [dreg:$0x16];
	[sflag:s7] =	ssyncadd.s32 $0xFFFFFD00  }
0x4c2: {  	[hbm4b:s12+s18] =	stream.strided.scatter [tilespmem:s13], [sflag:$0x5], $0x300, s28, s18, $0x38;
	[tilespmem:$0x18580] =	vst v63  }
0x4c3: {  	_ =	swait.ge [sflag:s7], $0x300  }
0x4c4: {  	[sflag:s7] =	ssyncset.done $0x0  }
0x4c5: {  	s17 =	simm.s32 $0xBD80;
	s14 =	rddreg [dreg:$0x17];
	[sflag:s7] =	ssyncadd.s32 $0xFFFFFD00  }
0x4c6: {  	[hbm4b:s14+s18] =	stream.strided.scatter [tilespmem:s17], [sflag:$0x5], $0x300, s28, s18, $0x38;
	[tilespmem:$0x18580] =	vst v63  }
0x4c7: {  	_ =	swait.ge [sflag:s7], $0x300  }
0x4c8: {  	s22 =	simm.s32 $0xC180;
	[sflag:s7] =	ssyncset.done $0x0  }
.Ltmp33:
0x4c9: {  	s20 =	rddreg [dreg:$0x18];
	[sflag:s7] =	ssyncadd.s32 $0xFFFFFD00;
	(pc) =	sbr.rel .LBB2_55-.Ltmp33, $4  }
0x4ca: {  	[hbm4b:s20+s18] =	stream.strided.scatter [tilespmem:s22], [sflag:$0x5], $0x300, s28, s18, $0x38;
	[tilespmem:$0x18580] =	vst v63  }
0x4cb: {  	_ =	swait.ge [sflag:s7], $0x300  }
0x4cc: {  	s21 =	simm.s32 $0xA580;
	s25 =	simm.s32 $0xAD80;
	[sflag:s7] =	ssyncset.done $0x0  }
0x4cd: {  	s26 =	simm.s32 $0xB580;
	s9 =	simm.s32 $0xBD80;
	[sflag:s7] =	ssyncadd.s32 $0xFFFFFD00  }
.LBB2_56:
0x4ce: {  	_ =	sfence.sel $0x180000  }
0x4cf: {  	[bflag:$0x0] =	sbarrier.arrive $0xFFFF  }
0x4d0: {  	_ =	strace $0x90000047  }
0x4d1: {  	s0 =	stileid.u32;
	[bflag:$0x2] =	sbarrier.arrive $0xFFFF  }
0x4d2: {  	p0 =	sne.s32 s0, $0x0;
	s0 =	rddreg [dreg:$0x4]  }
0x4d3: {  	s0 =	sadd.s32 @!p0 $0x100000, s0  }
0x4d4: {  	[sflag:s0] =	ssyncadd.tile.s32 @!p0 $0x1;
	_ =	shalt  }
.Lfunc_end2:
_tile_overlayer_lowered:
.L_overlay_start_2:
0x4d5: {  	(tag) =	ssettag $0x2  }
0x4d6: {  	s0 =	rddreg [dreg:$0x0];
	s2 =	stileid.u32  }
0x4d7: {  	s1 =	rddreg [dreg:$0x1];
	p0 =	sne.s32 s2, $0x0  }
0x4d8: {  	s3 =	rddreg [dreg:$0x2];
	[bflag:$0x3] =	sbarrier.arrive $0xFFFF;
	s2 =	simm.s32 @!p0 $0x1C05  }
0x4d9: {  	[timem:s3], [sflag:s2] =	dma.local @!p0 [hbm:s0], s1  }
0x4da: {  	s0 =	simm.s32 @!p0 $0x5  }
0x4db: {  	_ =	swait.ge @!p0 [sflag:s0], s1  }
0x4dc: {  	s1 =	ssub.s32 @!p0 $0x0, s1;
	[sflag:s0] =	ssyncset.done @!p0 $0x0  }
0x4dd: {  	[sflag:s0] =	ssyncadd.s32 @!p0 s1  }
0x4de: {  	[bflag:$0x3] =	sbarrier.arrive $0xFFFF  }
0x4df: {  	_ =	shalt  }

</sc_bundles>
